<compile_context>
chip_gen: v7x
topology: tpu7x:2x2x1
jax: 0.10.2.dev20260603
libtpu: 0.0.44.dev20260713+nightly
codegen_flags: <defaults>
</compile_context>

<pallas_src>
import functools

import jax
import jax.numpy as jnp
from jax import lax
from jax.experimental import pallas as pl
from jax.experimental.pallas import tpu as pltpu
from jax.experimental.pallas import tpu_sc as plsc

N_NODES = 10000
N_EDGES = 160000
D_IN = 256
D_OUT = 256
DH = 128
NC = 2
NS = 16
CH = 128
NCH = 79
EPT = NCH * CH
E_PAD = NS * EPT
RPT = 624
RTAIL = N_NODES - NS * RPT

_MM_BLOCK = 1000

_BCAST_DNUMS = lax.GatherDimensionNumbers(
    offset_dims=(), collapsed_slice_dims=(0,), start_index_map=(0,)
)


def _lane_broadcast(vec16, j):
    return lax.gather(
        vec16,
        jnp.full((16, 1), j, jnp.int32),
        _BCAST_DNUMS,
        (1,),
        mode=lax.GatherScatterMode.PROMISE_IN_BOUNDS,
    )


def _matmul(x, W, bias2d):

    def body(x_ref, w_ref, b_ref, o_ref):
        o_ref[...] = (
            jnp.dot(x_ref[...], w_ref[...], preferred_element_type=jnp.float32)
            + b_ref[...]
        )

    return pl.pallas_call(
        body,
        grid=(N_NODES // _MM_BLOCK,),
        in_specs=[
            pl.BlockSpec((_MM_BLOCK, D_IN), lambda i: (i, 0)),
            pl.BlockSpec((D_IN, D_OUT), lambda i: (0, 0)),
            pl.BlockSpec((1, D_OUT), lambda i: (0, 0)),
        ],
        out_specs=pl.BlockSpec((_MM_BLOCK, D_OUT), lambda i: (i, 0)),
        out_shape=jax.ShapeDtypeStruct((N_NODES, D_OUT), jnp.float32),
    )(x, W, bias2d)


def _make_sc_agg():
    mesh = plsc.VectorSubcoreMesh(core_axis_name="c", subcore_axis_name="s")

    @functools.partial(
        pl.kernel,
        out_type=jax.ShapeDtypeStruct((NC, N_NODES, DH), jnp.float32),
        mesh=mesh,
        scratch_types=[
            pltpu.VMEM((NCH, CH), jnp.int32),
            pltpu.VMEM((NCH, CH), jnp.int32),
            pltpu.VMEM((CH, DH), jnp.float32),
            pltpu.VMEM((NCH, CH), jnp.float32),
            pltpu.VMEM_SHARED((N_NODES, DH), jnp.float32),
        ] + [pltpu.SemaphoreType.DMA] * 4,
    )
    def agg(h2_hbm, srcsel_hbm, dst_hbm, w_hbm, out_hbm,
            src_v, dst_v, rows_v, w_v, acc_sh, sg0, sg1, sw0, sw1):
        c = lax.axis_index("c")
        s = lax.axis_index("s")

        @pl.loop(0, CH)
        def _(i):
            for r in range(DH // 16):
                rows_v[i, pl.ds(r * 16, 16)] = jnp.zeros((16,), jnp.float32)

        zbase = s * RPT
        for t in range(RPT // CH):
            pltpu.sync_copy(rows_v, acc_sh.at[pl.ds(zbase + t * CH, CH)])
        rem = RPT % CH
        if rem:
            pltpu.sync_copy(
                rows_v.at[pl.ds(0, rem)],
                acc_sh.at[pl.ds(zbase + (RPT // CH) * CH, rem)],
            )

        @pl.when(s == NS - 1)
        def _():
            pltpu.sync_copy(
                rows_v.at[pl.ds(0, RTAIL)],
                acc_sh.at[pl.ds(NS * RPT, RTAIL)],
            )

        plsc.subcore_barrier()

        pltpu.sync_copy(srcsel_hbm.at[c * NS + s], src_v)
        pltpu.sync_copy(dst_hbm.at[s], dst_v)
        pltpu.sync_copy(w_hbm.at[s], w_v)

        sem_g = (sg0, sg1)
        sem_w = (sw0, sw1)

        def reg(h):
            return rows_v.at[pl.ds(h * 64, 64)]

        def idx(ref, i):
            return ref.at[i // 2, pl.ds((i % 2) * 64, 64)]

        def start_gather(i, h):
            pltpu.async_copy(h2_hbm.at[idx(src_v, i)], reg(h), sem_g[h])

        def wait_gather(i, h):
            pltpu.make_async_copy(h2_hbm.at[idx(src_v, i)], reg(h),
                                  sem_g[h]).wait()

        def start_scatter(i, h):
            pltpu.async_copy(reg(h), acc_sh.at[idx(dst_v, i)], sem_w[h],
                             add=True)

        def wait_scatter(i, h):
            pltpu.make_async_copy(reg(h), acc_sh.at[idx(dst_v, i)],
                                  sem_w[h]).wait()

        def scale(g, h):
            @pl.loop(0, 4)
            def _(q):
                w16 = w_v[g, pl.ds(h * 64 + q * 16, 16)]
                for j in range(16):
                    wj = _lane_broadcast(w16, j)
                    e = h * 64 + q * 16 + j
                    for r in range(DH // 16):
                        sl = pl.ds(r * 16, 16)
                        rows_v[e, sl] = rows_v[e, sl] * wj

        start_gather(0, 0)

        @pl.loop(0, NCH)
        def _(g):
            i0 = 2 * g

            wait_gather(i0, 0)

            @pl.when(g >= 1)
            def _():
                wait_scatter(i0 - 1, 1)

            start_gather(i0 + 1, 1)
            scale(g, 0)
            start_scatter(i0, 0)

            wait_gather(i0 + 1, 1)
            wait_scatter(i0, 0)

            @pl.when(g < NCH - 1)
            def _():
                start_gather(i0 + 2, 0)

            scale(g, 1)
            start_scatter(i0 + 1, 1)

        wait_scatter(2 * NCH - 1, 1)
        plsc.subcore_barrier()
        pltpu.sync_copy(
            acc_sh.at[pl.ds(s * RPT, RPT)],
            out_hbm.at[c].at[pl.ds(s * RPT, RPT)],
        )

        @pl.when(s == NS - 1)
        def _():
            pltpu.sync_copy(
                acc_sh.at[pl.ds(NS * RPT, RTAIL)],
                out_hbm.at[c].at[pl.ds(NS * RPT, RTAIL)],
            )

    return agg


_sc_agg = _make_sc_agg()


def kernel(x, edge_index, edge_weight, W, bias):
    h = _matmul(x, W, bias.reshape(1, D_OUT))
    h2 = h.reshape(2 * N_NODES, DH)

    dst = edge_index[0].astype(jnp.int32)
    src = edge_index[1].astype(jnp.int32)
    w = edge_weight.astype(jnp.float32)

    pad = E_PAD - N_EDGES
    src = jnp.pad(src, (0, pad))
    dst = jnp.pad(dst, (0, pad))
    w = jnp.pad(w, (0, pad))

    srcsel = jnp.stack([2 * src, 2 * src + 1]).reshape(2 * NS, NCH, CH)
    dstr = dst.reshape(NS, NCH, CH)
    wr = w.reshape(NS, NCH, CH)

    out2 = _sc_agg(h2, srcsel, dstr, wr)
    return jnp.concatenate([out2[0], out2[1]], axis=1)

# --- scband reference (transcript-rebuilt; emitter-appended) ---
"""Pipeline reference for scband-gcnlayer-31026843746679 (READ-ONLY COPY).

The authoritative reference and input builder live on the scoring server;
editing this copy changes nothing except your own understanding.
"""

import jax, jax.numpy as jnp
import numpy as np

N_NODES = 10000
N_EDGES = 160000
D_IN = 256
D_OUT = 256

def setup_inputs(seed: int = 0) -> dict:
    key = jax.random.key(seed)
    k1, k2, k3, k4 = jax.random.split(key, 4)
    x = jax.random.normal(k1, (N_NODES, D_IN), dtype=jnp.float32)
    edge_index = jax.random.randint(k2, (2, N_EDGES), 0, N_NODES, dtype=jnp.int64)
    edge_weight = jax.random.uniform(k3, (N_EDGES,), dtype=jnp.float32)
    # Xavier-uniform init for W, zeros for bias (matches nn.init in the torch module)
    limit = float(np.sqrt(6.0 / (D_IN + D_OUT)))
    W = jax.random.uniform(k4, (D_IN, D_OUT), minval=-limit, maxval=limit, dtype=jnp.float32)
    bias = jnp.zeros((D_OUT,), dtype=jnp.float32)
    return {"x": x, "edge_index": edge_index, "edge_weight": edge_weight, "W": W, "bias": bias}

def reference(x, edge_index, edge_weight, W, bias):
    # x = x @ W + bias
    h = x @ W
    h = h + bias
    # torch.sparse.mm(adj, h): out[dst] += adj[dst, src] * h[src]
    dst = edge_index[0]
    src = edge_index[1]
    msgs = jnp.take(h, src, axis=0) * edge_weight[:, None]
    out = jax.ops.segment_sum(msgs, dst, num_segments=N_NODES)
    return out

if __name__ == "__main__":
    import jax
    _d = setup_inputs()
    print(jax.jit(kernel)(*tuple(_d.values())))

</pallas_src>

<mosaic_0001>
#map = affine_map<(d0, d1) -> (0, 0)>
#map1 = affine_map<(d0, d1) -> (0, 0, 0)>
module attributes {stable_mosaic.version = 14 : i64} {
  func.func @agg(%arg0: i32, %arg1: i32, %arg2: memref<20000x128xf32, #tpu.memory_space<hbm>>, %arg3: memref<32x79x128xi32, #tpu.memory_space<hbm>>, %arg4: memref<16x79x128xi32, #tpu.memory_space<hbm>>, %arg5: memref<16x79x128xf32, #tpu.memory_space<hbm>>, %arg6: memref<2x10000x128xf32, #tpu.memory_space<hbm>>, %arg7: memref<79x128xi32, #tpu.memory_space<vmem>>, %arg8: memref<79x128xi32, #tpu.memory_space<vmem>>, %arg9: memref<128x128xf32, #tpu.memory_space<vmem>>, %arg10: memref<79x128xf32, #tpu.memory_space<vmem>>, %arg11: memref<10000x128xf32, #tpu.memory_space<vmem_shared>>, %arg12: memref<!tpu.dma_semaphore, #tpu.memory_space<semaphore_mem>>, %arg13: memref<!tpu.dma_semaphore, #tpu.memory_space<semaphore_mem>>, %arg14: memref<!tpu.dma_semaphore, #tpu.memory_space<semaphore_mem>>, %arg15: memref<!tpu.dma_semaphore, #tpu.memory_space<semaphore_mem>>) attributes {dimension_semantics = [#tpu.dimension_semantics<core_parallel>, #tpu.dimension_semantics<subcore_parallel>], iteration_bounds = array<i64: 2, 16>, scalar_prefetch = 0 : i64, scratch_operands = 9 : i64, tpu.core_type = #tpu.core_type<sc_vector_subcore>, window_params = [{transform_indices = #map}, {transform_indices = #map1}, {transform_indices = #map1}, {transform_indices = #map1}, {transform_indices = #map1}]} {
    %scan3A = arith.constant 0 : i32
    %scan3A_0 = arith.constant 128 : i32
    %scan3A_1 = arith.addi %scan3A, %scan3A_0 : i32
    %scan3A_2 = arith.constant 1 : i32
    scf.for %scan3A_52 = %scan3A to %scan3A_1 step %scan3A_2  : i32 {
      %mul3A_53 = arith.constant 1 : i32
      %mul3A_54 = arith.muli %scan3A_52, %mul3A_53 : i32
      %add3A_55 = arith.constant 0 : i32
      %add3A_56 = arith.addi %add3A_55, %mul3A_54 : i32
      %broadcast_in_dim3A = arith.constant 0.000000e+00 : f32
      %broadcast_in_dim3A_57 = vector.broadcast %broadcast_in_dim3A : f32 to vector<16xf32>
      %swap3A = arith.index_cast %add3A_56 : i32 to index
      %swap3A_58 = arith.constant 0 : index
      %swap3A_59 = tpu.vector_load %arg9[%swap3A, %swap3A_58] {strides = array<i32>} : memref<128x128xf32, #tpu.memory_space<vmem>>, vector<1x16xf32>,
      %swap3A_60 = vector.shape_cast %swap3A_59 : vector<1x16xf32> to vector<16xf32>
      %swap3A_61 = vector.shape_cast %broadcast_in_dim3A_57 : vector<16xf32> to vector<1x16xf32>
      tpu.vector_store %arg9[%swap3A, %swap3A_58], %swap3A_61 {strides = array<i32>} : memref<128x128xf32, #tpu.memory_space<vmem>>, vector<1x16xf32>,
      %broadcast_in_dim3A_62 = arith.constant 0.000000e+00 : f32
      %broadcast_in_dim3A_63 = vector.broadcast %broadcast_in_dim3A_62 : f32 to vector<16xf32>
      %swap3A_64 = arith.index_cast %add3A_56 : i32 to index
      %swap3A_65 = arith.constant 16 : index
      %swap3A_66 = tpu.vector_load %arg9[%swap3A_64, %swap3A_65] {strides = array<i32>} : memref<128x128xf32, #tpu.memory_space<vmem>>, vector<1x16xf32>,
      %swap3A_67 = vector.shape_cast %swap3A_66 : vector<1x16xf32> to vector<16xf32>
      %swap3A_68 = vector.shape_cast %broadcast_in_dim3A_63 : vector<16xf32> to vector<1x16xf32>
      tpu.vector_store %arg9[%swap3A_64, %swap3A_65], %swap3A_68 {strides = array<i32>} : memref<128x128xf32, #tpu.memory_space<vmem>>, vector<1x16xf32>,
      %broadcast_in_dim3A_69 = arith.constant 0.000000e+00 : f32
      %broadcast_in_dim3A_70 = vector.broadcast %broadcast_in_dim3A_69 : f32 to vector<16xf32>
      %swap3A_71 = arith.index_cast %add3A_56 : i32 to index
      %swap3A_72 = arith.constant 32 : index
      %swap3A_73 = tpu.vector_load %arg9[%swap3A_71, %swap3A_72] {strides = array<i32>} : memref<128x128xf32, #tpu.memory_space<vmem>>, vector<1x16xf32>,
      %swap3A_74 = vector.shape_cast %swap3A_73 : vector<1x16xf32> to vector<16xf32>
      %swap3A_75 = vector.shape_cast %broadcast_in_dim3A_70 : vector<16xf32> to vector<1x16xf32>
      tpu.vector_store %arg9[%swap3A_71, %swap3A_72], %swap3A_75 {strides = array<i32>} : memref<128x128xf32, #tpu.memory_space<vmem>>, vector<1x16xf32>,
      %broadcast_in_dim3A_76 = arith.constant 0.000000e+00 : f32
      %broadcast_in_dim3A_77 = vector.broadcast %broadcast_in_dim3A_76 : f32 to vector<16xf32>
      %swap3A_78 = arith.index_cast %add3A_56 : i32 to index
      %swap3A_79 = arith.constant 48 : index
      %swap3A_80 = tpu.vector_load %arg9[%swap3A_78, %swap3A_79] {strides = array<i32>} : memref<128x128xf32, #tpu.memory_space<vmem>>, vector<1x16xf32>,
      %swap3A_81 = vector.shape_cast %swap3A_80 : vector<1x16xf32> to vector<16xf32>
      %swap3A_82 = vector.shape_cast %broadcast_in_dim3A_77 : vector<16xf32> to vector<1x16xf32>
      tpu.vector_store %arg9[%swap3A_78, %swap3A_79], %swap3A_82 {strides = array<i32>} : memref<128x128xf32, #tpu.memory_space<vmem>>, vector<1x16xf32>,
      %broadcast_in_dim3A_83 = arith.constant 0.000000e+00 : f32
      %broadcast_in_dim3A_84 = vector.broadcast %broadcast_in_dim3A_83 : f32 to vector<16xf32>
      %swap3A_85 = arith.index_cast %add3A_56 : i32 to index
      %swap3A_86 = arith.constant 64 : index
      %swap3A_87 = tpu.vector_load %arg9[%swap3A_85, %swap3A_86] {strides = array<i32>} : memref<128x128xf32, #tpu.memory_space<vmem>>, vector<1x16xf32>,
      %swap3A_88 = vector.shape_cast %swap3A_87 : vector<1x16xf32> to vector<16xf32>
      %swap3A_89 = vector.shape_cast %broadcast_in_dim3A_84 : vector<16xf32> to vector<1x16xf32>
      tpu.vector_store %arg9[%swap3A_85, %swap3A_86], %swap3A_89 {strides = array<i32>} : memref<128x128xf32, #tpu.memory_space<vmem>>, vector<1x16xf32>,
      %broadcast_in_dim3A_90 = arith.constant 0.000000e+00 : f32
      %broadcast_in_dim3A_91 = vector.broadcast %broadcast_in_dim3A_90 : f32 to vector<16xf32>
      %swap3A_92 = arith.index_cast %add3A_56 : i32 to index
      %swap3A_93 = arith.constant 80 : index
      %swap3A_94 = tpu.vector_load %arg9[%swap3A_92, %swap3A_93] {strides = array<i32>} : memref<128x128xf32, #tpu.memory_space<vmem>>, vector<1x16xf32>,
      %swap3A_95 = vector.shape_cast %swap3A_94 : vector<1x16xf32> to vector<16xf32>
      %swap3A_96 = vector.shape_cast %broadcast_in_dim3A_91 : vector<16xf32> to vector<1x16xf32>
      tpu.vector_store %arg9[%swap3A_92, %swap3A_93], %swap3A_96 {strides = array<i32>} : memref<128x128xf32, #tpu.memory_space<vmem>>, vector<1x16xf32>,
      %broadcast_in_dim3A_97 = arith.constant 0.000000e+00 : f32
      %broadcast_in_dim3A_98 = vector.broadcast %broadcast_in_dim3A_97 : f32 to vector<16xf32>
      %swap3A_99 = arith.index_cast %add3A_56 : i32 to index
      %swap3A_100 = arith.constant 96 : index
      %swap3A_101 = tpu.vector_load %arg9[%swap3A_99, %swap3A_100] {strides = array<i32>} : memref<128x128xf32, #tpu.memory_space<vmem>>, vector<1x16xf32>,
      %swap3A_102 = vector.shape_cast %swap3A_101 : vector<1x16xf32> to vector<16xf32>
      %swap3A_103 = vector.shape_cast %broadcast_in_dim3A_98 : vector<16xf32> to vector<1x16xf32>
      tpu.vector_store %arg9[%swap3A_99, %swap3A_100], %swap3A_103 {strides = array<i32>} : memref<128x128xf32, #tpu.memory_space<vmem>>, vector<1x16xf32>,
      %broadcast_in_dim3A_104 = arith.constant 0.000000e+00 : f32
      %broadcast_in_dim3A_105 = vector.broadcast %broadcast_in_dim3A_104 : f32 to vector<16xf32>
      %swap3A_106 = arith.index_cast %add3A_56 : i32 to index
      %swap3A_107 = arith.constant 112 : index
      %swap3A_108 = tpu.vector_load %arg9[%swap3A_106, %swap3A_107] {strides = array<i32>} : memref<128x128xf32, #tpu.memory_space<vmem>>, vector<1x16xf32>,
      %swap3A_109 = vector.shape_cast %swap3A_108 : vector<1x16xf32> to vector<16xf32>
      %swap3A_110 = vector.shape_cast %broadcast_in_dim3A_105 : vector<16xf32> to vector<1x16xf32>
      tpu.vector_store %arg9[%swap3A_106, %swap3A_107], %swap3A_110 {strides = array<i32>} : memref<128x128xf32, #tpu.memory_space<vmem>>, vector<1x16xf32>,
    }
    %scan3A_3 = arith.constant 128 : i32
    %mul3A = arith.constant 624 : i32
    %mul3A_4 = arith.muli %arg1, %mul3A : i32
    %add3A = arith.constant 0 : i32
    %add3A_5 = arith.addi %mul3A_4, %add3A : i32
    "tpu.region"() ({
      %run_scoped3A = tpu.sem_alloc : memref<!tpu.dma_semaphore, #tpu.memory_space<semaphore_mem>>
      %dma_start3A_52 = arith.constant 0 : i32
      %dma_start3A_53 = tpu.memref_slice %arg11[%add3A_5, %dma_start3A_52] : memref<10000x128xf32, #tpu.memory_space<vmem_shared>> -> memref<128x128xf32, #tpu.memory_space<vmem_shared>>
      %dma_start3A_54 = arith.constant 0 : i32
      %dma_start3A_55 = tpu.memref_slice %arg11[%add3A_5, %dma_start3A_54] : memref<10000x128xf32, #tpu.memory_space<vmem_shared>> -> memref<128x128xf32, #tpu.memory_space<vmem_shared>>
      tpu.enqueue_dma source(%arg9 : memref<128x128xf32, #tpu.memory_space<vmem>>) target(%dma_start3A_55 : memref<128x128xf32, #tpu.memory_space<vmem_shared>>) target_semaphore(%run_scoped3A : memref<!tpu.dma_semaphore, #tpu.memory_space<semaphore_mem>>)
      %dma_wait3A_56 = arith.constant 0 : i32
      %dma_wait3A_57 = tpu.memref_slice %arg11[%add3A_5, %dma_wait3A_56] : memref<10000x128xf32, #tpu.memory_space<vmem_shared>> -> memref<128x128xf32, #tpu.memory_space<vmem_shared>>
      %dma_wait3A_58 = arith.constant 0 : i32
      %dma_wait3A_59 = tpu.memref_slice %arg11[%add3A_5, %dma_wait3A_58] : memref<10000x128xf32, #tpu.memory_space<vmem_shared>> -> memref<128x128xf32, #tpu.memory_space<vmem_shared>>
      tpu.wait_dma2 semaphore(%run_scoped3A : memref<!tpu.dma_semaphore, #tpu.memory_space<semaphore_mem>>) src(%arg9 : memref<128x128xf32, #tpu.memory_space<vmem>>) dst(%dma_wait3A_59 : memref<128x128xf32, #tpu.memory_space<vmem_shared>>)
      tpu.yield
    }) : () -> ()
    %add3A_6 = arith.constant 128 : i32
    %add3A_7 = arith.addi %mul3A_4, %add3A_6 : i32
    "tpu.region"() ({
      %run_scoped3A = tpu.sem_alloc : memref<!tpu.dma_semaphore, #tpu.memory_space<semaphore_mem>>
      %dma_start3A_52 = arith.constant 0 : i32
      %dma_start3A_53 = tpu.memref_slice %arg11[%add3A_7, %dma_start3A_52] : memref<10000x128xf32, #tpu.memory_space<vmem_shared>> -> memref<128x128xf32, #tpu.memory_space<vmem_shared>>
      %dma_start3A_54 = arith.constant 0 : i32
      %dma_start3A_55 = tpu.memref_slice %arg11[%add3A_7, %dma_start3A_54] : memref<10000x128xf32, #tpu.memory_space<vmem_shared>> -> memref<128x128xf32, #tpu.memory_space<vmem_shared>>
      tpu.enqueue_dma source(%arg9 : memref<128x128xf32, #tpu.memory_space<vmem>>) target(%dma_start3A_55 : memref<128x128xf32, #tpu.memory_space<vmem_shared>>) target_semaphore(%run_scoped3A : memref<!tpu.dma_semaphore, #tpu.memory_space<semaphore_mem>>)
      %dma_wait3A_56 = arith.constant 0 : i32
      %dma_wait3A_57 = tpu.memref_slice %arg11[%add3A_7, %dma_wait3A_56] : memref<10000x128xf32, #tpu.memory_space<vmem_shared>> -> memref<128x128xf32, #tpu.memory_space<vmem_shared>>
      %dma_wait3A_58 = arith.constant 0 : i32
      %dma_wait3A_59 = tpu.memref_slice %arg11[%add3A_7, %dma_wait3A_58] : memref<10000x128xf32, #tpu.memory_space<vmem_shared>> -> memref<128x128xf32, #tpu.memory_space<vmem_shared>>
      tpu.wait_dma2 semaphore(%run_scoped3A : memref<!tpu.dma_semaphore, #tpu.memory_space<semaphore_mem>>) src(%arg9 : memref<128x128xf32, #tpu.memory_space<vmem>>) dst(%dma_wait3A_59 : memref<128x128xf32, #tpu.memory_space<vmem_shared>>)
      tpu.yield
    }) : () -> ()
    %add3A_8 = arith.constant 256 : i32
    %add3A_9 = arith.addi %mul3A_4, %add3A_8 : i32
    "tpu.region"() ({
      %run_scoped3A = tpu.sem_alloc : memref<!tpu.dma_semaphore, #tpu.memory_space<semaphore_mem>>
      %dma_start3A_52 = arith.constant 0 : i32
      %dma_start3A_53 = tpu.memref_slice %arg11[%add3A_9, %dma_start3A_52] : memref<10000x128xf32, #tpu.memory_space<vmem_shared>> -> memref<128x128xf32, #tpu.memory_space<vmem_shared>>
      %dma_start3A_54 = arith.constant 0 : i32
      %dma_start3A_55 = tpu.memref_slice %arg11[%add3A_9, %dma_start3A_54] : memref<10000x128xf32, #tpu.memory_space<vmem_shared>> -> memref<128x128xf32, #tpu.memory_space<vmem_shared>>
      tpu.enqueue_dma source(%arg9 : memref<128x128xf32, #tpu.memory_space<vmem>>) target(%dma_start3A_55 : memref<128x128xf32, #tpu.memory_space<vmem_shared>>) target_semaphore(%run_scoped3A : memref<!tpu.dma_semaphore, #tpu.memory_space<semaphore_mem>>)
      %dma_wait3A_56 = arith.constant 0 : i32
      %dma_wait3A_57 = tpu.memref_slice %arg11[%add3A_9, %dma_wait3A_56] : memref<10000x128xf32, #tpu.memory_space<vmem_shared>> -> memref<128x128xf32, #tpu.memory_space<vmem_shared>>
      %dma_wait3A_58 = arith.constant 0 : i32
      %dma_wait3A_59 = tpu.memref_slice %arg11[%add3A_9, %dma_wait3A_58] : memref<10000x128xf32, #tpu.memory_space<vmem_shared>> -> memref<128x128xf32, #tpu.memory_space<vmem_shared>>
      tpu.wait_dma2 semaphore(%run_scoped3A : memref<!tpu.dma_semaphore, #tpu.memory_space<semaphore_mem>>) src(%arg9 : memref<128x128xf32, #tpu.memory_space<vmem>>) dst(%dma_wait3A_59 : memref<128x128xf32, #tpu.memory_space<vmem_shared>>)
      tpu.yield
    }) : () -> ()
    %add3A_10 = arith.constant 384 : i32
    %add3A_11 = arith.addi %mul3A_4, %add3A_10 : i32
    "tpu.region"() ({
      %run_scoped3A = tpu.sem_alloc : memref<!tpu.dma_semaphore, #tpu.memory_space<semaphore_mem>>
      %dma_start3A_52 = arith.constant 0 : i32
      %dma_start3A_53 = tpu.memref_slice %arg11[%add3A_11, %dma_start3A_52] : memref<10000x128xf32, #tpu.memory_space<vmem_shared>> -> memref<128x128xf32, #tpu.memory_space<vmem_shared>>
      %dma_start3A_54 = arith.constant 0 : i32
      %dma_start3A_55 = tpu.memref_slice %arg11[%add3A_11, %dma_start3A_54] : memref<10000x128xf32, #tpu.memory_space<vmem_shared>> -> memref<128x128xf32, #tpu.memory_space<vmem_shared>>
      tpu.enqueue_dma source(%arg9 : memref<128x128xf32, #tpu.memory_space<vmem>>) target(%dma_start3A_55 : memref<128x128xf32, #tpu.memory_space<vmem_shared>>) target_semaphore(%run_scoped3A : memref<!tpu.dma_semaphore, #tpu.memory_space<semaphore_mem>>)
      %dma_wait3A_56 = arith.constant 0 : i32
      %dma_wait3A_57 = tpu.memref_slice %arg11[%add3A_11, %dma_wait3A_56] : memref<10000x128xf32, #tpu.memory_space<vmem_shared>> -> memref<128x128xf32, #tpu.memory_space<vmem_shared>>
      %dma_wait3A_58 = arith.constant 0 : i32
      %dma_wait3A_59 = tpu.memref_slice %arg11[%add3A_11, %dma_wait3A_58] : memref<10000x128xf32, #tpu.memory_space<vmem_shared>> -> memref<128x128xf32, #tpu.memory_space<vmem_shared>>
      tpu.wait_dma2 semaphore(%run_scoped3A : memref<!tpu.dma_semaphore, #tpu.memory_space<semaphore_mem>>) src(%arg9 : memref<128x128xf32, #tpu.memory_space<vmem>>) dst(%dma_wait3A_59 : memref<128x128xf32, #tpu.memory_space<vmem_shared>>)
      tpu.yield
    }) : () -> ()
    %add3A_12 = arith.constant 512 : i32
    %add3A_13 = arith.addi %mul3A_4, %add3A_12 : i32
    "tpu.region"() ({
      %run_scoped3A = tpu.sem_alloc : memref<!tpu.dma_semaphore, #tpu.memory_space<semaphore_mem>>
      %dma_start3A_52 = arith.constant 0 : i32
      %dma_start3A_53 = arith.constant 0 : i32
      %dma_start3A_54 = tpu.memref_slice %arg9[%dma_start3A_52, %dma_start3A_53] : memref<128x128xf32, #tpu.memory_space<vmem>> -> memref<112x128xf32, #tpu.memory_space<vmem>>
      %dma_start3A_55 = arith.constant 0 : i32
      %dma_start3A_56 = tpu.memref_slice %arg11[%add3A_13, %dma_start3A_55] : memref<10000x128xf32, #tpu.memory_space<vmem_shared>> -> memref<112x128xf32, #tpu.memory_space<vmem_shared>>
      %dma_start3A_57 = arith.constant 0 : i32
      %dma_start3A_58 = tpu.memref_slice %arg11[%add3A_13, %dma_start3A_57] : memref<10000x128xf32, #tpu.memory_space<vmem_shared>> -> memref<112x128xf32, #tpu.memory_space<vmem_shared>>
      %dma_start3A_59 = arith.constant 0 : i32
      %dma_start3A_60 = arith.constant 0 : i32
      %dma_start3A_61 = tpu.memref_slice %arg9[%dma_start3A_59, %dma_start3A_60] : memref<128x128xf32, #tpu.memory_space<vmem>> -> memref<112x128xf32, #tpu.memory_space<vmem>>
      tpu.enqueue_dma source(%dma_start3A_61 : memref<112x128xf32, #tpu.memory_space<vmem>>) target(%dma_start3A_58 : memref<112x128xf32, #tpu.memory_space<vmem_shared>>) target_semaphore(%run_scoped3A : memref<!tpu.dma_semaphore, #tpu.memory_space<semaphore_mem>>)
      %dma_wait3A_62 = arith.constant 0 : i32
      %dma_wait3A_63 = arith.constant 0 : i32
      %dma_wait3A_64 = tpu.memref_slice %arg9[%dma_wait3A_62, %dma_wait3A_63] : memref<128x128xf32, #tpu.memory_space<vmem>> -> memref<112x128xf32, #tpu.memory_space<vmem>>
      %dma_wait3A_65 = arith.constant 0 : i32
      %dma_wait3A_66 = tpu.memref_slice %arg11[%add3A_13, %dma_wait3A_65] : memref<10000x128xf32, #tpu.memory_space<vmem_shared>> -> memref<112x128xf32, #tpu.memory_space<vmem_shared>>
      %dma_wait3A_67 = arith.constant 0 : i32
      %dma_wait3A_68 = tpu.memref_slice %arg11[%add3A_13, %dma_wait3A_67] : memref<10000x128xf32, #tpu.memory_space<vmem_shared>> -> memref<112x128xf32, #tpu.memory_space<vmem_shared>>
      %dma_wait3A_69 = arith.constant 0 : i32
      %dma_wait3A_70 = arith.constant 0 : i32
      %dma_wait3A_71 = tpu.memref_slice %arg9[%dma_wait3A_69, %dma_wait3A_70] : memref<128x128xf32, #tpu.memory_space<vmem>> -> memref<112x128xf32, #tpu.memory_space<vmem>>
      tpu.wait_dma2 semaphore(%run_scoped3A : memref<!tpu.dma_semaphore, #tpu.memory_space<semaphore_mem>>) src(%dma_wait3A_71 : memref<112x128xf32, #tpu.memory_space<vmem>>) dst(%dma_wait3A_68 : memref<112x128xf32, #tpu.memory_space<vmem_shared>>)
      tpu.yield
    }) : () -> ()
    %eq3A = arith.constant 15 : i32
    %eq3A_14 = arith.cmpi eq, %arg1, %eq3A : i32
    %convert_element_type3A = arith.extui %eq3A_14 : i1 to i32
    %cond3A = arith.constant 0 : i32
    %cond3A_15 = arith.cmpi ne, %convert_element_type3A, %cond3A : i32
    scf.if %cond3A_15 {
      "tpu.region"() ({
        %run_scoped3A = tpu.sem_alloc : memref<!tpu.dma_semaphore, #tpu.memory_space<semaphore_mem>>
        %dma_start3A_52 = arith.constant 0 : i32
        %dma_start3A_53 = arith.constant 0 : i32
        %dma_start3A_54 = tpu.memref_slice %arg9[%dma_start3A_52, %dma_start3A_53] : memref<128x128xf32, #tpu.memory_space<vmem>> -> memref<16x128xf32, #tpu.memory_space<vmem>>
        %dma_start3A_55 = arith.constant 9984 : i32
        %dma_start3A_56 = arith.constant 0 : i32
        %dma_start3A_57 = tpu.memref_slice %arg11[%dma_start3A_55, %dma_start3A_56] : memref<10000x128xf32, #tpu.memory_space<vmem_shared>> -> memref<16x128xf32, #tpu.memory_space<vmem_shared>>
        %dma_start3A_58 = arith.constant 9984 : i32
        %dma_start3A_59 = arith.constant 0 : i32
        %dma_start3A_60 = tpu.memref_slice %arg11[%dma_start3A_58, %dma_start3A_59] : memref<10000x128xf32, #tpu.memory_space<vmem_shared>> -> memref<16x128xf32, #tpu.memory_space<vmem_shared>>
        %dma_start3A_61 = arith.constant 0 : i32
        %dma_start3A_62 = arith.constant 0 : i32
        %dma_start3A_63 = tpu.memref_slice %arg9[%dma_start3A_61, %dma_start3A_62] : memref<128x128xf32, #tpu.memory_space<vmem>> -> memref<16x128xf32, #tpu.memory_space<vmem>>
        tpu.enqueue_dma source(%dma_start3A_63 : memref<16x128xf32, #tpu.memory_space<vmem>>) target(%dma_start3A_60 : memref<16x128xf32, #tpu.memory_space<vmem_shared>>) target_semaphore(%run_scoped3A : memref<!tpu.dma_semaphore, #tpu.memory_space<semaphore_mem>>)
        %dma_wait3A_64 = arith.constant 0 : i32
        %dma_wait3A_65 = arith.constant 0 : i32
        %dma_wait3A_66 = tpu.memref_slice %arg9[%dma_wait3A_64, %dma_wait3A_65] : memref<128x128xf32, #tpu.memory_space<vmem>> -> memref<16x128xf32, #tpu.memory_space<vmem>>
        %dma_wait3A_67 = arith.constant 9984 : i32
        %dma_wait3A_68 = arith.constant 0 : i32
        %dma_wait3A_69 = tpu.memref_slice %arg11[%dma_wait3A_67, %dma_wait3A_68] : memref<10000x128xf32, #tpu.memory_space<vmem_shared>> -> memref<16x128xf32, #tpu.memory_space<vmem_shared>>
        %dma_wait3A_70 = arith.constant 9984 : i32
        %dma_wait3A_71 = arith.constant 0 : i32
        %dma_wait3A_72 = tpu.memref_slice %arg11[%dma_wait3A_70, %dma_wait3A_71] : memref<10000x128xf32, #tpu.memory_space<vmem_shared>> -> memref<16x128xf32, #tpu.memory_space<vmem_shared>>
        %dma_wait3A_73 = arith.constant 0 : i32
        %dma_wait3A_74 = arith.constant 0 : i32
        %dma_wait3A_75 = tpu.memref_slice %arg9[%dma_wait3A_73, %dma_wait3A_74] : memref<128x128xf32, #tpu.memory_space<vmem>> -> memref<16x128xf32, #tpu.memory_space<vmem>>
        tpu.wait_dma2 semaphore(%run_scoped3A : memref<!tpu.dma_semaphore, #tpu.memory_space<semaphore_mem>>) src(%dma_wait3A_75 : memref<16x128xf32, #tpu.memory_space<vmem>>) dst(%dma_wait3A_72 : memref<16x128xf32, #tpu.memory_space<vmem_shared>>)
        tpu.yield
      }) : () -> ()
    } else {
    }
    %barrier3A = arith.constant 0 : index
    tpu.barrier barrier_id(%barrier3A)
    %mul3A_16 = arith.constant 16 : i32
    %mul3A_17 = arith.muli %arg0, %mul3A_16 : i32
    %add3A_18 = arith.addi %mul3A_17, %arg1 : i32
    "tpu.region"() ({
      %run_scoped3A = tpu.sem_alloc : memref<!tpu.dma_semaphore, #tpu.memory_space<semaphore_mem>>
      %dma_start3A_52 = arith.constant 0 : i32
      %dma_start3A_53 = arith.constant 0 : i32
      %dma_start3A_54 = tpu.memref_slice %arg3[%add3A_18, %dma_start3A_52, %dma_start3A_53] : memref<32x79x128xi32, #tpu.memory_space<hbm>> -> memref<1x79x128xi32, #tpu.memory_space<hbm>>
      %dma_start3A_55 = tpu.memref_squeeze %dma_start3A_54 : memref<1x79x128xi32, #tpu.memory_space<hbm>> -> memref<79x128xi32, #tpu.memory_space<hbm>>
      %dma_start3A_56 = arith.constant 0 : i32
      %dma_start3A_57 = arith.constant 0 : i32
      %dma_start3A_58 = tpu.memref_slice %arg3[%add3A_18, %dma_start3A_56, %dma_start3A_57] : memref<32x79x128xi32, #tpu.memory_space<hbm>> -> memref<1x79x128xi32, #tpu.memory_space<hbm>>
      %dma_start3A_59 = tpu.memref_squeeze %dma_start3A_58 : memref<1x79x128xi32, #tpu.memory_space<hbm>> -> memref<79x128xi32, #tpu.memory_space<hbm>>
      tpu.enqueue_dma source(%dma_start3A_59 : memref<79x128xi32, #tpu.memory_space<hbm>>) target(%arg7 : memref<79x128xi32, #tpu.memory_space<vmem>>) target_semaphore(%run_scoped3A : memref<!tpu.dma_semaphore, #tpu.memory_space<semaphore_mem>>)
      %dma_wait3A_60 = arith.constant 0 : i32
      %dma_wait3A_61 = arith.constant 0 : i32
      %dma_wait3A_62 = tpu.memref_slice %arg3[%add3A_18, %dma_wait3A_60, %dma_wait3A_61] : memref<32x79x128xi32, #tpu.memory_space<hbm>> -> memref<1x79x128xi32, #tpu.memory_space<hbm>>
      %dma_wait3A_63 = tpu.memref_squeeze %dma_wait3A_62 : memref<1x79x128xi32, #tpu.memory_space<hbm>> -> memref<79x128xi32, #tpu.memory_space<hbm>>
      %dma_wait3A_64 = arith.constant 0 : i32
      %dma_wait3A_65 = arith.constant 0 : i32
      %dma_wait3A_66 = tpu.memref_slice %arg3[%add3A_18, %dma_wait3A_64, %dma_wait3A_65] : memref<32x79x128xi32, #tpu.memory_space<hbm>> -> memref<1x79x128xi32, #tpu.memory_space<hbm>>
      %dma_wait3A_67 = tpu.memref_squeeze %dma_wait3A_66 : memref<1x79x128xi32, #tpu.memory_space<hbm>> -> memref<79x128xi32, #tpu.memory_space<hbm>>
      tpu.wait_dma2 semaphore(%run_scoped3A : memref<!tpu.dma_semaphore, #tpu.memory_space<semaphore_mem>>) src(%dma_wait3A_67 : memref<79x128xi32, #tpu.memory_space<hbm>>) dst(%arg7 : memref<79x128xi32, #tpu.memory_space<vmem>>)
      tpu.yield
    }) : () -> ()
    "tpu.region"() ({
      %run_scoped3A = tpu.sem_alloc : memref<!tpu.dma_semaphore, #tpu.memory_space<semaphore_mem>>
      %dma_start3A_52 = arith.constant 0 : i32
      %dma_start3A_53 = arith.constant 0 : i32
      %dma_start3A_54 = tpu.memref_slice %arg4[%arg1, %dma_start3A_52, %dma_start3A_53] : memref<16x79x128xi32, #tpu.memory_space<hbm>> -> memref<1x79x128xi32, #tpu.memory_space<hbm>>
      %dma_start3A_55 = tpu.memref_squeeze %dma_start3A_54 : memref<1x79x128xi32, #tpu.memory_space<hbm>> -> memref<79x128xi32, #tpu.memory_space<hbm>>
      %dma_start3A_56 = arith.constant 0 : i32
      %dma_start3A_57 = arith.constant 0 : i32
      %dma_start3A_58 = tpu.memref_slice %arg4[%arg1, %dma_start3A_56, %dma_start3A_57] : memref<16x79x128xi32, #tpu.memory_space<hbm>> -> memref<1x79x128xi32, #tpu.memory_space<hbm>>
      %dma_start3A_59 = tpu.memref_squeeze %dma_start3A_58 : memref<1x79x128xi32, #tpu.memory_space<hbm>> -> memref<79x128xi32, #tpu.memory_space<hbm>>
      tpu.enqueue_dma source(%dma_start3A_59 : memref<79x128xi32, #tpu.memory_space<hbm>>) target(%arg8 : memref<79x128xi32, #tpu.memory_space<vmem>>) target_semaphore(%run_scoped3A : memref<!tpu.dma_semaphore, #tpu.memory_space<semaphore_mem>>)
      %dma_wait3A_60 = arith.constant 0 : i32
      %dma_wait3A_61 = arith.constant 0 : i32
      %dma_wait3A_62 = tpu.memref_slice %arg4[%arg1, %dma_wait3A_60, %dma_wait3A_61] : memref<16x79x128xi32, #tpu.memory_space<hbm>> -> memref<1x79x128xi32, #tpu.memory_space<hbm>>
      %dma_wait3A_63 = tpu.memref_squeeze %dma_wait3A_62 : memref<1x79x128xi32, #tpu.memory_space<hbm>> -> memref<79x128xi32, #tpu.memory_space<hbm>>
      %dma_wait3A_64 = arith.constant 0 : i32
      %dma_wait3A_65 = arith.constant 0 : i32
      %dma_wait3A_66 = tpu.memref_slice %arg4[%arg1, %dma_wait3A_64, %dma_wait3A_65] : memref<16x79x128xi32, #tpu.memory_space<hbm>> -> memref<1x79x128xi32, #tpu.memory_space<hbm>>
      %dma_wait3A_67 = tpu.memref_squeeze %dma_wait3A_66 : memref<1x79x128xi32, #tpu.memory_space<hbm>> -> memref<79x128xi32, #tpu.memory_space<hbm>>
      tpu.wait_dma2 semaphore(%run_scoped3A : memref<!tpu.dma_semaphore, #tpu.memory_space<semaphore_mem>>) src(%dma_wait3A_67 : memref<79x128xi32, #tpu.memory_space<hbm>>) dst(%arg8 : memref<79x128xi32, #tpu.memory_space<vmem>>)
      tpu.yield
    }) : () -> ()
    "tpu.region"() ({
      %run_scoped3A = tpu.sem_alloc : memref<!tpu.dma_semaphore, #tpu.memory_space<semaphore_mem>>
      %dma_start3A_52 = arith.constant 0 : i32
      %dma_start3A_53 = arith.constant 0 : i32
      %dma_start3A_54 = tpu.memref_slice %arg5[%arg1, %dma_start3A_52, %dma_start3A_53] : memref<16x79x128xf32, #tpu.memory_space<hbm>> -> memref<1x79x128xf32, #tpu.memory_space<hbm>>
      %dma_start3A_55 = tpu.memref_squeeze %dma_start3A_54 : memref<1x79x128xf32, #tpu.memory_space<hbm>> -> memref<79x128xf32, #tpu.memory_space<hbm>>
      %dma_start3A_56 = arith.constant 0 : i32
      %dma_start3A_57 = arith.constant 0 : i32
      %dma_start3A_58 = tpu.memref_slice %arg5[%arg1, %dma_start3A_56, %dma_start3A_57] : memref<16x79x128xf32, #tpu.memory_space<hbm>> -> memref<1x79x128xf32, #tpu.memory_space<hbm>>
      %dma_start3A_59 = tpu.memref_squeeze %dma_start3A_58 : memref<1x79x128xf32, #tpu.memory_space<hbm>> -> memref<79x128xf32, #tpu.memory_space<hbm>>
      tpu.enqueue_dma source(%dma_start3A_59 : memref<79x128xf32, #tpu.memory_space<hbm>>) target(%arg10 : memref<79x128xf32, #tpu.memory_space<vmem>>) target_semaphore(%run_scoped3A : memref<!tpu.dma_semaphore, #tpu.memory_space<semaphore_mem>>)
      %dma_wait3A_60 = arith.constant 0 : i32
      %dma_wait3A_61 = arith.constant 0 : i32
      %dma_wait3A_62 = tpu.memref_slice %arg5[%arg1, %dma_wait3A_60, %dma_wait3A_61] : memref<16x79x128xf32, #tpu.memory_space<hbm>> -> memref<1x79x128xf32, #tpu.memory_space<hbm>>
      %dma_wait3A_63 = tpu.memref_squeeze %dma_wait3A_62 : memref<1x79x128xf32, #tpu.memory_space<hbm>> -> memref<79x128xf32, #tpu.memory_space<hbm>>
      %dma_wait3A_64 = arith.constant 0 : i32
      %dma_wait3A_65 = arith.constant 0 : i32
      %dma_wait3A_66 = tpu.memref_slice %arg5[%arg1, %dma_wait3A_64, %dma_wait3A_65] : memref<16x79x128xf32, #tpu.memory_space<hbm>> -> memref<1x79x128xf32, #tpu.memory_space<hbm>>
      %dma_wait3A_67 = tpu.memref_squeeze %dma_wait3A_66 : memref<1x79x128xf32, #tpu.memory_space<hbm>> -> memref<79x128xf32, #tpu.memory_space<hbm>>
      tpu.wait_dma2 semaphore(%run_scoped3A : memref<!tpu.dma_semaphore, #tpu.memory_space<semaphore_mem>>) src(%dma_wait3A_67 : memref<79x128xf32, #tpu.memory_space<hbm>>) dst(%arg10 : memref<79x128xf32, #tpu.memory_space<vmem>>)
      tpu.yield
    }) : () -> ()
    %dma_start3A = arith.constant 0 : i32
    %dma_start3A_19 = arith.constant 0 : i32
    %dma_start3A_20 = arith.constant 0 : i32
    %dma_start3A_21 = tpu.memref_slice %arg9[%dma_start3A_19, %dma_start3A_20] : memref<128x128xf32, #tpu.memory_space<vmem>> -> memref<64x128xf32, #tpu.memory_space<vmem>>
    %dma_start3A_22 = arith.constant 0 : i32
    %dma_start3A_23 = tpu.memref_slice %arg7[%dma_start3A, %dma_start3A_22] : memref<79x128xi32, #tpu.memory_space<vmem>> -> memref<1x64xi32, #tpu.memory_space<vmem>>
    %dma_start3A_24 = tpu.memref_squeeze %dma_start3A_23 : memref<1x64xi32, #tpu.memory_space<vmem>> -> memref<64xi32, #tpu.memory_space<vmem>>
    %dma_start3A_25 = arith.constant 0 : i32
    %dma_start3A_26 = arith.constant 0 : i32
    %dma_start3A_27 = tpu.memref_slice %arg2[%dma_start3A_25, %dma_start3A_26] : memref<20000x128xf32, #tpu.memory_space<hbm>> -> memref<20000x128xf32, #tpu.memory_space<hbm>>
    tpu.enqueue_indirect_dma source(%dma_start3A_27 : memref<20000x128xf32, #tpu.memory_space<hbm>>) target(%dma_start3A_21 : memref<64x128xf32, #tpu.memory_space<vmem>>) offsets(%dma_start3A_24 : memref<64xi32, #tpu.memory_space<vmem>>) semaphore(%arg12 : memref<!tpu.dma_semaphore, #tpu.memory_space<semaphore_mem>>)
    %scan3A_28 = arith.constant 0 : i32
    %scan3A_29 = arith.constant 79 : i32
    %scan3A_30 = arith.addi %scan3A_28, %scan3A_29 : i32
    %scan3A_31 = arith.constant 1 : i32
    scf.for %scan3A_52 = %scan3A_28 to %scan3A_30 step %scan3A_31  : i32 {
      %mul3A_53 = arith.constant 1 : i32
      %mul3A_54 = arith.muli %scan3A_52, %mul3A_53 : i32
      %add3A_55 = arith.constant 0 : i32
      %add3A_56 = arith.addi %add3A_55, %mul3A_54 : i32
      %mul3A_57 = arith.constant 2 : i32
      %mul3A_58 = arith.muli %mul3A_57, %add3A_56 : i32
      %jit3A = arith.constant 2 : i32
      %div3A = arith.divsi %mul3A_58, %jit3A : i32
      %sign3A = arith.constant 0 : i32
      %sign3A_59 = arith.cmpi sgt, %mul3A_58, %sign3A : i32
      %sign3A_60 = arith.extui %sign3A_59 : i1 to i32
      %sign3A_61 = arith.constant 0 : i32
      %sign3A_62 = arith.cmpi slt, %mul3A_58, %sign3A_61 : i32
      %sign3A_63 = arith.extui %sign3A_62 : i1 to i32
      %sign3A_64 = arith.subi %sign3A_60, %sign3A_63 : i32
      %sign3A_65 = arith.constant 0 : i32
      %sign3A_66 = arith.cmpi sgt, %jit3A, %sign3A_65 : i32
      %sign3A_67 = arith.extui %sign3A_66 : i1 to i32
      %sign3A_68 = arith.constant 0 : i32
      %sign3A_69 = arith.cmpi slt, %jit3A, %sign3A_68 : i32
      %sign3A_70 = arith.extui %sign3A_69 : i1 to i32
      %sign3A_71 = arith.subi %sign3A_67, %sign3A_70 : i32
      %ne3A = arith.cmpi ne, %sign3A_64, %sign3A_71 : i32
      %rem3A = arith.remsi %mul3A_58, %jit3A : i32
      %ne3A_72 = arith.constant 0 : i32
      %ne3A_73 = arith.cmpi ne, %rem3A, %ne3A_72 : i32
      %and3A = arith.andi %ne3A, %ne3A_73 : i1
      %sub3A = arith.constant 1 : i32
      %sub3A_74 = arith.subi %div3A, %sub3A : i32
      %select_n3A = arith.select %and3A, %sub3A_74, %div3A : i32
      %jit3A_75 = arith.constant 2 : i32
      %eq3A_76 = arith.constant 0 : i32
      %eq3A_77 = arith.cmpi eq, %jit3A_75, %eq3A_76 : i32
      %jit3A_78 = arith.constant 1 : i32
      %select_n3A_79 = arith.select %eq3A_77, %jit3A_78, %jit3A_75 : i32
      %rem3A_80 = arith.remsi %mul3A_58, %select_n3A_79 : i32
      %ne3A_81 = arith.constant 0 : i32
      %ne3A_82 = arith.cmpi ne, %rem3A_80, %ne3A_81 : i32
      %lt3A = arith.constant 0 : i32
      %lt3A_83 = arith.cmpi slt, %rem3A_80, %lt3A : i32
      %lt3A_84 = arith.constant 0 : i32
      %lt3A_85 = arith.cmpi slt, %select_n3A_79, %lt3A_84 : i32
      %ne3A_86 = arith.xori %lt3A_83, %lt3A_85 : i1
      %and3A_87 = arith.andi %ne3A_86, %ne3A_82 : i1
      %add3A_88 = arith.addi %rem3A_80, %select_n3A_79 : i32
      %select_n3A_89 = arith.select %and3A_87, %add3A_88, %rem3A_80 : i32
      %mul3A_90 = arith.constant 64 : i32
      %mul3A_91 = arith.muli %select_n3A_89, %mul3A_90 : i32
      %dma_wait3A_92 = arith.constant 0 : i32
      %dma_wait3A_93 = arith.constant 0 : i32
      %dma_wait3A_94 = tpu.memref_slice %arg9[%dma_wait3A_92, %dma_wait3A_93] : memref<128x128xf32, #tpu.memory_space<vmem>> -> memref<64x128xf32, #tpu.memory_space<vmem>>
      %dma_wait3A_95 = tpu.memref_slice %arg7[%select_n3A, %mul3A_91] : memref<79x128xi32, #tpu.memory_space<vmem>> -> memref<1x64xi32, #tpu.memory_space<vmem>>
      %dma_wait3A_96 = tpu.memref_squeeze %dma_wait3A_95 : memref<1x64xi32, #tpu.memory_space<vmem>> -> memref<64xi32, #tpu.memory_space<vmem>>
      %dma_wait3A_97 = arith.constant 0 : i32
      %dma_wait3A_98 = arith.constant 0 : i32
      %dma_wait3A_99 = tpu.memref_slice %arg2[%dma_wait3A_97, %dma_wait3A_98] : memref<20000x128xf32, #tpu.memory_space<hbm>> -> memref<20000x128xf32, #tpu.memory_space<hbm>>
      tpu.wait_indirect_dma semaphore(%arg12 : memref<!tpu.dma_semaphore, #tpu.memory_space<semaphore_mem>>) src(%dma_wait3A_99 : memref<20000x128xf32, #tpu.memory_space<hbm>>) dst(%dma_wait3A_94 : memref<64x128xf32, #tpu.memory_space<vmem>>)
      %ge3A = arith.constant 1 : i32
      %ge3A_100 = arith.cmpi sge, %add3A_56, %ge3A : i32
      %convert_element_type3A_101 = arith.extui %ge3A_100 : i1 to i32
      %cond3A_102 = arith.constant 0 : i32
      %cond3A_103 = arith.cmpi ne, %convert_element_type3A_101, %cond3A_102 : i32
      scf.if %cond3A_103 {
        %sub3A_375 = arith.constant 1 : i32
        %sub3A_376 = arith.subi %mul3A_58, %sub3A_375 : i32
        %jit3A_377 = arith.constant 2 : i32
        %div3A_378 = arith.divsi %sub3A_376, %jit3A_377 : i32
        %sign3A_379 = arith.constant 0 : i32
        %sign3A_380 = arith.cmpi sgt, %sub3A_376, %sign3A_379 : i32
        %sign3A_381 = arith.extui %sign3A_380 : i1 to i32
        %sign3A_382 = arith.constant 0 : i32
        %sign3A_383 = arith.cmpi slt, %sub3A_376, %sign3A_382 : i32
        %sign3A_384 = arith.extui %sign3A_383 : i1 to i32
        %sign3A_385 = arith.subi %sign3A_381, %sign3A_384 : i32
        %sign3A_386 = arith.constant 0 : i32
        %sign3A_387 = arith.cmpi sgt, %jit3A_377, %sign3A_386 : i32
        %sign3A_388 = arith.extui %sign3A_387 : i1 to i32
        %sign3A_389 = arith.constant 0 : i32
        %sign3A_390 = arith.cmpi slt, %jit3A_377, %sign3A_389 : i32
        %sign3A_391 = arith.extui %sign3A_390 : i1 to i32
        %sign3A_392 = arith.subi %sign3A_388, %sign3A_391 : i32
        %ne3A_393 = arith.cmpi ne, %sign3A_385, %sign3A_392 : i32
        %rem3A_394 = arith.remsi %sub3A_376, %jit3A_377 : i32
        %ne3A_395 = arith.constant 0 : i32
        %ne3A_396 = arith.cmpi ne, %rem3A_394, %ne3A_395 : i32
        %and3A_397 = arith.andi %ne3A_393, %ne3A_396 : i1
        %sub3A_398 = arith.constant 1 : i32
        %sub3A_399 = arith.subi %div3A_378, %sub3A_398 : i32
        %select_n3A_400 = arith.select %and3A_397, %sub3A_399, %div3A_378 : i32
        %jit3A_401 = arith.constant 2 : i32
        %eq3A_402 = arith.constant 0 : i32
        %eq3A_403 = arith.cmpi eq, %jit3A_401, %eq3A_402 : i32
        %jit3A_404 = arith.constant 1 : i32
        %select_n3A_405 = arith.select %eq3A_403, %jit3A_404, %jit3A_401 : i32
        %rem3A_406 = arith.remsi %sub3A_376, %select_n3A_405 : i32
        %ne3A_407 = arith.constant 0 : i32
        %ne3A_408 = arith.cmpi ne, %rem3A_406, %ne3A_407 : i32
        %lt3A_409 = arith.constant 0 : i32
        %lt3A_410 = arith.cmpi slt, %rem3A_406, %lt3A_409 : i32
        %lt3A_411 = arith.constant 0 : i32
        %lt3A_412 = arith.cmpi slt, %select_n3A_405, %lt3A_411 : i32
        %ne3A_413 = arith.xori %lt3A_410, %lt3A_412 : i1
        %and3A_414 = arith.andi %ne3A_413, %ne3A_408 : i1
        %add3A_415 = arith.addi %rem3A_406, %select_n3A_405 : i32
        %select_n3A_416 = arith.select %and3A_414, %add3A_415, %rem3A_406 : i32
        %mul3A_417 = arith.constant 64 : i32
        %mul3A_418 = arith.muli %select_n3A_416, %mul3A_417 : i32
        %dma_wait3A_419 = arith.constant 64 : i32
        %dma_wait3A_420 = arith.constant 0 : i32
        %dma_wait3A_421 = tpu.memref_slice %arg9[%dma_wait3A_419, %dma_wait3A_420] : memref<128x128xf32, #tpu.memory_space<vmem>> -> memref<64x128xf32, #tpu.memory_space<vmem>>
        %dma_wait3A_422 = tpu.memref_slice %arg8[%select_n3A_400, %mul3A_418] : memref<79x128xi32, #tpu.memory_space<vmem>> -> memref<1x64xi32, #tpu.memory_space<vmem>>
        %dma_wait3A_423 = tpu.memref_squeeze %dma_wait3A_422 : memref<1x64xi32, #tpu.memory_space<vmem>> -> memref<64xi32, #tpu.memory_space<vmem>>
        %dma_wait3A_424 = arith.constant 0 : i32
        %dma_wait3A_425 = arith.constant 0 : i32
        %dma_wait3A_426 = tpu.memref_slice %arg11[%dma_wait3A_424, %dma_wait3A_425] : memref<10000x128xf32, #tpu.memory_space<vmem_shared>> -> memref<10000x128xf32, #tpu.memory_space<vmem_shared>>
        tpu.wait_indirect_dma semaphore(%arg15 : memref<!tpu.dma_semaphore, #tpu.memory_space<semaphore_mem>>) src(%dma_wait3A_421 : memref<64x128xf32, #tpu.memory_space<vmem>>) dst(%dma_wait3A_426 : memref<10000x128xf32, #tpu.memory_space<vmem_shared>>)
      } else {
      }
      %add3A_104 = arith.constant 1 : i32
      %add3A_105 = arith.addi %mul3A_58, %add3A_104 : i32
      %jit3A_106 = arith.constant 2 : i32
      %div3A_107 = arith.divsi %add3A_105, %jit3A_106 : i32
      %sign3A_108 = arith.constant 0 : i32
      %sign3A_109 = arith.cmpi sgt, %add3A_105, %sign3A_108 : i32
      %sign3A_110 = arith.extui %sign3A_109 : i1 to i32
      %sign3A_111 = arith.constant 0 : i32
      %sign3A_112 = arith.cmpi slt, %add3A_105, %sign3A_111 : i32
      %sign3A_113 = arith.extui %sign3A_112 : i1 to i32
      %sign3A_114 = arith.subi %sign3A_110, %sign3A_113 : i32
      %sign3A_115 = arith.constant 0 : i32
      %sign3A_116 = arith.cmpi sgt, %jit3A_106, %sign3A_115 : i32
      %sign3A_117 = arith.extui %sign3A_116 : i1 to i32
      %sign3A_118 = arith.constant 0 : i32
      %sign3A_119 = arith.cmpi slt, %jit3A_106, %sign3A_118 : i32
      %sign3A_120 = arith.extui %sign3A_119 : i1 to i32
      %sign3A_121 = arith.subi %sign3A_117, %sign3A_120 : i32
      %ne3A_122 = arith.cmpi ne, %sign3A_114, %sign3A_121 : i32
      %rem3A_123 = arith.remsi %add3A_105, %jit3A_106 : i32
      %ne3A_124 = arith.constant 0 : i32
      %ne3A_125 = arith.cmpi ne, %rem3A_123, %ne3A_124 : i32
      %and3A_126 = arith.andi %ne3A_122, %ne3A_125 : i1
      %sub3A_127 = arith.constant 1 : i32
      %sub3A_128 = arith.subi %div3A_107, %sub3A_127 : i32
      %select_n3A_129 = arith.select %and3A_126, %sub3A_128, %div3A_107 : i32
      %jit3A_130 = arith.constant 2 : i32
      %eq3A_131 = arith.constant 0 : i32
      %eq3A_132 = arith.cmpi eq, %jit3A_130, %eq3A_131 : i32
      %jit3A_133 = arith.constant 1 : i32
      %select_n3A_134 = arith.select %eq3A_132, %jit3A_133, %jit3A_130 : i32
      %rem3A_135 = arith.remsi %add3A_105, %select_n3A_134 : i32
      %ne3A_136 = arith.constant 0 : i32
      %ne3A_137 = arith.cmpi ne, %rem3A_135, %ne3A_136 : i32
      %lt3A_138 = arith.constant 0 : i32
      %lt3A_139 = arith.cmpi slt, %rem3A_135, %lt3A_138 : i32
      %lt3A_140 = arith.constant 0 : i32
      %lt3A_141 = arith.cmpi slt, %select_n3A_134, %lt3A_140 : i32
      %ne3A_142 = arith.xori %lt3A_139, %lt3A_141 : i1
      %and3A_143 = arith.andi %ne3A_142, %ne3A_137 : i1
      %add3A_144 = arith.addi %rem3A_135, %select_n3A_134 : i32
      %select_n3A_145 = arith.select %and3A_143, %add3A_144, %rem3A_135 : i32
      %mul3A_146 = arith.constant 64 : i32
      %mul3A_147 = arith.muli %select_n3A_145, %mul3A_146 : i32
      %dma_start3A_148 = arith.constant 64 : i32
      %dma_start3A_149 = arith.constant 0 : i32
      %dma_start3A_150 = tpu.memref_slice %arg9[%dma_start3A_148, %dma_start3A_149] : memref<128x128xf32, #tpu.memory_space<vmem>> -> memref<64x128xf32, #tpu.memory_space<vmem>>
      %dma_start3A_151 = tpu.memref_slice %arg7[%select_n3A_129, %mul3A_147] : memref<79x128xi32, #tpu.memory_space<vmem>> -> memref<1x64xi32, #tpu.memory_space<vmem>>
      %dma_start3A_152 = tpu.memref_squeeze %dma_start3A_151 : memref<1x64xi32, #tpu.memory_space<vmem>> -> memref<64xi32, #tpu.memory_space<vmem>>
      %dma_start3A_153 = arith.constant 0 : i32
      %dma_start3A_154 = arith.constant 0 : i32
      %dma_start3A_155 = tpu.memref_slice %arg2[%dma_start3A_153, %dma_start3A_154] : memref<20000x128xf32, #tpu.memory_space<hbm>> -> memref<20000x128xf32, #tpu.memory_space<hbm>>
      tpu.enqueue_indirect_dma source(%dma_start3A_155 : memref<20000x128xf32, #tpu.memory_space<hbm>>) target(%dma_start3A_150 : memref<64x128xf32, #tpu.memory_space<vmem>>) offsets(%dma_start3A_152 : memref<64xi32, #tpu.memory_space<vmem>>) semaphore(%arg13 : memref<!tpu.dma_semaphore, #tpu.memory_space<semaphore_mem>>)
      %scan3A_156 = arith.constant 0 : i32
      %scan3A_157 = arith.constant 4 : i32
      %scan3A_158 = arith.addi %scan3A_156, %scan3A_157 : i32
      %scan3A_159 = arith.constant 1 : i32
      scf.for %scan3A_375 = %scan3A_156 to %scan3A_158 step %scan3A_159  : i32 {
        %mul3A_376 = arith.constant 1 : i32
        %mul3A_377 = arith.muli %scan3A_375, %mul3A_376 : i32
        %add3A_378 = arith.constant 0 : i32
        %add3A_379 = arith.addi %add3A_378, %mul3A_377 : i32
        %mul3A_380 = arith.constant 16 : i32
        %mul3A_381 = arith.muli %add3A_379, %mul3A_380 : i32
        %add3A_382 = arith.constant 0 : i32
        %add3A_383 = arith.addi %add3A_382, %mul3A_381 : i32
        %get3A = arith.index_cast %add3A_56 : i32 to index
        %get3A_384 = arith.index_cast %add3A_383 : i32 to index
        %get3A_385 = tpu.vector_load %arg10[%get3A, %get3A_384] {strides = array<i32>} : memref<79x128xf32, #tpu.memory_space<vmem>>, vector<1x16xf32>,
        %get3A_386 = vector.shape_cast %get3A_385 : vector<1x16xf32> to vector<16xf32>
        %broadcast_in_dim3A = arith.constant 0 : i32
        %broadcast_in_dim3A_387 = vector.broadcast %broadcast_in_dim3A : i32 to vector<16x1xi32>
        %gather3A = vector.shape_cast %broadcast_in_dim3A_387 : vector<16x1xi32> to vector<16xi32>
        %gather3A_388 = tpu.dynamic_gather %get3A_386[%gather3A] in [0] : vector<16xf32>, vector<16xi32> -> vector<16xf32>
        %mul3A_389 = arith.constant 16 : i32
        %mul3A_390 = arith.muli %add3A_379, %mul3A_389 : i32
        %add3A_391 = arith.constant 0 : i32
        %add3A_392 = arith.addi %add3A_391, %mul3A_390 : i32
        %add3A_393 = arith.constant 0 : i32
        %add3A_394 = arith.addi %add3A_392, %add3A_393 : i32
        %get3A_395 = arith.index_cast %add3A_394 : i32 to index
        %get3A_396 = arith.constant 0 : index
        %get3A_397 = tpu.vector_load %arg9[%get3A_395, %get3A_396] {strides = array<i32>} : memref<128x128xf32, #tpu.memory_space<vmem>>, vector<1x16xf32>,
        %get3A_398 = vector.shape_cast %get3A_397 : vector<1x16xf32> to vector<16xf32>
        %mul3A_399 = arith.mulf %get3A_398, %gather3A_388 : vector<16xf32>
        %swap3A = arith.index_cast %add3A_394 : i32 to index
        %swap3A_400 = arith.constant 0 : index
        %swap3A_401 = tpu.vector_load %arg9[%swap3A, %swap3A_400] {strides = array<i32>} : memref<128x128xf32, #tpu.memory_space<vmem>>, vector<1x16xf32>,
        %swap3A_402 = vector.shape_cast %swap3A_401 : vector<1x16xf32> to vector<16xf32>
        %swap3A_403 = vector.shape_cast %mul3A_399 : vector<16xf32> to vector<1x16xf32>
        tpu.vector_store %arg9[%swap3A, %swap3A_400], %swap3A_403 {strides = array<i32>} : memref<128x128xf32, #tpu.memory_space<vmem>>, vector<1x16xf32>,
        %get3A_404 = arith.index_cast %add3A_394 : i32 to index
        %get3A_405 = arith.constant 16 : index
        %get3A_406 = tpu.vector_load %arg9[%get3A_404, %get3A_405] {strides = array<i32>} : memref<128x128xf32, #tpu.memory_space<vmem>>, vector<1x16xf32>,
        %get3A_407 = vector.shape_cast %get3A_406 : vector<1x16xf32> to vector<16xf32>
        %mul3A_408 = arith.mulf %get3A_407, %gather3A_388 : vector<16xf32>
        %swap3A_409 = arith.index_cast %add3A_394 : i32 to index
        %swap3A_410 = arith.constant 16 : index
        %swap3A_411 = tpu.vector_load %arg9[%swap3A_409, %swap3A_410] {strides = array<i32>} : memref<128x128xf32, #tpu.memory_space<vmem>>, vector<1x16xf32>,
        %swap3A_412 = vector.shape_cast %swap3A_411 : vector<1x16xf32> to vector<16xf32>
        %swap3A_413 = vector.shape_cast %mul3A_408 : vector<16xf32> to vector<1x16xf32>
        tpu.vector_store %arg9[%swap3A_409, %swap3A_410], %swap3A_413 {strides = array<i32>} : memref<128x128xf32, #tpu.memory_space<vmem>>, vector<1x16xf32>,
        %get3A_414 = arith.index_cast %add3A_394 : i32 to index
        %get3A_415 = arith.constant 32 : index
        %get3A_416 = tpu.vector_load %arg9[%get3A_414, %get3A_415] {strides = array<i32>} : memref<128x128xf32, #tpu.memory_space<vmem>>, vector<1x16xf32>,
        %get3A_417 = vector.shape_cast %get3A_416 : vector<1x16xf32> to vector<16xf32>
        %mul3A_418 = arith.mulf %get3A_417, %gather3A_388 : vector<16xf32>
        %swap3A_419 = arith.index_cast %add3A_394 : i32 to index
        %swap3A_420 = arith.constant 32 : index
        %swap3A_421 = tpu.vector_load %arg9[%swap3A_419, %swap3A_420] {strides = array<i32>} : memref<128x128xf32, #tpu.memory_space<vmem>>, vector<1x16xf32>,
        %swap3A_422 = vector.shape_cast %swap3A_421 : vector<1x16xf32> to vector<16xf32>
        %swap3A_423 = vector.shape_cast %mul3A_418 : vector<16xf32> to vector<1x16xf32>
        tpu.vector_store %arg9[%swap3A_419, %swap3A_420], %swap3A_423 {strides = array<i32>} : memref<128x128xf32, #tpu.memory_space<vmem>>, vector<1x16xf32>,
        %get3A_424 = arith.index_cast %add3A_394 : i32 to index
        %get3A_425 = arith.constant 48 : index
        %get3A_426 = tpu.vector_load %arg9[%get3A_424, %get3A_425] {strides = array<i32>} : memref<128x128xf32, #tpu.memory_space<vmem>>, vector<1x16xf32>,
        %get3A_427 = vector.shape_cast %get3A_426 : vector<1x16xf32> to vector<16xf32>
        %mul3A_428 = arith.mulf %get3A_427, %gather3A_388 : vector<16xf32>
        %swap3A_429 = arith.index_cast %add3A_394 : i32 to index
        %swap3A_430 = arith.constant 48 : index
        %swap3A_431 = tpu.vector_load %arg9[%swap3A_429, %swap3A_430] {strides = array<i32>} : memref<128x128xf32, #tpu.memory_space<vmem>>, vector<1x16xf32>,
        %swap3A_432 = vector.shape_cast %swap3A_431 : vector<1x16xf32> to vector<16xf32>
        %swap3A_433 = vector.shape_cast %mul3A_428 : vector<16xf32> to vector<1x16xf32>
        tpu.vector_store %arg9[%swap3A_429, %swap3A_430], %swap3A_433 {strides = array<i32>} : memref<128x128xf32, #tpu.memory_space<vmem>>, vector<1x16xf32>,
        %get3A_434 = arith.index_cast %add3A_394 : i32 to index
        %get3A_435 = arith.constant 64 : index
        %get3A_436 = tpu.vector_load %arg9[%get3A_434, %get3A_435] {strides = array<i32>} : memref<128x128xf32, #tpu.memory_space<vmem>>, vector<1x16xf32>,
        %get3A_437 = vector.shape_cast %get3A_436 : vector<1x16xf32> to vector<16xf32>
        %mul3A_438 = arith.mulf %get3A_437, %gather3A_388 : vector<16xf32>
        %swap3A_439 = arith.index_cast %add3A_394 : i32 to index
        %swap3A_440 = arith.constant 64 : index
        %swap3A_441 = tpu.vector_load %arg9[%swap3A_439, %swap3A_440] {strides = array<i32>} : memref<128x128xf32, #tpu.memory_space<vmem>>, vector<1x16xf32>,
        %swap3A_442 = vector.shape_cast %swap3A_441 : vector<1x16xf32> to vector<16xf32>
        %swap3A_443 = vector.shape_cast %mul3A_438 : vector<16xf32> to vector<1x16xf32>
        tpu.vector_store %arg9[%swap3A_439, %swap3A_440], %swap3A_443 {strides = array<i32>} : memref<128x128xf32, #tpu.memory_space<vmem>>, vector<1x16xf32>,
        %get3A_444 = arith.index_cast %add3A_394 : i32 to index
        %get3A_445 = arith.constant 80 : index
        %get3A_446 = tpu.vector_load %arg9[%get3A_444, %get3A_445] {strides = array<i32>} : memref<128x128xf32, #tpu.memory_space<vmem>>, vector<1x16xf32>,
        %get3A_447 = vector.shape_cast %get3A_446 : vector<1x16xf32> to vector<16xf32>
        %mul3A_448 = arith.mulf %get3A_447, %gather3A_388 : vector<16xf32>
        %swap3A_449 = arith.index_cast %add3A_394 : i32 to index
        %swap3A_450 = arith.constant 80 : index
        %swap3A_451 = tpu.vector_load %arg9[%swap3A_449, %swap3A_450] {strides = array<i32>} : memref<128x128xf32, #tpu.memory_space<vmem>>, vector<1x16xf32>,
        %swap3A_452 = vector.shape_cast %swap3A_451 : vector<1x16xf32> to vector<16xf32>
        %swap3A_453 = vector.shape_cast %mul3A_448 : vector<16xf32> to vector<1x16xf32>
        tpu.vector_store %arg9[%swap3A_449, %swap3A_450], %swap3A_453 {strides = array<i32>} : memref<128x128xf32, #tpu.memory_space<vmem>>, vector<1x16xf32>,
        %get3A_454 = arith.index_cast %add3A_394 : i32 to index
        %get3A_455 = arith.constant 96 : index
        %get3A_456 = tpu.vector_load %arg9[%get3A_454, %get3A_455] {strides = array<i32>} : memref<128x128xf32, #tpu.memory_space<vmem>>, vector<1x16xf32>,
        %get3A_457 = vector.shape_cast %get3A_456 : vector<1x16xf32> to vector<16xf32>
        %mul3A_458 = arith.mulf %get3A_457, %gather3A_388 : vector<16xf32>
        %swap3A_459 = arith.index_cast %add3A_394 : i32 to index
        %swap3A_460 = arith.constant 96 : index
        %swap3A_461 = tpu.vector_load %arg9[%swap3A_459, %swap3A_460] {strides = array<i32>} : memref<128x128xf32, #tpu.memory_space<vmem>>, vector<1x16xf32>,
        %swap3A_462 = vector.shape_cast %swap3A_461 : vector<1x16xf32> to vector<16xf32>
        %swap3A_463 = vector.shape_cast %mul3A_458 : vector<16xf32> to vector<1x16xf32>
        tpu.vector_store %arg9[%swap3A_459, %swap3A_460], %swap3A_463 {strides = array<i32>} : memref<128x128xf32, #tpu.memory_space<vmem>>, vector<1x16xf32>,
        %get3A_464 = arith.index_cast %add3A_394 : i32 to index
        %get3A_465 = arith.constant 112 : index
        %get3A_466 = tpu.vector_load %arg9[%get3A_464, %get3A_465] {strides = array<i32>} : memref<128x128xf32, #tpu.memory_space<vmem>>, vector<1x16xf32>,
        %get3A_467 = vector.shape_cast %get3A_466 : vector<1x16xf32> to vector<16xf32>
        %mul3A_468 = arith.mulf %get3A_467, %gather3A_388 : vector<16xf32>
        %swap3A_469 = arith.index_cast %add3A_394 : i32 to index
        %swap3A_470 = arith.constant 112 : index
        %swap3A_471 = tpu.vector_load %arg9[%swap3A_469, %swap3A_470] {strides = array<i32>} : memref<128x128xf32, #tpu.memory_space<vmem>>, vector<1x16xf32>,
        %swap3A_472 = vector.shape_cast %swap3A_471 : vector<1x16xf32> to vector<16xf32>
        %swap3A_473 = vector.shape_cast %mul3A_468 : vector<16xf32> to vector<1x16xf32>
        tpu.vector_store %arg9[%swap3A_469, %swap3A_470], %swap3A_473 {strides = array<i32>} : memref<128x128xf32, #tpu.memory_space<vmem>>, vector<1x16xf32>,
        %broadcast_in_dim3A_474 = arith.constant 1 : i32
        %broadcast_in_dim3A_475 = vector.broadcast %broadcast_in_dim3A_474 : i32 to vector<16x1xi32>
        %gather3A_476 = vector.shape_cast %broadcast_in_dim3A_475 : vector<16x1xi32> to vector<16xi32>
        %gather3A_477 = tpu.dynamic_gather %get3A_386[%gather3A_476] in [0] : vector<16xf32>, vector<16xi32> -> vector<16xf32>
        %mul3A_478 = arith.constant 16 : i32
        %mul3A_479 = arith.muli %add3A_379, %mul3A_478 : i32
        %add3A_480 = arith.constant 0 : i32
        %add3A_481 = arith.addi %add3A_480, %mul3A_479 : i32
        %add3A_482 = arith.constant 1 : i32
        %add3A_483 = arith.addi %add3A_481, %add3A_482 : i32
        %get3A_484 = arith.index_cast %add3A_483 : i32 to index
        %get3A_485 = arith.constant 0 : index
        %get3A_486 = tpu.vector_load %arg9[%get3A_484, %get3A_485] {strides = array<i32>} : memref<128x128xf32, #tpu.memory_space<vmem>>, vector<1x16xf32>,
        %get3A_487 = vector.shape_cast %get3A_486 : vector<1x16xf32> to vector<16xf32>
        %mul3A_488 = arith.mulf %get3A_487, %gather3A_477 : vector<16xf32>
        %swap3A_489 = arith.index_cast %add3A_483 : i32 to index
        %swap3A_490 = arith.constant 0 : index
        %swap3A_491 = tpu.vector_load %arg9[%swap3A_489, %swap3A_490] {strides = array<i32>} : memref<128x128xf32, #tpu.memory_space<vmem>>, vector<1x16xf32>,
        %swap3A_492 = vector.shape_cast %swap3A_491 : vector<1x16xf32> to vector<16xf32>
        %swap3A_493 = vector.shape_cast %mul3A_488 : vector<16xf32> to vector<1x16xf32>
        tpu.vector_store %arg9[%swap3A_489, %swap3A_490], %swap3A_493 {strides = array<i32>} : memref<128x128xf32, #tpu.memory_space<vmem>>, vector<1x16xf32>,
        %get3A_494 = arith.index_cast %add3A_483 : i32 to index
        %get3A_495 = arith.constant 16 : index
        %get3A_496 = tpu.vector_load %arg9[%get3A_494, %get3A_495] {strides = array<i32>} : memref<128x128xf32, #tpu.memory_space<vmem>>, vector<1x16xf32>,
        %get3A_497 = vector.shape_cast %get3A_496 : vector<1x16xf32> to vector<16xf32>
        %mul3A_498 = arith.mulf %get3A_497, %gather3A_477 : vector<16xf32>
        %swap3A_499 = arith.index_cast %add3A_483 : i32 to index
        %swap3A_500 = arith.constant 16 : index
        %swap3A_501 = tpu.vector_load %arg9[%swap3A_499, %swap3A_500] {strides = array<i32>} : memref<128x128xf32, #tpu.memory_space<vmem>>, vector<1x16xf32>,
        %swap3A_502 = vector.shape_cast %swap3A_501 : vector<1x16xf32> to vector<16xf32>
        %swap3A_503 = vector.shape_cast %mul3A_498 : vector<16xf32> to vector<1x16xf32>
        tpu.vector_store %arg9[%swap3A_499, %swap3A_500], %swap3A_503 {strides = array<i32>} : memref<128x128xf32, #tpu.memory_space<vmem>>, vector<1x16xf32>,
        %get3A_504 = arith.index_cast %add3A_483 : i32 to index
        %get3A_505 = arith.constant 32 : index
        %get3A_506 = tpu.vector_load %arg9[%get3A_504, %get3A_505] {strides = array<i32>} : memref<128x128xf32, #tpu.memory_space<vmem>>, vector<1x16xf32>,
        %get3A_507 = vector.shape_cast %get3A_506 : vector<1x16xf32> to vector<16xf32>
        %mul3A_508 = arith.mulf %get3A_507, %gather3A_477 : vector<16xf32>
        %swap3A_509 = arith.index_cast %add3A_483 : i32 to index
        %swap3A_510 = arith.constant 32 : index
        %swap3A_511 = tpu.vector_load %arg9[%swap3A_509, %swap3A_510] {strides = array<i32>} : memref<128x128xf32, #tpu.memory_space<vmem>>, vector<1x16xf32>,
        %swap3A_512 = vector.shape_cast %swap3A_511 : vector<1x16xf32> to vector<16xf32>
        %swap3A_513 = vector.shape_cast %mul3A_508 : vector<16xf32> to vector<1x16xf32>
        tpu.vector_store %arg9[%swap3A_509, %swap3A_510], %swap3A_513 {strides = array<i32>} : memref<128x128xf32, #tpu.memory_space<vmem>>, vector<1x16xf32>,
        %get3A_514 = arith.index_cast %add3A_483 : i32 to index
        %get3A_515 = arith.constant 48 : index
        %get3A_516 = tpu.vector_load %arg9[%get3A_514, %get3A_515] {strides = array<i32>} : memref<128x128xf32, #tpu.memory_space<vmem>>, vector<1x16xf32>,
        %get3A_517 = vector.shape_cast %get3A_516 : vector<1x16xf32> to vector<16xf32>
        %mul3A_518 = arith.mulf %get3A_517, %gather3A_477 : vector<16xf32>
        %swap3A_519 = arith.index_cast %add3A_483 : i32 to index
        %swap3A_520 = arith.constant 48 : index
        %swap3A_521 = tpu.vector_load %arg9[%swap3A_519, %swap3A_520] {strides = array<i32>} : memref<128x128xf32, #tpu.memory_space<vmem>>, vector<1x16xf32>,
        %swap3A_522 = vector.shape_cast %swap3A_521 : vector<1x16xf32> to vector<16xf32>
        %swap3A_523 = vector.shape_cast %mul3A_518 : vector<16xf32> to vector<1x16xf32>
        tpu.vector_store %arg9[%swap3A_519, %swap3A_520], %swap3A_523 {strides = array<i32>} : memref<128x128xf32, #tpu.memory_space<vmem>>, vector<1x16xf32>,
        %get3A_524 = arith.index_cast %add3A_483 : i32 to index
        %get3A_525 = arith.constant 64 : index
        %get3A_526 = tpu.vector_load %arg9[%get3A_524, %get3A_525] {strides = array<i32>} : memref<128x128xf32, #tpu.memory_space<vmem>>, vector<1x16xf32>,
        %get3A_527 = vector.shape_cast %get3A_526 : vector<1x16xf32> to vector<16xf32>
        %mul3A_528 = arith.mulf %get3A_527, %gather3A_477 : vector<16xf32>
        %swap3A_529 = arith.index_cast %add3A_483 : i32 to index
        %swap3A_530 = arith.constant 64 : index
        %swap3A_531 = tpu.vector_load %arg9[%swap3A_529, %swap3A_530] {strides = array<i32>} : memref<128x128xf32, #tpu.memory_space<vmem>>, vector<1x16xf32>,
        %swap3A_532 = vector.shape_cast %swap3A_531 : vector<1x16xf32> to vector<16xf32>
        %swap3A_533 = vector.shape_cast %mul3A_528 : vector<16xf32> to vector<1x16xf32>
        tpu.vector_store %arg9[%swap3A_529, %swap3A_530], %swap3A_533 {strides = array<i32>} : memref<128x128xf32, #tpu.memory_space<vmem>>, vector<1x16xf32>,
        %get3A_534 = arith.index_cast %add3A_483 : i32 to index
        %get3A_535 = arith.constant 80 : index
        %get3A_536 = tpu.vector_load %arg9[%get3A_534, %get3A_535] {strides = array<i32>} : memref<128x128xf32, #tpu.memory_space<vmem>>, vector<1x16xf32>,
        %get3A_537 = vector.shape_cast %get3A_536 : vector<1x16xf32> to vector<16xf32>
        %mul3A_538 = arith.mulf %get3A_537, %gather3A_477 : vector<16xf32>
        %swap3A_539 = arith.index_cast %add3A_483 : i32 to index
        %swap3A_540 = arith.constant 80 : index
        %swap3A_541 = tpu.vector_load %arg9[%swap3A_539, %swap3A_540] {strides = array<i32>} : memref<128x128xf32, #tpu.memory_space<vmem>>, vector<1x16xf32>,
        %swap3A_542 = vector.shape_cast %swap3A_541 : vector<1x16xf32> to vector<16xf32>
        %swap3A_543 = vector.shape_cast %mul3A_538 : vector<16xf32> to vector<1x16xf32>
        tpu.vector_store %arg9[%swap3A_539, %swap3A_540], %swap3A_543 {strides = array<i32>} : memref<128x128xf32, #tpu.memory_space<vmem>>, vector<1x16xf32>,
        %get3A_544 = arith.index_cast %add3A_483 : i32 to index
        %get3A_545 = arith.constant 96 : index
        %get3A_546 = tpu.vector_load %arg9[%get3A_544, %get3A_545] {strides = array<i32>} : memref<128x128xf32, #tpu.memory_space<vmem>>, vector<1x16xf32>,
        %get3A_547 = vector.shape_cast %get3A_546 : vector<1x16xf32> to vector<16xf32>
        %mul3A_548 = arith.mulf %get3A_547, %gather3A_477 : vector<16xf32>
        %swap3A_549 = arith.index_cast %add3A_483 : i32 to index
        %swap3A_550 = arith.constant 96 : index
        %swap3A_551 = tpu.vector_load %arg9[%swap3A_549, %swap3A_550] {strides = array<i32>} : memref<128x128xf32, #tpu.memory_space<vmem>>, vector<1x16xf32>,
        %swap3A_552 = vector.shape_cast %swap3A_551 : vector<1x16xf32> to vector<16xf32>
        %swap3A_553 = vector.shape_cast %mul3A_548 : vector<16xf32> to vector<1x16xf32>
        tpu.vector_store %arg9[%swap3A_549, %swap3A_550], %swap3A_553 {strides = array<i32>} : memref<128x128xf32, #tpu.memory_space<vmem>>, vector<1x16xf32>,
        %get3A_554 = arith.index_cast %add3A_483 : i32 to index
        %get3A_555 = arith.constant 112 : index
        %get3A_556 = tpu.vector_load %arg9[%get3A_554, %get3A_555] {strides = array<i32>} : memref<128x128xf32, #tpu.memory_space<vmem>>, vector<1x16xf32>,
        %get3A_557 = vector.shape_cast %get3A_556 : vector<1x16xf32> to vector<16xf32>
        %mul3A_558 = arith.mulf %get3A_557, %gather3A_477 : vector<16xf32>
        %swap3A_559 = arith.index_cast %add3A_483 : i32 to index
        %swap3A_560 = arith.constant 112 : index
        %swap3A_561 = tpu.vector_load %arg9[%swap3A_559, %swap3A_560] {strides = array<i32>} : memref<128x128xf32, #tpu.memory_space<vmem>>, vector<1x16xf32>,
        %swap3A_562 = vector.shape_cast %swap3A_561 : vector<1x16xf32> to vector<16xf32>
        %swap3A_563 = vector.shape_cast %mul3A_558 : vector<16xf32> to vector<1x16xf32>
        tpu.vector_store %arg9[%swap3A_559, %swap3A_560], %swap3A_563 {strides = array<i32>} : memref<128x128xf32, #tpu.memory_space<vmem>>, vector<1x16xf32>,
        %broadcast_in_dim3A_564 = arith.constant 2 : i32
        %broadcast_in_dim3A_565 = vector.broadcast %broadcast_in_dim3A_564 : i32 to vector<16x1xi32>
        %gather3A_566 = vector.shape_cast %broadcast_in_dim3A_565 : vector<16x1xi32> to vector<16xi32>
        %gather3A_567 = tpu.dynamic_gather %get3A_386[%gather3A_566] in [0] : vector<16xf32>, vector<16xi32> -> vector<16xf32>
        %mul3A_568 = arith.constant 16 : i32
        %mul3A_569 = arith.muli %add3A_379, %mul3A_568 : i32
        %add3A_570 = arith.constant 0 : i32
        %add3A_571 = arith.addi %add3A_570, %mul3A_569 : i32
        %add3A_572 = arith.constant 2 : i32
        %add3A_573 = arith.addi %add3A_571, %add3A_572 : i32
        %get3A_574 = arith.index_cast %add3A_573 : i32 to index
        %get3A_575 = arith.constant 0 : index
        %get3A_576 = tpu.vector_load %arg9[%get3A_574, %get3A_575] {strides = array<i32>} : memref<128x128xf32, #tpu.memory_space<vmem>>, vector<1x16xf32>,
        %get3A_577 = vector.shape_cast %get3A_576 : vector<1x16xf32> to vector<16xf32>
        %mul3A_578 = arith.mulf %get3A_577, %gather3A_567 : vector<16xf32>
        %swap3A_579 = arith.index_cast %add3A_573 : i32 to index
        %swap3A_580 = arith.constant 0 : index
        %swap3A_581 = tpu.vector_load %arg9[%swap3A_579, %swap3A_580] {strides = array<i32>} : memref<128x128xf32, #tpu.memory_space<vmem>>, vector<1x16xf32>,
        %swap3A_582 = vector.shape_cast %swap3A_581 : vector<1x16xf32> to vector<16xf32>
        %swap3A_583 = vector.shape_cast %mul3A_578 : vector<16xf32> to vector<1x16xf32>
        tpu.vector_store %arg9[%swap3A_579, %swap3A_580], %swap3A_583 {strides = array<i32>} : memref<128x128xf32, #tpu.memory_space<vmem>>, vector<1x16xf32>,
        %get3A_584 = arith.index_cast %add3A_573 : i32 to index
        %get3A_585 = arith.constant 16 : index
        %get3A_586 = tpu.vector_load %arg9[%get3A_584, %get3A_585] {strides = array<i32>} : memref<128x128xf32, #tpu.memory_space<vmem>>, vector<1x16xf32>,
        %get3A_587 = vector.shape_cast %get3A_586 : vector<1x16xf32> to vector<16xf32>
        %mul3A_588 = arith.mulf %get3A_587, %gather3A_567 : vector<16xf32>
        %swap3A_589 = arith.index_cast %add3A_573 : i32 to index
        %swap3A_590 = arith.constant 16 : index
        %swap3A_591 = tpu.vector_load %arg9[%swap3A_589, %swap3A_590] {strides = array<i32>} : memref<128x128xf32, #tpu.memory_space<vmem>>, vector<1x16xf32>,
        %swap3A_592 = vector.shape_cast %swap3A_591 : vector<1x16xf32> to vector<16xf32>
        %swap3A_593 = vector.shape_cast %mul3A_588 : vector<16xf32> to vector<1x16xf32>
        tpu.vector_store %arg9[%swap3A_589, %swap3A_590], %swap3A_593 {strides = array<i32>} : memref<128x128xf32, #tpu.memory_space<vmem>>, vector<1x16xf32>,
        %get3A_594 = arith.index_cast %add3A_573 : i32 to index
        %get3A_595 = arith.constant 32 : index
        %get3A_596 = tpu.vector_load %arg9[%get3A_594, %get3A_595] {strides = array<i32>} : memref<128x128xf32, #tpu.memory_space<vmem>>, vector<1x16xf32>,
        %get3A_597 = vector.shape_cast %get3A_596 : vector<1x16xf32> to vector<16xf32>
        %mul3A_598 = arith.mulf %get3A_597, %gather3A_567 : vector<16xf32>
        %swap3A_599 = arith.index_cast %add3A_573 : i32 to index
        %swap3A_600 = arith.constant 32 : index
        %swap3A_601 = tpu.vector_load %arg9[%swap3A_599, %swap3A_600] {strides = array<i32>} : memref<128x128xf32, #tpu.memory_space<vmem>>, vector<1x16xf32>,
        %swap3A_602 = vector.shape_cast %swap3A_601 : vector<1x16xf32> to vector<16xf32>
        %swap3A_603 = vector.shape_cast %mul3A_598 : vector<16xf32> to vector<1x16xf32>
        tpu.vector_store %arg9[%swap3A_599, %swap3A_600], %swap3A_603 {strides = array<i32>} : memref<128x128xf32, #tpu.memory_space<vmem>>, vector<1x16xf32>,
        %get3A_604 = arith.index_cast %add3A_573 : i32 to index
        %get3A_605 = arith.constant 48 : index
        %get3A_606 = tpu.vector_load %arg9[%get3A_604, %get3A_605] {strides = array<i32>} : memref<128x128xf32, #tpu.memory_space<vmem>>, vector<1x16xf32>,
        %get3A_607 = vector.shape_cast %get3A_606 : vector<1x16xf32> to vector<16xf32>
        %mul3A_608 = arith.mulf %get3A_607, %gather3A_567 : vector<16xf32>
        %swap3A_609 = arith.index_cast %add3A_573 : i32 to index
        %swap3A_610 = arith.constant 48 : index
        %swap3A_611 = tpu.vector_load %arg9[%swap3A_609, %swap3A_610] {strides = array<i32>} : memref<128x128xf32, #tpu.memory_space<vmem>>, vector<1x16xf32>,
        %swap3A_612 = vector.shape_cast %swap3A_611 : vector<1x16xf32> to vector<16xf32>
        %swap3A_613 = vector.shape_cast %mul3A_608 : vector<16xf32> to vector<1x16xf32>
        tpu.vector_store %arg9[%swap3A_609, %swap3A_610], %swap3A_613 {strides = array<i32>} : memref<128x128xf32, #tpu.memory_space<vmem>>, vector<1x16xf32>,
        %get3A_614 = arith.index_cast %add3A_573 : i32 to index
        %get3A_615 = arith.constant 64 : index
        %get3A_616 = tpu.vector_load %arg9[%get3A_614, %get3A_615] {strides = array<i32>} : memref<128x128xf32, #tpu.memory_space<vmem>>, vector<1x16xf32>,
        %get3A_617 = vector.shape_cast %get3A_616 : vector<1x16xf32> to vector<16xf32>
        %mul3A_618 = arith.mulf %get3A_617, %gather3A_567 : vector<16xf32>
        %swap3A_619 = arith.index_cast %add3A_573 : i32 to index
        %swap3A_620 = arith.constant 64 : index
        %swap3A_621 = tpu.vector_load %arg9[%swap3A_619, %swap3A_620] {strides = array<i32>} : memref<128x128xf32, #tpu.memory_space<vmem>>, vector<1x16xf32>,
        %swap3A_622 = vector.shape_cast %swap3A_621 : vector<1x16xf32> to vector<16xf32>
        %swap3A_623 = vector.shape_cast %mul3A_618 : vector<16xf32> to vector<1x16xf32>
        tpu.vector_store %arg9[%swap3A_619, %swap3A_620], %swap3A_623 {strides = array<i32>} : memref<128x128xf32, #tpu.memory_space<vmem>>, vector<1x16xf32>,
        %get3A_624 = arith.index_cast %add3A_573 : i32 to index
        %get3A_625 = arith.constant 80 : index
        %get3A_626 = tpu.vector_load %arg9[%get3A_624, %get3A_625] {strides = array<i32>} : memref<128x128xf32, #tpu.memory_space<vmem>>, vector<1x16xf32>,
        %get3A_627 = vector.shape_cast %get3A_626 : vector<1x16xf32> to vector<16xf32>
        %mul3A_628 = arith.mulf %get3A_627, %gather3A_567 : vector<16xf32>
        %swap3A_629 = arith.index_cast %add3A_573 : i32 to index
        %swap3A_630 = arith.constant 80 : index
        %swap3A_631 = tpu.vector_load %arg9[%swap3A_629, %swap3A_630] {strides = array<i32>} : memref<128x128xf32, #tpu.memory_space<vmem>>, vector<1x16xf32>,
        %swap3A_632 = vector.shape_cast %swap3A_631 : vector<1x16xf32> to vector<16xf32>
        %swap3A_633 = vector.shape_cast %mul3A_628 : vector<16xf32> to vector<1x16xf32>
        tpu.vector_store %arg9[%swap3A_629, %swap3A_630], %swap3A_633 {strides = array<i32>} : memref<128x128xf32, #tpu.memory_space<vmem>>, vector<1x16xf32>,
        %get3A_634 = arith.index_cast %add3A_573 : i32 to index
        %get3A_635 = arith.constant 96 : index
        %get3A_636 = tpu.vector_load %arg9[%get3A_634, %get3A_635] {strides = array<i32>} : memref<128x128xf32, #tpu.memory_space<vmem>>, vector<1x16xf32>,
        %get3A_637 = vector.shape_cast %get3A_636 : vector<1x16xf32> to vector<16xf32>
        %mul3A_638 = arith.mulf %get3A_637, %gather3A_567 : vector<16xf32>
        %swap3A_639 = arith.index_cast %add3A_573 : i32 to index
        %swap3A_640 = arith.constant 96 : index
        %swap3A_641 = tpu.vector_load %arg9[%swap3A_639, %swap3A_640] {strides = array<i32>} : memref<128x128xf32, #tpu.memory_space<vmem>>, vector<1x16xf32>,
        %swap3A_642 = vector.shape_cast %swap3A_641 : vector<1x16xf32> to vector<16xf32>
        %swap3A_643 = vector.shape_cast %mul3A_638 : vector<16xf32> to vector<1x16xf32>
        tpu.vector_store %arg9[%swap3A_639, %swap3A_640], %swap3A_643 {strides = array<i32>} : memref<128x128xf32, #tpu.memory_space<vmem>>, vector<1x16xf32>,
        %get3A_644 = arith.index_cast %add3A_573 : i32 to index
        %get3A_645 = arith.constant 112 : index
        %get3A_646 = tpu.vector_load %arg9[%get3A_644, %get3A_645] {strides = array<i32>} : memref<128x128xf32, #tpu.memory_space<vmem>>, vector<1x16xf32>,
        %get3A_647 = vector.shape_cast %get3A_646 : vector<1x16xf32> to vector<16xf32>
        %mul3A_648 = arith.mulf %get3A_647, %gather3A_567 : vector<16xf32>
        %swap3A_649 = arith.index_cast %add3A_573 : i32 to index
        %swap3A_650 = arith.constant 112 : index
        %swap3A_651 = tpu.vector_load %arg9[%swap3A_649, %swap3A_650] {strides = array<i32>} : memref<128x128xf32, #tpu.memory_space<vmem>>, vector<1x16xf32>,
        %swap3A_652 = vector.shape_cast %swap3A_651 : vector<1x16xf32> to vector<16xf32>
        %swap3A_653 = vector.shape_cast %mul3A_648 : vector<16xf32> to vector<1x16xf32>
        tpu.vector_store %arg9[%swap3A_649, %swap3A_650], %swap3A_653 {strides = array<i32>} : memref<128x128xf32, #tpu.memory_space<vmem>>, vector<1x16xf32>,
        %broadcast_in_dim3A_654 = arith.constant 3 : i32
        %broadcast_in_dim3A_655 = vector.broadcast %broadcast_in_dim3A_654 : i32 to vector<16x1xi32>
        %gather3A_656 = vector.shape_cast %broadcast_in_dim3A_655 : vector<16x1xi32> to vector<16xi32>
        %gather3A_657 = tpu.dynamic_gather %get3A_386[%gather3A_656] in [0] : vector<16xf32>, vector<16xi32> -> vector<16xf32>
        %mul3A_658 = arith.constant 16 : i32
        %mul3A_659 = arith.muli %add3A_379, %mul3A_658 : i32
        %add3A_660 = arith.constant 0 : i32
        %add3A_661 = arith.addi %add3A_660, %mul3A_659 : i32
        %add3A_662 = arith.constant 3 : i32
        %add3A_663 = arith.addi %add3A_661, %add3A_662 : i32
        %get3A_664 = arith.index_cast %add3A_663 : i32 to index
        %get3A_665 = arith.constant 0 : index
        %get3A_666 = tpu.vector_load %arg9[%get3A_664, %get3A_665] {strides = array<i32>} : memref<128x128xf32, #tpu.memory_space<vmem>>, vector<1x16xf32>,
        %get3A_667 = vector.shape_cast %get3A_666 : vector<1x16xf32> to vector<16xf32>
        %mul3A_668 = arith.mulf %get3A_667, %gather3A_657 : vector<16xf32>
        %swap3A_669 = arith.index_cast %add3A_663 : i32 to index
        %swap3A_670 = arith.constant 0 : index
        %swap3A_671 = tpu.vector_load %arg9[%swap3A_669, %swap3A_670] {strides = array<i32>} : memref<128x128xf32, #tpu.memory_space<vmem>>, vector<1x16xf32>,
        %swap3A_672 = vector.shape_cast %swap3A_671 : vector<1x16xf32> to vector<16xf32>
        %swap3A_673 = vector.shape_cast %mul3A_668 : vector<16xf32> to vector<1x16xf32>
        tpu.vector_store %arg9[%swap3A_669, %swap3A_670], %swap3A_673 {strides = array<i32>} : memref<128x128xf32, #tpu.memory_space<vmem>>, vector<1x16xf32>,
        %get3A_674 = arith.index_cast %add3A_663 : i32 to index
        %get3A_675 = arith.constant 16 : index
        %get3A_676 = tpu.vector_load %arg9[%get3A_674, %get3A_675] {strides = array<i32>} : memref<128x128xf32, #tpu.memory_space<vmem>>, vector<1x16xf32>,
        %get3A_677 = vector.shape_cast %get3A_676 : vector<1x16xf32> to vector<16xf32>
        %mul3A_678 = arith.mulf %get3A_677, %gather3A_657 : vector<16xf32>
        %swap3A_679 = arith.index_cast %add3A_663 : i32 to index
        %swap3A_680 = arith.constant 16 : index
        %swap3A_681 = tpu.vector_load %arg9[%swap3A_679, %swap3A_680] {strides = array<i32>} : memref<128x128xf32, #tpu.memory_space<vmem>>, vector<1x16xf32>,
        %swap3A_682 = vector.shape_cast %swap3A_681 : vector<1x16xf32> to vector<16xf32>
        %swap3A_683 = vector.shape_cast %mul3A_678 : vector<16xf32> to vector<1x16xf32>
        tpu.vector_store %arg9[%swap3A_679, %swap3A_680], %swap3A_683 {strides = array<i32>} : memref<128x128xf32, #tpu.memory_space<vmem>>, vector<1x16xf32>,
        %get3A_684 = arith.index_cast %add3A_663 : i32 to index
        %get3A_685 = arith.constant 32 : index
        %get3A_686 = tpu.vector_load %arg9[%get3A_684, %get3A_685] {strides = array<i32>} : memref<128x128xf32, #tpu.memory_space<vmem>>, vector<1x16xf32>,
        %get3A_687 = vector.shape_cast %get3A_686 : vector<1x16xf32> to vector<16xf32>
        %mul3A_688 = arith.mulf %get3A_687, %gather3A_657 : vector<16xf32>
        %swap3A_689 = arith.index_cast %add3A_663 : i32 to index
        %swap3A_690 = arith.constant 32 : index
        %swap3A_691 = tpu.vector_load %arg9[%swap3A_689, %swap3A_690] {strides = array<i32>} : memref<128x128xf32, #tpu.memory_space<vmem>>, vector<1x16xf32>,
        %swap3A_692 = vector.shape_cast %swap3A_691 : vector<1x16xf32> to vector<16xf32>
        %swap3A_693 = vector.shape_cast %mul3A_688 : vector<16xf32> to vector<1x16xf32>
        tpu.vector_store %arg9[%swap3A_689, %swap3A_690], %swap3A_693 {strides = array<i32>} : memref<128x128xf32, #tpu.memory_space<vmem>>, vector<1x16xf32>,
        %get3A_694 = arith.index_cast %add3A_663 : i32 to index
        %get3A_695 = arith.constant 48 : index
        %get3A_696 = tpu.vector_load %arg9[%get3A_694, %get3A_695] {strides = array<i32>} : memref<128x128xf32, #tpu.memory_space<vmem>>, vector<1x16xf32>,
        %get3A_697 = vector.shape_cast %get3A_696 : vector<1x16xf32> to vector<16xf32>
        %mul3A_698 = arith.mulf %get3A_697, %gather3A_657 : vector<16xf32>
        %swap3A_699 = arith.index_cast %add3A_663 : i32 to index
        %swap3A_700 = arith.constant 48 : index
        %swap3A_701 = tpu.vector_load %arg9[%swap3A_699, %swap3A_700] {strides = array<i32>} : memref<128x128xf32, #tpu.memory_space<vmem>>, vector<1x16xf32>,
        %swap3A_702 = vector.shape_cast %swap3A_701 : vector<1x16xf32> to vector<16xf32>
        %swap3A_703 = vector.shape_cast %mul3A_698 : vector<16xf32> to vector<1x16xf32>
        tpu.vector_store %arg9[%swap3A_699, %swap3A_700], %swap3A_703 {strides = array<i32>} : memref<128x128xf32, #tpu.memory_space<vmem>>, vector<1x16xf32>,
        %get3A_704 = arith.index_cast %add3A_663 : i32 to index
        %get3A_705 = arith.constant 64 : index
        %get3A_706 = tpu.vector_load %arg9[%get3A_704, %get3A_705] {strides = array<i32>} : memref<128x128xf32, #tpu.memory_space<vmem>>, vector<1x16xf32>,
        %get3A_707 = vector.shape_cast %get3A_706 : vector<1x16xf32> to vector<16xf32>
        %mul3A_708 = arith.mulf %get3A_707, %gather3A_657 : vector<16xf32>
        %swap3A_709 = arith.index_cast %add3A_663 : i32 to index
        %swap3A_710 = arith.constant 64 : index
        %swap3A_711 = tpu.vector_load %arg9[%swap3A_709, %swap3A_710] {strides = array<i32>} : memref<128x128xf32, #tpu.memory_space<vmem>>, vector<1x16xf32>,
        %swap3A_712 = vector.shape_cast %swap3A_711 : vector<1x16xf32> to vector<16xf32>
        %swap3A_713 = vector.shape_cast %mul3A_708 : vector<16xf32> to vector<1x16xf32>
        tpu.vector_store %arg9[%swap3A_709, %swap3A_710], %swap3A_713 {strides = array<i32>} : memref<128x128xf32, #tpu.memory_space<vmem>>, vector<1x16xf32>,
        %get3A_714 = arith.index_cast %add3A_663 : i32 to index
        %get3A_715 = arith.constant 80 : index
        %get3A_716 = tpu.vector_load %arg9[%get3A_714, %get3A_715] {strides = array<i32>} : memref<128x128xf32, #tpu.memory_space<vmem>>, vector<1x16xf32>,
        %get3A_717 = vector.shape_cast %get3A_716 : vector<1x16xf32> to vector<16xf32>
        %mul3A_718 = arith.mulf %get3A_717, %gather3A_657 : vector<16xf32>
        %swap3A_719 = arith.index_cast %add3A_663 : i32 to index
        %swap3A_720 = arith.constant 80 : index
        %swap3A_721 = tpu.vector_load %arg9[%swap3A_719, %swap3A_720] {strides = array<i32>} : memref<128x128xf32, #tpu.memory_space<vmem>>, vector<1x16xf32>,
        %swap3A_722 = vector.shape_cast %swap3A_721 : vector<1x16xf32> to vector<16xf32>
        %swap3A_723 = vector.shape_cast %mul3A_718 : vector<16xf32> to vector<1x16xf32>
        tpu.vector_store %arg9[%swap3A_719, %swap3A_720], %swap3A_723 {strides = array<i32>} : memref<128x128xf32, #tpu.memory_space<vmem>>, vector<1x16xf32>,
        %get3A_724 = arith.index_cast %add3A_663 : i32 to index
        %get3A_725 = arith.constant 96 : index
        %get3A_726 = tpu.vector_load %arg9[%get3A_724, %get3A_725] {strides = array<i32>} : memref<128x128xf32, #tpu.memory_space<vmem>>, vector<1x16xf32>,
        %get3A_727 = vector.shape_cast %get3A_726 : vector<1x16xf32> to vector<16xf32>
        %mul3A_728 = arith.mulf %get3A_727, %gather3A_657 : vector<16xf32>
        %swap3A_729 = arith.index_cast %add3A_663 : i32 to index
        %swap3A_730 = arith.constant 96 : index
        %swap3A_731 = tpu.vector_load %arg9[%swap3A_729, %swap3A_730] {strides = array<i32>} : memref<128x128xf32, #tpu.memory_space<vmem>>, vector<1x16xf32>,
        %swap3A_732 = vector.shape_cast %swap3A_731 : vector<1x16xf32> to vector<16xf32>
        %swap3A_733 = vector.shape_cast %mul3A_728 : vector<16xf32> to vector<1x16xf32>
        tpu.vector_store %arg9[%swap3A_729, %swap3A_730], %swap3A_733 {strides = array<i32>} : memref<128x128xf32, #tpu.memory_space<vmem>>, vector<1x16xf32>,
        %get3A_734 = arith.index_cast %add3A_663 : i32 to index
        %get3A_735 = arith.constant 112 : index
        %get3A_736 = tpu.vector_load %arg9[%get3A_734, %get3A_735] {strides = array<i32>} : memref<128x128xf32, #tpu.memory_space<vmem>>, vector<1x16xf32>,
        %get3A_737 = vector.shape_cast %get3A_736 : vector<1x16xf32> to vector<16xf32>
        %mul3A_738 = arith.mulf %get3A_737, %gather3A_657 : vector<16xf32>
        %swap3A_739 = arith.index_cast %add3A_663 : i32 to index
        %swap3A_740 = arith.constant 112 : index
        %swap3A_741 = tpu.vector_load %arg9[%swap3A_739, %swap3A_740] {strides = array<i32>} : memref<128x128xf32, #tpu.memory_space<vmem>>, vector<1x16xf32>,
        %swap3A_742 = vector.shape_cast %swap3A_741 : vector<1x16xf32> to vector<16xf32>
        %swap3A_743 = vector.shape_cast %mul3A_738 : vector<16xf32> to vector<1x16xf32>
        tpu.vector_store %arg9[%swap3A_739, %swap3A_740], %swap3A_743 {strides = array<i32>} : memref<128x128xf32, #tpu.memory_space<vmem>>, vector<1x16xf32>,
        %broadcast_in_dim3A_744 = arith.constant 4 : i32
        %broadcast_in_dim3A_745 = vector.broadcast %broadcast_in_dim3A_744 : i32 to vector<16x1xi32>
        %gather3A_746 = vector.shape_cast %broadcast_in_dim3A_745 : vector<16x1xi32> to vector<16xi32>
        %gather3A_747 = tpu.dynamic_gather %get3A_386[%gather3A_746] in [0] : vector<16xf32>, vector<16xi32> -> vector<16xf32>
        %mul3A_748 = arith.constant 16 : i32
        %mul3A_749 = arith.muli %add3A_379, %mul3A_748 : i32
        %add3A_750 = arith.constant 0 : i32
        %add3A_751 = arith.addi %add3A_750, %mul3A_749 : i32
        %add3A_752 = arith.constant 4 : i32
        %add3A_753 = arith.addi %add3A_751, %add3A_752 : i32
        %get3A_754 = arith.index_cast %add3A_753 : i32 to index
        %get3A_755 = arith.constant 0 : index
        %get3A_756 = tpu.vector_load %arg9[%get3A_754, %get3A_755] {strides = array<i32>} : memref<128x128xf32, #tpu.memory_space<vmem>>, vector<1x16xf32>,
        %get3A_757 = vector.shape_cast %get3A_756 : vector<1x16xf32> to vector<16xf32>
        %mul3A_758 = arith.mulf %get3A_757, %gather3A_747 : vector<16xf32>
        %swap3A_759 = arith.index_cast %add3A_753 : i32 to index
        %swap3A_760 = arith.constant 0 : index
        %swap3A_761 = tpu.vector_load %arg9[%swap3A_759, %swap3A_760] {strides = array<i32>} : memref<128x128xf32, #tpu.memory_space<vmem>>, vector<1x16xf32>,
        %swap3A_762 = vector.shape_cast %swap3A_761 : vector<1x16xf32> to vector<16xf32>
        %swap3A_763 = vector.shape_cast %mul3A_758 : vector<16xf32> to vector<1x16xf32>
        tpu.vector_store %arg9[%swap3A_759, %swap3A_760], %swap3A_763 {strides = array<i32>} : memref<128x128xf32, #tpu.memory_space<vmem>>, vector<1x16xf32>,
        %get3A_764 = arith.index_cast %add3A_753 : i32 to index
        %get3A_765 = arith.constant 16 : index
        %get3A_766 = tpu.vector_load %arg9[%get3A_764, %get3A_765] {strides = array<i32>} : memref<128x128xf32, #tpu.memory_space<vmem>>, vector<1x16xf32>,
        %get3A_767 = vector.shape_cast %get3A_766 : vector<1x16xf32> to vector<16xf32>
        %mul3A_768 = arith.mulf %get3A_767, %gather3A_747 : vector<16xf32>
        %swap3A_769 = arith.index_cast %add3A_753 : i32 to index
        %swap3A_770 = arith.constant 16 : index
        %swap3A_771 = tpu.vector_load %arg9[%swap3A_769, %swap3A_770] {strides = array<i32>} : memref<128x128xf32, #tpu.memory_space<vmem>>, vector<1x16xf32>,
        %swap3A_772 = vector.shape_cast %swap3A_771 : vector<1x16xf32> to vector<16xf32>
        %swap3A_773 = vector.shape_cast %mul3A_768 : vector<16xf32> to vector<1x16xf32>
        tpu.vector_store %arg9[%swap3A_769, %swap3A_770], %swap3A_773 {strides = array<i32>} : memref<128x128xf32, #tpu.memory_space<vmem>>, vector<1x16xf32>,
        %get3A_774 = arith.index_cast %add3A_753 : i32 to index
        %get3A_775 = arith.constant 32 : index
        %get3A_776 = tpu.vector_load %arg9[%get3A_774, %get3A_775] {strides = array<i32>} : memref<128x128xf32, #tpu.memory_space<vmem>>, vector<1x16xf32>,
        %get3A_777 = vector.shape_cast %get3A_776 : vector<1x16xf32> to vector<16xf32>
        %mul3A_778 = arith.mulf %get3A_777, %gather3A_747 : vector<16xf32>
        %swap3A_779 = arith.index_cast %add3A_753 : i32 to index
        %swap3A_780 = arith.constant 32 : index
        %swap3A_781 = tpu.vector_load %arg9[%swap3A_779, %swap3A_780] {strides = array<i32>} : memref<128x128xf32, #tpu.memory_space<vmem>>, vector<1x16xf32>,
        %swap3A_782 = vector.shape_cast %swap3A_781 : vector<1x16xf32> to vector<16xf32>
        %swap3A_783 = vector.shape_cast %mul3A_778 : vector<16xf32> to vector<1x16xf32>
        tpu.vector_store %arg9[%swap3A_779, %swap3A_780], %swap3A_783 {strides = array<i32>} : memref<128x128xf32, #tpu.memory_space<vmem>>, vector<1x16xf32>,
        %get3A_784 = arith.index_cast %add3A_753 : i32 to index
        %get3A_785 = arith.constant 48 : index
        %get3A_786 = tpu.vector_load %arg9[%get3A_784, %get3A_785] {strides = array<i32>} : memref<128x128xf32, #tpu.memory_space<vmem>>, vector<1x16xf32>,
        %get3A_787 = vector.shape_cast %get3A_786 : vector<1x16xf32> to vector<16xf32>
        %mul3A_788 = arith.mulf %get3A_787, %gather3A_747 : vector<16xf32>
        %swap3A_789 = arith.index_cast %add3A_753 : i32 to index
        %swap3A_790 = arith.constant 48 : index
        %swap3A_791 = tpu.vector_load %arg9[%swap3A_789, %swap3A_790] {strides = array<i32>} : memref<128x128xf32, #tpu.memory_space<vmem>>, vector<1x16xf32>,
        %swap3A_792 = vector.shape_cast %swap3A_791 : vector<1x16xf32> to vector<16xf32>
        %swap3A_793 = vector.shape_cast %mul3A_788 : vector<16xf32> to vector<1x16xf32>
        tpu.vector_store %arg9[%swap3A_789, %swap3A_790], %swap3A_793 {strides = array<i32>} : memref<128x128xf32, #tpu.memory_space<vmem>>, vector<1x16xf32>,
        %get3A_794 = arith.index_cast %add3A_753 : i32 to index
        %get3A_795 = arith.constant 64 : index
        %get3A_796 = tpu.vector_load %arg9[%get3A_794, %get3A_795] {strides = array<i32>} : memref<128x128xf32, #tpu.memory_space<vmem>>, vector<1x16xf32>,
        %get3A_797 = vector.shape_cast %get3A_796 : vector<1x16xf32> to vector<16xf32>
        %mul3A_798 = arith.mulf %get3A_797, %gather3A_747 : vector<16xf32>
        %swap3A_799 = arith.index_cast %add3A_753 : i32 to index
        %swap3A_800 = arith.constant 64 : index
        %swap3A_801 = tpu.vector_load %arg9[%swap3A_799, %swap3A_800] {strides = array<i32>} : memref<128x128xf32, #tpu.memory_space<vmem>>, vector<1x16xf32>,
        %swap3A_802 = vector.shape_cast %swap3A_801 : vector<1x16xf32> to vector<16xf32>
        %swap3A_803 = vector.shape_cast %mul3A_798 : vector<16xf32> to vector<1x16xf32>
        tpu.vector_store %arg9[%swap3A_799, %swap3A_800], %swap3A_803 {strides = array<i32>} : memref<128x128xf32, #tpu.memory_space<vmem>>, vector<1x16xf32>,
        %get3A_804 = arith.index_cast %add3A_753 : i32 to index
        %get3A_805 = arith.constant 80 : index
        %get3A_806 = tpu.vector_load %arg9[%get3A_804, %get3A_805] {strides = array<i32>} : memref<128x128xf32, #tpu.memory_space<vmem>>, vector<1x16xf32>,
        %get3A_807 = vector.shape_cast %get3A_806 : vector<1x16xf32> to vector<16xf32>
        %mul3A_808 = arith.mulf %get3A_807, %gather3A_747 : vector<16xf32>
        %swap3A_809 = arith.index_cast %add3A_753 : i32 to index
        %swap3A_810 = arith.constant 80 : index
        %swap3A_811 = tpu.vector_load %arg9[%swap3A_809, %swap3A_810] {strides = array<i32>} : memref<128x128xf32, #tpu.memory_space<vmem>>, vector<1x16xf32>,
        %swap3A_812 = vector.shape_cast %swap3A_811 : vector<1x16xf32> to vector<16xf32>
        %swap3A_813 = vector.shape_cast %mul3A_808 : vector<16xf32> to vector<1x16xf32>
        tpu.vector_store %arg9[%swap3A_809, %swap3A_810], %swap3A_813 {strides = array<i32>} : memref<128x128xf32, #tpu.memory_space<vmem>>, vector<1x16xf32>,
        %get3A_814 = arith.index_cast %add3A_753 : i32 to index
        %get3A_815 = arith.constant 96 : index
        %get3A_816 = tpu.vector_load %arg9[%get3A_814, %get3A_815] {strides = array<i32>} : memref<128x128xf32, #tpu.memory_space<vmem>>, vector<1x16xf32>,
        %get3A_817 = vector.shape_cast %get3A_816 : vector<1x16xf32> to vector<16xf32>
        %mul3A_818 = arith.mulf %get3A_817, %gather3A_747 : vector<16xf32>
        %swap3A_819 = arith.index_cast %add3A_753 : i32 to index
        %swap3A_820 = arith.constant 96 : index
        %swap3A_821 = tpu.vector_load %arg9[%swap3A_819, %swap3A_820] {strides = array<i32>} : memref<128x128xf32, #tpu.memory_space<vmem>>, vector<1x16xf32>,
        %swap3A_822 = vector.shape_cast %swap3A_821 : vector<1x16xf32> to vector<16xf32>
        %swap3A_823 = vector.shape_cast %mul3A_818 : vector<16xf32> to vector<1x16xf32>
        tpu.vector_store %arg9[%swap3A_819, %swap3A_820], %swap3A_823 {strides = array<i32>} : memref<128x128xf32, #tpu.memory_space<vmem>>, vector<1x16xf32>,
        %get3A_824 = arith.index_cast %add3A_753 : i32 to index
        %get3A_825 = arith.constant 112 : index
        %get3A_826 = tpu.vector_load %arg9[%get3A_824, %get3A_825] {strides = array<i32>} : memref<128x128xf32, #tpu.memory_space<vmem>>, vector<1x16xf32>,
        %get3A_827 = vector.shape_cast %get3A_826 : vector<1x16xf32> to vector<16xf32>
        %mul3A_828 = arith.mulf %get3A_827, %gather3A_747 : vector<16xf32>
        %swap3A_829 = arith.index_cast %add3A_753 : i32 to index
        %swap3A_830 = arith.constant 112 : index
        %swap3A_831 = tpu.vector_load %arg9[%swap3A_829, %swap3A_830] {strides = array<i32>} : memref<128x128xf32, #tpu.memory_space<vmem>>, vector<1x16xf32>,
        %swap3A_832 = vector.shape_cast %swap3A_831 : vector<1x16xf32> to vector<16xf32>
        %swap3A_833 = vector.shape_cast %mul3A_828 : vector<16xf32> to vector<1x16xf32>
        tpu.vector_store %arg9[%swap3A_829, %swap3A_830], %swap3A_833 {strides = array<i32>} : memref<128x128xf32, #tpu.memory_space<vmem>>, vector<1x16xf32>,
        %broadcast_in_dim3A_834 = arith.constant 5 : i32
        %broadcast_in_dim3A_835 = vector.broadcast %broadcast_in_dim3A_834 : i32 to vector<16x1xi32>
        %gather3A_836 = vector.shape_cast %broadcast_in_dim3A_835 : vector<16x1xi32> to vector<16xi32>
        %gather3A_837 = tpu.dynamic_gather %get3A_386[%gather3A_836] in [0] : vector<16xf32>, vector<16xi32> -> vector<16xf32>
        %mul3A_838 = arith.constant 16 : i32
        %mul3A_839 = arith.muli %add3A_379, %mul3A_838 : i32
        %add3A_840 = arith.constant 0 : i32
        %add3A_841 = arith.addi %add3A_840, %mul3A_839 : i32
        %add3A_842 = arith.constant 5 : i32
        %add3A_843 = arith.addi %add3A_841, %add3A_842 : i32
        %get3A_844 = arith.index_cast %add3A_843 : i32 to index
        %get3A_845 = arith.constant 0 : index
        %get3A_846 = tpu.vector_load %arg9[%get3A_844, %get3A_845] {strides = array<i32>} : memref<128x128xf32, #tpu.memory_space<vmem>>, vector<1x16xf32>,
        %get3A_847 = vector.shape_cast %get3A_846 : vector<1x16xf32> to vector<16xf32>
        %mul3A_848 = arith.mulf %get3A_847, %gather3A_837 : vector<16xf32>
        %swap3A_849 = arith.index_cast %add3A_843 : i32 to index
        %swap3A_850 = arith.constant 0 : index
        %swap3A_851 = tpu.vector_load %arg9[%swap3A_849, %swap3A_850] {strides = array<i32>} : memref<128x128xf32, #tpu.memory_space<vmem>>, vector<1x16xf32>,
        %swap3A_852 = vector.shape_cast %swap3A_851 : vector<1x16xf32> to vector<16xf32>
        %swap3A_853 = vector.shape_cast %mul3A_848 : vector<16xf32> to vector<1x16xf32>
        tpu.vector_store %arg9[%swap3A_849, %swap3A_850], %swap3A_853 {strides = array<i32>} : memref<128x128xf32, #tpu.memory_space<vmem>>, vector<1x16xf32>,
        %get3A_854 = arith.index_cast %add3A_843 : i32 to index
        %get3A_855 = arith.constant 16 : index
        %get3A_856 = tpu.vector_load %arg9[%get3A_854, %get3A_855] {strides = array<i32>} : memref<128x128xf32, #tpu.memory_space<vmem>>, vector<1x16xf32>,
        %get3A_857 = vector.shape_cast %get3A_856 : vector<1x16xf32> to vector<16xf32>
        %mul3A_858 = arith.mulf %get3A_857, %gather3A_837 : vector<16xf32>
        %swap3A_859 = arith.index_cast %add3A_843 : i32 to index
        %swap3A_860 = arith.constant 16 : index
        %swap3A_861 = tpu.vector_load %arg9[%swap3A_859, %swap3A_860] {strides = array<i32>} : memref<128x128xf32, #tpu.memory_space<vmem>>, vector<1x16xf32>,
        %swap3A_862 = vector.shape_cast %swap3A_861 : vector<1x16xf32> to vector<16xf32>
        %swap3A_863 = vector.shape_cast %mul3A_858 : vector<16xf32> to vector<1x16xf32>
        tpu.vector_store %arg9[%swap3A_859, %swap3A_860], %swap3A_863 {strides = array<i32>} : memref<128x128xf32, #tpu.memory_space<vmem>>, vector<1x16xf32>,
        %get3A_864 = arith.index_cast %add3A_843 : i32 to index
        %get3A_865 = arith.constant 32 : index
        %get3A_866 = tpu.vector_load %arg9[%get3A_864, %get3A_865] {strides = array<i32>} : memref<128x128xf32, #tpu.memory_space<vmem>>, vector<1x16xf32>,
        %get3A_867 = vector.shape_cast %get3A_866 : vector<1x16xf32> to vector<16xf32>
        %mul3A_868 = arith.mulf %get3A_867, %gather3A_837 : vector<16xf32>
        %swap3A_869 = arith.index_cast %add3A_843 : i32 to index
        %swap3A_870 = arith.constant 32 : index
        %swap3A_871 = tpu.vector_load %arg9[%swap3A_869, %swap3A_870] {strides = array<i32>} : memref<128x128xf32, #tpu.memory_space<vmem>>, vector<1x16xf32>,
        %swap3A_872 = vector.shape_cast %swap3A_871 : vector<1x16xf32> to vector<16xf32>
        %swap3A_873 = vector.shape_cast %mul3A_868 : vector<16xf32> to vector<1x16xf32>
        tpu.vector_store %arg9[%swap3A_869, %swap3A_870], %swap3A_873 {strides = array<i32>} : memref<128x128xf32, #tpu.memory_space<vmem>>, vector<1x16xf32>,
        %get3A_874 = arith.index_cast %add3A_843 : i32 to index
        %get3A_875 = arith.constant 48 : index
        %get3A_876 = tpu.vector_load %arg9[%get3A_874, %get3A_875] {strides = array<i32>} : memref<128x128xf32, #tpu.memory_space<vmem>>, vector<1x16xf32>,
        %get3A_877 = vector.shape_cast %get3A_876 : vector<1x16xf32> to vector<16xf32>
        %mul3A_878 = arith.mulf %get3A_877, %gather3A_837 : vector<16xf32>
        %swap3A_879 = arith.index_cast %add3A_843 : i32 to index
        %swap3A_880 = arith.constant 48 : index
        %swap3A_881 = tpu.vector_load %arg9[%swap3A_879, %swap3A_880] {strides = array<i32>} : memref<128x128xf32, #tpu.memory_space<vmem>>, vector<1x16xf32>,
        %swap3A_882 = vector.shape_cast %swap3A_881 : vector<1x16xf32> to vector<16xf32>
        %swap3A_883 = vector.shape_cast %mul3A_878 : vector<16xf32> to vector<1x16xf32>
        tpu.vector_store %arg9[%swap3A_879, %swap3A_880], %swap3A_883 {strides = array<i32>} : memref<128x128xf32, #tpu.memory_space<vmem>>, vector<1x16xf32>,
        %get3A_884 = arith.index_cast %add3A_843 : i32 to index
        %get3A_885 = arith.constant 64 : index
        %get3A_886 = tpu.vector_load %arg9[%get3A_884, %get3A_885] {strides = array<i32>} : memref<128x128xf32, #tpu.memory_space<vmem>>, vector<1x16xf32>,
        %get3A_887 = vector.shape_cast %get3A_886 : vector<1x16xf32> to vector<16xf32>
        %mul3A_888 = arith.mulf %get3A_887, %gather3A_837 : vector<16xf32>
        %swap3A_889 = arith.index_cast %add3A_843 : i32 to index
        %swap3A_890 = arith.constant 64 : index
        %swap3A_891 = tpu.vector_load %arg9[%swap3A_889, %swap3A_890] {strides = array<i32>} : memref<128x128xf32, #tpu.memory_space<vmem>>, vector<1x16xf32>,
        %swap3A_892 = vector.shape_cast %swap3A_891 : vector<1x16xf32> to vector<16xf32>
        %swap3A_893 = vector.shape_cast %mul3A_888 : vector<16xf32> to vector<1x16xf32>
        tpu.vector_store %arg9[%swap3A_889, %swap3A_890], %swap3A_893 {strides = array<i32>} : memref<128x128xf32, #tpu.memory_space<vmem>>, vector<1x16xf32>,
        %get3A_894 = arith.index_cast %add3A_843 : i32 to index
        %get3A_895 = arith.constant 80 : index
        %get3A_896 = tpu.vector_load %arg9[%get3A_894, %get3A_895] {strides = array<i32>} : memref<128x128xf32, #tpu.memory_space<vmem>>, vector<1x16xf32>,
        %get3A_897 = vector.shape_cast %get3A_896 : vector<1x16xf32> to vector<16xf32>
        %mul3A_898 = arith.mulf %get3A_897, %gather3A_837 : vector<16xf32>
        %swap3A_899 = arith.index_cast %add3A_843 : i32 to index
        %swap3A_900 = arith.constant 80 : index
        %swap3A_901 = tpu.vector_load %arg9[%swap3A_899, %swap3A_900] {strides = array<i32>} : memref<128x128xf32, #tpu.memory_space<vmem>>, vector<1x16xf32>,
        %swap3A_902 = vector.shape_cast %swap3A_901 : vector<1x16xf32> to vector<16xf32>
        %swap3A_903 = vector.shape_cast %mul3A_898 : vector<16xf32> to vector<1x16xf32>
        tpu.vector_store %arg9[%swap3A_899, %swap3A_900], %swap3A_903 {strides = array<i32>} : memref<128x128xf32, #tpu.memory_space<vmem>>, vector<1x16xf32>,
        %get3A_904 = arith.index_cast %add3A_843 : i32 to index
        %get3A_905 = arith.constant 96 : index
        %get3A_906 = tpu.vector_load %arg9[%get3A_904, %get3A_905] {strides = array<i32>} : memref<128x128xf32, #tpu.memory_space<vmem>>, vector<1x16xf32>,
        %get3A_907 = vector.shape_cast %get3A_906 : vector<1x16xf32> to vector<16xf32>
        %mul3A_908 = arith.mulf %get3A_907, %gather3A_837 : vector<16xf32>
        %swap3A_909 = arith.index_cast %add3A_843 : i32 to index
        %swap3A_910 = arith.constant 96 : index
        %swap3A_911 = tpu.vector_load %arg9[%swap3A_909, %swap3A_910] {strides = array<i32>} : memref<128x128xf32, #tpu.memory_space<vmem>>, vector<1x16xf32>,
        %swap3A_912 = vector.shape_cast %swap3A_911 : vector<1x16xf32> to vector<16xf32>
        %swap3A_913 = vector.shape_cast %mul3A_908 : vector<16xf32> to vector<1x16xf32>
        tpu.vector_store %arg9[%swap3A_909, %swap3A_910], %swap3A_913 {strides = array<i32>} : memref<128x128xf32, #tpu.memory_space<vmem>>, vector<1x16xf32>,
        %get3A_914 = arith.index_cast %add3A_843 : i32 to index
        %get3A_915 = arith.constant 112 : index
        %get3A_916 = tpu.vector_load %arg9[%get3A_914, %get3A_915] {strides = array<i32>} : memref<128x128xf32, #tpu.memory_space<vmem>>, vector<1x16xf32>,
        %get3A_917 = vector.shape_cast %get3A_916 : vector<1x16xf32> to vector<16xf32>
        %mul3A_918 = arith.mulf %get3A_917, %gather3A_837 : vector<16xf32>
        %swap3A_919 = arith.index_cast %add3A_843 : i32 to index
        %swap3A_920 = arith.constant 112 : index
        %swap3A_921 = tpu.vector_load %arg9[%swap3A_919, %swap3A_920] {strides = array<i32>} : memref<128x128xf32, #tpu.memory_space<vmem>>, vector<1x16xf32>,
        %swap3A_922 = vector.shape_cast %swap3A_921 : vector<1x16xf32> to vector<16xf32>
        %swap3A_923 = vector.shape_cast %mul3A_918 : vector<16xf32> to vector<1x16xf32>
        tpu.vector_store %arg9[%swap3A_919, %swap3A_920], %swap3A_923 {strides = array<i32>} : memref<128x128xf32, #tpu.memory_space<vmem>>, vector<1x16xf32>,
        %broadcast_in_dim3A_924 = arith.constant 6 : i32
        %broadcast_in_dim3A_925 = vector.broadcast %broadcast_in_dim3A_924 : i32 to vector<16x1xi32>
        %gather3A_926 = vector.shape_cast %broadcast_in_dim3A_925 : vector<16x1xi32> to vector<16xi32>
        %gather3A_927 = tpu.dynamic_gather %get3A_386[%gather3A_926] in [0] : vector<16xf32>, vector<16xi32> -> vector<16xf32>
        %mul3A_928 = arith.constant 16 : i32
        %mul3A_929 = arith.muli %add3A_379, %mul3A_928 : i32
        %add3A_930 = arith.constant 0 : i32
        %add3A_931 = arith.addi %add3A_930, %mul3A_929 : i32
        %add3A_932 = arith.constant 6 : i32
        %add3A_933 = arith.addi %add3A_931, %add3A_932 : i32
        %get3A_934 = arith.index_cast %add3A_933 : i32 to index
        %get3A_935 = arith.constant 0 : index
        %get3A_936 = tpu.vector_load %arg9[%get3A_934, %get3A_935] {strides = array<i32>} : memref<128x128xf32, #tpu.memory_space<vmem>>, vector<1x16xf32>,
        %get3A_937 = vector.shape_cast %get3A_936 : vector<1x16xf32> to vector<16xf32>
        %mul3A_938 = arith.mulf %get3A_937, %gather3A_927 : vector<16xf32>
        %swap3A_939 = arith.index_cast %add3A_933 : i32 to index
        %swap3A_940 = arith.constant 0 : index
        %swap3A_941 = tpu.vector_load %arg9[%swap3A_939, %swap3A_940] {strides = array<i32>} : memref<128x128xf32, #tpu.memory_space<vmem>>, vector<1x16xf32>,
        %swap3A_942 = vector.shape_cast %swap3A_941 : vector<1x16xf32> to vector<16xf32>
        %swap3A_943 = vector.shape_cast %mul3A_938 : vector<16xf32> to vector<1x16xf32>
        tpu.vector_store %arg9[%swap3A_939, %swap3A_940], %swap3A_943 {strides = array<i32>} : memref<128x128xf32, #tpu.memory_space<vmem>>, vector<1x16xf32>,
        %get3A_944 = arith.index_cast %add3A_933 : i32 to index
        %get3A_945 = arith.constant 16 : index
        %get3A_946 = tpu.vector_load %arg9[%get3A_944, %get3A_945] {strides = array<i32>} : memref<128x128xf32, #tpu.memory_space<vmem>>, vector<1x16xf32>,
        %get3A_947 = vector.shape_cast %get3A_946 : vector<1x16xf32> to vector<16xf32>
        %mul3A_948 = arith.mulf %get3A_947, %gather3A_927 : vector<16xf32>
        %swap3A_949 = arith.index_cast %add3A_933 : i32 to index
        %swap3A_950 = arith.constant 16 : index
        %swap3A_951 = tpu.vector_load %arg9[%swap3A_949, %swap3A_950] {strides = array<i32>} : memref<128x128xf32, #tpu.memory_space<vmem>>, vector<1x16xf32>,
        %swap3A_952 = vector.shape_cast %swap3A_951 : vector<1x16xf32> to vector<16xf32>
        %swap3A_953 = vector.shape_cast %mul3A_948 : vector<16xf32> to vector<1x16xf32>
        tpu.vector_store %arg9[%swap3A_949, %swap3A_950], %swap3A_953 {strides = array<i32>} : memref<128x128xf32, #tpu.memory_space<vmem>>, vector<1x16xf32>,
        %get3A_954 = arith.index_cast %add3A_933 : i32 to index
        %get3A_955 = arith.constant 32 : index
        %get3A_956 = tpu.vector_load %arg9[%get3A_954, %get3A_955] {strides = array<i32>} : memref<128x128xf32, #tpu.memory_space<vmem>>, vector<1x16xf32>,
        %get3A_957 = vector.shape_cast %get3A_956 : vector<1x16xf32> to vector<16xf32>
        %mul3A_958 = arith.mulf %get3A_957, %gather3A_927 : vector<16xf32>
        %swap3A_959 = arith.index_cast %add3A_933 : i32 to index
        %swap3A_960 = arith.constant 32 : index
        %swap3A_961 = tpu.vector_load %arg9[%swap3A_959, %swap3A_960] {strides = array<i32>} : memref<128x128xf32, #tpu.memory_space<vmem>>, vector<1x16xf32>,
        %swap3A_962 = vector.shape_cast %swap3A_961 : vector<1x16xf32> to vector<16xf32>
        %swap3A_963 = vector.shape_cast %mul3A_958 : vector<16xf32> to vector<1x16xf32>
        tpu.vector_store %arg9[%swap3A_959, %swap3A_960], %swap3A_963 {strides = array<i32>} : memref<128x128xf32, #tpu.memory_space<vmem>>, vector<1x16xf32>,
        %get3A_964 = arith.index_cast %add3A_933 : i32 to index
        %get3A_965 = arith.constant 48 : index
        %get3A_966 = tpu.vector_load %arg9[%get3A_964, %get3A_965] {strides = array<i32>} : memref<128x128xf32, #tpu.memory_space<vmem>>, vector<1x16xf32>,
        %get3A_967 = vector.shape_cast %get3A_966 : vector<1x16xf32> to vector<16xf32>
        %mul3A_968 = arith.mulf %get3A_967, %gather3A_927 : vector<16xf32>
        %swap3A_969 = arith.index_cast %add3A_933 : i32 to index
        %swap3A_970 = arith.constant 48 : index
        %swap3A_971 = tpu.vector_load %arg9[%swap3A_969, %swap3A_970] {strides = array<i32>} : memref<128x128xf32, #tpu.memory_space<vmem>>, vector<1x16xf32>,
        %swap3A_972 = vector.shape_cast %swap3A_971 : vector<1x16xf32> to vector<16xf32>
        %swap3A_973 = vector.shape_cast %mul3A_968 : vector<16xf32> to vector<1x16xf32>
        tpu.vector_store %arg9[%swap3A_969, %swap3A_970], %swap3A_973 {strides = array<i32>} : memref<128x128xf32, #tpu.memory_space<vmem>>, vector<1x16xf32>,
        %get3A_974 = arith.index_cast %add3A_933 : i32 to index
        %get3A_975 = arith.constant 64 : index
        %get3A_976 = tpu.vector_load %arg9[%get3A_974, %get3A_975] {strides = array<i32>} : memref<128x128xf32, #tpu.memory_space<vmem>>, vector<1x16xf32>,
        %get3A_977 = vector.shape_cast %get3A_976 : vector<1x16xf32> to vector<16xf32>
        %mul3A_978 = arith.mulf %get3A_977, %gather3A_927 : vector<16xf32>
        %swap3A_979 = arith.index_cast %add3A_933 : i32 to index
        %swap3A_980 = arith.constant 64 : index
        %swap3A_981 = tpu.vector_load %arg9[%swap3A_979, %swap3A_980] {strides = array<i32>} : memref<128x128xf32, #tpu.memory_space<vmem>>, vector<1x16xf32>,
        %swap3A_982 = vector.shape_cast %swap3A_981 : vector<1x16xf32> to vector<16xf32>
        %swap3A_983 = vector.shape_cast %mul3A_978 : vector<16xf32> to vector<1x16xf32>
        tpu.vector_store %arg9[%swap3A_979, %swap3A_980], %swap3A_983 {strides = array<i32>} : memref<128x128xf32, #tpu.memory_space<vmem>>, vector<1x16xf32>,
        %get3A_984 = arith.index_cast %add3A_933 : i32 to index
        %get3A_985 = arith.constant 80 : index
        %get3A_986 = tpu.vector_load %arg9[%get3A_984, %get3A_985] {strides = array<i32>} : memref<128x128xf32, #tpu.memory_space<vmem>>, vector<1x16xf32>,
        %get3A_987 = vector.shape_cast %get3A_986 : vector<1x16xf32> to vector<16xf32>
        %mul3A_988 = arith.mulf %get3A_987, %gather3A_927 : vector<16xf32>
        %swap3A_989 = arith.index_cast %add3A_933 : i32 to index
        %swap3A_990 = arith.constant 80 : index
        %swap3A_991 = tpu.vector_load %arg9[%swap3A_989, %swap3A_990] {strides = array<i32>} : memref<128x128xf32, #tpu.memory_space<vmem>>, vector<1x16xf32>,
        %swap3A_992 = vector.shape_cast %swap3A_991 : vector<1x16xf32> to vector<16xf32>
        %swap3A_993 = vector.shape_cast %mul3A_988 : vector<16xf32> to vector<1x16xf32>
        tpu.vector_store %arg9[%swap3A_989, %swap3A_990], %swap3A_993 {strides = array<i32>} : memref<128x128xf32, #tpu.memory_space<vmem>>, vector<1x16xf32>,
        %get3A_994 = arith.index_cast %add3A_933 : i32 to index
        %get3A_995 = arith.constant 96 : index
        %get3A_996 = tpu.vector_load %arg9[%get3A_994, %get3A_995] {strides = array<i32>} : memref<128x128xf32, #tpu.memory_space<vmem>>, vector<1x16xf32>,
        %get3A_997 = vector.shape_cast %get3A_996 : vector<1x16xf32> to vector<16xf32>
        %mul3A_998 = arith.mulf %get3A_997, %gather3A_927 : vector<16xf32>
        %swap3A_999 = arith.index_cast %add3A_933 : i32 to index
        %swap3A_1000 = arith.constant 96 : index
        %swap3A_1001 = tpu.vector_load %arg9[%swap3A_999, %swap3A_1000] {strides = array<i32>} : memref<128x128xf32, #tpu.memory_space<vmem>>, vector<1x16xf32>,
        %swap3A_1002 = vector.shape_cast %swap3A_1001 : vector<1x16xf32> to vector<16xf32>
        %swap3A_1003 = vector.shape_cast %mul3A_998 : vector<16xf32> to vector<1x16xf32>
        tpu.vector_store %arg9[%swap3A_999, %swap3A_1000], %swap3A_1003 {strides = array<i32>} : memref<128x128xf32, #tpu.memory_space<vmem>>, vector<1x16xf32>,
        %get3A_1004 = arith.index_cast %add3A_933 : i32 to index
        %get3A_1005 = arith.constant 112 : index
        %get3A_1006 = tpu.vector_load %arg9[%get3A_1004, %get3A_1005] {strides = array<i32>} : memref<128x128xf32, #tpu.memory_space<vmem>>, vector<1x16xf32>,
        %get3A_1007 = vector.shape_cast %get3A_1006 : vector<1x16xf32> to vector<16xf32>
        %mul3A_1008 = arith.mulf %get3A_1007, %gather3A_927 : vector<16xf32>
        %swap3A_1009 = arith.index_cast %add3A_933 : i32 to index
        %swap3A_1010 = arith.constant 112 : index
        %swap3A_1011 = tpu.vector_load %arg9[%swap3A_1009, %swap3A_1010] {strides = array<i32>} : memref<128x128xf32, #tpu.memory_space<vmem>>, vector<1x16xf32>,
        %swap3A_1012 = vector.shape_cast %swap3A_1011 : vector<1x16xf32> to vector<16xf32>
        %swap3A_1013 = vector.shape_cast %mul3A_1008 : vector<16xf32> to vector<1x16xf32>
        tpu.vector_store %arg9[%swap3A_1009, %swap3A_1010], %swap3A_1013 {strides = array<i32>} : memref<128x128xf32, #tpu.memory_space<vmem>>, vector<1x16xf32>,
        %broadcast_in_dim3A_1014 = arith.constant 7 : i32
        %broadcast_in_dim3A_1015 = vector.broadcast %broadcast_in_dim3A_1014 : i32 to vector<16x1xi32>
        %gather3A_1016 = vector.shape_cast %broadcast_in_dim3A_1015 : vector<16x1xi32> to vector<16xi32>
        %gather3A_1017 = tpu.dynamic_gather %get3A_386[%gather3A_1016] in [0] : vector<16xf32>, vector<16xi32> -> vector<16xf32>
        %mul3A_1018 = arith.constant 16 : i32
        %mul3A_1019 = arith.muli %add3A_379, %mul3A_1018 : i32
        %add3A_1020 = arith.constant 0 : i32
        %add3A_1021 = arith.addi %add3A_1020, %mul3A_1019 : i32
        %add3A_1022 = arith.constant 7 : i32
        %add3A_1023 = arith.addi %add3A_1021, %add3A_1022 : i32
        %get3A_1024 = arith.index_cast %add3A_1023 : i32 to index
        %get3A_1025 = arith.constant 0 : index
        %get3A_1026 = tpu.vector_load %arg9[%get3A_1024, %get3A_1025] {strides = array<i32>} : memref<128x128xf32, #tpu.memory_space<vmem>>, vector<1x16xf32>,
        %get3A_1027 = vector.shape_cast %get3A_1026 : vector<1x16xf32> to vector<16xf32>
        %mul3A_1028 = arith.mulf %get3A_1027, %gather3A_1017 : vector<16xf32>
        %swap3A_1029 = arith.index_cast %add3A_1023 : i32 to index
        %swap3A_1030 = arith.constant 0 : index
        %swap3A_1031 = tpu.vector_load %arg9[%swap3A_1029, %swap3A_1030] {strides = array<i32>} : memref<128x128xf32, #tpu.memory_space<vmem>>, vector<1x16xf32>,
        %swap3A_1032 = vector.shape_cast %swap3A_1031 : vector<1x16xf32> to vector<16xf32>
        %swap3A_1033 = vector.shape_cast %mul3A_1028 : vector<16xf32> to vector<1x16xf32>
        tpu.vector_store %arg9[%swap3A_1029, %swap3A_1030], %swap3A_1033 {strides = array<i32>} : memref<128x128xf32, #tpu.memory_space<vmem>>, vector<1x16xf32>,
        %get3A_1034 = arith.index_cast %add3A_1023 : i32 to index
        %get3A_1035 = arith.constant 16 : index
        %get3A_1036 = tpu.vector_load %arg9[%get3A_1034, %get3A_1035] {strides = array<i32>} : memref<128x128xf32, #tpu.memory_space<vmem>>, vector<1x16xf32>,
        %get3A_1037 = vector.shape_cast %get3A_1036 : vector<1x16xf32> to vector<16xf32>
        %mul3A_1038 = arith.mulf %get3A_1037, %gather3A_1017 : vector<16xf32>
        %swap3A_1039 = arith.index_cast %add3A_1023 : i32 to index
        %swap3A_1040 = arith.constant 16 : index
        %swap3A_1041 = tpu.vector_load %arg9[%swap3A_1039, %swap3A_1040] {strides = array<i32>} : memref<128x128xf32, #tpu.memory_space<vmem>>, vector<1x16xf32>,
        %swap3A_1042 = vector.shape_cast %swap3A_1041 : vector<1x16xf32> to vector<16xf32>
        %swap3A_1043 = vector.shape_cast %mul3A_1038 : vector<16xf32> to vector<1x16xf32>
        tpu.vector_store %arg9[%swap3A_1039, %swap3A_1040], %swap3A_1043 {strides = array<i32>} : memref<128x128xf32, #tpu.memory_space<vmem>>, vector<1x16xf32>,
        %get3A_1044 = arith.index_cast %add3A_1023 : i32 to index
        %get3A_1045 = arith.constant 32 : index
        %get3A_1046 = tpu.vector_load %arg9[%get3A_1044, %get3A_1045] {strides = array<i32>} : memref<128x128xf32, #tpu.memory_space<vmem>>, vector<1x16xf32>,
        %get3A_1047 = vector.shape_cast %get3A_1046 : vector<1x16xf32> to vector<16xf32>
        %mul3A_1048 = arith.mulf %get3A_1047, %gather3A_1017 : vector<16xf32>
        %swap3A_1049 = arith.index_cast %add3A_1023 : i32 to index
        %swap3A_1050 = arith.constant 32 : index
        %swap3A_1051 = tpu.vector_load %arg9[%swap3A_1049, %swap3A_1050] {strides = array<i32>} : memref<128x128xf32, #tpu.memory_space<vmem>>, vector<1x16xf32>,
        %swap3A_1052 = vector.shape_cast %swap3A_1051 : vector<1x16xf32> to vector<16xf32>
        %swap3A_1053 = vector.shape_cast %mul3A_1048 : vector<16xf32> to vector<1x16xf32>
        tpu.vector_store %arg9[%swap3A_1049, %swap3A_1050], %swap3A_1053 {strides = array<i32>} : memref<128x128xf32, #tpu.memory_space<vmem>>, vector<1x16xf32>,
        %get3A_1054 = arith.index_cast %add3A_1023 : i32 to index
        %get3A_1055 = arith.constant 48 : index
        %get3A_1056 = tpu.vector_load %arg9[%get3A_1054, %get3A_1055] {strides = array<i32>} : memref<128x128xf32, #tpu.memory_space<vmem>>, vector<1x16xf32>,
        %get3A_1057 = vector.shape_cast %get3A_1056 : vector<1x16xf32> to vector<16xf32>
        %mul3A_1058 = arith.mulf %get3A_1057, %gather3A_1017 : vector<16xf32>
        %swap3A_1059 = arith.index_cast %add3A_1023 : i32 to index
        %swap3A_1060 = arith.constant 48 : index
        %swap3A_1061 = tpu.vector_load %arg9[%swap3A_1059, %swap3A_1060] {strides = array<i32>} : memref<128x128xf32, #tpu.memory_space<vmem>>, vector<1x16xf32>,
        %swap3A_1062 = vector.shape_cast %swap3A_1061 : vector<1x16xf32> to vector<16xf32>
        %swap3A_1063 = vector.shape_cast %mul3A_1058 : vector<16xf32> to vector<1x16xf32>
        tpu.vector_store %arg9[%swap3A_1059, %swap3A_1060], %swap3A_1063 {strides = array<i32>} : memref<128x128xf32, #tpu.memory_space<vmem>>, vector<1x16xf32>,
        %get3A_1064 = arith.index_cast %add3A_1023 : i32 to index
        %get3A_1065 = arith.constant 64 : index
        %get3A_1066 = tpu.vector_load %arg9[%get3A_1064, %get3A_1065] {strides = array<i32>} : memref<128x128xf32, #tpu.memory_space<vmem>>, vector<1x16xf32>,
        %get3A_1067 = vector.shape_cast %get3A_1066 : vector<1x16xf32> to vector<16xf32>
        %mul3A_1068 = arith.mulf %get3A_1067, %gather3A_1017 : vector<16xf32>
        %swap3A_1069 = arith.index_cast %add3A_1023 : i32 to index
        %swap3A_1070 = arith.constant 64 : index
        %swap3A_1071 = tpu.vector_load %arg9[%swap3A_1069, %swap3A_1070] {strides = array<i32>} : memref<128x128xf32, #tpu.memory_space<vmem>>, vector<1x16xf32>,
        %swap3A_1072 = vector.shape_cast %swap3A_1071 : vector<1x16xf32> to vector<16xf32>
        %swap3A_1073 = vector.shape_cast %mul3A_1068 : vector<16xf32> to vector<1x16xf32>
        tpu.vector_store %arg9[%swap3A_1069, %swap3A_1070], %swap3A_1073 {strides = array<i32>} : memref<128x128xf32, #tpu.memory_space<vmem>>, vector<1x16xf32>,
        %get3A_1074 = arith.index_cast %add3A_1023 : i32 to index
        %get3A_1075 = arith.constant 80 : index
        %get3A_1076 = tpu.vector_load %arg9[%get3A_1074, %get3A_1075] {strides = array<i32>} : memref<128x128xf32, #tpu.memory_space<vmem>>, vector<1x16xf32>,
        %get3A_1077 = vector.shape_cast %get3A_1076 : vector<1x16xf32> to vector<16xf32>
        %mul3A_1078 = arith.mulf %get3A_1077, %gather3A_1017 : vector<16xf32>
        %swap3A_1079 = arith.index_cast %add3A_1023 : i32 to index
        %swap3A_1080 = arith.constant 80 : index
        %swap3A_1081 = tpu.vector_load %arg9[%swap3A_1079, %swap3A_1080] {strides = array<i32>} : memref<128x128xf32, #tpu.memory_space<vmem>>, vector<1x16xf32>,
        %swap3A_1082 = vector.shape_cast %swap3A_1081 : vector<1x16xf32> to vector<16xf32>
        %swap3A_1083 = vector.shape_cast %mul3A_1078 : vector<16xf32> to vector<1x16xf32>
        tpu.vector_store %arg9[%swap3A_1079, %swap3A_1080], %swap3A_1083 {strides = array<i32>} : memref<128x128xf32, #tpu.memory_space<vmem>>, vector<1x16xf32>,
        %get3A_1084 = arith.index_cast %add3A_1023 : i32 to index
        %get3A_1085 = arith.constant 96 : index
        %get3A_1086 = tpu.vector_load %arg9[%get3A_1084, %get3A_1085] {strides = array<i32>} : memref<128x128xf32, #tpu.memory_space<vmem>>, vector<1x16xf32>,
        %get3A_1087 = vector.shape_cast %get3A_1086 : vector<1x16xf32> to vector<16xf32>
        %mul3A_1088 = arith.mulf %get3A_1087, %gather3A_1017 : vector<16xf32>
        %swap3A_1089 = arith.index_cast %add3A_1023 : i32 to index
        %swap3A_1090 = arith.constant 96 : index
        %swap3A_1091 = tpu.vector_load %arg9[%swap3A_1089, %swap3A_1090] {strides = array<i32>} : memref<128x128xf32, #tpu.memory_space<vmem>>, vector<1x16xf32>,
        %swap3A_1092 = vector.shape_cast %swap3A_1091 : vector<1x16xf32> to vector<16xf32>
        %swap3A_1093 = vector.shape_cast %mul3A_1088 : vector<16xf32> to vector<1x16xf32>
        tpu.vector_store %arg9[%swap3A_1089, %swap3A_1090], %swap3A_1093 {strides = array<i32>} : memref<128x128xf32, #tpu.memory_space<vmem>>, vector<1x16xf32>,
        %get3A_1094 = arith.index_cast %add3A_1023 : i32 to index
        %get3A_1095 = arith.constant 112 : index
        %get3A_1096 = tpu.vector_load %arg9[%get3A_1094, %get3A_1095] {strides = array<i32>} : memref<128x128xf32, #tpu.memory_space<vmem>>, vector<1x16xf32>,
        %get3A_1097 = vector.shape_cast %get3A_1096 : vector<1x16xf32> to vector<16xf32>
        %mul3A_1098 = arith.mulf %get3A_1097, %gather3A_1017 : vector<16xf32>
        %swap3A_1099 = arith.index_cast %add3A_1023 : i32 to index
        %swap3A_1100 = arith.constant 112 : index
        %swap3A_1101 = tpu.vector_load %arg9[%swap3A_1099, %swap3A_1100] {strides = array<i32>} : memref<128x128xf32, #tpu.memory_space<vmem>>, vector<1x16xf32>,
        %swap3A_1102 = vector.shape_cast %swap3A_1101 : vector<1x16xf32> to vector<16xf32>
        %swap3A_1103 = vector.shape_cast %mul3A_1098 : vector<16xf32> to vector<1x16xf32>
        tpu.vector_store %arg9[%swap3A_1099, %swap3A_1100], %swap3A_1103 {strides = array<i32>} : memref<128x128xf32, #tpu.memory_space<vmem>>, vector<1x16xf32>,
        %broadcast_in_dim3A_1104 = arith.constant 8 : i32
        %broadcast_in_dim3A_1105 = vector.broadcast %broadcast_in_dim3A_1104 : i32 to vector<16x1xi32>
        %gather3A_1106 = vector.shape_cast %broadcast_in_dim3A_1105 : vector<16x1xi32> to vector<16xi32>
        %gather3A_1107 = tpu.dynamic_gather %get3A_386[%gather3A_1106] in [0] : vector<16xf32>, vector<16xi32> -> vector<16xf32>
        %mul3A_1108 = arith.constant 16 : i32
        %mul3A_1109 = arith.muli %add3A_379, %mul3A_1108 : i32
        %add3A_1110 = arith.constant 0 : i32
        %add3A_1111 = arith.addi %add3A_1110, %mul3A_1109 : i32
        %add3A_1112 = arith.constant 8 : i32
        %add3A_1113 = arith.addi %add3A_1111, %add3A_1112 : i32
        %get3A_1114 = arith.index_cast %add3A_1113 : i32 to index
        %get3A_1115 = arith.constant 0 : index
        %get3A_1116 = tpu.vector_load %arg9[%get3A_1114, %get3A_1115] {strides = array<i32>} : memref<128x128xf32, #tpu.memory_space<vmem>>, vector<1x16xf32>,
        %get3A_1117 = vector.shape_cast %get3A_1116 : vector<1x16xf32> to vector<16xf32>
        %mul3A_1118 = arith.mulf %get3A_1117, %gather3A_1107 : vector<16xf32>
        %swap3A_1119 = arith.index_cast %add3A_1113 : i32 to index
        %swap3A_1120 = arith.constant 0 : index
        %swap3A_1121 = tpu.vector_load %arg9[%swap3A_1119, %swap3A_1120] {strides = array<i32>} : memref<128x128xf32, #tpu.memory_space<vmem>>, vector<1x16xf32>,
        %swap3A_1122 = vector.shape_cast %swap3A_1121 : vector<1x16xf32> to vector<16xf32>
        %swap3A_1123 = vector.shape_cast %mul3A_1118 : vector<16xf32> to vector<1x16xf32>
        tpu.vector_store %arg9[%swap3A_1119, %swap3A_1120], %swap3A_1123 {strides = array<i32>} : memref<128x128xf32, #tpu.memory_space<vmem>>, vector<1x16xf32>,
        %get3A_1124 = arith.index_cast %add3A_1113 : i32 to index
        %get3A_1125 = arith.constant 16 : index
        %get3A_1126 = tpu.vector_load %arg9[%get3A_1124, %get3A_1125] {strides = array<i32>} : memref<128x128xf32, #tpu.memory_space<vmem>>, vector<1x16xf32>,
        %get3A_1127 = vector.shape_cast %get3A_1126 : vector<1x16xf32> to vector<16xf32>
        %mul3A_1128 = arith.mulf %get3A_1127, %gather3A_1107 : vector<16xf32>
        %swap3A_1129 = arith.index_cast %add3A_1113 : i32 to index
        %swap3A_1130 = arith.constant 16 : index
        %swap3A_1131 = tpu.vector_load %arg9[%swap3A_1129, %swap3A_1130] {strides = array<i32>} : memref<128x128xf32, #tpu.memory_space<vmem>>, vector<1x16xf32>,
        %swap3A_1132 = vector.shape_cast %swap3A_1131 : vector<1x16xf32> to vector<16xf32>
        %swap3A_1133 = vector.shape_cast %mul3A_1128 : vector<16xf32> to vector<1x16xf32>
        tpu.vector_store %arg9[%swap3A_1129, %swap3A_1130], %swap3A_1133 {strides = array<i32>} : memref<128x128xf32, #tpu.memory_space<vmem>>, vector<1x16xf32>,
        %get3A_1134 = arith.index_cast %add3A_1113 : i32 to index
        %get3A_1135 = arith.constant 32 : index
        %get3A_1136 = tpu.vector_load %arg9[%get3A_1134, %get3A_1135] {strides = array<i32>} : memref<128x128xf32, #tpu.memory_space<vmem>>, vector<1x16xf32>,
        %get3A_1137 = vector.shape_cast %get3A_1136 : vector<1x16xf32> to vector<16xf32>
        %mul3A_1138 = arith.mulf %get3A_1137, %gather3A_1107 : vector<16xf32>
        %swap3A_1139 = arith.index_cast %add3A_1113 : i32 to index
        %swap3A_1140 = arith.constant 32 : index
        %swap3A_1141 = tpu.vector_load %arg9[%swap3A_1139, %swap3A_1140] {strides = array<i32>} : memref<128x128xf32, #tpu.memory_space<vmem>>, vector<1x16xf32>,
        %swap3A_1142 = vector.shape_cast %swap3A_1141 : vector<1x16xf32> to vector<16xf32>
        %swap3A_1143 = vector.shape_cast %mul3A_1138 : vector<16xf32> to vector<1x16xf32>
        tpu.vector_store %arg9[%swap3A_1139, %swap3A_1140], %swap3A_1143 {strides = array<i32>} : memref<128x128xf32, #tpu.memory_space<vmem>>, vector<1x16xf32>,
        %get3A_1144 = arith.index_cast %add3A_1113 : i32 to index
        %get3A_1145 = arith.constant 48 : index
        %get3A_1146 = tpu.vector_load %arg9[%get3A_1144, %get3A_1145] {strides = array<i32>} : memref<128x128xf32, #tpu.memory_space<vmem>>, vector<1x16xf32>,
        %get3A_1147 = vector.shape_cast %get3A_1146 : vector<1x16xf32> to vector<16xf32>
        %mul3A_1148 = arith.mulf %get3A_1147, %gather3A_1107 : vector<16xf32>
        %swap3A_1149 = arith.index_cast %add3A_1113 : i32 to index
        %swap3A_1150 = arith.constant 48 : index
        %swap3A_1151 = tpu.vector_load %arg9[%swap3A_1149, %swap3A_1150] {strides = array<i32>} : memref<128x128xf32, #tpu.memory_space<vmem>>, vector<1x16xf32>,
        %swap3A_1152 = vector.shape_cast %swap3A_1151 : vector<1x16xf32> to vector<16xf32>
        %swap3A_1153 = vector.shape_cast %mul3A_1148 : vector<16xf32> to vector<1x16xf32>
        tpu.vector_store %arg9[%swap3A_1149, %swap3A_1150], %swap3A_1153 {strides = array<i32>} : memref<128x128xf32, #tpu.memory_space<vmem>>, vector<1x16xf32>,
        %get3A_1154 = arith.index_cast %add3A_1113 : i32 to index
        %get3A_1155 = arith.constant 64 : index
        %get3A_1156 = tpu.vector_load %arg9[%get3A_1154, %get3A_1155] {strides = array<i32>} : memref<128x128xf32, #tpu.memory_space<vmem>>, vector<1x16xf32>,
        %get3A_1157 = vector.shape_cast %get3A_1156 : vector<1x16xf32> to vector<16xf32>
        %mul3A_1158 = arith.mulf %get3A_1157, %gather3A_1107 : vector<16xf32>
        %swap3A_1159 = arith.index_cast %add3A_1113 : i32 to index
        %swap3A_1160 = arith.constant 64 : index
        %swap3A_1161 = tpu.vector_load %arg9[%swap3A_1159, %swap3A_1160] {strides = array<i32>} : memref<128x128xf32, #tpu.memory_space<vmem>>, vector<1x16xf32>,
        %swap3A_1162 = vector.shape_cast %swap3A_1161 : vector<1x16xf32> to vector<16xf32>
        %swap3A_1163 = vector.shape_cast %mul3A_1158 : vector<16xf32> to vector<1x16xf32>
        tpu.vector_store %arg9[%swap3A_1159, %swap3A_1160], %swap3A_1163 {strides = array<i32>} : memref<128x128xf32, #tpu.memory_space<vmem>>, vector<1x16xf32>,
        %get3A_1164 = arith.index_cast %add3A_1113 : i32 to index
        %get3A_1165 = arith.constant 80 : index
        %get3A_1166 = tpu.vector_load %arg9[%get3A_1164, %get3A_1165] {strides = array<i32>} : memref<128x128xf32, #tpu.memory_space<vmem>>, vector<1x16xf32>,
        %get3A_1167 = vector.shape_cast %get3A_1166 : vector<1x16xf32> to vector<16xf32>
        %mul3A_1168 = arith.mulf %get3A_1167, %gather3A_1107 : vector<16xf32>
        %swap3A_1169 = arith.index_cast %add3A_1113 : i32 to index
        %swap3A_1170 = arith.constant 80 : index
        %swap3A_1171 = tpu.vector_load %arg9[%swap3A_1169, %swap3A_1170] {strides = array<i32>} : memref<128x128xf32, #tpu.memory_space<vmem>>, vector<1x16xf32>,
        %swap3A_1172 = vector.shape_cast %swap3A_1171 : vector<1x16xf32> to vector<16xf32>
        %swap3A_1173 = vector.shape_cast %mul3A_1168 : vector<16xf32> to vector<1x16xf32>
        tpu.vector_store %arg9[%swap3A_1169, %swap3A_1170], %swap3A_1173 {strides = array<i32>} : memref<128x128xf32, #tpu.memory_space<vmem>>, vector<1x16xf32>,
        %get3A_1174 = arith.index_cast %add3A_1113 : i32 to index
        %get3A_1175 = arith.constant 96 : index
        %get3A_1176 = tpu.vector_load %arg9[%get3A_1174, %get3A_1175] {strides = array<i32>} : memref<128x128xf32, #tpu.memory_space<vmem>>, vector<1x16xf32>,
        %get3A_1177 = vector.shape_cast %get3A_1176 : vector<1x16xf32> to vector<16xf32>
        %mul3A_1178 = arith.mulf %get3A_1177, %gather3A_1107 : vector<16xf32>
        %swap3A_1179 = arith.index_cast %add3A_1113 : i32 to index
        %swap3A_1180 = arith.constant 96 : index
        %swap3A_1181 = tpu.vector_load %arg9[%swap3A_1179, %swap3A_1180] {strides = array<i32>} : memref<128x128xf32, #tpu.memory_space<vmem>>, vector<1x16xf32>,
        %swap3A_1182 = vector.shape_cast %swap3A_1181 : vector<1x16xf32> to vector<16xf32>
        %swap3A_1183 = vector.shape_cast %mul3A_1178 : vector<16xf32> to vector<1x16xf32>
        tpu.vector_store %arg9[%swap3A_1179, %swap3A_1180], %swap3A_1183 {strides = array<i32>} : memref<128x128xf32, #tpu.memory_space<vmem>>, vector<1x16xf32>,
        %get3A_1184 = arith.index_cast %add3A_1113 : i32 to index
        %get3A_1185 = arith.constant 112 : index
        %get3A_1186 = tpu.vector_load %arg9[%get3A_1184, %get3A_1185] {strides = array<i32>} : memref<128x128xf32, #tpu.memory_space<vmem>>, vector<1x16xf32>,
        %get3A_1187 = vector.shape_cast %get3A_1186 : vector<1x16xf32> to vector<16xf32>
        %mul3A_1188 = arith.mulf %get3A_1187, %gather3A_1107 : vector<16xf32>
        %swap3A_1189 = arith.index_cast %add3A_1113 : i32 to index
        %swap3A_1190 = arith.constant 112 : index
        %swap3A_1191 = tpu.vector_load %arg9[%swap3A_1189, %swap3A_1190] {strides = array<i32>} : memref<128x128xf32, #tpu.memory_space<vmem>>, vector<1x16xf32>,
        %swap3A_1192 = vector.shape_cast %swap3A_1191 : vector<1x16xf32> to vector<16xf32>
        %swap3A_1193 = vector.shape_cast %mul3A_1188 : vector<16xf32> to vector<1x16xf32>
        tpu.vector_store %arg9[%swap3A_1189, %swap3A_1190], %swap3A_1193 {strides = array<i32>} : memref<128x128xf32, #tpu.memory_space<vmem>>, vector<1x16xf32>,
        %broadcast_in_dim3A_1194 = arith.constant 9 : i32
        %broadcast_in_dim3A_1195 = vector.broadcast %broadcast_in_dim3A_1194 : i32 to vector<16x1xi32>
        %gather3A_1196 = vector.shape_cast %broadcast_in_dim3A_1195 : vector<16x1xi32> to vector<16xi32>
        %gather3A_1197 = tpu.dynamic_gather %get3A_386[%gather3A_1196] in [0] : vector<16xf32>, vector<16xi32> -> vector<16xf32>
        %mul3A_1198 = arith.constant 16 : i32
        %mul3A_1199 = arith.muli %add3A_379, %mul3A_1198 : i32
        %add3A_1200 = arith.constant 0 : i32
        %add3A_1201 = arith.addi %add3A_1200, %mul3A_1199 : i32
        %add3A_1202 = arith.constant 9 : i32
        %add3A_1203 = arith.addi %add3A_1201, %add3A_1202 : i32
        %get3A_1204 = arith.index_cast %add3A_1203 : i32 to index
        %get3A_1205 = arith.constant 0 : index
        %get3A_1206 = tpu.vector_load %arg9[%get3A_1204, %get3A_1205] {strides = array<i32>} : memref<128x128xf32, #tpu.memory_space<vmem>>, vector<1x16xf32>,
        %get3A_1207 = vector.shape_cast %get3A_1206 : vector<1x16xf32> to vector<16xf32>
        %mul3A_1208 = arith.mulf %get3A_1207, %gather3A_1197 : vector<16xf32>
        %swap3A_1209 = arith.index_cast %add3A_1203 : i32 to index
        %swap3A_1210 = arith.constant 0 : index
        %swap3A_1211 = tpu.vector_load %arg9[%swap3A_1209, %swap3A_1210] {strides = array<i32>} : memref<128x128xf32, #tpu.memory_space<vmem>>, vector<1x16xf32>,
        %swap3A_1212 = vector.shape_cast %swap3A_1211 : vector<1x16xf32> to vector<16xf32>
        %swap3A_1213 = vector.shape_cast %mul3A_1208 : vector<16xf32> to vector<1x16xf32>
        tpu.vector_store %arg9[%swap3A_1209, %swap3A_1210], %swap3A_1213 {strides = array<i32>} : memref<128x128xf32, #tpu.memory_space<vmem>>, vector<1x16xf32>,
        %get3A_1214 = arith.index_cast %add3A_1203 : i32 to index
        %get3A_1215 = arith.constant 16 : index
        %get3A_1216 = tpu.vector_load %arg9[%get3A_1214, %get3A_1215] {strides = array<i32>} : memref<128x128xf32, #tpu.memory_space<vmem>>, vector<1x16xf32>,
        %get3A_1217 = vector.shape_cast %get3A_1216 : vector<1x16xf32> to vector<16xf32>
        %mul3A_1218 = arith.mulf %get3A_1217, %gather3A_1197 : vector<16xf32>
        %swap3A_1219 = arith.index_cast %add3A_1203 : i32 to index
        %swap3A_1220 = arith.constant 16 : index
        %swap3A_1221 = tpu.vector_load %arg9[%swap3A_1219, %swap3A_1220] {strides = array<i32>} : memref<128x128xf32, #tpu.memory_space<vmem>>, vector<1x16xf32>,
        %swap3A_1222 = vector.shape_cast %swap3A_1221 : vector<1x16xf32> to vector<16xf32>
        %swap3A_1223 = vector.shape_cast %mul3A_1218 : vector<16xf32> to vector<1x16xf32>
        tpu.vector_store %arg9[%swap3A_1219, %swap3A_1220], %swap3A_1223 {strides = array<i32>} : memref<128x128xf32, #tpu.memory_space<vmem>>, vector<1x16xf32>,
        %get3A_1224 = arith.index_cast %add3A_1203 : i32 to index
        %get3A_1225 = arith.constant 32 : index
        %get3A_1226 = tpu.vector_load %arg9[%get3A_1224, %get3A_1225] {strides = array<i32>} : memref<128x128xf32, #tpu.memory_space<vmem>>, vector<1x16xf32>,
        %get3A_1227 = vector.shape_cast %get3A_1226 : vector<1x16xf32> to vector<16xf32>
        %mul3A_1228 = arith.mulf %get3A_1227, %gather3A_1197 : vector<16xf32>
        %swap3A_1229 = arith.index_cast %add3A_1203 : i32 to index
        %swap3A_1230 = arith.constant 32 : index
        %swap3A_1231 = tpu.vector_load %arg9[%swap3A_1229, %swap3A_1230] {strides = array<i32>} : memref<128x128xf32, #tpu.memory_space<vmem>>, vector<1x16xf32>,
        %swap3A_1232 = vector.shape_cast %swap3A_1231 : vector<1x16xf32> to vector<16xf32>
        %swap3A_1233 = vector.shape_cast %mul3A_1228 : vector<16xf32> to vector<1x16xf32>
        tpu.vector_store %arg9[%swap3A_1229, %swap3A_1230], %swap3A_1233 {strides = array<i32>} : memref<128x128xf32, #tpu.memory_space<vmem>>, vector<1x16xf32>,
        %get3A_1234 = arith.index_cast %add3A_1203 : i32 to index
        %get3A_1235 = arith.constant 48 : index
        %get3A_1236 = tpu.vector_load %arg9[%get3A_1234, %get3A_1235] {strides = array<i32>} : memref<128x128xf32, #tpu.memory_space<vmem>>, vector<1x16xf32>,
        %get3A_1237 = vector.shape_cast %get3A_1236 : vector<1x16xf32> to vector<16xf32>
        %mul3A_1238 = arith.mulf %get3A_1237, %gather3A_1197 : vector<16xf32>
        %swap3A_1239 = arith.index_cast %add3A_1203 : i32 to index
        %swap3A_1240 = arith.constant 48 : index
        %swap3A_1241 = tpu.vector_load %arg9[%swap3A_1239, %swap3A_1240] {strides = array<i32>} : memref<128x128xf32, #tpu.memory_space<vmem>>, vector<1x16xf32>,
        %swap3A_1242 = vector.shape_cast %swap3A_1241 : vector<1x16xf32> to vector<16xf32>
        %swap3A_1243 = vector.shape_cast %mul3A_1238 : vector<16xf32> to vector<1x16xf32>
        tpu.vector_store %arg9[%swap3A_1239, %swap3A_1240], %swap3A_1243 {strides = array<i32>} : memref<128x128xf32, #tpu.memory_space<vmem>>, vector<1x16xf32>,
        %get3A_1244 = arith.index_cast %add3A_1203 : i32 to index
        %get3A_1245 = arith.constant 64 : index
        %get3A_1246 = tpu.vector_load %arg9[%get3A_1244, %get3A_1245] {strides = array<i32>} : memref<128x128xf32, #tpu.memory_space<vmem>>, vector<1x16xf32>,
        %get3A_1247 = vector.shape_cast %get3A_1246 : vector<1x16xf32> to vector<16xf32>
        %mul3A_1248 = arith.mulf %get3A_1247, %gather3A_1197 : vector<16xf32>
        %swap3A_1249 = arith.index_cast %add3A_1203 : i32 to index
        %swap3A_1250 = arith.constant 64 : index
        %swap3A_1251 = tpu.vector_load %arg9[%swap3A_1249, %swap3A_1250] {strides = array<i32>} : memref<128x128xf32, #tpu.memory_space<vmem>>, vector<1x16xf32>,
        %swap3A_1252 = vector.shape_cast %swap3A_1251 : vector<1x16xf32> to vector<16xf32>
        %swap3A_1253 = vector.shape_cast %mul3A_1248 : vector<16xf32> to vector<1x16xf32>
        tpu.vector_store %arg9[%swap3A_1249, %swap3A_1250], %swap3A_1253 {strides = array<i32>} : memref<128x128xf32, #tpu.memory_space<vmem>>, vector<1x16xf32>,
        %get3A_1254 = arith.index_cast %add3A_1203 : i32 to index
        %get3A_1255 = arith.constant 80 : index
        %get3A_1256 = tpu.vector_load %arg9[%get3A_1254, %get3A_1255] {strides = array<i32>} : memref<128x128xf32, #tpu.memory_space<vmem>>, vector<1x16xf32>,
        %get3A_1257 = vector.shape_cast %get3A_1256 : vector<1x16xf32> to vector<16xf32>
        %mul3A_1258 = arith.mulf %get3A_1257, %gather3A_1197 : vector<16xf32>
        %swap3A_1259 = arith.index_cast %add3A_1203 : i32 to index
        %swap3A_1260 = arith.constant 80 : index
        %swap3A_1261 = tpu.vector_load %arg9[%swap3A_1259, %swap3A_1260] {strides = array<i32>} : memref<128x128xf32, #tpu.memory_space<vmem>>, vector<1x16xf32>,
        %swap3A_1262 = vector.shape_cast %swap3A_1261 : vector<1x16xf32> to vector<16xf32>
        %swap3A_1263 = vector.shape_cast %mul3A_1258 : vector<16xf32> to vector<1x16xf32>
        tpu.vector_store %arg9[%swap3A_1259, %swap3A_1260], %swap3A_1263 {strides = array<i32>} : memref<128x128xf32, #tpu.memory_space<vmem>>, vector<1x16xf32>,
        %get3A_1264 = arith.index_cast %add3A_1203 : i32 to index
        %get3A_1265 = arith.constant 96 : index
        %get3A_1266 = tpu.vector_load %arg9[%get3A_1264, %get3A_1265] {strides = array<i32>} : memref<128x128xf32, #tpu.memory_space<vmem>>, vector<1x16xf32>,
        %get3A_1267 = vector.shape_cast %get3A_1266 : vector<1x16xf32> to vector<16xf32>
        %mul3A_1268 = arith.mulf %get3A_1267, %gather3A_1197 : vector<16xf32>
        %swap3A_1269 = arith.index_cast %add3A_1203 : i32 to index
        %swap3A_1270 = arith.constant 96 : index
        %swap3A_1271 = tpu.vector_load %arg9[%swap3A_1269, %swap3A_1270] {strides = array<i32>} : memref<128x128xf32, #tpu.memory_space<vmem>>, vector<1x16xf32>,
        %swap3A_1272 = vector.shape_cast %swap3A_1271 : vector<1x16xf32> to vector<16xf32>
        %swap3A_1273 = vector.shape_cast %mul3A_1268 : vector<16xf32> to vector<1x16xf32>
        tpu.vector_store %arg9[%swap3A_1269, %swap3A_1270], %swap3A_1273 {strides = array<i32>} : memref<128x128xf32, #tpu.memory_space<vmem>>, vector<1x16xf32>,
        %get3A_1274 = arith.index_cast %add3A_1203 : i32 to index
        %get3A_1275 = arith.constant 112 : index
        %get3A_1276 = tpu.vector_load %arg9[%get3A_1274, %get3A_1275] {strides = array<i32>} : memref<128x128xf32, #tpu.memory_space<vmem>>, vector<1x16xf32>,
        %get3A_1277 = vector.shape_cast %get3A_1276 : vector<1x16xf32> to vector<16xf32>
        %mul3A_1278 = arith.mulf %get3A_1277, %gather3A_1197 : vector<16xf32>
        %swap3A_1279 = arith.index_cast %add3A_1203 : i32 to index
        %swap3A_1280 = arith.constant 112 : index
        %swap3A_1281 = tpu.vector_load %arg9[%swap3A_1279, %swap3A_1280] {strides = array<i32>} : memref<128x128xf32, #tpu.memory_space<vmem>>, vector<1x16xf32>,
        %swap3A_1282 = vector.shape_cast %swap3A_1281 : vector<1x16xf32> to vector<16xf32>
        %swap3A_1283 = vector.shape_cast %mul3A_1278 : vector<16xf32> to vector<1x16xf32>
        tpu.vector_store %arg9[%swap3A_1279, %swap3A_1280], %swap3A_1283 {strides = array<i32>} : memref<128x128xf32, #tpu.memory_space<vmem>>, vector<1x16xf32>,
        %broadcast_in_dim3A_1284 = arith.constant 10 : i32
        %broadcast_in_dim3A_1285 = vector.broadcast %broadcast_in_dim3A_1284 : i32 to vector<16x1xi32>
        %gather3A_1286 = vector.shape_cast %broadcast_in_dim3A_1285 : vector<16x1xi32> to vector<16xi32>
        %gather3A_1287 = tpu.dynamic_gather %get3A_386[%gather3A_1286] in [0] : vector<16xf32>, vector<16xi32> -> vector<16xf32>
        %mul3A_1288 = arith.constant 16 : i32
        %mul3A_1289 = arith.muli %add3A_379, %mul3A_1288 : i32
        %add3A_1290 = arith.constant 0 : i32
        %add3A_1291 = arith.addi %add3A_1290, %mul3A_1289 : i32
        %add3A_1292 = arith.constant 10 : i32
        %add3A_1293 = arith.addi %add3A_1291, %add3A_1292 : i32
        %get3A_1294 = arith.index_cast %add3A_1293 : i32 to index
        %get3A_1295 = arith.constant 0 : index
        %get3A_1296 = tpu.vector_load %arg9[%get3A_1294, %get3A_1295] {strides = array<i32>} : memref<128x128xf32, #tpu.memory_space<vmem>>, vector<1x16xf32>,
        %get3A_1297 = vector.shape_cast %get3A_1296 : vector<1x16xf32> to vector<16xf32>
        %mul3A_1298 = arith.mulf %get3A_1297, %gather3A_1287 : vector<16xf32>
        %swap3A_1299 = arith.index_cast %add3A_1293 : i32 to index
        %swap3A_1300 = arith.constant 0 : index
        %swap3A_1301 = tpu.vector_load %arg9[%swap3A_1299, %swap3A_1300] {strides = array<i32>} : memref<128x128xf32, #tpu.memory_space<vmem>>, vector<1x16xf32>,
        %swap3A_1302 = vector.shape_cast %swap3A_1301 : vector<1x16xf32> to vector<16xf32>
        %swap3A_1303 = vector.shape_cast %mul3A_1298 : vector<16xf32> to vector<1x16xf32>
        tpu.vector_store %arg9[%swap3A_1299, %swap3A_1300], %swap3A_1303 {strides = array<i32>} : memref<128x128xf32, #tpu.memory_space<vmem>>, vector<1x16xf32>,
        %get3A_1304 = arith.index_cast %add3A_1293 : i32 to index
        %get3A_1305 = arith.constant 16 : index
        %get3A_1306 = tpu.vector_load %arg9[%get3A_1304, %get3A_1305] {strides = array<i32>} : memref<128x128xf32, #tpu.memory_space<vmem>>, vector<1x16xf32>,
        %get3A_1307 = vector.shape_cast %get3A_1306 : vector<1x16xf32> to vector<16xf32>
        %mul3A_1308 = arith.mulf %get3A_1307, %gather3A_1287 : vector<16xf32>
        %swap3A_1309 = arith.index_cast %add3A_1293 : i32 to index
        %swap3A_1310 = arith.constant 16 : index
        %swap3A_1311 = tpu.vector_load %arg9[%swap3A_1309, %swap3A_1310] {strides = array<i32>} : memref<128x128xf32, #tpu.memory_space<vmem>>, vector<1x16xf32>,
        %swap3A_1312 = vector.shape_cast %swap3A_1311 : vector<1x16xf32> to vector<16xf32>
        %swap3A_1313 = vector.shape_cast %mul3A_1308 : vector<16xf32> to vector<1x16xf32>
        tpu.vector_store %arg9[%swap3A_1309, %swap3A_1310], %swap3A_1313 {strides = array<i32>} : memref<128x128xf32, #tpu.memory_space<vmem>>, vector<1x16xf32>,
        %get3A_1314 = arith.index_cast %add3A_1293 : i32 to index
        %get3A_1315 = arith.constant 32 : index
        %get3A_1316 = tpu.vector_load %arg9[%get3A_1314, %get3A_1315] {strides = array<i32>} : memref<128x128xf32, #tpu.memory_space<vmem>>, vector<1x16xf32>,
        %get3A_1317 = vector.shape_cast %get3A_1316 : vector<1x16xf32> to vector<16xf32>
        %mul3A_1318 = arith.mulf %get3A_1317, %gather3A_1287 : vector<16xf32>
        %swap3A_1319 = arith.index_cast %add3A_1293 : i32 to index
        %swap3A_1320 = arith.constant 32 : index
        %swap3A_1321 = tpu.vector_load %arg9[%swap3A_1319, %swap3A_1320] {strides = array<i32>} : memref<128x128xf32, #tpu.memory_space<vmem>>, vector<1x16xf32>,
        %swap3A_1322 = vector.shape_cast %swap3A_1321 : vector<1x16xf32> to vector<16xf32>
        %swap3A_1323 = vector.shape_cast %mul3A_1318 : vector<16xf32> to vector<1x16xf32>
        tpu.vector_store %arg9[%swap3A_1319, %swap3A_1320], %swap3A_1323 {strides = array<i32>} : memref<128x128xf32, #tpu.memory_space<vmem>>, vector<1x16xf32>,
        %get3A_1324 = arith.index_cast %add3A_1293 : i32 to index
        %get3A_1325 = arith.constant 48 : index
        %get3A_1326 = tpu.vector_load %arg9[%get3A_1324, %get3A_1325] {strides = array<i32>} : memref<128x128xf32, #tpu.memory_space<vmem>>, vector<1x16xf32>,
        %get3A_1327 = vector.shape_cast %get3A_1326 : vector<1x16xf32> to vector<16xf32>
        %mul3A_1328 = arith.mulf %get3A_1327, %gather3A_1287 : vector<16xf32>
        %swap3A_1329 = arith.index_cast %add3A_1293 : i32 to index
        %swap3A_1330 = arith.constant 48 : index
        %swap3A_1331 = tpu.vector_load %arg9[%swap3A_1329, %swap3A_1330] {strides = array<i32>} : memref<128x128xf32, #tpu.memory_space<vmem>>, vector<1x16xf32>,
        %swap3A_1332 = vector.shape_cast %swap3A_1331 : vector<1x16xf32> to vector<16xf32>
        %swap3A_1333 = vector.shape_cast %mul3A_1328 : vector<16xf32> to vector<1x16xf32>
        tpu.vector_store %arg9[%swap3A_1329, %swap3A_1330], %swap3A_1333 {strides = array<i32>} : memref<128x128xf32, #tpu.memory_space<vmem>>, vector<1x16xf32>,
        %get3A_1334 = arith.index_cast %add3A_1293 : i32 to index
        %get3A_1335 = arith.constant 64 : index
        %get3A_1336 = tpu.vector_load %arg9[%get3A_1334, %get3A_1335] {strides = array<i32>} : memref<128x128xf32, #tpu.memory_space<vmem>>, vector<1x16xf32>,
        %get3A_1337 = vector.shape_cast %get3A_1336 : vector<1x16xf32> to vector<16xf32>
        %mul3A_1338 = arith.mulf %get3A_1337, %gather3A_1287 : vector<16xf32>
        %swap3A_1339 = arith.index_cast %add3A_1293 : i32 to index
        %swap3A_1340 = arith.constant 64 : index
        %swap3A_1341 = tpu.vector_load %arg9[%swap3A_1339, %swap3A_1340] {strides = array<i32>} : memref<128x128xf32, #tpu.memory_space<vmem>>, vector<1x16xf32>,
        %swap3A_1342 = vector.shape_cast %swap3A_1341 : vector<1x16xf32> to vector<16xf32>
        %swap3A_1343 = vector.shape_cast %mul3A_1338 : vector<16xf32> to vector<1x16xf32>
        tpu.vector_store %arg9[%swap3A_1339, %swap3A_1340], %swap3A_1343 {strides = array<i32>} : memref<128x128xf32, #tpu.memory_space<vmem>>, vector<1x16xf32>,
        %get3A_1344 = arith.index_cast %add3A_1293 : i32 to index
        %get3A_1345 = arith.constant 80 : index
        %get3A_1346 = tpu.vector_load %arg9[%get3A_1344, %get3A_1345] {strides = array<i32>} : memref<128x128xf32, #tpu.memory_space<vmem>>, vector<1x16xf32>,
        %get3A_1347 = vector.shape_cast %get3A_1346 : vector<1x16xf32> to vector<16xf32>
        %mul3A_1348 = arith.mulf %get3A_1347, %gather3A_1287 : vector<16xf32>
        %swap3A_1349 = arith.index_cast %add3A_1293 : i32 to index
        %swap3A_1350 = arith.constant 80 : index
        %swap3A_1351 = tpu.vector_load %arg9[%swap3A_1349, %swap3A_1350] {strides = array<i32>} : memref<128x128xf32, #tpu.memory_space<vmem>>, vector<1x16xf32>,
        %swap3A_1352 = vector.shape_cast %swap3A_1351 : vector<1x16xf32> to vector<16xf32>
        %swap3A_1353 = vector.shape_cast %mul3A_1348 : vector<16xf32> to vector<1x16xf32>
        tpu.vector_store %arg9[%swap3A_1349, %swap3A_1350], %swap3A_1353 {strides = array<i32>} : memref<128x128xf32, #tpu.memory_space<vmem>>, vector<1x16xf32>,
        %get3A_1354 = arith.index_cast %add3A_1293 : i32 to index
        %get3A_1355 = arith.constant 96 : index
        %get3A_1356 = tpu.vector_load %arg9[%get3A_1354, %get3A_1355] {strides = array<i32>} : memref<128x128xf32, #tpu.memory_space<vmem>>, vector<1x16xf32>,
        %get3A_1357 = vector.shape_cast %get3A_1356 : vector<1x16xf32> to vector<16xf32>
        %mul3A_1358 = arith.mulf %get3A_1357, %gather3A_1287 : vector<16xf32>
        %swap3A_1359 = arith.index_cast %add3A_1293 : i32 to index
        %swap3A_1360 = arith.constant 96 : index
        %swap3A_1361 = tpu.vector_load %arg9[%swap3A_1359, %swap3A_1360] {strides = array<i32>} : memref<128x128xf32, #tpu.memory_space<vmem>>, vector<1x16xf32>,
        %swap3A_1362 = vector.shape_cast %swap3A_1361 : vector<1x16xf32> to vector<16xf32>
        %swap3A_1363 = vector.shape_cast %mul3A_1358 : vector<16xf32> to vector<1x16xf32>
        tpu.vector_store %arg9[%swap3A_1359, %swap3A_1360], %swap3A_1363 {strides = array<i32>} : memref<128x128xf32, #tpu.memory_space<vmem>>, vector<1x16xf32>,
        %get3A_1364 = arith.index_cast %add3A_1293 : i32 to index
        %get3A_1365 = arith.constant 112 : index
        %get3A_1366 = tpu.vector_load %arg9[%get3A_1364, %get3A_1365] {strides = array<i32>} : memref<128x128xf32, #tpu.memory_space<vmem>>, vector<1x16xf32>,
        %get3A_1367 = vector.shape_cast %get3A_1366 : vector<1x16xf32> to vector<16xf32>
        %mul3A_1368 = arith.mulf %get3A_1367, %gather3A_1287 : vector<16xf32>
        %swap3A_1369 = arith.index_cast %add3A_1293 : i32 to index
        %swap3A_1370 = arith.constant 112 : index
        %swap3A_1371 = tpu.vector_load %arg9[%swap3A_1369, %swap3A_1370] {strides = array<i32>} : memref<128x128xf32, #tpu.memory_space<vmem>>, vector<1x16xf32>,
        %swap3A_1372 = vector.shape_cast %swap3A_1371 : vector<1x16xf32> to vector<16xf32>
        %swap3A_1373 = vector.shape_cast %mul3A_1368 : vector<16xf32> to vector<1x16xf32>
        tpu.vector_store %arg9[%swap3A_1369, %swap3A_1370], %swap3A_1373 {strides = array<i32>} : memref<128x128xf32, #tpu.memory_space<vmem>>, vector<1x16xf32>,
        %broadcast_in_dim3A_1374 = arith.constant 11 : i32
        %broadcast_in_dim3A_1375 = vector.broadcast %broadcast_in_dim3A_1374 : i32 to vector<16x1xi32>
        %gather3A_1376 = vector.shape_cast %broadcast_in_dim3A_1375 : vector<16x1xi32> to vector<16xi32>
        %gather3A_1377 = tpu.dynamic_gather %get3A_386[%gather3A_1376] in [0] : vector<16xf32>, vector<16xi32> -> vector<16xf32>
        %mul3A_1378 = arith.constant 16 : i32
        %mul3A_1379 = arith.muli %add3A_379, %mul3A_1378 : i32
        %add3A_1380 = arith.constant 0 : i32
        %add3A_1381 = arith.addi %add3A_1380, %mul3A_1379 : i32
        %add3A_1382 = arith.constant 11 : i32
        %add3A_1383 = arith.addi %add3A_1381, %add3A_1382 : i32
        %get3A_1384 = arith.index_cast %add3A_1383 : i32 to index
        %get3A_1385 = arith.constant 0 : index
        %get3A_1386 = tpu.vector_load %arg9[%get3A_1384, %get3A_1385] {strides = array<i32>} : memref<128x128xf32, #tpu.memory_space<vmem>>, vector<1x16xf32>,
        %get3A_1387 = vector.shape_cast %get3A_1386 : vector<1x16xf32> to vector<16xf32>
        %mul3A_1388 = arith.mulf %get3A_1387, %gather3A_1377 : vector<16xf32>
        %swap3A_1389 = arith.index_cast %add3A_1383 : i32 to index
        %swap3A_1390 = arith.constant 0 : index
        %swap3A_1391 = tpu.vector_load %arg9[%swap3A_1389, %swap3A_1390] {strides = array<i32>} : memref<128x128xf32, #tpu.memory_space<vmem>>, vector<1x16xf32>,
        %swap3A_1392 = vector.shape_cast %swap3A_1391 : vector<1x16xf32> to vector<16xf32>
        %swap3A_1393 = vector.shape_cast %mul3A_1388 : vector<16xf32> to vector<1x16xf32>
        tpu.vector_store %arg9[%swap3A_1389, %swap3A_1390], %swap3A_1393 {strides = array<i32>} : memref<128x128xf32, #tpu.memory_space<vmem>>, vector<1x16xf32>,
        %get3A_1394 = arith.index_cast %add3A_1383 : i32 to index
        %get3A_1395 = arith.constant 16 : index
        %get3A_1396 = tpu.vector_load %arg9[%get3A_1394, %get3A_1395] {strides = array<i32>} : memref<128x128xf32, #tpu.memory_space<vmem>>, vector<1x16xf32>,
        %get3A_1397 = vector.shape_cast %get3A_1396 : vector<1x16xf32> to vector<16xf32>
        %mul3A_1398 = arith.mulf %get3A_1397, %gather3A_1377 : vector<16xf32>
        %swap3A_1399 = arith.index_cast %add3A_1383 : i32 to index
        %swap3A_1400 = arith.constant 16 : index
        %swap3A_1401 = tpu.vector_load %arg9[%swap3A_1399, %swap3A_1400] {strides = array<i32>} : memref<128x128xf32, #tpu.memory_space<vmem>>, vector<1x16xf32>,
        %swap3A_1402 = vector.shape_cast %swap3A_1401 : vector<1x16xf32> to vector<16xf32>
        %swap3A_1403 = vector.shape_cast %mul3A_1398 : vector<16xf32> to vector<1x16xf32>
        tpu.vector_store %arg9[%swap3A_1399, %swap3A_1400], %swap3A_1403 {strides = array<i32>} : memref<128x128xf32, #tpu.memory_space<vmem>>, vector<1x16xf32>,
        %get3A_1404 = arith.index_cast %add3A_1383 : i32 to index
        %get3A_1405 = arith.constant 32 : index
        %get3A_1406 = tpu.vector_load %arg9[%get3A_1404, %get3A_1405] {strides = array<i32>} : memref<128x128xf32, #tpu.memory_space<vmem>>, vector<1x16xf32>,
        %get3A_1407 = vector.shape_cast %get3A_1406 : vector<1x16xf32> to vector<16xf32>
        %mul3A_1408 = arith.mulf %get3A_1407, %gather3A_1377 : vector<16xf32>
        %swap3A_1409 = arith.index_cast %add3A_1383 : i32 to index
        %swap3A_1410 = arith.constant 32 : index
        %swap3A_1411 = tpu.vector_load %arg9[%swap3A_1409, %swap3A_1410] {strides = array<i32>} : memref<128x128xf32, #tpu.memory_space<vmem>>, vector<1x16xf32>,
        %swap3A_1412 = vector.shape_cast %swap3A_1411 : vector<1x16xf32> to vector<16xf32>
        %swap3A_1413 = vector.shape_cast %mul3A_1408 : vector<16xf32> to vector<1x16xf32>
        tpu.vector_store %arg9[%swap3A_1409, %swap3A_1410], %swap3A_1413 {strides = array<i32>} : memref<128x128xf32, #tpu.memory_space<vmem>>, vector<1x16xf32>,
        %get3A_1414 = arith.index_cast %add3A_1383 : i32 to index
        %get3A_1415 = arith.constant 48 : index
        %get3A_1416 = tpu.vector_load %arg9[%get3A_1414, %get3A_1415] {strides = array<i32>} : memref<128x128xf32, #tpu.memory_space<vmem>>, vector<1x16xf32>,
        %get3A_1417 = vector.shape_cast %get3A_1416 : vector<1x16xf32> to vector<16xf32>
        %mul3A_1418 = arith.mulf %get3A_1417, %gather3A_1377 : vector<16xf32>
        %swap3A_1419 = arith.index_cast %add3A_1383 : i32 to index
        %swap3A_1420 = arith.constant 48 : index
        %swap3A_1421 = tpu.vector_load %arg9[%swap3A_1419, %swap3A_1420] {strides = array<i32>} : memref<128x128xf32, #tpu.memory_space<vmem>>, vector<1x16xf32>,
        %swap3A_1422 = vector.shape_cast %swap3A_1421 : vector<1x16xf32> to vector<16xf32>
        %swap3A_1423 = vector.shape_cast %mul3A_1418 : vector<16xf32> to vector<1x16xf32>
        tpu.vector_store %arg9[%swap3A_1419, %swap3A_1420], %swap3A_1423 {strides = array<i32>} : memref<128x128xf32, #tpu.memory_space<vmem>>, vector<1x16xf32>,
        %get3A_1424 = arith.index_cast %add3A_1383 : i32 to index
        %get3A_1425 = arith.constant 64 : index
        %get3A_1426 = tpu.vector_load %arg9[%get3A_1424, %get3A_1425] {strides = array<i32>} : memref<128x128xf32, #tpu.memory_space<vmem>>, vector<1x16xf32>,
        %get3A_1427 = vector.shape_cast %get3A_1426 : vector<1x16xf32> to vector<16xf32>
        %mul3A_1428 = arith.mulf %get3A_1427, %gather3A_1377 : vector<16xf32>
        %swap3A_1429 = arith.index_cast %add3A_1383 : i32 to index
        %swap3A_1430 = arith.constant 64 : index
        %swap3A_1431 = tpu.vector_load %arg9[%swap3A_1429, %swap3A_1430] {strides = array<i32>} : memref<128x128xf32, #tpu.memory_space<vmem>>, vector<1x16xf32>,
        %swap3A_1432 = vector.shape_cast %swap3A_1431 : vector<1x16xf32> to vector<16xf32>
        %swap3A_1433 = vector.shape_cast %mul3A_1428 : vector<16xf32> to vector<1x16xf32>
        tpu.vector_store %arg9[%swap3A_1429, %swap3A_1430], %swap3A_1433 {strides = array<i32>} : memref<128x128xf32, #tpu.memory_space<vmem>>, vector<1x16xf32>,
        %get3A_1434 = arith.index_cast %add3A_1383 : i32 to index
        %get3A_1435 = arith.constant 80 : index
        %get3A_1436 = tpu.vector_load %arg9[%get3A_1434, %get3A_1435] {strides = array<i32>} : memref<128x128xf32, #tpu.memory_space<vmem>>, vector<1x16xf32>,
        %get3A_1437 = vector.shape_cast %get3A_1436 : vector<1x16xf32> to vector<16xf32>
        %mul3A_1438 = arith.mulf %get3A_1437, %gather3A_1377 : vector<16xf32>
        %swap3A_1439 = arith.index_cast %add3A_1383 : i32 to index
        %swap3A_1440 = arith.constant 80 : index
        %swap3A_1441 = tpu.vector_load %arg9[%swap3A_1439, %swap3A_1440] {strides = array<i32>} : memref<128x128xf32, #tpu.memory_space<vmem>>, vector<1x16xf32>,
        %swap3A_1442 = vector.shape_cast %swap3A_1441 : vector<1x16xf32> to vector<16xf32>
        %swap3A_1443 = vector.shape_cast %mul3A_1438 : vector<16xf32> to vector<1x16xf32>
        tpu.vector_store %arg9[%swap3A_1439, %swap3A_1440], %swap3A_1443 {strides = array<i32>} : memref<128x128xf32, #tpu.memory_space<vmem>>, vector<1x16xf32>,
        %get3A_1444 = arith.index_cast %add3A_1383 : i32 to index
        %get3A_1445 = arith.constant 96 : index
        %get3A_1446 = tpu.vector_load %arg9[%get3A_1444, %get3A_1445] {strides = array<i32>} : memref<128x128xf32, #tpu.memory_space<vmem>>, vector<1x16xf32>,
        %get3A_1447 = vector.shape_cast %get3A_1446 : vector<1x16xf32> to vector<16xf32>
        %mul3A_1448 = arith.mulf %get3A_1447, %gather3A_1377 : vector<16xf32>
        %swap3A_1449 = arith.index_cast %add3A_1383 : i32 to index
        %swap3A_1450 = arith.constant 96 : index
        %swap3A_1451 = tpu.vector_load %arg9[%swap3A_1449, %swap3A_1450] {strides = array<i32>} : memref<128x128xf32, #tpu.memory_space<vmem>>, vector<1x16xf32>,
        %swap3A_1452 = vector.shape_cast %swap3A_1451 : vector<1x16xf32> to vector<16xf32>
        %swap3A_1453 = vector.shape_cast %mul3A_1448 : vector<16xf32> to vector<1x16xf32>
        tpu.vector_store %arg9[%swap3A_1449, %swap3A_1450], %swap3A_1453 {strides = array<i32>} : memref<128x128xf32, #tpu.memory_space<vmem>>, vector<1x16xf32>,
        %get3A_1454 = arith.index_cast %add3A_1383 : i32 to index
        %get3A_1455 = arith.constant 112 : index
        %get3A_1456 = tpu.vector_load %arg9[%get3A_1454, %get3A_1455] {strides = array<i32>} : memref<128x128xf32, #tpu.memory_space<vmem>>, vector<1x16xf32>,
        %get3A_1457 = vector.shape_cast %get3A_1456 : vector<1x16xf32> to vector<16xf32>
        %mul3A_1458 = arith.mulf %get3A_1457, %gather3A_1377 : vector<16xf32>
        %swap3A_1459 = arith.index_cast %add3A_1383 : i32 to index
        %swap3A_1460 = arith.constant 112 : index
        %swap3A_1461 = tpu.vector_load %arg9[%swap3A_1459, %swap3A_1460] {strides = array<i32>} : memref<128x128xf32, #tpu.memory_space<vmem>>, vector<1x16xf32>,
        %swap3A_1462 = vector.shape_cast %swap3A_1461 : vector<1x16xf32> to vector<16xf32>
        %swap3A_1463 = vector.shape_cast %mul3A_1458 : vector<16xf32> to vector<1x16xf32>
        tpu.vector_store %arg9[%swap3A_1459, %swap3A_1460], %swap3A_1463 {strides = array<i32>} : memref<128x128xf32, #tpu.memory_space<vmem>>, vector<1x16xf32>,
        %broadcast_in_dim3A_1464 = arith.constant 12 : i32
        %broadcast_in_dim3A_1465 = vector.broadcast %broadcast_in_dim3A_1464 : i32 to vector<16x1xi32>
        %gather3A_1466 = vector.shape_cast %broadcast_in_dim3A_1465 : vector<16x1xi32> to vector<16xi32>
        %gather3A_1467 = tpu.dynamic_gather %get3A_386[%gather3A_1466] in [0] : vector<16xf32>, vector<16xi32> -> vector<16xf32>
        %mul3A_1468 = arith.constant 16 : i32
        %mul3A_1469 = arith.muli %add3A_379, %mul3A_1468 : i32
        %add3A_1470 = arith.constant 0 : i32
        %add3A_1471 = arith.addi %add3A_1470, %mul3A_1469 : i32
        %add3A_1472 = arith.constant 12 : i32
        %add3A_1473 = arith.addi %add3A_1471, %add3A_1472 : i32
        %get3A_1474 = arith.index_cast %add3A_1473 : i32 to index
        %get3A_1475 = arith.constant 0 : index
        %get3A_1476 = tpu.vector_load %arg9[%get3A_1474, %get3A_1475] {strides = array<i32>} : memref<128x128xf32, #tpu.memory_space<vmem>>, vector<1x16xf32>,
        %get3A_1477 = vector.shape_cast %get3A_1476 : vector<1x16xf32> to vector<16xf32>
        %mul3A_1478 = arith.mulf %get3A_1477, %gather3A_1467 : vector<16xf32>
        %swap3A_1479 = arith.index_cast %add3A_1473 : i32 to index
        %swap3A_1480 = arith.constant 0 : index
        %swap3A_1481 = tpu.vector_load %arg9[%swap3A_1479, %swap3A_1480] {strides = array<i32>} : memref<128x128xf32, #tpu.memory_space<vmem>>, vector<1x16xf32>,
        %swap3A_1482 = vector.shape_cast %swap3A_1481 : vector<1x16xf32> to vector<16xf32>
        %swap3A_1483 = vector.shape_cast %mul3A_1478 : vector<16xf32> to vector<1x16xf32>
        tpu.vector_store %arg9[%swap3A_1479, %swap3A_1480], %swap3A_1483 {strides = array<i32>} : memref<128x128xf32, #tpu.memory_space<vmem>>, vector<1x16xf32>,
        %get3A_1484 = arith.index_cast %add3A_1473 : i32 to index
        %get3A_1485 = arith.constant 16 : index
        %get3A_1486 = tpu.vector_load %arg9[%get3A_1484, %get3A_1485] {strides = array<i32>} : memref<128x128xf32, #tpu.memory_space<vmem>>, vector<1x16xf32>,
        %get3A_1487 = vector.shape_cast %get3A_1486 : vector<1x16xf32> to vector<16xf32>
        %mul3A_1488 = arith.mulf %get3A_1487, %gather3A_1467 : vector<16xf32>
        %swap3A_1489 = arith.index_cast %add3A_1473 : i32 to index
        %swap3A_1490 = arith.constant 16 : index
        %swap3A_1491 = tpu.vector_load %arg9[%swap3A_1489, %swap3A_1490] {strides = array<i32>} : memref<128x128xf32, #tpu.memory_space<vmem>>, vector<1x16xf32>,
        %swap3A_1492 = vector.shape_cast %swap3A_1491 : vector<1x16xf32> to vector<16xf32>
        %swap3A_1493 = vector.shape_cast %mul3A_1488 : vector<16xf32> to vector<1x16xf32>
        tpu.vector_store %arg9[%swap3A_1489, %swap3A_1490], %swap3A_1493 {strides = array<i32>} : memref<128x128xf32, #tpu.memory_space<vmem>>, vector<1x16xf32>,
        %get3A_1494 = arith.index_cast %add3A_1473 : i32 to index
        %get3A_1495 = arith.constant 32 : index
        %get3A_1496 = tpu.vector_load %arg9[%get3A_1494, %get3A_1495] {strides = array<i32>} : memref<128x128xf32, #tpu.memory_space<vmem>>, vector<1x16xf32>,
        %get3A_1497 = vector.shape_cast %get3A_1496 : vector<1x16xf32> to vector<16xf32>
        %mul3A_1498 = arith.mulf %get3A_1497, %gather3A_1467 : vector<16xf32>
        %swap3A_1499 = arith.index_cast %add3A_1473 : i32 to index
        %swap3A_1500 = arith.constant 32 : index
        %swap3A_1501 = tpu.vector_load %arg9[%swap3A_1499, %swap3A_1500] {strides = array<i32>} : memref<128x128xf32, #tpu.memory_space<vmem>>, vector<1x16xf32>,
        %swap3A_1502 = vector.shape_cast %swap3A_1501 : vector<1x16xf32> to vector<16xf32>
        %swap3A_1503 = vector.shape_cast %mul3A_1498 : vector<16xf32> to vector<1x16xf32>
        tpu.vector_store %arg9[%swap3A_1499, %swap3A_1500], %swap3A_1503 {strides = array<i32>} : memref<128x128xf32, #tpu.memory_space<vmem>>, vector<1x16xf32>,
        %get3A_1504 = arith.index_cast %add3A_1473 : i32 to index
        %get3A_1505 = arith.constant 48 : index
        %get3A_1506 = tpu.vector_load %arg9[%get3A_1504, %get3A_1505] {strides = array<i32>} : memref<128x128xf32, #tpu.memory_space<vmem>>, vector<1x16xf32>,
        %get3A_1507 = vector.shape_cast %get3A_1506 : vector<1x16xf32> to vector<16xf32>
        %mul3A_1508 = arith.mulf %get3A_1507, %gather3A_1467 : vector<16xf32>
        %swap3A_1509 = arith.index_cast %add3A_1473 : i32 to index
        %swap3A_1510 = arith.constant 48 : index
        %swap3A_1511 = tpu.vector_load %arg9[%swap3A_1509, %swap3A_1510] {strides = array<i32>} : memref<128x128xf32, #tpu.memory_space<vmem>>, vector<1x16xf32>,
        %swap3A_1512 = vector.shape_cast %swap3A_1511 : vector<1x16xf32> to vector<16xf32>
        %swap3A_1513 = vector.shape_cast %mul3A_1508 : vector<16xf32> to vector<1x16xf32>
        tpu.vector_store %arg9[%swap3A_1509, %swap3A_1510], %swap3A_1513 {strides = array<i32>} : memref<128x128xf32, #tpu.memory_space<vmem>>, vector<1x16xf32>,
        %get3A_1514 = arith.index_cast %add3A_1473 : i32 to index
        %get3A_1515 = arith.constant 64 : index
        %get3A_1516 = tpu.vector_load %arg9[%get3A_1514, %get3A_1515] {strides = array<i32>} : memref<128x128xf32, #tpu.memory_space<vmem>>, vector<1x16xf32>,
        %get3A_1517 = vector.shape_cast %get3A_1516 : vector<1x16xf32> to vector<16xf32>
        %mul3A_1518 = arith.mulf %get3A_1517, %gather3A_1467 : vector<16xf32>
        %swap3A_1519 = arith.index_cast %add3A_1473 : i32 to index
        %swap3A_1520 = arith.constant 64 : index
        %swap3A_1521 = tpu.vector_load %arg9[%swap3A_1519, %swap3A_1520] {strides = array<i32>} : memref<128x128xf32, #tpu.memory_space<vmem>>, vector<1x16xf32>,
        %swap3A_1522 = vector.shape_cast %swap3A_1521 : vector<1x16xf32> to vector<16xf32>
        %swap3A_1523 = vector.shape_cast %mul3A_1518 : vector<16xf32> to vector<1x16xf32>
        tpu.vector_store %arg9[%swap3A_1519, %swap3A_1520], %swap3A_1523 {strides = array<i32>} : memref<128x128xf32, #tpu.memory_space<vmem>>, vector<1x16xf32>,
        %get3A_1524 = arith.index_cast %add3A_1473 : i32 to index
        %get3A_1525 = arith.constant 80 : index
        %get3A_1526 = tpu.vector_load %arg9[%get3A_1524, %get3A_1525] {strides = array<i32>} : memref<128x128xf32, #tpu.memory_space<vmem>>, vector<1x16xf32>,
        %get3A_1527 = vector.shape_cast %get3A_1526 : vector<1x16xf32> to vector<16xf32>
        %mul3A_1528 = arith.mulf %get3A_1527, %gather3A_1467 : vector<16xf32>
        %swap3A_1529 = arith.index_cast %add3A_1473 : i32 to index
        %swap3A_1530 = arith.constant 80 : index
        %swap3A_1531 = tpu.vector_load %arg9[%swap3A_1529, %swap3A_1530] {strides = array<i32>} : memref<128x128xf32, #tpu.memory_space<vmem>>, vector<1x16xf32>,
        %swap3A_1532 = vector.shape_cast %swap3A_1531 : vector<1x16xf32> to vector<16xf32>
        %swap3A_1533 = vector.shape_cast %mul3A_1528 : vector<16xf32> to vector<1x16xf32>
        tpu.vector_store %arg9[%swap3A_1529, %swap3A_1530], %swap3A_1533 {strides = array<i32>} : memref<128x128xf32, #tpu.memory_space<vmem>>, vector<1x16xf32>,
        %get3A_1534 = arith.index_cast %add3A_1473 : i32 to index
        %get3A_1535 = arith.constant 96 : index
        %get3A_1536 = tpu.vector_load %arg9[%get3A_1534, %get3A_1535] {strides = array<i32>} : memref<128x128xf32, #tpu.memory_space<vmem>>, vector<1x16xf32>,
        %get3A_1537 = vector.shape_cast %get3A_1536 : vector<1x16xf32> to vector<16xf32>
        %mul3A_1538 = arith.mulf %get3A_1537, %gather3A_1467 : vector<16xf32>
        %swap3A_1539 = arith.index_cast %add3A_1473 : i32 to index
        %swap3A_1540 = arith.constant 96 : index
        %swap3A_1541 = tpu.vector_load %arg9[%swap3A_1539, %swap3A_1540] {strides = array<i32>} : memref<128x128xf32, #tpu.memory_space<vmem>>, vector<1x16xf32>,
        %swap3A_1542 = vector.shape_cast %swap3A_1541 : vector<1x16xf32> to vector<16xf32>
        %swap3A_1543 = vector.shape_cast %mul3A_1538 : vector<16xf32> to vector<1x16xf32>
        tpu.vector_store %arg9[%swap3A_1539, %swap3A_1540], %swap3A_1543 {strides = array<i32>} : memref<128x128xf32, #tpu.memory_space<vmem>>, vector<1x16xf32>,
        %get3A_1544 = arith.index_cast %add3A_1473 : i32 to index
        %get3A_1545 = arith.constant 112 : index
        %get3A_1546 = tpu.vector_load %arg9[%get3A_1544, %get3A_1545] {strides = array<i32>} : memref<128x128xf32, #tpu.memory_space<vmem>>, vector<1x16xf32>,
        %get3A_1547 = vector.shape_cast %get3A_1546 : vector<1x16xf32> to vector<16xf32>
        %mul3A_1548 = arith.mulf %get3A_1547, %gather3A_1467 : vector<16xf32>
        %swap3A_1549 = arith.index_cast %add3A_1473 : i32 to index
        %swap3A_1550 = arith.constant 112 : index
        %swap3A_1551 = tpu.vector_load %arg9[%swap3A_1549, %swap3A_1550] {strides = array<i32>} : memref<128x128xf32, #tpu.memory_space<vmem>>, vector<1x16xf32>,
        %swap3A_1552 = vector.shape_cast %swap3A_1551 : vector<1x16xf32> to vector<16xf32>
        %swap3A_1553 = vector.shape_cast %mul3A_1548 : vector<16xf32> to vector<1x16xf32>
        tpu.vector_store %arg9[%swap3A_1549, %swap3A_1550], %swap3A_1553 {strides = array<i32>} : memref<128x128xf32, #tpu.memory_space<vmem>>, vector<1x16xf32>,
        %broadcast_in_dim3A_1554 = arith.constant 13 : i32
        %broadcast_in_dim3A_1555 = vector.broadcast %broadcast_in_dim3A_1554 : i32 to vector<16x1xi32>
        %gather3A_1556 = vector.shape_cast %broadcast_in_dim3A_1555 : vector<16x1xi32> to vector<16xi32>
        %gather3A_1557 = tpu.dynamic_gather %get3A_386[%gather3A_1556] in [0] : vector<16xf32>, vector<16xi32> -> vector<16xf32>
        %mul3A_1558 = arith.constant 16 : i32
        %mul3A_1559 = arith.muli %add3A_379, %mul3A_1558 : i32
        %add3A_1560 = arith.constant 0 : i32
        %add3A_1561 = arith.addi %add3A_1560, %mul3A_1559 : i32
        %add3A_1562 = arith.constant 13 : i32
        %add3A_1563 = arith.addi %add3A_1561, %add3A_1562 : i32
        %get3A_1564 = arith.index_cast %add3A_1563 : i32 to index
        %get3A_1565 = arith.constant 0 : index
        %get3A_1566 = tpu.vector_load %arg9[%get3A_1564, %get3A_1565] {strides = array<i32>} : memref<128x128xf32, #tpu.memory_space<vmem>>, vector<1x16xf32>,
        %get3A_1567 = vector.shape_cast %get3A_1566 : vector<1x16xf32> to vector<16xf32>
        %mul3A_1568 = arith.mulf %get3A_1567, %gather3A_1557 : vector<16xf32>
        %swap3A_1569 = arith.index_cast %add3A_1563 : i32 to index
        %swap3A_1570 = arith.constant 0 : index
        %swap3A_1571 = tpu.vector_load %arg9[%swap3A_1569, %swap3A_1570] {strides = array<i32>} : memref<128x128xf32, #tpu.memory_space<vmem>>, vector<1x16xf32>,
        %swap3A_1572 = vector.shape_cast %swap3A_1571 : vector<1x16xf32> to vector<16xf32>
        %swap3A_1573 = vector.shape_cast %mul3A_1568 : vector<16xf32> to vector<1x16xf32>
        tpu.vector_store %arg9[%swap3A_1569, %swap3A_1570], %swap3A_1573 {strides = array<i32>} : memref<128x128xf32, #tpu.memory_space<vmem>>, vector<1x16xf32>,
        %get3A_1574 = arith.index_cast %add3A_1563 : i32 to index
        %get3A_1575 = arith.constant 16 : index
        %get3A_1576 = tpu.vector_load %arg9[%get3A_1574, %get3A_1575] {strides = array<i32>} : memref<128x128xf32, #tpu.memory_space<vmem>>, vector<1x16xf32>,
        %get3A_1577 = vector.shape_cast %get3A_1576 : vector<1x16xf32> to vector<16xf32>
        %mul3A_1578 = arith.mulf %get3A_1577, %gather3A_1557 : vector<16xf32>
        %swap3A_1579 = arith.index_cast %add3A_1563 : i32 to index
        %swap3A_1580 = arith.constant 16 : index
        %swap3A_1581 = tpu.vector_load %arg9[%swap3A_1579, %swap3A_1580] {strides = array<i32>} : memref<128x128xf32, #tpu.memory_space<vmem>>, vector<1x16xf32>,
        %swap3A_1582 = vector.shape_cast %swap3A_1581 : vector<1x16xf32> to vector<16xf32>
        %swap3A_1583 = vector.shape_cast %mul3A_1578 : vector<16xf32> to vector<1x16xf32>
        tpu.vector_store %arg9[%swap3A_1579, %swap3A_1580], %swap3A_1583 {strides = array<i32>} : memref<128x128xf32, #tpu.memory_space<vmem>>, vector<1x16xf32>,
        %get3A_1584 = arith.index_cast %add3A_1563 : i32 to index
        %get3A_1585 = arith.constant 32 : index
        %get3A_1586 = tpu.vector_load %arg9[%get3A_1584, %get3A_1585] {strides = array<i32>} : memref<128x128xf32, #tpu.memory_space<vmem>>, vector<1x16xf32>,
        %get3A_1587 = vector.shape_cast %get3A_1586 : vector<1x16xf32> to vector<16xf32>
        %mul3A_1588 = arith.mulf %get3A_1587, %gather3A_1557 : vector<16xf32>
        %swap3A_1589 = arith.index_cast %add3A_1563 : i32 to index
        %swap3A_1590 = arith.constant 32 : index
        %swap3A_1591 = tpu.vector_load %arg9[%swap3A_1589, %swap3A_1590] {strides = array<i32>} : memref<128x128xf32, #tpu.memory_space<vmem>>, vector<1x16xf32>,
        %swap3A_1592 = vector.shape_cast %swap3A_1591 : vector<1x16xf32> to vector<16xf32>
        %swap3A_1593 = vector.shape_cast %mul3A_1588 : vector<16xf32> to vector<1x16xf32>
        tpu.vector_store %arg9[%swap3A_1589, %swap3A_1590], %swap3A_1593 {strides = array<i32>} : memref<128x128xf32, #tpu.memory_space<vmem>>, vector<1x16xf32>,
        %get3A_1594 = arith.index_cast %add3A_1563 : i32 to index
        %get3A_1595 = arith.constant 48 : index
        %get3A_1596 = tpu.vector_load %arg9[%get3A_1594, %get3A_1595] {strides = array<i32>} : memref<128x128xf32, #tpu.memory_space<vmem>>, vector<1x16xf32>,
        %get3A_1597 = vector.shape_cast %get3A_1596 : vector<1x16xf32> to vector<16xf32>
        %mul3A_1598 = arith.mulf %get3A_1597, %gather3A_1557 : vector<16xf32>
        %swap3A_1599 = arith.index_cast %add3A_1563 : i32 to index
        %swap3A_1600 = arith.constant 48 : index
        %swap3A_1601 = tpu.vector_load %arg9[%swap3A_1599, %swap3A_1600] {strides = array<i32>} : memref<128x128xf32, #tpu.memory_space<vmem>>, vector<1x16xf32>,
        %swap3A_1602 = vector.shape_cast %swap3A_1601 : vector<1x16xf32> to vector<16xf32>
        %swap3A_1603 = vector.shape_cast %mul3A_1598 : vector<16xf32> to vector<1x16xf32>
        tpu.vector_store %arg9[%swap3A_1599, %swap3A_1600], %swap3A_1603 {strides = array<i32>} : memref<128x128xf32, #tpu.memory_space<vmem>>, vector<1x16xf32>,
        %get3A_1604 = arith.index_cast %add3A_1563 : i32 to index
        %get3A_1605 = arith.constant 64 : index
        %get3A_1606 = tpu.vector_load %arg9[%get3A_1604, %get3A_1605] {strides = array<i32>} : memref<128x128xf32, #tpu.memory_space<vmem>>, vector<1x16xf32>,
        %get3A_1607 = vector.shape_cast %get3A_1606 : vector<1x16xf32> to vector<16xf32>
        %mul3A_1608 = arith.mulf %get3A_1607, %gather3A_1557 : vector<16xf32>
        %swap3A_1609 = arith.index_cast %add3A_1563 : i32 to index
        %swap3A_1610 = arith.constant 64 : index
        %swap3A_1611 = tpu.vector_load %arg9[%swap3A_1609, %swap3A_1610] {strides = array<i32>} : memref<128x128xf32, #tpu.memory_space<vmem>>, vector<1x16xf32>,
        %swap3A_1612 = vector.shape_cast %swap3A_1611 : vector<1x16xf32> to vector<16xf32>
        %swap3A_1613 = vector.shape_cast %mul3A_1608 : vector<16xf32> to vector<1x16xf32>
        tpu.vector_store %arg9[%swap3A_1609, %swap3A_1610], %swap3A_1613 {strides = array<i32>} : memref<128x128xf32, #tpu.memory_space<vmem>>, vector<1x16xf32>,
        %get3A_1614 = arith.index_cast %add3A_1563 : i32 to index
        %get3A_1615 = arith.constant 80 : index
        %get3A_1616 = tpu.vector_load %arg9[%get3A_1614, %get3A_1615] {strides = array<i32>} : memref<128x128xf32, #tpu.memory_space<vmem>>, vector<1x16xf32>,
        %get3A_1617 = vector.shape_cast %get3A_1616 : vector<1x16xf32> to vector<16xf32>
        %mul3A_1618 = arith.mulf %get3A_1617, %gather3A_1557 : vector<16xf32>
        %swap3A_1619 = arith.index_cast %add3A_1563 : i32 to index
        %swap3A_1620 = arith.constant 80 : index
        %swap3A_1621 = tpu.vector_load %arg9[%swap3A_1619, %swap3A_1620] {strides = array<i32>} : memref<128x128xf32, #tpu.memory_space<vmem>>, vector<1x16xf32>,
        %swap3A_1622 = vector.shape_cast %swap3A_1621 : vector<1x16xf32> to vector<16xf32>
        %swap3A_1623 = vector.shape_cast %mul3A_1618 : vector<16xf32> to vector<1x16xf32>
        tpu.vector_store %arg9[%swap3A_1619, %swap3A_1620], %swap3A_1623 {strides = array<i32>} : memref<128x128xf32, #tpu.memory_space<vmem>>, vector<1x16xf32>,
        %get3A_1624 = arith.index_cast %add3A_1563 : i32 to index
        %get3A_1625 = arith.constant 96 : index
        %get3A_1626 = tpu.vector_load %arg9[%get3A_1624, %get3A_1625] {strides = array<i32>} : memref<128x128xf32, #tpu.memory_space<vmem>>, vector<1x16xf32>,
        %get3A_1627 = vector.shape_cast %get3A_1626 : vector<1x16xf32> to vector<16xf32>
        %mul3A_1628 = arith.mulf %get3A_1627, %gather3A_1557 : vector<16xf32>
        %swap3A_1629 = arith.index_cast %add3A_1563 : i32 to index
        %swap3A_1630 = arith.constant 96 : index
        %swap3A_1631 = tpu.vector_load %arg9[%swap3A_1629, %swap3A_1630] {strides = array<i32>} : memref<128x128xf32, #tpu.memory_space<vmem>>, vector<1x16xf32>,
        %swap3A_1632 = vector.shape_cast %swap3A_1631 : vector<1x16xf32> to vector<16xf32>
        %swap3A_1633 = vector.shape_cast %mul3A_1628 : vector<16xf32> to vector<1x16xf32>
        tpu.vector_store %arg9[%swap3A_1629, %swap3A_1630], %swap3A_1633 {strides = array<i32>} : memref<128x128xf32, #tpu.memory_space<vmem>>, vector<1x16xf32>,
        %get3A_1634 = arith.index_cast %add3A_1563 : i32 to index
        %get3A_1635 = arith.constant 112 : index
        %get3A_1636 = tpu.vector_load %arg9[%get3A_1634, %get3A_1635] {strides = array<i32>} : memref<128x128xf32, #tpu.memory_space<vmem>>, vector<1x16xf32>,
        %get3A_1637 = vector.shape_cast %get3A_1636 : vector<1x16xf32> to vector<16xf32>
        %mul3A_1638 = arith.mulf %get3A_1637, %gather3A_1557 : vector<16xf32>
        %swap3A_1639 = arith.index_cast %add3A_1563 : i32 to index
        %swap3A_1640 = arith.constant 112 : index
        %swap3A_1641 = tpu.vector_load %arg9[%swap3A_1639, %swap3A_1640] {strides = array<i32>} : memref<128x128xf32, #tpu.memory_space<vmem>>, vector<1x16xf32>,
        %swap3A_1642 = vector.shape_cast %swap3A_1641 : vector<1x16xf32> to vector<16xf32>
        %swap3A_1643 = vector.shape_cast %mul3A_1638 : vector<16xf32> to vector<1x16xf32>
        tpu.vector_store %arg9[%swap3A_1639, %swap3A_1640], %swap3A_1643 {strides = array<i32>} : memref<128x128xf32, #tpu.memory_space<vmem>>, vector<1x16xf32>,
        %broadcast_in_dim3A_1644 = arith.constant 14 : i32
        %broadcast_in_dim3A_1645 = vector.broadcast %broadcast_in_dim3A_1644 : i32 to vector<16x1xi32>
        %gather3A_1646 = vector.shape_cast %broadcast_in_dim3A_1645 : vector<16x1xi32> to vector<16xi32>
        %gather3A_1647 = tpu.dynamic_gather %get3A_386[%gather3A_1646] in [0] : vector<16xf32>, vector<16xi32> -> vector<16xf32>
        %mul3A_1648 = arith.constant 16 : i32
        %mul3A_1649 = arith.muli %add3A_379, %mul3A_1648 : i32
        %add3A_1650 = arith.constant 0 : i32
        %add3A_1651 = arith.addi %add3A_1650, %mul3A_1649 : i32
        %add3A_1652 = arith.constant 14 : i32
        %add3A_1653 = arith.addi %add3A_1651, %add3A_1652 : i32
        %get3A_1654 = arith.index_cast %add3A_1653 : i32 to index
        %get3A_1655 = arith.constant 0 : index
        %get3A_1656 = tpu.vector_load %arg9[%get3A_1654, %get3A_1655] {strides = array<i32>} : memref<128x128xf32, #tpu.memory_space<vmem>>, vector<1x16xf32>,
        %get3A_1657 = vector.shape_cast %get3A_1656 : vector<1x16xf32> to vector<16xf32>
        %mul3A_1658 = arith.mulf %get3A_1657, %gather3A_1647 : vector<16xf32>
        %swap3A_1659 = arith.index_cast %add3A_1653 : i32 to index
        %swap3A_1660 = arith.constant 0 : index
        %swap3A_1661 = tpu.vector_load %arg9[%swap3A_1659, %swap3A_1660] {strides = array<i32>} : memref<128x128xf32, #tpu.memory_space<vmem>>, vector<1x16xf32>,
        %swap3A_1662 = vector.shape_cast %swap3A_1661 : vector<1x16xf32> to vector<16xf32>
        %swap3A_1663 = vector.shape_cast %mul3A_1658 : vector<16xf32> to vector<1x16xf32>
        tpu.vector_store %arg9[%swap3A_1659, %swap3A_1660], %swap3A_1663 {strides = array<i32>} : memref<128x128xf32, #tpu.memory_space<vmem>>, vector<1x16xf32>,
        %get3A_1664 = arith.index_cast %add3A_1653 : i32 to index
        %get3A_1665 = arith.constant 16 : index
        %get3A_1666 = tpu.vector_load %arg9[%get3A_1664, %get3A_1665] {strides = array<i32>} : memref<128x128xf32, #tpu.memory_space<vmem>>, vector<1x16xf32>,
        %get3A_1667 = vector.shape_cast %get3A_1666 : vector<1x16xf32> to vector<16xf32>
        %mul3A_1668 = arith.mulf %get3A_1667, %gather3A_1647 : vector<16xf32>
        %swap3A_1669 = arith.index_cast %add3A_1653 : i32 to index
        %swap3A_1670 = arith.constant 16 : index
        %swap3A_1671 = tpu.vector_load %arg9[%swap3A_1669, %swap3A_1670] {strides = array<i32>} : memref<128x128xf32, #tpu.memory_space<vmem>>, vector<1x16xf32>,
        %swap3A_1672 = vector.shape_cast %swap3A_1671 : vector<1x16xf32> to vector<16xf32>
        %swap3A_1673 = vector.shape_cast %mul3A_1668 : vector<16xf32> to vector<1x16xf32>
        tpu.vector_store %arg9[%swap3A_1669, %swap3A_1670], %swap3A_1673 {strides = array<i32>} : memref<128x128xf32, #tpu.memory_space<vmem>>, vector<1x16xf32>,
        %get3A_1674 = arith.index_cast %add3A_1653 : i32 to index
        %get3A_1675 = arith.constant 32 : index
        %get3A_1676 = tpu.vector_load %arg9[%get3A_1674, %get3A_1675] {strides = array<i32>} : memref<128x128xf32, #tpu.memory_space<vmem>>, vector<1x16xf32>,
        %get3A_1677 = vector.shape_cast %get3A_1676 : vector<1x16xf32> to vector<16xf32>
        %mul3A_1678 = arith.mulf %get3A_1677, %gather3A_1647 : vector<16xf32>
        %swap3A_1679 = arith.index_cast %add3A_1653 : i32 to index
        %swap3A_1680 = arith.constant 32 : index
        %swap3A_1681 = tpu.vector_load %arg9[%swap3A_1679, %swap3A_1680] {strides = array<i32>} : memref<128x128xf32, #tpu.memory_space<vmem>>, vector<1x16xf32>,
        %swap3A_1682 = vector.shape_cast %swap3A_1681 : vector<1x16xf32> to vector<16xf32>
        %swap3A_1683 = vector.shape_cast %mul3A_1678 : vector<16xf32> to vector<1x16xf32>
        tpu.vector_store %arg9[%swap3A_1679, %swap3A_1680], %swap3A_1683 {strides = array<i32>} : memref<128x128xf32, #tpu.memory_space<vmem>>, vector<1x16xf32>,
        %get3A_1684 = arith.index_cast %add3A_1653 : i32 to index
        %get3A_1685 = arith.constant 48 : index
        %get3A_1686 = tpu.vector_load %arg9[%get3A_1684, %get3A_1685] {strides = array<i32>} : memref<128x128xf32, #tpu.memory_space<vmem>>, vector<1x16xf32>,
        %get3A_1687 = vector.shape_cast %get3A_1686 : vector<1x16xf32> to vector<16xf32>
        %mul3A_1688 = arith.mulf %get3A_1687, %gather3A_1647 : vector<16xf32>
        %swap3A_1689 = arith.index_cast %add3A_1653 : i32 to index
        %swap3A_1690 = arith.constant 48 : index
        %swap3A_1691 = tpu.vector_load %arg9[%swap3A_1689, %swap3A_1690] {strides = array<i32>} : memref<128x128xf32, #tpu.memory_space<vmem>>, vector<1x16xf32>,
        %swap3A_1692 = vector.shape_cast %swap3A_1691 : vector<1x16xf32> to vector<16xf32>
        %swap3A_1693 = vector.shape_cast %mul3A_1688 : vector<16xf32> to vector<1x16xf32>
        tpu.vector_store %arg9[%swap3A_1689, %swap3A_1690], %swap3A_1693 {strides = array<i32>} : memref<128x128xf32, #tpu.memory_space<vmem>>, vector<1x16xf32>,
        %get3A_1694 = arith.index_cast %add3A_1653 : i32 to index
        %get3A_1695 = arith.constant 64 : index
        %get3A_1696 = tpu.vector_load %arg9[%get3A_1694, %get3A_1695] {strides = array<i32>} : memref<128x128xf32, #tpu.memory_space<vmem>>, vector<1x16xf32>,
        %get3A_1697 = vector.shape_cast %get3A_1696 : vector<1x16xf32> to vector<16xf32>
        %mul3A_1698 = arith.mulf %get3A_1697, %gather3A_1647 : vector<16xf32>
        %swap3A_1699 = arith.index_cast %add3A_1653 : i32 to index
        %swap3A_1700 = arith.constant 64 : index
        %swap3A_1701 = tpu.vector_load %arg9[%swap3A_1699, %swap3A_1700] {strides = array<i32>} : memref<128x128xf32, #tpu.memory_space<vmem>>, vector<1x16xf32>,
        %swap3A_1702 = vector.shape_cast %swap3A_1701 : vector<1x16xf32> to vector<16xf32>
        %swap3A_1703 = vector.shape_cast %mul3A_1698 : vector<16xf32> to vector<1x16xf32>
        tpu.vector_store %arg9[%swap3A_1699, %swap3A_1700], %swap3A_1703 {strides = array<i32>} : memref<128x128xf32, #tpu.memory_space<vmem>>, vector<1x16xf32>,
        %get3A_1704 = arith.index_cast %add3A_1653 : i32 to index
        %get3A_1705 = arith.constant 80 : index
        %get3A_1706 = tpu.vector_load %arg9[%get3A_1704, %get3A_1705] {strides = array<i32>} : memref<128x128xf32, #tpu.memory_space<vmem>>, vector<1x16xf32>,
        %get3A_1707 = vector.shape_cast %get3A_1706 : vector<1x16xf32> to vector<16xf32>
        %mul3A_1708 = arith.mulf %get3A_1707, %gather3A_1647 : vector<16xf32>
        %swap3A_1709 = arith.index_cast %add3A_1653 : i32 to index
        %swap3A_1710 = arith.constant 80 : index
        %swap3A_1711 = tpu.vector_load %arg9[%swap3A_1709, %swap3A_1710] {strides = array<i32>} : memref<128x128xf32, #tpu.memory_space<vmem>>, vector<1x16xf32>,
        %swap3A_1712 = vector.shape_cast %swap3A_1711 : vector<1x16xf32> to vector<16xf32>
        %swap3A_1713 = vector.shape_cast %mul3A_1708 : vector<16xf32> to vector<1x16xf32>
        tpu.vector_store %arg9[%swap3A_1709, %swap3A_1710], %swap3A_1713 {strides = array<i32>} : memref<128x128xf32, #tpu.memory_space<vmem>>, vector<1x16xf32>,
        %get3A_1714 = arith.index_cast %add3A_1653 : i32 to index
        %get3A_1715 = arith.constant 96 : index
        %get3A_1716 = tpu.vector_load %arg9[%get3A_1714, %get3A_1715] {strides = array<i32>} : memref<128x128xf32, #tpu.memory_space<vmem>>, vector<1x16xf32>,
        %get3A_1717 = vector.shape_cast %get3A_1716 : vector<1x16xf32> to vector<16xf32>
        %mul3A_1718 = arith.mulf %get3A_1717, %gather3A_1647 : vector<16xf32>
        %swap3A_1719 = arith.index_cast %add3A_1653 : i32 to index
        %swap3A_1720 = arith.constant 96 : index
        %swap3A_1721 = tpu.vector_load %arg9[%swap3A_1719, %swap3A_1720] {strides = array<i32>} : memref<128x128xf32, #tpu.memory_space<vmem>>, vector<1x16xf32>,
        %swap3A_1722 = vector.shape_cast %swap3A_1721 : vector<1x16xf32> to vector<16xf32>
        %swap3A_1723 = vector.shape_cast %mul3A_1718 : vector<16xf32> to vector<1x16xf32>
        tpu.vector_store %arg9[%swap3A_1719, %swap3A_1720], %swap3A_1723 {strides = array<i32>} : memref<128x128xf32, #tpu.memory_space<vmem>>, vector<1x16xf32>,
        %get3A_1724 = arith.index_cast %add3A_1653 : i32 to index
        %get3A_1725 = arith.constant 112 : index
        %get3A_1726 = tpu.vector_load %arg9[%get3A_1724, %get3A_1725] {strides = array<i32>} : memref<128x128xf32, #tpu.memory_space<vmem>>, vector<1x16xf32>,
        %get3A_1727 = vector.shape_cast %get3A_1726 : vector<1x16xf32> to vector<16xf32>
        %mul3A_1728 = arith.mulf %get3A_1727, %gather3A_1647 : vector<16xf32>
        %swap3A_1729 = arith.index_cast %add3A_1653 : i32 to index
        %swap3A_1730 = arith.constant 112 : index
        %swap3A_1731 = tpu.vector_load %arg9[%swap3A_1729, %swap3A_1730] {strides = array<i32>} : memref<128x128xf32, #tpu.memory_space<vmem>>, vector<1x16xf32>,
        %swap3A_1732 = vector.shape_cast %swap3A_1731 : vector<1x16xf32> to vector<16xf32>
        %swap3A_1733 = vector.shape_cast %mul3A_1728 : vector<16xf32> to vector<1x16xf32>
        tpu.vector_store %arg9[%swap3A_1729, %swap3A_1730], %swap3A_1733 {strides = array<i32>} : memref<128x128xf32, #tpu.memory_space<vmem>>, vector<1x16xf32>,
        %broadcast_in_dim3A_1734 = arith.constant 15 : i32
        %broadcast_in_dim3A_1735 = vector.broadcast %broadcast_in_dim3A_1734 : i32 to vector<16x1xi32>
        %gather3A_1736 = vector.shape_cast %broadcast_in_dim3A_1735 : vector<16x1xi32> to vector<16xi32>
        %gather3A_1737 = tpu.dynamic_gather %get3A_386[%gather3A_1736] in [0] : vector<16xf32>, vector<16xi32> -> vector<16xf32>
        %mul3A_1738 = arith.constant 16 : i32
        %mul3A_1739 = arith.muli %add3A_379, %mul3A_1738 : i32
        %add3A_1740 = arith.constant 0 : i32
        %add3A_1741 = arith.addi %add3A_1740, %mul3A_1739 : i32
        %add3A_1742 = arith.constant 15 : i32
        %add3A_1743 = arith.addi %add3A_1741, %add3A_1742 : i32
        %get3A_1744 = arith.index_cast %add3A_1743 : i32 to index
        %get3A_1745 = arith.constant 0 : index
        %get3A_1746 = tpu.vector_load %arg9[%get3A_1744, %get3A_1745] {strides = array<i32>} : memref<128x128xf32, #tpu.memory_space<vmem>>, vector<1x16xf32>,
        %get3A_1747 = vector.shape_cast %get3A_1746 : vector<1x16xf32> to vector<16xf32>
        %mul3A_1748 = arith.mulf %get3A_1747, %gather3A_1737 : vector<16xf32>
        %swap3A_1749 = arith.index_cast %add3A_1743 : i32 to index
        %swap3A_1750 = arith.constant 0 : index
        %swap3A_1751 = tpu.vector_load %arg9[%swap3A_1749, %swap3A_1750] {strides = array<i32>} : memref<128x128xf32, #tpu.memory_space<vmem>>, vector<1x16xf32>,
        %swap3A_1752 = vector.shape_cast %swap3A_1751 : vector<1x16xf32> to vector<16xf32>
        %swap3A_1753 = vector.shape_cast %mul3A_1748 : vector<16xf32> to vector<1x16xf32>
        tpu.vector_store %arg9[%swap3A_1749, %swap3A_1750], %swap3A_1753 {strides = array<i32>} : memref<128x128xf32, #tpu.memory_space<vmem>>, vector<1x16xf32>,
        %get3A_1754 = arith.index_cast %add3A_1743 : i32 to index
        %get3A_1755 = arith.constant 16 : index
        %get3A_1756 = tpu.vector_load %arg9[%get3A_1754, %get3A_1755] {strides = array<i32>} : memref<128x128xf32, #tpu.memory_space<vmem>>, vector<1x16xf32>,
        %get3A_1757 = vector.shape_cast %get3A_1756 : vector<1x16xf32> to vector<16xf32>
        %mul3A_1758 = arith.mulf %get3A_1757, %gather3A_1737 : vector<16xf32>
        %swap3A_1759 = arith.index_cast %add3A_1743 : i32 to index
        %swap3A_1760 = arith.constant 16 : index
        %swap3A_1761 = tpu.vector_load %arg9[%swap3A_1759, %swap3A_1760] {strides = array<i32>} : memref<128x128xf32, #tpu.memory_space<vmem>>, vector<1x16xf32>,
        %swap3A_1762 = vector.shape_cast %swap3A_1761 : vector<1x16xf32> to vector<16xf32>
        %swap3A_1763 = vector.shape_cast %mul3A_1758 : vector<16xf32> to vector<1x16xf32>
        tpu.vector_store %arg9[%swap3A_1759, %swap3A_1760], %swap3A_1763 {strides = array<i32>} : memref<128x128xf32, #tpu.memory_space<vmem>>, vector<1x16xf32>,
        %get3A_1764 = arith.index_cast %add3A_1743 : i32 to index
        %get3A_1765 = arith.constant 32 : index
        %get3A_1766 = tpu.vector_load %arg9[%get3A_1764, %get3A_1765] {strides = array<i32>} : memref<128x128xf32, #tpu.memory_space<vmem>>, vector<1x16xf32>,
        %get3A_1767 = vector.shape_cast %get3A_1766 : vector<1x16xf32> to vector<16xf32>
        %mul3A_1768 = arith.mulf %get3A_1767, %gather3A_1737 : vector<16xf32>
        %swap3A_1769 = arith.index_cast %add3A_1743 : i32 to index
        %swap3A_1770 = arith.constant 32 : index
        %swap3A_1771 = tpu.vector_load %arg9[%swap3A_1769, %swap3A_1770] {strides = array<i32>} : memref<128x128xf32, #tpu.memory_space<vmem>>, vector<1x16xf32>,
        %swap3A_1772 = vector.shape_cast %swap3A_1771 : vector<1x16xf32> to vector<16xf32>
        %swap3A_1773 = vector.shape_cast %mul3A_1768 : vector<16xf32> to vector<1x16xf32>
        tpu.vector_store %arg9[%swap3A_1769, %swap3A_1770], %swap3A_1773 {strides = array<i32>} : memref<128x128xf32, #tpu.memory_space<vmem>>, vector<1x16xf32>,
        %get3A_1774 = arith.index_cast %add3A_1743 : i32 to index
        %get3A_1775 = arith.constant 48 : index
        %get3A_1776 = tpu.vector_load %arg9[%get3A_1774, %get3A_1775] {strides = array<i32>} : memref<128x128xf32, #tpu.memory_space<vmem>>, vector<1x16xf32>,
        %get3A_1777 = vector.shape_cast %get3A_1776 : vector<1x16xf32> to vector<16xf32>
        %mul3A_1778 = arith.mulf %get3A_1777, %gather3A_1737 : vector<16xf32>
        %swap3A_1779 = arith.index_cast %add3A_1743 : i32 to index
        %swap3A_1780 = arith.constant 48 : index
        %swap3A_1781 = tpu.vector_load %arg9[%swap3A_1779, %swap3A_1780] {strides = array<i32>} : memref<128x128xf32, #tpu.memory_space<vmem>>, vector<1x16xf32>,
        %swap3A_1782 = vector.shape_cast %swap3A_1781 : vector<1x16xf32> to vector<16xf32>
        %swap3A_1783 = vector.shape_cast %mul3A_1778 : vector<16xf32> to vector<1x16xf32>
        tpu.vector_store %arg9[%swap3A_1779, %swap3A_1780], %swap3A_1783 {strides = array<i32>} : memref<128x128xf32, #tpu.memory_space<vmem>>, vector<1x16xf32>,
        %get3A_1784 = arith.index_cast %add3A_1743 : i32 to index
        %get3A_1785 = arith.constant 64 : index
        %get3A_1786 = tpu.vector_load %arg9[%get3A_1784, %get3A_1785] {strides = array<i32>} : memref<128x128xf32, #tpu.memory_space<vmem>>, vector<1x16xf32>,
        %get3A_1787 = vector.shape_cast %get3A_1786 : vector<1x16xf32> to vector<16xf32>
        %mul3A_1788 = arith.mulf %get3A_1787, %gather3A_1737 : vector<16xf32>
        %swap3A_1789 = arith.index_cast %add3A_1743 : i32 to index
        %swap3A_1790 = arith.constant 64 : index
        %swap3A_1791 = tpu.vector_load %arg9[%swap3A_1789, %swap3A_1790] {strides = array<i32>} : memref<128x128xf32, #tpu.memory_space<vmem>>, vector<1x16xf32>,
        %swap3A_1792 = vector.shape_cast %swap3A_1791 : vector<1x16xf32> to vector<16xf32>
        %swap3A_1793 = vector.shape_cast %mul3A_1788 : vector<16xf32> to vector<1x16xf32>
        tpu.vector_store %arg9[%swap3A_1789, %swap3A_1790], %swap3A_1793 {strides = array<i32>} : memref<128x128xf32, #tpu.memory_space<vmem>>, vector<1x16xf32>,
        %get3A_1794 = arith.index_cast %add3A_1743 : i32 to index
        %get3A_1795 = arith.constant 80 : index
        %get3A_1796 = tpu.vector_load %arg9[%get3A_1794, %get3A_1795] {strides = array<i32>} : memref<128x128xf32, #tpu.memory_space<vmem>>, vector<1x16xf32>,
        %get3A_1797 = vector.shape_cast %get3A_1796 : vector<1x16xf32> to vector<16xf32>
        %mul3A_1798 = arith.mulf %get3A_1797, %gather3A_1737 : vector<16xf32>
        %swap3A_1799 = arith.index_cast %add3A_1743 : i32 to index
        %swap3A_1800 = arith.constant 80 : index
        %swap3A_1801 = tpu.vector_load %arg9[%swap3A_1799, %swap3A_1800] {strides = array<i32>} : memref<128x128xf32, #tpu.memory_space<vmem>>, vector<1x16xf32>,
        %swap3A_1802 = vector.shape_cast %swap3A_1801 : vector<1x16xf32> to vector<16xf32>
        %swap3A_1803 = vector.shape_cast %mul3A_1798 : vector<16xf32> to vector<1x16xf32>
        tpu.vector_store %arg9[%swap3A_1799, %swap3A_1800], %swap3A_1803 {strides = array<i32>} : memref<128x128xf32, #tpu.memory_space<vmem>>, vector<1x16xf32>,
        %get3A_1804 = arith.index_cast %add3A_1743 : i32 to index
        %get3A_1805 = arith.constant 96 : index
        %get3A_1806 = tpu.vector_load %arg9[%get3A_1804, %get3A_1805] {strides = array<i32>} : memref<128x128xf32, #tpu.memory_space<vmem>>, vector<1x16xf32>,
        %get3A_1807 = vector.shape_cast %get3A_1806 : vector<1x16xf32> to vector<16xf32>
        %mul3A_1808 = arith.mulf %get3A_1807, %gather3A_1737 : vector<16xf32>
        %swap3A_1809 = arith.index_cast %add3A_1743 : i32 to index
        %swap3A_1810 = arith.constant 96 : index
        %swap3A_1811 = tpu.vector_load %arg9[%swap3A_1809, %swap3A_1810] {strides = array<i32>} : memref<128x128xf32, #tpu.memory_space<vmem>>, vector<1x16xf32>,
        %swap3A_1812 = vector.shape_cast %swap3A_1811 : vector<1x16xf32> to vector<16xf32>
        %swap3A_1813 = vector.shape_cast %mul3A_1808 : vector<16xf32> to vector<1x16xf32>
        tpu.vector_store %arg9[%swap3A_1809, %swap3A_1810], %swap3A_1813 {strides = array<i32>} : memref<128x128xf32, #tpu.memory_space<vmem>>, vector<1x16xf32>,
        %get3A_1814 = arith.index_cast %add3A_1743 : i32 to index
        %get3A_1815 = arith.constant 112 : index
        %get3A_1816 = tpu.vector_load %arg9[%get3A_1814, %get3A_1815] {strides = array<i32>} : memref<128x128xf32, #tpu.memory_space<vmem>>, vector<1x16xf32>,
        %get3A_1817 = vector.shape_cast %get3A_1816 : vector<1x16xf32> to vector<16xf32>
        %mul3A_1818 = arith.mulf %get3A_1817, %gather3A_1737 : vector<16xf32>
        %swap3A_1819 = arith.index_cast %add3A_1743 : i32 to index
        %swap3A_1820 = arith.constant 112 : index
        %swap3A_1821 = tpu.vector_load %arg9[%swap3A_1819, %swap3A_1820] {strides = array<i32>} : memref<128x128xf32, #tpu.memory_space<vmem>>, vector<1x16xf32>,
        %swap3A_1822 = vector.shape_cast %swap3A_1821 : vector<1x16xf32> to vector<16xf32>
        %swap3A_1823 = vector.shape_cast %mul3A_1818 : vector<16xf32> to vector<1x16xf32>
        tpu.vector_store %arg9[%swap3A_1819, %swap3A_1820], %swap3A_1823 {strides = array<i32>} : memref<128x128xf32, #tpu.memory_space<vmem>>, vector<1x16xf32>,
      }
      %scan3A_160 = arith.constant 4 : i32
      %jit3A_161 = arith.constant 2 : i32
      %div3A_162 = arith.divsi %mul3A_58, %jit3A_161 : i32
      %sign3A_163 = arith.constant 0 : i32
      %sign3A_164 = arith.cmpi sgt, %mul3A_58, %sign3A_163 : i32
      %sign3A_165 = arith.extui %sign3A_164 : i1 to i32
      %sign3A_166 = arith.constant 0 : i32
      %sign3A_167 = arith.cmpi slt, %mul3A_58, %sign3A_166 : i32
      %sign3A_168 = arith.extui %sign3A_167 : i1 to i32
      %sign3A_169 = arith.subi %sign3A_165, %sign3A_168 : i32
      %sign3A_170 = arith.constant 0 : i32
      %sign3A_171 = arith.cmpi sgt, %jit3A_161, %sign3A_170 : i32
      %sign3A_172 = arith.extui %sign3A_171 : i1 to i32
      %sign3A_173 = arith.constant 0 : i32
      %sign3A_174 = arith.cmpi slt, %jit3A_161, %sign3A_173 : i32
      %sign3A_175 = arith.extui %sign3A_174 : i1 to i32
      %sign3A_176 = arith.subi %sign3A_172, %sign3A_175 : i32
      %ne3A_177 = arith.cmpi ne, %sign3A_169, %sign3A_176 : i32
      %rem3A_178 = arith.remsi %mul3A_58, %jit3A_161 : i32
      %ne3A_179 = arith.constant 0 : i32
      %ne3A_180 = arith.cmpi ne, %rem3A_178, %ne3A_179 : i32
      %and3A_181 = arith.andi %ne3A_177, %ne3A_180 : i1
      %sub3A_182 = arith.constant 1 : i32
      %sub3A_183 = arith.subi %div3A_162, %sub3A_182 : i32
      %select_n3A_184 = arith.select %and3A_181, %sub3A_183, %div3A_162 : i32
      %jit3A_185 = arith.constant 2 : i32
      %eq3A_186 = arith.constant 0 : i32
      %eq3A_187 = arith.cmpi eq, %jit3A_185, %eq3A_186 : i32
      %jit3A_188 = arith.constant 1 : i32
      %select_n3A_189 = arith.select %eq3A_187, %jit3A_188, %jit3A_185 : i32
      %rem3A_190 = arith.remsi %mul3A_58, %select_n3A_189 : i32
      %ne3A_191 = arith.constant 0 : i32
      %ne3A_192 = arith.cmpi ne, %rem3A_190, %ne3A_191 : i32
      %lt3A_193 = arith.constant 0 : i32
      %lt3A_194 = arith.cmpi slt, %rem3A_190, %lt3A_193 : i32
      %lt3A_195 = arith.constant 0 : i32
      %lt3A_196 = arith.cmpi slt, %select_n3A_189, %lt3A_195 : i32
      %ne3A_197 = arith.xori %lt3A_194, %lt3A_196 : i1
      %and3A_198 = arith.andi %ne3A_197, %ne3A_192 : i1
      %add3A_199 = arith.addi %rem3A_190, %select_n3A_189 : i32
      %select_n3A_200 = arith.select %and3A_198, %add3A_199, %rem3A_190 : i32
      %mul3A_201 = arith.constant 64 : i32
      %mul3A_202 = arith.muli %select_n3A_200, %mul3A_201 : i32
      %dma_start3A_203 = arith.constant 0 : i32
      %dma_start3A_204 = arith.constant 0 : i32
      %dma_start3A_205 = tpu.memref_slice %arg9[%dma_start3A_203, %dma_start3A_204] : memref<128x128xf32, #tpu.memory_space<vmem>> -> memref<64x128xf32, #tpu.memory_space<vmem>>
      %dma_start3A_206 = tpu.memref_slice %arg8[%select_n3A_184, %mul3A_202] : memref<79x128xi32, #tpu.memory_space<vmem>> -> memref<1x64xi32, #tpu.memory_space<vmem>>
      %dma_start3A_207 = tpu.memref_squeeze %dma_start3A_206 : memref<1x64xi32, #tpu.memory_space<vmem>> -> memref<64xi32, #tpu.memory_space<vmem>>
      %dma_start3A_208 = arith.constant 0 : i32
      %dma_start3A_209 = arith.constant 0 : i32
      %dma_start3A_210 = tpu.memref_slice %arg11[%dma_start3A_208, %dma_start3A_209] : memref<10000x128xf32, #tpu.memory_space<vmem_shared>> -> memref<10000x128xf32, #tpu.memory_space<vmem_shared>>
      tpu.enqueue_indirect_dma source(%dma_start3A_205 : memref<64x128xf32, #tpu.memory_space<vmem>>) target(%dma_start3A_210 : memref<10000x128xf32, #tpu.memory_space<vmem_shared>>) offsets(%dma_start3A_207 : memref<64xi32, #tpu.memory_space<vmem>>) semaphore(%arg14 : memref<!tpu.dma_semaphore, #tpu.memory_space<semaphore_mem>>) {add = true}
      %add3A_211 = arith.constant 1 : i32
      %add3A_212 = arith.addi %mul3A_58, %add3A_211 : i32
      %jit3A_213 = arith.constant 2 : i32
      %div3A_214 = arith.divsi %add3A_212, %jit3A_213 : i32
      %sign3A_215 = arith.constant 0 : i32
      %sign3A_216 = arith.cmpi sgt, %add3A_212, %sign3A_215 : i32
      %sign3A_217 = arith.extui %sign3A_216 : i1 to i32
      %sign3A_218 = arith.constant 0 : i32
      %sign3A_219 = arith.cmpi slt, %add3A_212, %sign3A_218 : i32
      %sign3A_220 = arith.extui %sign3A_219 : i1 to i32
      %sign3A_221 = arith.subi %sign3A_217, %sign3A_220 : i32
      %sign3A_222 = arith.constant 0 : i32
      %sign3A_223 = arith.cmpi sgt, %jit3A_213, %sign3A_222 : i32
      %sign3A_224 = arith.extui %sign3A_223 : i1 to i32
      %sign3A_225 = arith.constant 0 : i32
      %sign3A_226 = arith.cmpi slt, %jit3A_213, %sign3A_225 : i32
      %sign3A_227 = arith.extui %sign3A_226 : i1 to i32
      %sign3A_228 = arith.subi %sign3A_224, %sign3A_227 : i32
      %ne3A_229 = arith.cmpi ne, %sign3A_221, %sign3A_228 : i32
      %rem3A_230 = arith.remsi %add3A_212, %jit3A_213 : i32
      %ne3A_231 = arith.constant 0 : i32
      %ne3A_232 = arith.cmpi ne, %rem3A_230, %ne3A_231 : i32
      %and3A_233 = arith.andi %ne3A_229, %ne3A_232 : i1
      %sub3A_234 = arith.constant 1 : i32
      %sub3A_235 = arith.subi %div3A_214, %sub3A_234 : i32
      %select_n3A_236 = arith.select %and3A_233, %sub3A_235, %div3A_214 : i32
      %jit3A_237 = arith.constant 2 : i32
      %eq3A_238 = arith.constant 0 : i32
      %eq3A_239 = arith.cmpi eq, %jit3A_237, %eq3A_238 : i32
      %jit3A_240 = arith.constant 1 : i32
      %select_n3A_241 = arith.select %eq3A_239, %jit3A_240, %jit3A_237 : i32
      %rem3A_242 = arith.remsi %add3A_212, %select_n3A_241 : i32
      %ne3A_243 = arith.constant 0 : i32
      %ne3A_244 = arith.cmpi ne, %rem3A_242, %ne3A_243 : i32
      %lt3A_245 = arith.constant 0 : i32
      %lt3A_246 = arith.cmpi slt, %rem3A_242, %lt3A_245 : i32
      %lt3A_247 = arith.constant 0 : i32
      %lt3A_248 = arith.cmpi slt, %select_n3A_241, %lt3A_247 : i32
      %ne3A_249 = arith.xori %lt3A_246, %lt3A_248 : i1
      %and3A_250 = arith.andi %ne3A_249, %ne3A_244 : i1
      %add3A_251 = arith.addi %rem3A_242, %select_n3A_241 : i32
      %select_n3A_252 = arith.select %and3A_250, %add3A_251, %rem3A_242 : i32
      %mul3A_253 = arith.constant 64 : i32
      %mul3A_254 = arith.muli %select_n3A_252, %mul3A_253 : i32
      %dma_wait3A_255 = arith.constant 64 : i32
      %dma_wait3A_256 = arith.constant 0 : i32
      %dma_wait3A_257 = tpu.memref_slice %arg9[%dma_wait3A_255, %dma_wait3A_256] : memref<128x128xf32, #tpu.memory_space<vmem>> -> memref<64x128xf32, #tpu.memory_space<vmem>>
      %dma_wait3A_258 = tpu.memref_slice %arg7[%select_n3A_236, %mul3A_254] : memref<79x128xi32, #tpu.memory_space<vmem>> -> memref<1x64xi32, #tpu.memory_space<vmem>>
      %dma_wait3A_259 = tpu.memref_squeeze %dma_wait3A_258 : memref<1x64xi32, #tpu.memory_space<vmem>> -> memref<64xi32, #tpu.memory_space<vmem>>
      %dma_wait3A_260 = arith.constant 0 : i32
      %dma_wait3A_261 = arith.constant 0 : i32
      %dma_wait3A_262 = tpu.memref_slice %arg2[%dma_wait3A_260, %dma_wait3A_261] : memref<20000x128xf32, #tpu.memory_space<hbm>> -> memref<20000x128xf32, #tpu.memory_space<hbm>>
      tpu.wait_indirect_dma semaphore(%arg13 : memref<!tpu.dma_semaphore, #tpu.memory_space<semaphore_mem>>) src(%dma_wait3A_262 : memref<20000x128xf32, #tpu.memory_space<hbm>>) dst(%dma_wait3A_257 : memref<64x128xf32, #tpu.memory_space<vmem>>)
      %jit3A_263 = arith.constant 2 : i32
      %div3A_264 = arith.divsi %mul3A_58, %jit3A_263 : i32
      %sign3A_265 = arith.constant 0 : i32
      %sign3A_266 = arith.cmpi sgt, %mul3A_58, %sign3A_265 : i32
      %sign3A_267 = arith.extui %sign3A_266 : i1 to i32
      %sign3A_268 = arith.constant 0 : i32
      %sign3A_269 = arith.cmpi slt, %mul3A_58, %sign3A_268 : i32
      %sign3A_270 = arith.extui %sign3A_269 : i1 to i32
      %sign3A_271 = arith.subi %sign3A_267, %sign3A_270 : i32
      %sign3A_272 = arith.constant 0 : i32
      %sign3A_273 = arith.cmpi sgt, %jit3A_263, %sign3A_272 : i32
      %sign3A_274 = arith.extui %sign3A_273 : i1 to i32
      %sign3A_275 = arith.constant 0 : i32
      %sign3A_276 = arith.cmpi slt, %jit3A_263, %sign3A_275 : i32
      %sign3A_277 = arith.extui %sign3A_276 : i1 to i32
      %sign3A_278 = arith.subi %sign3A_274, %sign3A_277 : i32
      %ne3A_279 = arith.cmpi ne, %sign3A_271, %sign3A_278 : i32
      %rem3A_280 = arith.remsi %mul3A_58, %jit3A_263 : i32
      %ne3A_281 = arith.constant 0 : i32
      %ne3A_282 = arith.cmpi ne, %rem3A_280, %ne3A_281 : i32
      %and3A_283 = arith.andi %ne3A_279, %ne3A_282 : i1
      %sub3A_284 = arith.constant 1 : i32
      %sub3A_285 = arith.subi %div3A_264, %sub3A_284 : i32
      %select_n3A_286 = arith.select %and3A_283, %sub3A_285, %div3A_264 : i32
      %jit3A_287 = arith.constant 2 : i32
      %eq3A_288 = arith.constant 0 : i32
      %eq3A_289 = arith.cmpi eq, %jit3A_287, %eq3A_288 : i32
      %jit3A_290 = arith.constant 1 : i32
      %select_n3A_291 = arith.select %eq3A_289, %jit3A_290, %jit3A_287 : i32
      %rem3A_292 = arith.remsi %mul3A_58, %select_n3A_291 : i32
      %ne3A_293 = arith.constant 0 : i32
      %ne3A_294 = arith.cmpi ne, %rem3A_292, %ne3A_293 : i32
      %lt3A_295 = arith.constant 0 : i32
      %lt3A_296 = arith.cmpi slt, %rem3A_292, %lt3A_295 : i32
      %lt3A_297 = arith.constant 0 : i32
      %lt3A_298 = arith.cmpi slt, %select_n3A_291, %lt3A_297 : i32
      %ne3A_299 = arith.xori %lt3A_296, %lt3A_298 : i1
      %and3A_300 = arith.andi %ne3A_299, %ne3A_294 : i1
      %add3A_301 = arith.addi %rem3A_292, %select_n3A_291 : i32
      %select_n3A_302 = arith.select %and3A_300, %add3A_301, %rem3A_292 : i32
      %mul3A_303 = arith.constant 64 : i32
      %mul3A_304 = arith.muli %select_n3A_302, %mul3A_303 : i32
      %dma_wait3A_305 = arith.constant 0 : i32
      %dma_wait3A_306 = arith.constant 0 : i32
      %dma_wait3A_307 = tpu.memref_slice %arg9[%dma_wait3A_305, %dma_wait3A_306] : memref<128x128xf32, #tpu.memory_space<vmem>> -> memref<64x128xf32, #tpu.memory_space<vmem>>
      %dma_wait3A_308 = tpu.memref_slice %arg8[%select_n3A_286, %mul3A_304] : memref<79x128xi32, #tpu.memory_space<vmem>> -> memref<1x64xi32, #tpu.memory_space<vmem>>
      %dma_wait3A_309 = tpu.memref_squeeze %dma_wait3A_308 : memref<1x64xi32, #tpu.memory_space<vmem>> -> memref<64xi32, #tpu.memory_space<vmem>>
      %dma_wait3A_310 = arith.constant 0 : i32
      %dma_wait3A_311 = arith.constant 0 : i32
      %dma_wait3A_312 = tpu.memref_slice %arg11[%dma_wait3A_310, %dma_wait3A_311] : memref<10000x128xf32, #tpu.memory_space<vmem_shared>> -> memref<10000x128xf32, #tpu.memory_space<vmem_shared>>
      tpu.wait_indirect_dma semaphore(%arg14 : memref<!tpu.dma_semaphore, #tpu.memory_space<semaphore_mem>>) src(%dma_wait3A_307 : memref<64x128xf32, #tpu.memory_space<vmem>>) dst(%dma_wait3A_312 : memref<10000x128xf32, #tpu.memory_space<vmem_shared>>)
      %lt3A_313 = arith.constant 78 : i32
      %lt3A_314 = arith.cmpi slt, %add3A_56, %lt3A_313 : i32
      %convert_element_type3A_315 = arith.extui %lt3A_314 : i1 to i32
      %cond3A_316 = arith.constant 0 : i32
      %cond3A_317 = arith.cmpi ne, %convert_element_type3A_315, %cond3A_316 : i32
      scf.if %cond3A_317 {
        %add3A_375 = arith.constant 2 : i32
        %add3A_376 = arith.addi %mul3A_58, %add3A_375 : i32
        %jit3A_377 = arith.constant 2 : i32
        %div3A_378 = arith.divsi %add3A_376, %jit3A_377 : i32
        %sign3A_379 = arith.constant 0 : i32
        %sign3A_380 = arith.cmpi sgt, %add3A_376, %sign3A_379 : i32
        %sign3A_381 = arith.extui %sign3A_380 : i1 to i32
        %sign3A_382 = arith.constant 0 : i32
        %sign3A_383 = arith.cmpi slt, %add3A_376, %sign3A_382 : i32
        %sign3A_384 = arith.extui %sign3A_383 : i1 to i32
        %sign3A_385 = arith.subi %sign3A_381, %sign3A_384 : i32
        %sign3A_386 = arith.constant 0 : i32
        %sign3A_387 = arith.cmpi sgt, %jit3A_377, %sign3A_386 : i32
        %sign3A_388 = arith.extui %sign3A_387 : i1 to i32
        %sign3A_389 = arith.constant 0 : i32
        %sign3A_390 = arith.cmpi slt, %jit3A_377, %sign3A_389 : i32
        %sign3A_391 = arith.extui %sign3A_390 : i1 to i32
        %sign3A_392 = arith.subi %sign3A_388, %sign3A_391 : i32
        %ne3A_393 = arith.cmpi ne, %sign3A_385, %sign3A_392 : i32
        %rem3A_394 = arith.remsi %add3A_376, %jit3A_377 : i32
        %ne3A_395 = arith.constant 0 : i32
        %ne3A_396 = arith.cmpi ne, %rem3A_394, %ne3A_395 : i32
        %and3A_397 = arith.andi %ne3A_393, %ne3A_396 : i1
        %sub3A_398 = arith.constant 1 : i32
        %sub3A_399 = arith.subi %div3A_378, %sub3A_398 : i32
        %select_n3A_400 = arith.select %and3A_397, %sub3A_399, %div3A_378 : i32
        %jit3A_401 = arith.constant 2 : i32
        %eq3A_402 = arith.constant 0 : i32
        %eq3A_403 = arith.cmpi eq, %jit3A_401, %eq3A_402 : i32
        %jit3A_404 = arith.constant 1 : i32
        %select_n3A_405 = arith.select %eq3A_403, %jit3A_404, %jit3A_401 : i32
        %rem3A_406 = arith.remsi %add3A_376, %select_n3A_405 : i32
        %ne3A_407 = arith.constant 0 : i32
        %ne3A_408 = arith.cmpi ne, %rem3A_406, %ne3A_407 : i32
        %lt3A_409 = arith.constant 0 : i32
        %lt3A_410 = arith.cmpi slt, %rem3A_406, %lt3A_409 : i32
        %lt3A_411 = arith.constant 0 : i32
        %lt3A_412 = arith.cmpi slt, %select_n3A_405, %lt3A_411 : i32
        %ne3A_413 = arith.xori %lt3A_410, %lt3A_412 : i1
        %and3A_414 = arith.andi %ne3A_413, %ne3A_408 : i1
        %add3A_415 = arith.addi %rem3A_406, %select_n3A_405 : i32
        %select_n3A_416 = arith.select %and3A_414, %add3A_415, %rem3A_406 : i32
        %mul3A_417 = arith.constant 64 : i32
        %mul3A_418 = arith.muli %select_n3A_416, %mul3A_417 : i32
        %dma_start3A_419 = arith.constant 0 : i32
        %dma_start3A_420 = arith.constant 0 : i32
        %dma_start3A_421 = tpu.memref_slice %arg9[%dma_start3A_419, %dma_start3A_420] : memref<128x128xf32, #tpu.memory_space<vmem>> -> memref<64x128xf32, #tpu.memory_space<vmem>>
        %dma_start3A_422 = tpu.memref_slice %arg7[%select_n3A_400, %mul3A_418] : memref<79x128xi32, #tpu.memory_space<vmem>> -> memref<1x64xi32, #tpu.memory_space<vmem>>
        %dma_start3A_423 = tpu.memref_squeeze %dma_start3A_422 : memref<1x64xi32, #tpu.memory_space<vmem>> -> memref<64xi32, #tpu.memory_space<vmem>>
        %dma_start3A_424 = arith.constant 0 : i32
        %dma_start3A_425 = arith.constant 0 : i32
        %dma_start3A_426 = tpu.memref_slice %arg2[%dma_start3A_424, %dma_start3A_425] : memref<20000x128xf32, #tpu.memory_space<hbm>> -> memref<20000x128xf32, #tpu.memory_space<hbm>>
        tpu.enqueue_indirect_dma source(%dma_start3A_426 : memref<20000x128xf32, #tpu.memory_space<hbm>>) target(%dma_start3A_421 : memref<64x128xf32, #tpu.memory_space<vmem>>) offsets(%dma_start3A_423 : memref<64xi32, #tpu.memory_space<vmem>>) semaphore(%arg12 : memref<!tpu.dma_semaphore, #tpu.memory_space<semaphore_mem>>)
      } else {
      }
      %scan3A_318 = arith.constant 0 : i32
      %scan3A_319 = arith.constant 4 : i32
      %scan3A_320 = arith.addi %scan3A_318, %scan3A_319 : i32
      %scan3A_321 = arith.constant 1 : i32
      scf.for %scan3A_375 = %scan3A_318 to %scan3A_320 step %scan3A_321  : i32 {
        %mul3A_376 = arith.constant 1 : i32
        %mul3A_377 = arith.muli %scan3A_375, %mul3A_376 : i32
        %add3A_378 = arith.constant 0 : i32
        %add3A_379 = arith.addi %add3A_378, %mul3A_377 : i32
        %mul3A_380 = arith.constant 16 : i32
        %mul3A_381 = arith.muli %add3A_379, %mul3A_380 : i32
        %add3A_382 = arith.constant 64 : i32
        %add3A_383 = arith.addi %add3A_382, %mul3A_381 : i32
        %get3A = arith.index_cast %add3A_56 : i32 to index
        %get3A_384 = arith.index_cast %add3A_383 : i32 to index
        %get3A_385 = tpu.vector_load %arg10[%get3A, %get3A_384] {strides = array<i32>} : memref<79x128xf32, #tpu.memory_space<vmem>>, vector<1x16xf32>,
        %get3A_386 = vector.shape_cast %get3A_385 : vector<1x16xf32> to vector<16xf32>
        %broadcast_in_dim3A = arith.constant 0 : i32
        %broadcast_in_dim3A_387 = vector.broadcast %broadcast_in_dim3A : i32 to vector<16x1xi32>
        %gather3A = vector.shape_cast %broadcast_in_dim3A_387 : vector<16x1xi32> to vector<16xi32>
        %gather3A_388 = tpu.dynamic_gather %get3A_386[%gather3A] in [0] : vector<16xf32>, vector<16xi32> -> vector<16xf32>
        %mul3A_389 = arith.constant 16 : i32
        %mul3A_390 = arith.muli %add3A_379, %mul3A_389 : i32
        %add3A_391 = arith.constant 64 : i32
        %add3A_392 = arith.addi %add3A_391, %mul3A_390 : i32
        %add3A_393 = arith.constant 0 : i32
        %add3A_394 = arith.addi %add3A_392, %add3A_393 : i32
        %get3A_395 = arith.index_cast %add3A_394 : i32 to index
        %get3A_396 = arith.constant 0 : index
        %get3A_397 = tpu.vector_load %arg9[%get3A_395, %get3A_396] {strides = array<i32>} : memref<128x128xf32, #tpu.memory_space<vmem>>, vector<1x16xf32>,
        %get3A_398 = vector.shape_cast %get3A_397 : vector<1x16xf32> to vector<16xf32>
        %mul3A_399 = arith.mulf %get3A_398, %gather3A_388 : vector<16xf32>
        %swap3A = arith.index_cast %add3A_394 : i32 to index
        %swap3A_400 = arith.constant 0 : index
        %swap3A_401 = tpu.vector_load %arg9[%swap3A, %swap3A_400] {strides = array<i32>} : memref<128x128xf32, #tpu.memory_space<vmem>>, vector<1x16xf32>,
        %swap3A_402 = vector.shape_cast %swap3A_401 : vector<1x16xf32> to vector<16xf32>
        %swap3A_403 = vector.shape_cast %mul3A_399 : vector<16xf32> to vector<1x16xf32>
        tpu.vector_store %arg9[%swap3A, %swap3A_400], %swap3A_403 {strides = array<i32>} : memref<128x128xf32, #tpu.memory_space<vmem>>, vector<1x16xf32>,
        %get3A_404 = arith.index_cast %add3A_394 : i32 to index
        %get3A_405 = arith.constant 16 : index
        %get3A_406 = tpu.vector_load %arg9[%get3A_404, %get3A_405] {strides = array<i32>} : memref<128x128xf32, #tpu.memory_space<vmem>>, vector<1x16xf32>,
        %get3A_407 = vector.shape_cast %get3A_406 : vector<1x16xf32> to vector<16xf32>
        %mul3A_408 = arith.mulf %get3A_407, %gather3A_388 : vector<16xf32>
        %swap3A_409 = arith.index_cast %add3A_394 : i32 to index
        %swap3A_410 = arith.constant 16 : index
        %swap3A_411 = tpu.vector_load %arg9[%swap3A_409, %swap3A_410] {strides = array<i32>} : memref<128x128xf32, #tpu.memory_space<vmem>>, vector<1x16xf32>,
        %swap3A_412 = vector.shape_cast %swap3A_411 : vector<1x16xf32> to vector<16xf32>
        %swap3A_413 = vector.shape_cast %mul3A_408 : vector<16xf32> to vector<1x16xf32>
        tpu.vector_store %arg9[%swap3A_409, %swap3A_410], %swap3A_413 {strides = array<i32>} : memref<128x128xf32, #tpu.memory_space<vmem>>, vector<1x16xf32>,
        %get3A_414 = arith.index_cast %add3A_394 : i32 to index
        %get3A_415 = arith.constant 32 : index
        %get3A_416 = tpu.vector_load %arg9[%get3A_414, %get3A_415] {strides = array<i32>} : memref<128x128xf32, #tpu.memory_space<vmem>>, vector<1x16xf32>,
        %get3A_417 = vector.shape_cast %get3A_416 : vector<1x16xf32> to vector<16xf32>
        %mul3A_418 = arith.mulf %get3A_417, %gather3A_388 : vector<16xf32>
        %swap3A_419 = arith.index_cast %add3A_394 : i32 to index
        %swap3A_420 = arith.constant 32 : index
        %swap3A_421 = tpu.vector_load %arg9[%swap3A_419, %swap3A_420] {strides = array<i32>} : memref<128x128xf32, #tpu.memory_space<vmem>>, vector<1x16xf32>,
        %swap3A_422 = vector.shape_cast %swap3A_421 : vector<1x16xf32> to vector<16xf32>
        %swap3A_423 = vector.shape_cast %mul3A_418 : vector<16xf32> to vector<1x16xf32>
        tpu.vector_store %arg9[%swap3A_419, %swap3A_420], %swap3A_423 {strides = array<i32>} : memref<128x128xf32, #tpu.memory_space<vmem>>, vector<1x16xf32>,
        %get3A_424 = arith.index_cast %add3A_394 : i32 to index
        %get3A_425 = arith.constant 48 : index
        %get3A_426 = tpu.vector_load %arg9[%get3A_424, %get3A_425] {strides = array<i32>} : memref<128x128xf32, #tpu.memory_space<vmem>>, vector<1x16xf32>,
        %get3A_427 = vector.shape_cast %get3A_426 : vector<1x16xf32> to vector<16xf32>
        %mul3A_428 = arith.mulf %get3A_427, %gather3A_388 : vector<16xf32>
        %swap3A_429 = arith.index_cast %add3A_394 : i32 to index
        %swap3A_430 = arith.constant 48 : index
        %swap3A_431 = tpu.vector_load %arg9[%swap3A_429, %swap3A_430] {strides = array<i32>} : memref<128x128xf32, #tpu.memory_space<vmem>>, vector<1x16xf32>,
        %swap3A_432 = vector.shape_cast %swap3A_431 : vector<1x16xf32> to vector<16xf32>
        %swap3A_433 = vector.shape_cast %mul3A_428 : vector<16xf32> to vector<1x16xf32>
        tpu.vector_store %arg9[%swap3A_429, %swap3A_430], %swap3A_433 {strides = array<i32>} : memref<128x128xf32, #tpu.memory_space<vmem>>, vector<1x16xf32>,
        %get3A_434 = arith.index_cast %add3A_394 : i32 to index
        %get3A_435 = arith.constant 64 : index
        %get3A_436 = tpu.vector_load %arg9[%get3A_434, %get3A_435] {strides = array<i32>} : memref<128x128xf32, #tpu.memory_space<vmem>>, vector<1x16xf32>,
        %get3A_437 = vector.shape_cast %get3A_436 : vector<1x16xf32> to vector<16xf32>
        %mul3A_438 = arith.mulf %get3A_437, %gather3A_388 : vector<16xf32>
        %swap3A_439 = arith.index_cast %add3A_394 : i32 to index
        %swap3A_440 = arith.constant 64 : index
        %swap3A_441 = tpu.vector_load %arg9[%swap3A_439, %swap3A_440] {strides = array<i32>} : memref<128x128xf32, #tpu.memory_space<vmem>>, vector<1x16xf32>,
        %swap3A_442 = vector.shape_cast %swap3A_441 : vector<1x16xf32> to vector<16xf32>
        %swap3A_443 = vector.shape_cast %mul3A_438 : vector<16xf32> to vector<1x16xf32>
        tpu.vector_store %arg9[%swap3A_439, %swap3A_440], %swap3A_443 {strides = array<i32>} : memref<128x128xf32, #tpu.memory_space<vmem>>, vector<1x16xf32>,
        %get3A_444 = arith.index_cast %add3A_394 : i32 to index
        %get3A_445 = arith.constant 80 : index
        %get3A_446 = tpu.vector_load %arg9[%get3A_444, %get3A_445] {strides = array<i32>} : memref<128x128xf32, #tpu.memory_space<vmem>>, vector<1x16xf32>,
        %get3A_447 = vector.shape_cast %get3A_446 : vector<1x16xf32> to vector<16xf32>
        %mul3A_448 = arith.mulf %get3A_447, %gather3A_388 : vector<16xf32>
        %swap3A_449 = arith.index_cast %add3A_394 : i32 to index
        %swap3A_450 = arith.constant 80 : index
        %swap3A_451 = tpu.vector_load %arg9[%swap3A_449, %swap3A_450] {strides = array<i32>} : memref<128x128xf32, #tpu.memory_space<vmem>>, vector<1x16xf32>,
        %swap3A_452 = vector.shape_cast %swap3A_451 : vector<1x16xf32> to vector<16xf32>
        %swap3A_453 = vector.shape_cast %mul3A_448 : vector<16xf32> to vector<1x16xf32>
        tpu.vector_store %arg9[%swap3A_449, %swap3A_450], %swap3A_453 {strides = array<i32>} : memref<128x128xf32, #tpu.memory_space<vmem>>, vector<1x16xf32>,
        %get3A_454 = arith.index_cast %add3A_394 : i32 to index
        %get3A_455 = arith.constant 96 : index
        %get3A_456 = tpu.vector_load %arg9[%get3A_454, %get3A_455] {strides = array<i32>} : memref<128x128xf32, #tpu.memory_space<vmem>>, vector<1x16xf32>,
        %get3A_457 = vector.shape_cast %get3A_456 : vector<1x16xf32> to vector<16xf32>
        %mul3A_458 = arith.mulf %get3A_457, %gather3A_388 : vector<16xf32>
        %swap3A_459 = arith.index_cast %add3A_394 : i32 to index
        %swap3A_460 = arith.constant 96 : index
        %swap3A_461 = tpu.vector_load %arg9[%swap3A_459, %swap3A_460] {strides = array<i32>} : memref<128x128xf32, #tpu.memory_space<vmem>>, vector<1x16xf32>,
        %swap3A_462 = vector.shape_cast %swap3A_461 : vector<1x16xf32> to vector<16xf32>
        %swap3A_463 = vector.shape_cast %mul3A_458 : vector<16xf32> to vector<1x16xf32>
        tpu.vector_store %arg9[%swap3A_459, %swap3A_460], %swap3A_463 {strides = array<i32>} : memref<128x128xf32, #tpu.memory_space<vmem>>, vector<1x16xf32>,
        %get3A_464 = arith.index_cast %add3A_394 : i32 to index
        %get3A_465 = arith.constant 112 : index
        %get3A_466 = tpu.vector_load %arg9[%get3A_464, %get3A_465] {strides = array<i32>} : memref<128x128xf32, #tpu.memory_space<vmem>>, vector<1x16xf32>,
        %get3A_467 = vector.shape_cast %get3A_466 : vector<1x16xf32> to vector<16xf32>
        %mul3A_468 = arith.mulf %get3A_467, %gather3A_388 : vector<16xf32>
        %swap3A_469 = arith.index_cast %add3A_394 : i32 to index
        %swap3A_470 = arith.constant 112 : index
        %swap3A_471 = tpu.vector_load %arg9[%swap3A_469, %swap3A_470] {strides = array<i32>} : memref<128x128xf32, #tpu.memory_space<vmem>>, vector<1x16xf32>,
        %swap3A_472 = vector.shape_cast %swap3A_471 : vector<1x16xf32> to vector<16xf32>
        %swap3A_473 = vector.shape_cast %mul3A_468 : vector<16xf32> to vector<1x16xf32>
        tpu.vector_store %arg9[%swap3A_469, %swap3A_470], %swap3A_473 {strides = array<i32>} : memref<128x128xf32, #tpu.memory_space<vmem>>, vector<1x16xf32>,
        %broadcast_in_dim3A_474 = arith.constant 1 : i32
        %broadcast_in_dim3A_475 = vector.broadcast %broadcast_in_dim3A_474 : i32 to vector<16x1xi32>
        %gather3A_476 = vector.shape_cast %broadcast_in_dim3A_475 : vector<16x1xi32> to vector<16xi32>
        %gather3A_477 = tpu.dynamic_gather %get3A_386[%gather3A_476] in [0] : vector<16xf32>, vector<16xi32> -> vector<16xf32>
        %mul3A_478 = arith.constant 16 : i32
        %mul3A_479 = arith.muli %add3A_379, %mul3A_478 : i32
        %add3A_480 = arith.constant 64 : i32
        %add3A_481 = arith.addi %add3A_480, %mul3A_479 : i32
        %add3A_482 = arith.constant 1 : i32
        %add3A_483 = arith.addi %add3A_481, %add3A_482 : i32
        %get3A_484 = arith.index_cast %add3A_483 : i32 to index
        %get3A_485 = arith.constant 0 : index
        %get3A_486 = tpu.vector_load %arg9[%get3A_484, %get3A_485] {strides = array<i32>} : memref<128x128xf32, #tpu.memory_space<vmem>>, vector<1x16xf32>,
        %get3A_487 = vector.shape_cast %get3A_486 : vector<1x16xf32> to vector<16xf32>
        %mul3A_488 = arith.mulf %get3A_487, %gather3A_477 : vector<16xf32>
        %swap3A_489 = arith.index_cast %add3A_483 : i32 to index
        %swap3A_490 = arith.constant 0 : index
        %swap3A_491 = tpu.vector_load %arg9[%swap3A_489, %swap3A_490] {strides = array<i32>} : memref<128x128xf32, #tpu.memory_space<vmem>>, vector<1x16xf32>,
        %swap3A_492 = vector.shape_cast %swap3A_491 : vector<1x16xf32> to vector<16xf32>
        %swap3A_493 = vector.shape_cast %mul3A_488 : vector<16xf32> to vector<1x16xf32>
        tpu.vector_store %arg9[%swap3A_489, %swap3A_490], %swap3A_493 {strides = array<i32>} : memref<128x128xf32, #tpu.memory_space<vmem>>, vector<1x16xf32>,
        %get3A_494 = arith.index_cast %add3A_483 : i32 to index
        %get3A_495 = arith.constant 16 : index
        %get3A_496 = tpu.vector_load %arg9[%get3A_494, %get3A_495] {strides = array<i32>} : memref<128x128xf32, #tpu.memory_space<vmem>>, vector<1x16xf32>,
        %get3A_497 = vector.shape_cast %get3A_496 : vector<1x16xf32> to vector<16xf32>
        %mul3A_498 = arith.mulf %get3A_497, %gather3A_477 : vector<16xf32>
        %swap3A_499 = arith.index_cast %add3A_483 : i32 to index
        %swap3A_500 = arith.constant 16 : index
        %swap3A_501 = tpu.vector_load %arg9[%swap3A_499, %swap3A_500] {strides = array<i32>} : memref<128x128xf32, #tpu.memory_space<vmem>>, vector<1x16xf32>,
        %swap3A_502 = vector.shape_cast %swap3A_501 : vector<1x16xf32> to vector<16xf32>
        %swap3A_503 = vector.shape_cast %mul3A_498 : vector<16xf32> to vector<1x16xf32>
        tpu.vector_store %arg9[%swap3A_499, %swap3A_500], %swap3A_503 {strides = array<i32>} : memref<128x128xf32, #tpu.memory_space<vmem>>, vector<1x16xf32>,
        %get3A_504 = arith.index_cast %add3A_483 : i32 to index
        %get3A_505 = arith.constant 32 : index
        %get3A_506 = tpu.vector_load %arg9[%get3A_504, %get3A_505] {strides = array<i32>} : memref<128x128xf32, #tpu.memory_space<vmem>>, vector<1x16xf32>,
        %get3A_507 = vector.shape_cast %get3A_506 : vector<1x16xf32> to vector<16xf32>
        %mul3A_508 = arith.mulf %get3A_507, %gather3A_477 : vector<16xf32>
        %swap3A_509 = arith.index_cast %add3A_483 : i32 to index
        %swap3A_510 = arith.constant 32 : index
        %swap3A_511 = tpu.vector_load %arg9[%swap3A_509, %swap3A_510] {strides = array<i32>} : memref<128x128xf32, #tpu.memory_space<vmem>>, vector<1x16xf32>,
        %swap3A_512 = vector.shape_cast %swap3A_511 : vector<1x16xf32> to vector<16xf32>
        %swap3A_513 = vector.shape_cast %mul3A_508 : vector<16xf32> to vector<1x16xf32>
        tpu.vector_store %arg9[%swap3A_509, %swap3A_510], %swap3A_513 {strides = array<i32>} : memref<128x128xf32, #tpu.memory_space<vmem>>, vector<1x16xf32>,
        %get3A_514 = arith.index_cast %add3A_483 : i32 to index
        %get3A_515 = arith.constant 48 : index
        %get3A_516 = tpu.vector_load %arg9[%get3A_514, %get3A_515] {strides = array<i32>} : memref<128x128xf32, #tpu.memory_space<vmem>>, vector<1x16xf32>,
        %get3A_517 = vector.shape_cast %get3A_516 : vector<1x16xf32> to vector<16xf32>
        %mul3A_518 = arith.mulf %get3A_517, %gather3A_477 : vector<16xf32>
        %swap3A_519 = arith.index_cast %add3A_483 : i32 to index
        %swap3A_520 = arith.constant 48 : index
        %swap3A_521 = tpu.vector_load %arg9[%swap3A_519, %swap3A_520] {strides = array<i32>} : memref<128x128xf32, #tpu.memory_space<vmem>>, vector<1x16xf32>,
        %swap3A_522 = vector.shape_cast %swap3A_521 : vector<1x16xf32> to vector<16xf32>
        %swap3A_523 = vector.shape_cast %mul3A_518 : vector<16xf32> to vector<1x16xf32>
        tpu.vector_store %arg9[%swap3A_519, %swap3A_520], %swap3A_523 {strides = array<i32>} : memref<128x128xf32, #tpu.memory_space<vmem>>, vector<1x16xf32>,
        %get3A_524 = arith.index_cast %add3A_483 : i32 to index
        %get3A_525 = arith.constant 64 : index
        %get3A_526 = tpu.vector_load %arg9[%get3A_524, %get3A_525] {strides = array<i32>} : memref<128x128xf32, #tpu.memory_space<vmem>>, vector<1x16xf32>,
        %get3A_527 = vector.shape_cast %get3A_526 : vector<1x16xf32> to vector<16xf32>
        %mul3A_528 = arith.mulf %get3A_527, %gather3A_477 : vector<16xf32>
        %swap3A_529 = arith.index_cast %add3A_483 : i32 to index
        %swap3A_530 = arith.constant 64 : index
        %swap3A_531 = tpu.vector_load %arg9[%swap3A_529, %swap3A_530] {strides = array<i32>} : memref<128x128xf32, #tpu.memory_space<vmem>>, vector<1x16xf32>,
        %swap3A_532 = vector.shape_cast %swap3A_531 : vector<1x16xf32> to vector<16xf32>
        %swap3A_533 = vector.shape_cast %mul3A_528 : vector<16xf32> to vector<1x16xf32>
        tpu.vector_store %arg9[%swap3A_529, %swap3A_530], %swap3A_533 {strides = array<i32>} : memref<128x128xf32, #tpu.memory_space<vmem>>, vector<1x16xf32>,
        %get3A_534 = arith.index_cast %add3A_483 : i32 to index
        %get3A_535 = arith.constant 80 : index
        %get3A_536 = tpu.vector_load %arg9[%get3A_534, %get3A_535] {strides = array<i32>} : memref<128x128xf32, #tpu.memory_space<vmem>>, vector<1x16xf32>,
        %get3A_537 = vector.shape_cast %get3A_536 : vector<1x16xf32> to vector<16xf32>
        %mul3A_538 = arith.mulf %get3A_537, %gather3A_477 : vector<16xf32>
        %swap3A_539 = arith.index_cast %add3A_483 : i32 to index
        %swap3A_540 = arith.constant 80 : index
        %swap3A_541 = tpu.vector_load %arg9[%swap3A_539, %swap3A_540] {strides = array<i32>} : memref<128x128xf32, #tpu.memory_space<vmem>>, vector<1x16xf32>,
        %swap3A_542 = vector.shape_cast %swap3A_541 : vector<1x16xf32> to vector<16xf32>
        %swap3A_543 = vector.shape_cast %mul3A_538 : vector<16xf32> to vector<1x16xf32>
        tpu.vector_store %arg9[%swap3A_539, %swap3A_540], %swap3A_543 {strides = array<i32>} : memref<128x128xf32, #tpu.memory_space<vmem>>, vector<1x16xf32>,
        %get3A_544 = arith.index_cast %add3A_483 : i32 to index
        %get3A_545 = arith.constant 96 : index
        %get3A_546 = tpu.vector_load %arg9[%get3A_544, %get3A_545] {strides = array<i32>} : memref<128x128xf32, #tpu.memory_space<vmem>>, vector<1x16xf32>,
        %get3A_547 = vector.shape_cast %get3A_546 : vector<1x16xf32> to vector<16xf32>
        %mul3A_548 = arith.mulf %get3A_547, %gather3A_477 : vector<16xf32>
        %swap3A_549 = arith.index_cast %add3A_483 : i32 to index
        %swap3A_550 = arith.constant 96 : index
        %swap3A_551 = tpu.vector_load %arg9[%swap3A_549, %swap3A_550] {strides = array<i32>} : memref<128x128xf32, #tpu.memory_space<vmem>>, vector<1x16xf32>,
        %swap3A_552 = vector.shape_cast %swap3A_551 : vector<1x16xf32> to vector<16xf32>
        %swap3A_553 = vector.shape_cast %mul3A_548 : vector<16xf32> to vector<1x16xf32>
        tpu.vector_store %arg9[%swap3A_549, %swap3A_550], %swap3A_553 {strides = array<i32>} : memref<128x128xf32, #tpu.memory_space<vmem>>, vector<1x16xf32>,
        %get3A_554 = arith.index_cast %add3A_483 : i32 to index
        %get3A_555 = arith.constant 112 : index
        %get3A_556 = tpu.vector_load %arg9[%get3A_554, %get3A_555] {strides = array<i32>} : memref<128x128xf32, #tpu.memory_space<vmem>>, vector<1x16xf32>,
        %get3A_557 = vector.shape_cast %get3A_556 : vector<1x16xf32> to vector<16xf32>
        %mul3A_558 = arith.mulf %get3A_557, %gather3A_477 : vector<16xf32>
        %swap3A_559 = arith.index_cast %add3A_483 : i32 to index
        %swap3A_560 = arith.constant 112 : index
        %swap3A_561 = tpu.vector_load %arg9[%swap3A_559, %swap3A_560] {strides = array<i32>} : memref<128x128xf32, #tpu.memory_space<vmem>>, vector<1x16xf32>,
        %swap3A_562 = vector.shape_cast %swap3A_561 : vector<1x16xf32> to vector<16xf32>
        %swap3A_563 = vector.shape_cast %mul3A_558 : vector<16xf32> to vector<1x16xf32>
        tpu.vector_store %arg9[%swap3A_559, %swap3A_560], %swap3A_563 {strides = array<i32>} : memref<128x128xf32, #tpu.memory_space<vmem>>, vector<1x16xf32>,
        %broadcast_in_dim3A_564 = arith.constant 2 : i32
        %broadcast_in_dim3A_565 = vector.broadcast %broadcast_in_dim3A_564 : i32 to vector<16x1xi32>
        %gather3A_566 = vector.shape_cast %broadcast_in_dim3A_565 : vector<16x1xi32> to vector<16xi32>
        %gather3A_567 = tpu.dynamic_gather %get3A_386[%gather3A_566] in [0] : vector<16xf32>, vector<16xi32> -> vector<16xf32>
        %mul3A_568 = arith.constant 16 : i32
        %mul3A_569 = arith.muli %add3A_379, %mul3A_568 : i32
        %add3A_570 = arith.constant 64 : i32
        %add3A_571 = arith.addi %add3A_570, %mul3A_569 : i32
        %add3A_572 = arith.constant 2 : i32
        %add3A_573 = arith.addi %add3A_571, %add3A_572 : i32
        %get3A_574 = arith.index_cast %add3A_573 : i32 to index
        %get3A_575 = arith.constant 0 : index
        %get3A_576 = tpu.vector_load %arg9[%get3A_574, %get3A_575] {strides = array<i32>} : memref<128x128xf32, #tpu.memory_space<vmem>>, vector<1x16xf32>,
        %get3A_577 = vector.shape_cast %get3A_576 : vector<1x16xf32> to vector<16xf32>
        %mul3A_578 = arith.mulf %get3A_577, %gather3A_567 : vector<16xf32>
        %swap3A_579 = arith.index_cast %add3A_573 : i32 to index
        %swap3A_580 = arith.constant 0 : index
        %swap3A_581 = tpu.vector_load %arg9[%swap3A_579, %swap3A_580] {strides = array<i32>} : memref<128x128xf32, #tpu.memory_space<vmem>>, vector<1x16xf32>,
        %swap3A_582 = vector.shape_cast %swap3A_581 : vector<1x16xf32> to vector<16xf32>
        %swap3A_583 = vector.shape_cast %mul3A_578 : vector<16xf32> to vector<1x16xf32>
        tpu.vector_store %arg9[%swap3A_579, %swap3A_580], %swap3A_583 {strides = array<i32>} : memref<128x128xf32, #tpu.memory_space<vmem>>, vector<1x16xf32>,
        %get3A_584 = arith.index_cast %add3A_573 : i32 to index
        %get3A_585 = arith.constant 16 : index
        %get3A_586 = tpu.vector_load %arg9[%get3A_584, %get3A_585] {strides = array<i32>} : memref<128x128xf32, #tpu.memory_space<vmem>>, vector<1x16xf32>,
        %get3A_587 = vector.shape_cast %get3A_586 : vector<1x16xf32> to vector<16xf32>
        %mul3A_588 = arith.mulf %get3A_587, %gather3A_567 : vector<16xf32>
        %swap3A_589 = arith.index_cast %add3A_573 : i32 to index
        %swap3A_590 = arith.constant 16 : index
        %swap3A_591 = tpu.vector_load %arg9[%swap3A_589, %swap3A_590] {strides = array<i32>} : memref<128x128xf32, #tpu.memory_space<vmem>>, vector<1x16xf32>,
        %swap3A_592 = vector.shape_cast %swap3A_591 : vector<1x16xf32> to vector<16xf32>
        %swap3A_593 = vector.shape_cast %mul3A_588 : vector<16xf32> to vector<1x16xf32>
        tpu.vector_store %arg9[%swap3A_589, %swap3A_590], %swap3A_593 {strides = array<i32>} : memref<128x128xf32, #tpu.memory_space<vmem>>, vector<1x16xf32>,
        %get3A_594 = arith.index_cast %add3A_573 : i32 to index
        %get3A_595 = arith.constant 32 : index
        %get3A_596 = tpu.vector_load %arg9[%get3A_594, %get3A_595] {strides = array<i32>} : memref<128x128xf32, #tpu.memory_space<vmem>>, vector<1x16xf32>,
        %get3A_597 = vector.shape_cast %get3A_596 : vector<1x16xf32> to vector<16xf32>
        %mul3A_598 = arith.mulf %get3A_597, %gather3A_567 : vector<16xf32>
        %swap3A_599 = arith.index_cast %add3A_573 : i32 to index
        %swap3A_600 = arith.constant 32 : index
        %swap3A_601 = tpu.vector_load %arg9[%swap3A_599, %swap3A_600] {strides = array<i32>} : memref<128x128xf32, #tpu.memory_space<vmem>>, vector<1x16xf32>,
        %swap3A_602 = vector.shape_cast %swap3A_601 : vector<1x16xf32> to vector<16xf32>
        %swap3A_603 = vector.shape_cast %mul3A_598 : vector<16xf32> to vector<1x16xf32>
        tpu.vector_store %arg9[%swap3A_599, %swap3A_600], %swap3A_603 {strides = array<i32>} : memref<128x128xf32, #tpu.memory_space<vmem>>, vector<1x16xf32>,
        %get3A_604 = arith.index_cast %add3A_573 : i32 to index
        %get3A_605 = arith.constant 48 : index
        %get3A_606 = tpu.vector_load %arg9[%get3A_604, %get3A_605] {strides = array<i32>} : memref<128x128xf32, #tpu.memory_space<vmem>>, vector<1x16xf32>,
        %get3A_607 = vector.shape_cast %get3A_606 : vector<1x16xf32> to vector<16xf32>
        %mul3A_608 = arith.mulf %get3A_607, %gather3A_567 : vector<16xf32>
        %swap3A_609 = arith.index_cast %add3A_573 : i32 to index
        %swap3A_610 = arith.constant 48 : index
        %swap3A_611 = tpu.vector_load %arg9[%swap3A_609, %swap3A_610] {strides = array<i32>} : memref<128x128xf32, #tpu.memory_space<vmem>>, vector<1x16xf32>,
        %swap3A_612 = vector.shape_cast %swap3A_611 : vector<1x16xf32> to vector<16xf32>
        %swap3A_613 = vector.shape_cast %mul3A_608 : vector<16xf32> to vector<1x16xf32>
        tpu.vector_store %arg9[%swap3A_609, %swap3A_610], %swap3A_613 {strides = array<i32>} : memref<128x128xf32, #tpu.memory_space<vmem>>, vector<1x16xf32>,
        %get3A_614 = arith.index_cast %add3A_573 : i32 to index
        %get3A_615 = arith.constant 64 : index
        %get3A_616 = tpu.vector_load %arg9[%get3A_614, %get3A_615] {strides = array<i32>} : memref<128x128xf32, #tpu.memory_space<vmem>>, vector<1x16xf32>,
        %get3A_617 = vector.shape_cast %get3A_616 : vector<1x16xf32> to vector<16xf32>
        %mul3A_618 = arith.mulf %get3A_617, %gather3A_567 : vector<16xf32>
        %swap3A_619 = arith.index_cast %add3A_573 : i32 to index
        %swap3A_620 = arith.constant 64 : index
        %swap3A_621 = tpu.vector_load %arg9[%swap3A_619, %swap3A_620] {strides = array<i32>} : memref<128x128xf32, #tpu.memory_space<vmem>>, vector<1x16xf32>,
        %swap3A_622 = vector.shape_cast %swap3A_621 : vector<1x16xf32> to vector<16xf32>
        %swap3A_623 = vector.shape_cast %mul3A_618 : vector<16xf32> to vector<1x16xf32>
        tpu.vector_store %arg9[%swap3A_619, %swap3A_620], %swap3A_623 {strides = array<i32>} : memref<128x128xf32, #tpu.memory_space<vmem>>, vector<1x16xf32>,
        %get3A_624 = arith.index_cast %add3A_573 : i32 to index
        %get3A_625 = arith.constant 80 : index
        %get3A_626 = tpu.vector_load %arg9[%get3A_624, %get3A_625] {strides = array<i32>} : memref<128x128xf32, #tpu.memory_space<vmem>>, vector<1x16xf32>,
        %get3A_627 = vector.shape_cast %get3A_626 : vector<1x16xf32> to vector<16xf32>
        %mul3A_628 = arith.mulf %get3A_627, %gather3A_567 : vector<16xf32>
        %swap3A_629 = arith.index_cast %add3A_573 : i32 to index
        %swap3A_630 = arith.constant 80 : index
        %swap3A_631 = tpu.vector_load %arg9[%swap3A_629, %swap3A_630] {strides = array<i32>} : memref<128x128xf32, #tpu.memory_space<vmem>>, vector<1x16xf32>,
        %swap3A_632 = vector.shape_cast %swap3A_631 : vector<1x16xf32> to vector<16xf32>
        %swap3A_633 = vector.shape_cast %mul3A_628 : vector<16xf32> to vector<1x16xf32>
        tpu.vector_store %arg9[%swap3A_629, %swap3A_630], %swap3A_633 {strides = array<i32>} : memref<128x128xf32, #tpu.memory_space<vmem>>, vector<1x16xf32>,
        %get3A_634 = arith.index_cast %add3A_573 : i32 to index
        %get3A_635 = arith.constant 96 : index
        %get3A_636 = tpu.vector_load %arg9[%get3A_634, %get3A_635] {strides = array<i32>} : memref<128x128xf32, #tpu.memory_space<vmem>>, vector<1x16xf32>,
        %get3A_637 = vector.shape_cast %get3A_636 : vector<1x16xf32> to vector<16xf32>
        %mul3A_638 = arith.mulf %get3A_637, %gather3A_567 : vector<16xf32>
        %swap3A_639 = arith.index_cast %add3A_573 : i32 to index
        %swap3A_640 = arith.constant 96 : index
        %swap3A_641 = tpu.vector_load %arg9[%swap3A_639, %swap3A_640] {strides = array<i32>} : memref<128x128xf32, #tpu.memory_space<vmem>>, vector<1x16xf32>,
        %swap3A_642 = vector.shape_cast %swap3A_641 : vector<1x16xf32> to vector<16xf32>
        %swap3A_643 = vector.shape_cast %mul3A_638 : vector<16xf32> to vector<1x16xf32>
        tpu.vector_store %arg9[%swap3A_639, %swap3A_640], %swap3A_643 {strides = array<i32>} : memref<128x128xf32, #tpu.memory_space<vmem>>, vector<1x16xf32>,
        %get3A_644 = arith.index_cast %add3A_573 : i32 to index
        %get3A_645 = arith.constant 112 : index
        %get3A_646 = tpu.vector_load %arg9[%get3A_644, %get3A_645] {strides = array<i32>} : memref<128x128xf32, #tpu.memory_space<vmem>>, vector<1x16xf32>,
        %get3A_647 = vector.shape_cast %get3A_646 : vector<1x16xf32> to vector<16xf32>
        %mul3A_648 = arith.mulf %get3A_647, %gather3A_567 : vector<16xf32>
        %swap3A_649 = arith.index_cast %add3A_573 : i32 to index
        %swap3A_650 = arith.constant 112 : index
        %swap3A_651 = tpu.vector_load %arg9[%swap3A_649, %swap3A_650] {strides = array<i32>} : memref<128x128xf32, #tpu.memory_space<vmem>>, vector<1x16xf32>,
        %swap3A_652 = vector.shape_cast %swap3A_651 : vector<1x16xf32> to vector<16xf32>
        %swap3A_653 = vector.shape_cast %mul3A_648 : vector<16xf32> to vector<1x16xf32>
        tpu.vector_store %arg9[%swap3A_649, %swap3A_650], %swap3A_653 {strides = array<i32>} : memref<128x128xf32, #tpu.memory_space<vmem>>, vector<1x16xf32>,
        %broadcast_in_dim3A_654 = arith.constant 3 : i32
        %broadcast_in_dim3A_655 = vector.broadcast %broadcast_in_dim3A_654 : i32 to vector<16x1xi32>
        %gather3A_656 = vector.shape_cast %broadcast_in_dim3A_655 : vector<16x1xi32> to vector<16xi32>
        %gather3A_657 = tpu.dynamic_gather %get3A_386[%gather3A_656] in [0] : vector<16xf32>, vector<16xi32> -> vector<16xf32>
        %mul3A_658 = arith.constant 16 : i32
        %mul3A_659 = arith.muli %add3A_379, %mul3A_658 : i32
        %add3A_660 = arith.constant 64 : i32
        %add3A_661 = arith.addi %add3A_660, %mul3A_659 : i32
        %add3A_662 = arith.constant 3 : i32
        %add3A_663 = arith.addi %add3A_661, %add3A_662 : i32
        %get3A_664 = arith.index_cast %add3A_663 : i32 to index
        %get3A_665 = arith.constant 0 : index
        %get3A_666 = tpu.vector_load %arg9[%get3A_664, %get3A_665] {strides = array<i32>} : memref<128x128xf32, #tpu.memory_space<vmem>>, vector<1x16xf32>,
        %get3A_667 = vector.shape_cast %get3A_666 : vector<1x16xf32> to vector<16xf32>
        %mul3A_668 = arith.mulf %get3A_667, %gather3A_657 : vector<16xf32>
        %swap3A_669 = arith.index_cast %add3A_663 : i32 to index
        %swap3A_670 = arith.constant 0 : index
        %swap3A_671 = tpu.vector_load %arg9[%swap3A_669, %swap3A_670] {strides = array<i32>} : memref<128x128xf32, #tpu.memory_space<vmem>>, vector<1x16xf32>,
        %swap3A_672 = vector.shape_cast %swap3A_671 : vector<1x16xf32> to vector<16xf32>
        %swap3A_673 = vector.shape_cast %mul3A_668 : vector<16xf32> to vector<1x16xf32>
        tpu.vector_store %arg9[%swap3A_669, %swap3A_670], %swap3A_673 {strides = array<i32>} : memref<128x128xf32, #tpu.memory_space<vmem>>, vector<1x16xf32>,
        %get3A_674 = arith.index_cast %add3A_663 : i32 to index
        %get3A_675 = arith.constant 16 : index
        %get3A_676 = tpu.vector_load %arg9[%get3A_674, %get3A_675] {strides = array<i32>} : memref<128x128xf32, #tpu.memory_space<vmem>>, vector<1x16xf32>,
        %get3A_677 = vector.shape_cast %get3A_676 : vector<1x16xf32> to vector<16xf32>
        %mul3A_678 = arith.mulf %get3A_677, %gather3A_657 : vector<16xf32>
        %swap3A_679 = arith.index_cast %add3A_663 : i32 to index
        %swap3A_680 = arith.constant 16 : index
        %swap3A_681 = tpu.vector_load %arg9[%swap3A_679, %swap3A_680] {strides = array<i32>} : memref<128x128xf32, #tpu.memory_space<vmem>>, vector<1x16xf32>,
        %swap3A_682 = vector.shape_cast %swap3A_681 : vector<1x16xf32> to vector<16xf32>
        %swap3A_683 = vector.shape_cast %mul3A_678 : vector<16xf32> to vector<1x16xf32>
        tpu.vector_store %arg9[%swap3A_679, %swap3A_680], %swap3A_683 {strides = array<i32>} : memref<128x128xf32, #tpu.memory_space<vmem>>, vector<1x16xf32>,
        %get3A_684 = arith.index_cast %add3A_663 : i32 to index
        %get3A_685 = arith.constant 32 : index
        %get3A_686 = tpu.vector_load %arg9[%get3A_684, %get3A_685] {strides = array<i32>} : memref<128x128xf32, #tpu.memory_space<vmem>>, vector<1x16xf32>,
        %get3A_687 = vector.shape_cast %get3A_686 : vector<1x16xf32> to vector<16xf32>
        %mul3A_688 = arith.mulf %get3A_687, %gather3A_657 : vector<16xf32>
        %swap3A_689 = arith.index_cast %add3A_663 : i32 to index
        %swap3A_690 = arith.constant 32 : index
        %swap3A_691 = tpu.vector_load %arg9[%swap3A_689, %swap3A_690] {strides = array<i32>} : memref<128x128xf32, #tpu.memory_space<vmem>>, vector<1x16xf32>,
        %swap3A_692 = vector.shape_cast %swap3A_691 : vector<1x16xf32> to vector<16xf32>
        %swap3A_693 = vector.shape_cast %mul3A_688 : vector<16xf32> to vector<1x16xf32>
        tpu.vector_store %arg9[%swap3A_689, %swap3A_690], %swap3A_693 {strides = array<i32>} : memref<128x128xf32, #tpu.memory_space<vmem>>, vector<1x16xf32>,
        %get3A_694 = arith.index_cast %add3A_663 : i32 to index
        %get3A_695 = arith.constant 48 : index
        %get3A_696 = tpu.vector_load %arg9[%get3A_694, %get3A_695] {strides = array<i32>} : memref<128x128xf32, #tpu.memory_space<vmem>>, vector<1x16xf32>,
        %get3A_697 = vector.shape_cast %get3A_696 : vector<1x16xf32> to vector<16xf32>
        %mul3A_698 = arith.mulf %get3A_697, %gather3A_657 : vector<16xf32>
        %swap3A_699 = arith.index_cast %add3A_663 : i32 to index
        %swap3A_700 = arith.constant 48 : index
        %swap3A_701 = tpu.vector_load %arg9[%swap3A_699, %swap3A_700] {strides = array<i32>} : memref<128x128xf32, #tpu.memory_space<vmem>>, vector<1x16xf32>,
        %swap3A_702 = vector.shape_cast %swap3A_701 : vector<1x16xf32> to vector<16xf32>
        %swap3A_703 = vector.shape_cast %mul3A_698 : vector<16xf32> to vector<1x16xf32>
        tpu.vector_store %arg9[%swap3A_699, %swap3A_700], %swap3A_703 {strides = array<i32>} : memref<128x128xf32, #tpu.memory_space<vmem>>, vector<1x16xf32>,
        %get3A_704 = arith.index_cast %add3A_663 : i32 to index
        %get3A_705 = arith.constant 64 : index
        %get3A_706 = tpu.vector_load %arg9[%get3A_704, %get3A_705] {strides = array<i32>} : memref<128x128xf32, #tpu.memory_space<vmem>>, vector<1x16xf32>,
        %get3A_707 = vector.shape_cast %get3A_706 : vector<1x16xf32> to vector<16xf32>
        %mul3A_708 = arith.mulf %get3A_707, %gather3A_657 : vector<16xf32>
        %swap3A_709 = arith.index_cast %add3A_663 : i32 to index
        %swap3A_710 = arith.constant 64 : index
        %swap3A_711 = tpu.vector_load %arg9[%swap3A_709, %swap3A_710] {strides = array<i32>} : memref<128x128xf32, #tpu.memory_space<vmem>>, vector<1x16xf32>,
        %swap3A_712 = vector.shape_cast %swap3A_711 : vector<1x16xf32> to vector<16xf32>
        %swap3A_713 = vector.shape_cast %mul3A_708 : vector<16xf32> to vector<1x16xf32>
        tpu.vector_store %arg9[%swap3A_709, %swap3A_710], %swap3A_713 {strides = array<i32>} : memref<128x128xf32, #tpu.memory_space<vmem>>, vector<1x16xf32>,
        %get3A_714 = arith.index_cast %add3A_663 : i32 to index
        %get3A_715 = arith.constant 80 : index
        %get3A_716 = tpu.vector_load %arg9[%get3A_714, %get3A_715] {strides = array<i32>} : memref<128x128xf32, #tpu.memory_space<vmem>>, vector<1x16xf32>,
        %get3A_717 = vector.shape_cast %get3A_716 : vector<1x16xf32> to vector<16xf32>
        %mul3A_718 = arith.mulf %get3A_717, %gather3A_657 : vector<16xf32>
        %swap3A_719 = arith.index_cast %add3A_663 : i32 to index
        %swap3A_720 = arith.constant 80 : index
        %swap3A_721 = tpu.vector_load %arg9[%swap3A_719, %swap3A_720] {strides = array<i32>} : memref<128x128xf32, #tpu.memory_space<vmem>>, vector<1x16xf32>,
        %swap3A_722 = vector.shape_cast %swap3A_721 : vector<1x16xf32> to vector<16xf32>
        %swap3A_723 = vector.shape_cast %mul3A_718 : vector<16xf32> to vector<1x16xf32>
        tpu.vector_store %arg9[%swap3A_719, %swap3A_720], %swap3A_723 {strides = array<i32>} : memref<128x128xf32, #tpu.memory_space<vmem>>, vector<1x16xf32>,
        %get3A_724 = arith.index_cast %add3A_663 : i32 to index
        %get3A_725 = arith.constant 96 : index
        %get3A_726 = tpu.vector_load %arg9[%get3A_724, %get3A_725] {strides = array<i32>} : memref<128x128xf32, #tpu.memory_space<vmem>>, vector<1x16xf32>,
        %get3A_727 = vector.shape_cast %get3A_726 : vector<1x16xf32> to vector<16xf32>
        %mul3A_728 = arith.mulf %get3A_727, %gather3A_657 : vector<16xf32>
        %swap3A_729 = arith.index_cast %add3A_663 : i32 to index
        %swap3A_730 = arith.constant 96 : index
        %swap3A_731 = tpu.vector_load %arg9[%swap3A_729, %swap3A_730] {strides = array<i32>} : memref<128x128xf32, #tpu.memory_space<vmem>>, vector<1x16xf32>,
        %swap3A_732 = vector.shape_cast %swap3A_731 : vector<1x16xf32> to vector<16xf32>
        %swap3A_733 = vector.shape_cast %mul3A_728 : vector<16xf32> to vector<1x16xf32>
        tpu.vector_store %arg9[%swap3A_729, %swap3A_730], %swap3A_733 {strides = array<i32>} : memref<128x128xf32, #tpu.memory_space<vmem>>, vector<1x16xf32>,
        %get3A_734 = arith.index_cast %add3A_663 : i32 to index
        %get3A_735 = arith.constant 112 : index
        %get3A_736 = tpu.vector_load %arg9[%get3A_734, %get3A_735] {strides = array<i32>} : memref<128x128xf32, #tpu.memory_space<vmem>>, vector<1x16xf32>,
        %get3A_737 = vector.shape_cast %get3A_736 : vector<1x16xf32> to vector<16xf32>
        %mul3A_738 = arith.mulf %get3A_737, %gather3A_657 : vector<16xf32>
        %swap3A_739 = arith.index_cast %add3A_663 : i32 to index
        %swap3A_740 = arith.constant 112 : index
        %swap3A_741 = tpu.vector_load %arg9[%swap3A_739, %swap3A_740] {strides = array<i32>} : memref<128x128xf32, #tpu.memory_space<vmem>>, vector<1x16xf32>,
        %swap3A_742 = vector.shape_cast %swap3A_741 : vector<1x16xf32> to vector<16xf32>
        %swap3A_743 = vector.shape_cast %mul3A_738 : vector<16xf32> to vector<1x16xf32>
        tpu.vector_store %arg9[%swap3A_739, %swap3A_740], %swap3A_743 {strides = array<i32>} : memref<128x128xf32, #tpu.memory_space<vmem>>, vector<1x16xf32>,
        %broadcast_in_dim3A_744 = arith.constant 4 : i32
        %broadcast_in_dim3A_745 = vector.broadcast %broadcast_in_dim3A_744 : i32 to vector<16x1xi32>
        %gather3A_746 = vector.shape_cast %broadcast_in_dim3A_745 : vector<16x1xi32> to vector<16xi32>
        %gather3A_747 = tpu.dynamic_gather %get3A_386[%gather3A_746] in [0] : vector<16xf32>, vector<16xi32> -> vector<16xf32>
        %mul3A_748 = arith.constant 16 : i32
        %mul3A_749 = arith.muli %add3A_379, %mul3A_748 : i32
        %add3A_750 = arith.constant 64 : i32
        %add3A_751 = arith.addi %add3A_750, %mul3A_749 : i32
        %add3A_752 = arith.constant 4 : i32
        %add3A_753 = arith.addi %add3A_751, %add3A_752 : i32
        %get3A_754 = arith.index_cast %add3A_753 : i32 to index
        %get3A_755 = arith.constant 0 : index
        %get3A_756 = tpu.vector_load %arg9[%get3A_754, %get3A_755] {strides = array<i32>} : memref<128x128xf32, #tpu.memory_space<vmem>>, vector<1x16xf32>,
        %get3A_757 = vector.shape_cast %get3A_756 : vector<1x16xf32> to vector<16xf32>
        %mul3A_758 = arith.mulf %get3A_757, %gather3A_747 : vector<16xf32>
        %swap3A_759 = arith.index_cast %add3A_753 : i32 to index
        %swap3A_760 = arith.constant 0 : index
        %swap3A_761 = tpu.vector_load %arg9[%swap3A_759, %swap3A_760] {strides = array<i32>} : memref<128x128xf32, #tpu.memory_space<vmem>>, vector<1x16xf32>,
        %swap3A_762 = vector.shape_cast %swap3A_761 : vector<1x16xf32> to vector<16xf32>
        %swap3A_763 = vector.shape_cast %mul3A_758 : vector<16xf32> to vector<1x16xf32>
        tpu.vector_store %arg9[%swap3A_759, %swap3A_760], %swap3A_763 {strides = array<i32>} : memref<128x128xf32, #tpu.memory_space<vmem>>, vector<1x16xf32>,
        %get3A_764 = arith.index_cast %add3A_753 : i32 to index
        %get3A_765 = arith.constant 16 : index
        %get3A_766 = tpu.vector_load %arg9[%get3A_764, %get3A_765] {strides = array<i32>} : memref<128x128xf32, #tpu.memory_space<vmem>>, vector<1x16xf32>,
        %get3A_767 = vector.shape_cast %get3A_766 : vector<1x16xf32> to vector<16xf32>
        %mul3A_768 = arith.mulf %get3A_767, %gather3A_747 : vector<16xf32>
        %swap3A_769 = arith.index_cast %add3A_753 : i32 to index
        %swap3A_770 = arith.constant 16 : index
        %swap3A_771 = tpu.vector_load %arg9[%swap3A_769, %swap3A_770] {strides = array<i32>} : memref<128x128xf32, #tpu.memory_space<vmem>>, vector<1x16xf32>,
        %swap3A_772 = vector.shape_cast %swap3A_771 : vector<1x16xf32> to vector<16xf32>
        %swap3A_773 = vector.shape_cast %mul3A_768 : vector<16xf32> to vector<1x16xf32>
        tpu.vector_store %arg9[%swap3A_769, %swap3A_770], %swap3A_773 {strides = array<i32>} : memref<128x128xf32, #tpu.memory_space<vmem>>, vector<1x16xf32>,
        %get3A_774 = arith.index_cast %add3A_753 : i32 to index
        %get3A_775 = arith.constant 32 : index
        %get3A_776 = tpu.vector_load %arg9[%get3A_774, %get3A_775] {strides = array<i32>} : memref<128x128xf32, #tpu.memory_space<vmem>>, vector<1x16xf32>,
        %get3A_777 = vector.shape_cast %get3A_776 : vector<1x16xf32> to vector<16xf32>
        %mul3A_778 = arith.mulf %get3A_777, %gather3A_747 : vector<16xf32>
        %swap3A_779 = arith.index_cast %add3A_753 : i32 to index
        %swap3A_780 = arith.constant 32 : index
        %swap3A_781 = tpu.vector_load %arg9[%swap3A_779, %swap3A_780] {strides = array<i32>} : memref<128x128xf32, #tpu.memory_space<vmem>>, vector<1x16xf32>,
        %swap3A_782 = vector.shape_cast %swap3A_781 : vector<1x16xf32> to vector<16xf32>
        %swap3A_783 = vector.shape_cast %mul3A_778 : vector<16xf32> to vector<1x16xf32>
        tpu.vector_store %arg9[%swap3A_779, %swap3A_780], %swap3A_783 {strides = array<i32>} : memref<128x128xf32, #tpu.memory_space<vmem>>, vector<1x16xf32>,
        %get3A_784 = arith.index_cast %add3A_753 : i32 to index
        %get3A_785 = arith.constant 48 : index
        %get3A_786 = tpu.vector_load %arg9[%get3A_784, %get3A_785] {strides = array<i32>} : memref<128x128xf32, #tpu.memory_space<vmem>>, vector<1x16xf32>,
        %get3A_787 = vector.shape_cast %get3A_786 : vector<1x16xf32> to vector<16xf32>
        %mul3A_788 = arith.mulf %get3A_787, %gather3A_747 : vector<16xf32>
        %swap3A_789 = arith.index_cast %add3A_753 : i32 to index
        %swap3A_790 = arith.constant 48 : index
        %swap3A_791 = tpu.vector_load %arg9[%swap3A_789, %swap3A_790] {strides = array<i32>} : memref<128x128xf32, #tpu.memory_space<vmem>>, vector<1x16xf32>,
        %swap3A_792 = vector.shape_cast %swap3A_791 : vector<1x16xf32> to vector<16xf32>
        %swap3A_793 = vector.shape_cast %mul3A_788 : vector<16xf32> to vector<1x16xf32>
        tpu.vector_store %arg9[%swap3A_789, %swap3A_790], %swap3A_793 {strides = array<i32>} : memref<128x128xf32, #tpu.memory_space<vmem>>, vector<1x16xf32>,
        %get3A_794 = arith.index_cast %add3A_753 : i32 to index
        %get3A_795 = arith.constant 64 : index
        %get3A_796 = tpu.vector_load %arg9[%get3A_794, %get3A_795] {strides = array<i32>} : memref<128x128xf32, #tpu.memory_space<vmem>>, vector<1x16xf32>,
        %get3A_797 = vector.shape_cast %get3A_796 : vector<1x16xf32> to vector<16xf32>
        %mul3A_798 = arith.mulf %get3A_797, %gather3A_747 : vector<16xf32>
        %swap3A_799 = arith.index_cast %add3A_753 : i32 to index
        %swap3A_800 = arith.constant 64 : index
        %swap3A_801 = tpu.vector_load %arg9[%swap3A_799, %swap3A_800] {strides = array<i32>} : memref<128x128xf32, #tpu.memory_space<vmem>>, vector<1x16xf32>,
        %swap3A_802 = vector.shape_cast %swap3A_801 : vector<1x16xf32> to vector<16xf32>
        %swap3A_803 = vector.shape_cast %mul3A_798 : vector<16xf32> to vector<1x16xf32>
        tpu.vector_store %arg9[%swap3A_799, %swap3A_800], %swap3A_803 {strides = array<i32>} : memref<128x128xf32, #tpu.memory_space<vmem>>, vector<1x16xf32>,
        %get3A_804 = arith.index_cast %add3A_753 : i32 to index
        %get3A_805 = arith.constant 80 : index
        %get3A_806 = tpu.vector_load %arg9[%get3A_804, %get3A_805] {strides = array<i32>} : memref<128x128xf32, #tpu.memory_space<vmem>>, vector<1x16xf32>,
        %get3A_807 = vector.shape_cast %get3A_806 : vector<1x16xf32> to vector<16xf32>
        %mul3A_808 = arith.mulf %get3A_807, %gather3A_747 : vector<16xf32>
        %swap3A_809 = arith.index_cast %add3A_753 : i32 to index
        %swap3A_810 = arith.constant 80 : index
        %swap3A_811 = tpu.vector_load %arg9[%swap3A_809, %swap3A_810] {strides = array<i32>} : memref<128x128xf32, #tpu.memory_space<vmem>>, vector<1x16xf32>,
        %swap3A_812 = vector.shape_cast %swap3A_811 : vector<1x16xf32> to vector<16xf32>
        %swap3A_813 = vector.shape_cast %mul3A_808 : vector<16xf32> to vector<1x16xf32>
        tpu.vector_store %arg9[%swap3A_809, %swap3A_810], %swap3A_813 {strides = array<i32>} : memref<128x128xf32, #tpu.memory_space<vmem>>, vector<1x16xf32>,
        %get3A_814 = arith.index_cast %add3A_753 : i32 to index
        %get3A_815 = arith.constant 96 : index
        %get3A_816 = tpu.vector_load %arg9[%get3A_814, %get3A_815] {strides = array<i32>} : memref<128x128xf32, #tpu.memory_space<vmem>>, vector<1x16xf32>,
        %get3A_817 = vector.shape_cast %get3A_816 : vector<1x16xf32> to vector<16xf32>
        %mul3A_818 = arith.mulf %get3A_817, %gather3A_747 : vector<16xf32>
        %swap3A_819 = arith.index_cast %add3A_753 : i32 to index
        %swap3A_820 = arith.constant 96 : index
        %swap3A_821 = tpu.vector_load %arg9[%swap3A_819, %swap3A_820] {strides = array<i32>} : memref<128x128xf32, #tpu.memory_space<vmem>>, vector<1x16xf32>,
        %swap3A_822 = vector.shape_cast %swap3A_821 : vector<1x16xf32> to vector<16xf32>
        %swap3A_823 = vector.shape_cast %mul3A_818 : vector<16xf32> to vector<1x16xf32>
        tpu.vector_store %arg9[%swap3A_819, %swap3A_820], %swap3A_823 {strides = array<i32>} : memref<128x128xf32, #tpu.memory_space<vmem>>, vector<1x16xf32>,
        %get3A_824 = arith.index_cast %add3A_753 : i32 to index
        %get3A_825 = arith.constant 112 : index
        %get3A_826 = tpu.vector_load %arg9[%get3A_824, %get3A_825] {strides = array<i32>} : memref<128x128xf32, #tpu.memory_space<vmem>>, vector<1x16xf32>,
        %get3A_827 = vector.shape_cast %get3A_826 : vector<1x16xf32> to vector<16xf32>
        %mul3A_828 = arith.mulf %get3A_827, %gather3A_747 : vector<16xf32>
        %swap3A_829 = arith.index_cast %add3A_753 : i32 to index
        %swap3A_830 = arith.constant 112 : index
        %swap3A_831 = tpu.vector_load %arg9[%swap3A_829, %swap3A_830] {strides = array<i32>} : memref<128x128xf32, #tpu.memory_space<vmem>>, vector<1x16xf32>,
        %swap3A_832 = vector.shape_cast %swap3A_831 : vector<1x16xf32> to vector<16xf32>
        %swap3A_833 = vector.shape_cast %mul3A_828 : vector<16xf32> to vector<1x16xf32>
        tpu.vector_store %arg9[%swap3A_829, %swap3A_830], %swap3A_833 {strides = array<i32>} : memref<128x128xf32, #tpu.memory_space<vmem>>, vector<1x16xf32>,
        %broadcast_in_dim3A_834 = arith.constant 5 : i32
        %broadcast_in_dim3A_835 = vector.broadcast %broadcast_in_dim3A_834 : i32 to vector<16x1xi32>
        %gather3A_836 = vector.shape_cast %broadcast_in_dim3A_835 : vector<16x1xi32> to vector<16xi32>
        %gather3A_837 = tpu.dynamic_gather %get3A_386[%gather3A_836] in [0] : vector<16xf32>, vector<16xi32> -> vector<16xf32>
        %mul3A_838 = arith.constant 16 : i32
        %mul3A_839 = arith.muli %add3A_379, %mul3A_838 : i32
        %add3A_840 = arith.constant 64 : i32
        %add3A_841 = arith.addi %add3A_840, %mul3A_839 : i32
        %add3A_842 = arith.constant 5 : i32
        %add3A_843 = arith.addi %add3A_841, %add3A_842 : i32
        %get3A_844 = arith.index_cast %add3A_843 : i32 to index
        %get3A_845 = arith.constant 0 : index
        %get3A_846 = tpu.vector_load %arg9[%get3A_844, %get3A_845] {strides = array<i32>} : memref<128x128xf32, #tpu.memory_space<vmem>>, vector<1x16xf32>,
        %get3A_847 = vector.shape_cast %get3A_846 : vector<1x16xf32> to vector<16xf32>
        %mul3A_848 = arith.mulf %get3A_847, %gather3A_837 : vector<16xf32>
        %swap3A_849 = arith.index_cast %add3A_843 : i32 to index
        %swap3A_850 = arith.constant 0 : index
        %swap3A_851 = tpu.vector_load %arg9[%swap3A_849, %swap3A_850] {strides = array<i32>} : memref<128x128xf32, #tpu.memory_space<vmem>>, vector<1x16xf32>,
        %swap3A_852 = vector.shape_cast %swap3A_851 : vector<1x16xf32> to vector<16xf32>
        %swap3A_853 = vector.shape_cast %mul3A_848 : vector<16xf32> to vector<1x16xf32>
        tpu.vector_store %arg9[%swap3A_849, %swap3A_850], %swap3A_853 {strides = array<i32>} : memref<128x128xf32, #tpu.memory_space<vmem>>, vector<1x16xf32>,
        %get3A_854 = arith.index_cast %add3A_843 : i32 to index
        %get3A_855 = arith.constant 16 : index
        %get3A_856 = tpu.vector_load %arg9[%get3A_854, %get3A_855] {strides = array<i32>} : memref<128x128xf32, #tpu.memory_space<vmem>>, vector<1x16xf32>,
        %get3A_857 = vector.shape_cast %get3A_856 : vector<1x16xf32> to vector<16xf32>
        %mul3A_858 = arith.mulf %get3A_857, %gather3A_837 : vector<16xf32>
        %swap3A_859 = arith.index_cast %add3A_843 : i32 to index
        %swap3A_860 = arith.constant 16 : index
        %swap3A_861 = tpu.vector_load %arg9[%swap3A_859, %swap3A_860] {strides = array<i32>} : memref<128x128xf32, #tpu.memory_space<vmem>>, vector<1x16xf32>,
        %swap3A_862 = vector.shape_cast %swap3A_861 : vector<1x16xf32> to vector<16xf32>
        %swap3A_863 = vector.shape_cast %mul3A_858 : vector<16xf32> to vector<1x16xf32>
        tpu.vector_store %arg9[%swap3A_859, %swap3A_860], %swap3A_863 {strides = array<i32>} : memref<128x128xf32, #tpu.memory_space<vmem>>, vector<1x16xf32>,
        %get3A_864 = arith.index_cast %add3A_843 : i32 to index
        %get3A_865 = arith.constant 32 : index
        %get3A_866 = tpu.vector_load %arg9[%get3A_864, %get3A_865] {strides = array<i32>} : memref<128x128xf32, #tpu.memory_space<vmem>>, vector<1x16xf32>,
        %get3A_867 = vector.shape_cast %get3A_866 : vector<1x16xf32> to vector<16xf32>
        %mul3A_868 = arith.mulf %get3A_867, %gather3A_837 : vector<16xf32>
        %swap3A_869 = arith.index_cast %add3A_843 : i32 to index
        %swap3A_870 = arith.constant 32 : index
        %swap3A_871 = tpu.vector_load %arg9[%swap3A_869, %swap3A_870] {strides = array<i32>} : memref<128x128xf32, #tpu.memory_space<vmem>>, vector<1x16xf32>,
        %swap3A_872 = vector.shape_cast %swap3A_871 : vector<1x16xf32> to vector<16xf32>
        %swap3A_873 = vector.shape_cast %mul3A_868 : vector<16xf32> to vector<1x16xf32>
        tpu.vector_store %arg9[%swap3A_869, %swap3A_870], %swap3A_873 {strides = array<i32>} : memref<128x128xf32, #tpu.memory_space<vmem>>, vector<1x16xf32>,
        %get3A_874 = arith.index_cast %add3A_843 : i32 to index
        %get3A_875 = arith.constant 48 : index
        %get3A_876 = tpu.vector_load %arg9[%get3A_874, %get3A_875] {strides = array<i32>} : memref<128x128xf32, #tpu.memory_space<vmem>>, vector<1x16xf32>,
        %get3A_877 = vector.shape_cast %get3A_876 : vector<1x16xf32> to vector<16xf32>
        %mul3A_878 = arith.mulf %get3A_877, %gather3A_837 : vector<16xf32>
        %swap3A_879 = arith.index_cast %add3A_843 : i32 to index
        %swap3A_880 = arith.constant 48 : index
        %swap3A_881 = tpu.vector_load %arg9[%swap3A_879, %swap3A_880] {strides = array<i32>} : memref<128x128xf32, #tpu.memory_space<vmem>>, vector<1x16xf32>,
        %swap3A_882 = vector.shape_cast %swap3A_881 : vector<1x16xf32> to vector<16xf32>
        %swap3A_883 = vector.shape_cast %mul3A_878 : vector<16xf32> to vector<1x16xf32>
        tpu.vector_store %arg9[%swap3A_879, %swap3A_880], %swap3A_883 {strides = array<i32>} : memref<128x128xf32, #tpu.memory_space<vmem>>, vector<1x16xf32>,
        %get3A_884 = arith.index_cast %add3A_843 : i32 to index
        %get3A_885 = arith.constant 64 : index
        %get3A_886 = tpu.vector_load %arg9[%get3A_884, %get3A_885] {strides = array<i32>} : memref<128x128xf32, #tpu.memory_space<vmem>>, vector<1x16xf32>,
        %get3A_887 = vector.shape_cast %get3A_886 : vector<1x16xf32> to vector<16xf32>
        %mul3A_888 = arith.mulf %get3A_887, %gather3A_837 : vector<16xf32>
        %swap3A_889 = arith.index_cast %add3A_843 : i32 to index
        %swap3A_890 = arith.constant 64 : index
        %swap3A_891 = tpu.vector_load %arg9[%swap3A_889, %swap3A_890] {strides = array<i32>} : memref<128x128xf32, #tpu.memory_space<vmem>>, vector<1x16xf32>,
        %swap3A_892 = vector.shape_cast %swap3A_891 : vector<1x16xf32> to vector<16xf32>
        %swap3A_893 = vector.shape_cast %mul3A_888 : vector<16xf32> to vector<1x16xf32>
        tpu.vector_store %arg9[%swap3A_889, %swap3A_890], %swap3A_893 {strides = array<i32>} : memref<128x128xf32, #tpu.memory_space<vmem>>, vector<1x16xf32>,
        %get3A_894 = arith.index_cast %add3A_843 : i32 to index
        %get3A_895 = arith.constant 80 : index
        %get3A_896 = tpu.vector_load %arg9[%get3A_894, %get3A_895] {strides = array<i32>} : memref<128x128xf32, #tpu.memory_space<vmem>>, vector<1x16xf32>,
        %get3A_897 = vector.shape_cast %get3A_896 : vector<1x16xf32> to vector<16xf32>
        %mul3A_898 = arith.mulf %get3A_897, %gather3A_837 : vector<16xf32>
        %swap3A_899 = arith.index_cast %add3A_843 : i32 to index
        %swap3A_900 = arith.constant 80 : index
        %swap3A_901 = tpu.vector_load %arg9[%swap3A_899, %swap3A_900] {strides = array<i32>} : memref<128x128xf32, #tpu.memory_space<vmem>>, vector<1x16xf32>,
        %swap3A_902 = vector.shape_cast %swap3A_901 : vector<1x16xf32> to vector<16xf32>
        %swap3A_903 = vector.shape_cast %mul3A_898 : vector<16xf32> to vector<1x16xf32>
        tpu.vector_store %arg9[%swap3A_899, %swap3A_900], %swap3A_903 {strides = array<i32>} : memref<128x128xf32, #tpu.memory_space<vmem>>, vector<1x16xf32>,
        %get3A_904 = arith.index_cast %add3A_843 : i32 to index
        %get3A_905 = arith.constant 96 : index
        %get3A_906 = tpu.vector_load %arg9[%get3A_904, %get3A_905] {strides = array<i32>} : memref<128x128xf32, #tpu.memory_space<vmem>>, vector<1x16xf32>,
        %get3A_907 = vector.shape_cast %get3A_906 : vector<1x16xf32> to vector<16xf32>
        %mul3A_908 = arith.mulf %get3A_907, %gather3A_837 : vector<16xf32>
        %swap3A_909 = arith.index_cast %add3A_843 : i32 to index
        %swap3A_910 = arith.constant 96 : index
        %swap3A_911 = tpu.vector_load %arg9[%swap3A_909, %swap3A_910] {strides = array<i32>} : memref<128x128xf32, #tpu.memory_space<vmem>>, vector<1x16xf32>,
        %swap3A_912 = vector.shape_cast %swap3A_911 : vector<1x16xf32> to vector<16xf32>
        %swap3A_913 = vector.shape_cast %mul3A_908 : vector<16xf32> to vector<1x16xf32>
        tpu.vector_store %arg9[%swap3A_909, %swap3A_910], %swap3A_913 {strides = array<i32>} : memref<128x128xf32, #tpu.memory_space<vmem>>, vector<1x16xf32>,
        %get3A_914 = arith.index_cast %add3A_843 : i32 to index
        %get3A_915 = arith.constant 112 : index
        %get3A_916 = tpu.vector_load %arg9[%get3A_914, %get3A_915] {strides = array<i32>} : memref<128x128xf32, #tpu.memory_space<vmem>>, vector<1x16xf32>,
        %get3A_917 = vector.shape_cast %get3A_916 : vector<1x16xf32> to vector<16xf32>
        %mul3A_918 = arith.mulf %get3A_917, %gather3A_837 : vector<16xf32>
        %swap3A_919 = arith.index_cast %add3A_843 : i32 to index
        %swap3A_920 = arith.constant 112 : index
        %swap3A_921 = tpu.vector_load %arg9[%swap3A_919, %swap3A_920] {strides = array<i32>} : memref<128x128xf32, #tpu.memory_space<vmem>>, vector<1x16xf32>,
        %swap3A_922 = vector.shape_cast %swap3A_921 : vector<1x16xf32> to vector<16xf32>
        %swap3A_923 = vector.shape_cast %mul3A_918 : vector<16xf32> to vector<1x16xf32>
        tpu.vector_store %arg9[%swap3A_919, %swap3A_920], %swap3A_923 {strides = array<i32>} : memref<128x128xf32, #tpu.memory_space<vmem>>, vector<1x16xf32>,
        %broadcast_in_dim3A_924 = arith.constant 6 : i32
        %broadcast_in_dim3A_925 = vector.broadcast %broadcast_in_dim3A_924 : i32 to vector<16x1xi32>
        %gather3A_926 = vector.shape_cast %broadcast_in_dim3A_925 : vector<16x1xi32> to vector<16xi32>
        %gather3A_927 = tpu.dynamic_gather %get3A_386[%gather3A_926] in [0] : vector<16xf32>, vector<16xi32> -> vector<16xf32>
        %mul3A_928 = arith.constant 16 : i32
        %mul3A_929 = arith.muli %add3A_379, %mul3A_928 : i32
        %add3A_930 = arith.constant 64 : i32
        %add3A_931 = arith.addi %add3A_930, %mul3A_929 : i32
        %add3A_932 = arith.constant 6 : i32
        %add3A_933 = arith.addi %add3A_931, %add3A_932 : i32
        %get3A_934 = arith.index_cast %add3A_933 : i32 to index
        %get3A_935 = arith.constant 0 : index
        %get3A_936 = tpu.vector_load %arg9[%get3A_934, %get3A_935] {strides = array<i32>} : memref<128x128xf32, #tpu.memory_space<vmem>>, vector<1x16xf32>,
        %get3A_937 = vector.shape_cast %get3A_936 : vector<1x16xf32> to vector<16xf32>
        %mul3A_938 = arith.mulf %get3A_937, %gather3A_927 : vector<16xf32>
        %swap3A_939 = arith.index_cast %add3A_933 : i32 to index
        %swap3A_940 = arith.constant 0 : index
        %swap3A_941 = tpu.vector_load %arg9[%swap3A_939, %swap3A_940] {strides = array<i32>} : memref<128x128xf32, #tpu.memory_space<vmem>>, vector<1x16xf32>,
        %swap3A_942 = vector.shape_cast %swap3A_941 : vector<1x16xf32> to vector<16xf32>
        %swap3A_943 = vector.shape_cast %mul3A_938 : vector<16xf32> to vector<1x16xf32>
        tpu.vector_store %arg9[%swap3A_939, %swap3A_940], %swap3A_943 {strides = array<i32>} : memref<128x128xf32, #tpu.memory_space<vmem>>, vector<1x16xf32>,
        %get3A_944 = arith.index_cast %add3A_933 : i32 to index
        %get3A_945 = arith.constant 16 : index
        %get3A_946 = tpu.vector_load %arg9[%get3A_944, %get3A_945] {strides = array<i32>} : memref<128x128xf32, #tpu.memory_space<vmem>>, vector<1x16xf32>,
        %get3A_947 = vector.shape_cast %get3A_946 : vector<1x16xf32> to vector<16xf32>
        %mul3A_948 = arith.mulf %get3A_947, %gather3A_927 : vector<16xf32>
        %swap3A_949 = arith.index_cast %add3A_933 : i32 to index
        %swap3A_950 = arith.constant 16 : index
        %swap3A_951 = tpu.vector_load %arg9[%swap3A_949, %swap3A_950] {strides = array<i32>} : memref<128x128xf32, #tpu.memory_space<vmem>>, vector<1x16xf32>,
        %swap3A_952 = vector.shape_cast %swap3A_951 : vector<1x16xf32> to vector<16xf32>
        %swap3A_953 = vector.shape_cast %mul3A_948 : vector<16xf32> to vector<1x16xf32>
        tpu.vector_store %arg9[%swap3A_949, %swap3A_950], %swap3A_953 {strides = array<i32>} : memref<128x128xf32, #tpu.memory_space<vmem>>, vector<1x16xf32>,
        %get3A_954 = arith.index_cast %add3A_933 : i32 to index
        %get3A_955 = arith.constant 32 : index
        %get3A_956 = tpu.vector_load %arg9[%get3A_954, %get3A_955] {strides = array<i32>} : memref<128x128xf32, #tpu.memory_space<vmem>>, vector<1x16xf32>,
        %get3A_957 = vector.shape_cast %get3A_956 : vector<1x16xf32> to vector<16xf32>
        %mul3A_958 = arith.mulf %get3A_957, %gather3A_927 : vector<16xf32>
        %swap3A_959 = arith.index_cast %add3A_933 : i32 to index
        %swap3A_960 = arith.constant 32 : index
        %swap3A_961 = tpu.vector_load %arg9[%swap3A_959, %swap3A_960] {strides = array<i32>} : memref<128x128xf32, #tpu.memory_space<vmem>>, vector<1x16xf32>,
        %swap3A_962 = vector.shape_cast %swap3A_961 : vector<1x16xf32> to vector<16xf32>
        %swap3A_963 = vector.shape_cast %mul3A_958 : vector<16xf32> to vector<1x16xf32>
        tpu.vector_store %arg9[%swap3A_959, %swap3A_960], %swap3A_963 {strides = array<i32>} : memref<128x128xf32, #tpu.memory_space<vmem>>, vector<1x16xf32>,
        %get3A_964 = arith.index_cast %add3A_933 : i32 to index
        %get3A_965 = arith.constant 48 : index
        %get3A_966 = tpu.vector_load %arg9[%get3A_964, %get3A_965] {strides = array<i32>} : memref<128x128xf32, #tpu.memory_space<vmem>>, vector<1x16xf32>,
        %get3A_967 = vector.shape_cast %get3A_966 : vector<1x16xf32> to vector<16xf32>
        %mul3A_968 = arith.mulf %get3A_967, %gather3A_927 : vector<16xf32>
        %swap3A_969 = arith.index_cast %add3A_933 : i32 to index
        %swap3A_970 = arith.constant 48 : index
        %swap3A_971 = tpu.vector_load %arg9[%swap3A_969, %swap3A_970] {strides = array<i32>} : memref<128x128xf32, #tpu.memory_space<vmem>>, vector<1x16xf32>,
        %swap3A_972 = vector.shape_cast %swap3A_971 : vector<1x16xf32> to vector<16xf32>
        %swap3A_973 = vector.shape_cast %mul3A_968 : vector<16xf32> to vector<1x16xf32>
        tpu.vector_store %arg9[%swap3A_969, %swap3A_970], %swap3A_973 {strides = array<i32>} : memref<128x128xf32, #tpu.memory_space<vmem>>, vector<1x16xf32>,
        %get3A_974 = arith.index_cast %add3A_933 : i32 to index
        %get3A_975 = arith.constant 64 : index
        %get3A_976 = tpu.vector_load %arg9[%get3A_974, %get3A_975] {strides = array<i32>} : memref<128x128xf32, #tpu.memory_space<vmem>>, vector<1x16xf32>,
        %get3A_977 = vector.shape_cast %get3A_976 : vector<1x16xf32> to vector<16xf32>
        %mul3A_978 = arith.mulf %get3A_977, %gather3A_927 : vector<16xf32>
        %swap3A_979 = arith.index_cast %add3A_933 : i32 to index
        %swap3A_980 = arith.constant 64 : index
        %swap3A_981 = tpu.vector_load %arg9[%swap3A_979, %swap3A_980] {strides = array<i32>} : memref<128x128xf32, #tpu.memory_space<vmem>>, vector<1x16xf32>,
        %swap3A_982 = vector.shape_cast %swap3A_981 : vector<1x16xf32> to vector<16xf32>
        %swap3A_983 = vector.shape_cast %mul3A_978 : vector<16xf32> to vector<1x16xf32>
        tpu.vector_store %arg9[%swap3A_979, %swap3A_980], %swap3A_983 {strides = array<i32>} : memref<128x128xf32, #tpu.memory_space<vmem>>, vector<1x16xf32>,
        %get3A_984 = arith.index_cast %add3A_933 : i32 to index
        %get3A_985 = arith.constant 80 : index
        %get3A_986 = tpu.vector_load %arg9[%get3A_984, %get3A_985] {strides = array<i32>} : memref<128x128xf32, #tpu.memory_space<vmem>>, vector<1x16xf32>,
        %get3A_987 = vector.shape_cast %get3A_986 : vector<1x16xf32> to vector<16xf32>
        %mul3A_988 = arith.mulf %get3A_987, %gather3A_927 : vector<16xf32>
        %swap3A_989 = arith.index_cast %add3A_933 : i32 to index
        %swap3A_990 = arith.constant 80 : index
        %swap3A_991 = tpu.vector_load %arg9[%swap3A_989, %swap3A_990] {strides = array<i32>} : memref<128x128xf32, #tpu.memory_space<vmem>>, vector<1x16xf32>,
        %swap3A_992 = vector.shape_cast %swap3A_991 : vector<1x16xf32> to vector<16xf32>
        %swap3A_993 = vector.shape_cast %mul3A_988 : vector<16xf32> to vector<1x16xf32>
        tpu.vector_store %arg9[%swap3A_989, %swap3A_990], %swap3A_993 {strides = array<i32>} : memref<128x128xf32, #tpu.memory_space<vmem>>, vector<1x16xf32>,
        %get3A_994 = arith.index_cast %add3A_933 : i32 to index
        %get3A_995 = arith.constant 96 : index
        %get3A_996 = tpu.vector_load %arg9[%get3A_994, %get3A_995] {strides = array<i32>} : memref<128x128xf32, #tpu.memory_space<vmem>>, vector<1x16xf32>,
        %get3A_997 = vector.shape_cast %get3A_996 : vector<1x16xf32> to vector<16xf32>
        %mul3A_998 = arith.mulf %get3A_997, %gather3A_927 : vector<16xf32>
        %swap3A_999 = arith.index_cast %add3A_933 : i32 to index
        %swap3A_1000 = arith.constant 96 : index
        %swap3A_1001 = tpu.vector_load %arg9[%swap3A_999, %swap3A_1000] {strides = array<i32>} : memref<128x128xf32, #tpu.memory_space<vmem>>, vector<1x16xf32>,
        %swap3A_1002 = vector.shape_cast %swap3A_1001 : vector<1x16xf32> to vector<16xf32>
        %swap3A_1003 = vector.shape_cast %mul3A_998 : vector<16xf32> to vector<1x16xf32>
        tpu.vector_store %arg9[%swap3A_999, %swap3A_1000], %swap3A_1003 {strides = array<i32>} : memref<128x128xf32, #tpu.memory_space<vmem>>, vector<1x16xf32>,
        %get3A_1004 = arith.index_cast %add3A_933 : i32 to index
        %get3A_1005 = arith.constant 112 : index
        %get3A_1006 = tpu.vector_load %arg9[%get3A_1004, %get3A_1005] {strides = array<i32>} : memref<128x128xf32, #tpu.memory_space<vmem>>, vector<1x16xf32>,
        %get3A_1007 = vector.shape_cast %get3A_1006 : vector<1x16xf32> to vector<16xf32>
        %mul3A_1008 = arith.mulf %get3A_1007, %gather3A_927 : vector<16xf32>
        %swap3A_1009 = arith.index_cast %add3A_933 : i32 to index
        %swap3A_1010 = arith.constant 112 : index
        %swap3A_1011 = tpu.vector_load %arg9[%swap3A_1009, %swap3A_1010] {strides = array<i32>} : memref<128x128xf32, #tpu.memory_space<vmem>>, vector<1x16xf32>,
        %swap3A_1012 = vector.shape_cast %swap3A_1011 : vector<1x16xf32> to vector<16xf32>
        %swap3A_1013 = vector.shape_cast %mul3A_1008 : vector<16xf32> to vector<1x16xf32>
        tpu.vector_store %arg9[%swap3A_1009, %swap3A_1010], %swap3A_1013 {strides = array<i32>} : memref<128x128xf32, #tpu.memory_space<vmem>>, vector<1x16xf32>,
        %broadcast_in_dim3A_1014 = arith.constant 7 : i32
        %broadcast_in_dim3A_1015 = vector.broadcast %broadcast_in_dim3A_1014 : i32 to vector<16x1xi32>
        %gather3A_1016 = vector.shape_cast %broadcast_in_dim3A_1015 : vector<16x1xi32> to vector<16xi32>
        %gather3A_1017 = tpu.dynamic_gather %get3A_386[%gather3A_1016] in [0] : vector<16xf32>, vector<16xi32> -> vector<16xf32>
        %mul3A_1018 = arith.constant 16 : i32
        %mul3A_1019 = arith.muli %add3A_379, %mul3A_1018 : i32
        %add3A_1020 = arith.constant 64 : i32
        %add3A_1021 = arith.addi %add3A_1020, %mul3A_1019 : i32
        %add3A_1022 = arith.constant 7 : i32
        %add3A_1023 = arith.addi %add3A_1021, %add3A_1022 : i32
        %get3A_1024 = arith.index_cast %add3A_1023 : i32 to index
        %get3A_1025 = arith.constant 0 : index
        %get3A_1026 = tpu.vector_load %arg9[%get3A_1024, %get3A_1025] {strides = array<i32>} : memref<128x128xf32, #tpu.memory_space<vmem>>, vector<1x16xf32>,
        %get3A_1027 = vector.shape_cast %get3A_1026 : vector<1x16xf32> to vector<16xf32>
        %mul3A_1028 = arith.mulf %get3A_1027, %gather3A_1017 : vector<16xf32>
        %swap3A_1029 = arith.index_cast %add3A_1023 : i32 to index
        %swap3A_1030 = arith.constant 0 : index
        %swap3A_1031 = tpu.vector_load %arg9[%swap3A_1029, %swap3A_1030] {strides = array<i32>} : memref<128x128xf32, #tpu.memory_space<vmem>>, vector<1x16xf32>,
        %swap3A_1032 = vector.shape_cast %swap3A_1031 : vector<1x16xf32> to vector<16xf32>
        %swap3A_1033 = vector.shape_cast %mul3A_1028 : vector<16xf32> to vector<1x16xf32>
        tpu.vector_store %arg9[%swap3A_1029, %swap3A_1030], %swap3A_1033 {strides = array<i32>} : memref<128x128xf32, #tpu.memory_space<vmem>>, vector<1x16xf32>,
        %get3A_1034 = arith.index_cast %add3A_1023 : i32 to index
        %get3A_1035 = arith.constant 16 : index
        %get3A_1036 = tpu.vector_load %arg9[%get3A_1034, %get3A_1035] {strides = array<i32>} : memref<128x128xf32, #tpu.memory_space<vmem>>, vector<1x16xf32>,
        %get3A_1037 = vector.shape_cast %get3A_1036 : vector<1x16xf32> to vector<16xf32>
        %mul3A_1038 = arith.mulf %get3A_1037, %gather3A_1017 : vector<16xf32>
        %swap3A_1039 = arith.index_cast %add3A_1023 : i32 to index
        %swap3A_1040 = arith.constant 16 : index
        %swap3A_1041 = tpu.vector_load %arg9[%swap3A_1039, %swap3A_1040] {strides = array<i32>} : memref<128x128xf32, #tpu.memory_space<vmem>>, vector<1x16xf32>,
        %swap3A_1042 = vector.shape_cast %swap3A_1041 : vector<1x16xf32> to vector<16xf32>
        %swap3A_1043 = vector.shape_cast %mul3A_1038 : vector<16xf32> to vector<1x16xf32>
        tpu.vector_store %arg9[%swap3A_1039, %swap3A_1040], %swap3A_1043 {strides = array<i32>} : memref<128x128xf32, #tpu.memory_space<vmem>>, vector<1x16xf32>,
        %get3A_1044 = arith.index_cast %add3A_1023 : i32 to index
        %get3A_1045 = arith.constant 32 : index
        %get3A_1046 = tpu.vector_load %arg9[%get3A_1044, %get3A_1045] {strides = array<i32>} : memref<128x128xf32, #tpu.memory_space<vmem>>, vector<1x16xf32>,
        %get3A_1047 = vector.shape_cast %get3A_1046 : vector<1x16xf32> to vector<16xf32>
        %mul3A_1048 = arith.mulf %get3A_1047, %gather3A_1017 : vector<16xf32>
        %swap3A_1049 = arith.index_cast %add3A_1023 : i32 to index
        %swap3A_1050 = arith.constant 32 : index
        %swap3A_1051 = tpu.vector_load %arg9[%swap3A_1049, %swap3A_1050] {strides = array<i32>} : memref<128x128xf32, #tpu.memory_space<vmem>>, vector<1x16xf32>,
        %swap3A_1052 = vector.shape_cast %swap3A_1051 : vector<1x16xf32> to vector<16xf32>
        %swap3A_1053 = vector.shape_cast %mul3A_1048 : vector<16xf32> to vector<1x16xf32>
        tpu.vector_store %arg9[%swap3A_1049, %swap3A_1050], %swap3A_1053 {strides = array<i32>} : memref<128x128xf32, #tpu.memory_space<vmem>>, vector<1x16xf32>,
        %get3A_1054 = arith.index_cast %add3A_1023 : i32 to index
        %get3A_1055 = arith.constant 48 : index
        %get3A_1056 = tpu.vector_load %arg9[%get3A_1054, %get3A_1055] {strides = array<i32>} : memref<128x128xf32, #tpu.memory_space<vmem>>, vector<1x16xf32>,
        %get3A_1057 = vector.shape_cast %get3A_1056 : vector<1x16xf32> to vector<16xf32>
        %mul3A_1058 = arith.mulf %get3A_1057, %gather3A_1017 : vector<16xf32>
        %swap3A_1059 = arith.index_cast %add3A_1023 : i32 to index
        %swap3A_1060 = arith.constant 48 : index
        %swap3A_1061 = tpu.vector_load %arg9[%swap3A_1059, %swap3A_1060] {strides = array<i32>} : memref<128x128xf32, #tpu.memory_space<vmem>>, vector<1x16xf32>,
        %swap3A_1062 = vector.shape_cast %swap3A_1061 : vector<1x16xf32> to vector<16xf32>
        %swap3A_1063 = vector.shape_cast %mul3A_1058 : vector<16xf32> to vector<1x16xf32>
        tpu.vector_store %arg9[%swap3A_1059, %swap3A_1060], %swap3A_1063 {strides = array<i32>} : memref<128x128xf32, #tpu.memory_space<vmem>>, vector<1x16xf32>,
        %get3A_1064 = arith.index_cast %add3A_1023 : i32 to index
        %get3A_1065 = arith.constant 64 : index
        %get3A_1066 = tpu.vector_load %arg9[%get3A_1064, %get3A_1065] {strides = array<i32>} : memref<128x128xf32, #tpu.memory_space<vmem>>, vector<1x16xf32>,
        %get3A_1067 = vector.shape_cast %get3A_1066 : vector<1x16xf32> to vector<16xf32>
        %mul3A_1068 = arith.mulf %get3A_1067, %gather3A_1017 : vector<16xf32>
        %swap3A_1069 = arith.index_cast %add3A_1023 : i32 to index
        %swap3A_1070 = arith.constant 64 : index
        %swap3A_1071 = tpu.vector_load %arg9[%swap3A_1069, %swap3A_1070] {strides = array<i32>} : memref<128x128xf32, #tpu.memory_space<vmem>>, vector<1x16xf32>,
        %swap3A_1072 = vector.shape_cast %swap3A_1071 : vector<1x16xf32> to vector<16xf32>
        %swap3A_1073 = vector.shape_cast %mul3A_1068 : vector<16xf32> to vector<1x16xf32>
        tpu.vector_store %arg9[%swap3A_1069, %swap3A_1070], %swap3A_1073 {strides = array<i32>} : memref<128x128xf32, #tpu.memory_space<vmem>>, vector<1x16xf32>,
        %get3A_1074 = arith.index_cast %add3A_1023 : i32 to index
        %get3A_1075 = arith.constant 80 : index
        %get3A_1076 = tpu.vector_load %arg9[%get3A_1074, %get3A_1075] {strides = array<i32>} : memref<128x128xf32, #tpu.memory_space<vmem>>, vector<1x16xf32>,
        %get3A_1077 = vector.shape_cast %get3A_1076 : vector<1x16xf32> to vector<16xf32>
        %mul3A_1078 = arith.mulf %get3A_1077, %gather3A_1017 : vector<16xf32>
        %swap3A_1079 = arith.index_cast %add3A_1023 : i32 to index
        %swap3A_1080 = arith.constant 80 : index
        %swap3A_1081 = tpu.vector_load %arg9[%swap3A_1079, %swap3A_1080] {strides = array<i32>} : memref<128x128xf32, #tpu.memory_space<vmem>>, vector<1x16xf32>,
        %swap3A_1082 = vector.shape_cast %swap3A_1081 : vector<1x16xf32> to vector<16xf32>
        %swap3A_1083 = vector.shape_cast %mul3A_1078 : vector<16xf32> to vector<1x16xf32>
        tpu.vector_store %arg9[%swap3A_1079, %swap3A_1080], %swap3A_1083 {strides = array<i32>} : memref<128x128xf32, #tpu.memory_space<vmem>>, vector<1x16xf32>,
        %get3A_1084 = arith.index_cast %add3A_1023 : i32 to index
        %get3A_1085 = arith.constant 96 : index
        %get3A_1086 = tpu.vector_load %arg9[%get3A_1084, %get3A_1085] {strides = array<i32>} : memref<128x128xf32, #tpu.memory_space<vmem>>, vector<1x16xf32>,
        %get3A_1087 = vector.shape_cast %get3A_1086 : vector<1x16xf32> to vector<16xf32>
        %mul3A_1088 = arith.mulf %get3A_1087, %gather3A_1017 : vector<16xf32>
        %swap3A_1089 = arith.index_cast %add3A_1023 : i32 to index
        %swap3A_1090 = arith.constant 96 : index
        %swap3A_1091 = tpu.vector_load %arg9[%swap3A_1089, %swap3A_1090] {strides = array<i32>} : memref<128x128xf32, #tpu.memory_space<vmem>>, vector<1x16xf32>,
        %swap3A_1092 = vector.shape_cast %swap3A_1091 : vector<1x16xf32> to vector<16xf32>
        %swap3A_1093 = vector.shape_cast %mul3A_1088 : vector<16xf32> to vector<1x16xf32>
        tpu.vector_store %arg9[%swap3A_1089, %swap3A_1090], %swap3A_1093 {strides = array<i32>} : memref<128x128xf32, #tpu.memory_space<vmem>>, vector<1x16xf32>,
        %get3A_1094 = arith.index_cast %add3A_1023 : i32 to index
        %get3A_1095 = arith.constant 112 : index
        %get3A_1096 = tpu.vector_load %arg9[%get3A_1094, %get3A_1095] {strides = array<i32>} : memref<128x128xf32, #tpu.memory_space<vmem>>, vector<1x16xf32>,
        %get3A_1097 = vector.shape_cast %get3A_1096 : vector<1x16xf32> to vector<16xf32>
        %mul3A_1098 = arith.mulf %get3A_1097, %gather3A_1017 : vector<16xf32>
        %swap3A_1099 = arith.index_cast %add3A_1023 : i32 to index
        %swap3A_1100 = arith.constant 112 : index
        %swap3A_1101 = tpu.vector_load %arg9[%swap3A_1099, %swap3A_1100] {strides = array<i32>} : memref<128x128xf32, #tpu.memory_space<vmem>>, vector<1x16xf32>,
        %swap3A_1102 = vector.shape_cast %swap3A_1101 : vector<1x16xf32> to vector<16xf32>
        %swap3A_1103 = vector.shape_cast %mul3A_1098 : vector<16xf32> to vector<1x16xf32>
        tpu.vector_store %arg9[%swap3A_1099, %swap3A_1100], %swap3A_1103 {strides = array<i32>} : memref<128x128xf32, #tpu.memory_space<vmem>>, vector<1x16xf32>,
        %broadcast_in_dim3A_1104 = arith.constant 8 : i32
        %broadcast_in_dim3A_1105 = vector.broadcast %broadcast_in_dim3A_1104 : i32 to vector<16x1xi32>
        %gather3A_1106 = vector.shape_cast %broadcast_in_dim3A_1105 : vector<16x1xi32> to vector<16xi32>
        %gather3A_1107 = tpu.dynamic_gather %get3A_386[%gather3A_1106] in [0] : vector<16xf32>, vector<16xi32> -> vector<16xf32>
        %mul3A_1108 = arith.constant 16 : i32
        %mul3A_1109 = arith.muli %add3A_379, %mul3A_1108 : i32
        %add3A_1110 = arith.constant 64 : i32
        %add3A_1111 = arith.addi %add3A_1110, %mul3A_1109 : i32
        %add3A_1112 = arith.constant 8 : i32
        %add3A_1113 = arith.addi %add3A_1111, %add3A_1112 : i32
        %get3A_1114 = arith.index_cast %add3A_1113 : i32 to index
        %get3A_1115 = arith.constant 0 : index
        %get3A_1116 = tpu.vector_load %arg9[%get3A_1114, %get3A_1115] {strides = array<i32>} : memref<128x128xf32, #tpu.memory_space<vmem>>, vector<1x16xf32>,
        %get3A_1117 = vector.shape_cast %get3A_1116 : vector<1x16xf32> to vector<16xf32>
        %mul3A_1118 = arith.mulf %get3A_1117, %gather3A_1107 : vector<16xf32>
        %swap3A_1119 = arith.index_cast %add3A_1113 : i32 to index
        %swap3A_1120 = arith.constant 0 : index
        %swap3A_1121 = tpu.vector_load %arg9[%swap3A_1119, %swap3A_1120] {strides = array<i32>} : memref<128x128xf32, #tpu.memory_space<vmem>>, vector<1x16xf32>,
        %swap3A_1122 = vector.shape_cast %swap3A_1121 : vector<1x16xf32> to vector<16xf32>
        %swap3A_1123 = vector.shape_cast %mul3A_1118 : vector<16xf32> to vector<1x16xf32>
        tpu.vector_store %arg9[%swap3A_1119, %swap3A_1120], %swap3A_1123 {strides = array<i32>} : memref<128x128xf32, #tpu.memory_space<vmem>>, vector<1x16xf32>,
        %get3A_1124 = arith.index_cast %add3A_1113 : i32 to index
        %get3A_1125 = arith.constant 16 : index
        %get3A_1126 = tpu.vector_load %arg9[%get3A_1124, %get3A_1125] {strides = array<i32>} : memref<128x128xf32, #tpu.memory_space<vmem>>, vector<1x16xf32>,
        %get3A_1127 = vector.shape_cast %get3A_1126 : vector<1x16xf32> to vector<16xf32>
        %mul3A_1128 = arith.mulf %get3A_1127, %gather3A_1107 : vector<16xf32>
        %swap3A_1129 = arith.index_cast %add3A_1113 : i32 to index
        %swap3A_1130 = arith.constant 16 : index
        %swap3A_1131 = tpu.vector_load %arg9[%swap3A_1129, %swap3A_1130] {strides = array<i32>} : memref<128x128xf32, #tpu.memory_space<vmem>>, vector<1x16xf32>,
        %swap3A_1132 = vector.shape_cast %swap3A_1131 : vector<1x16xf32> to vector<16xf32>
        %swap3A_1133 = vector.shape_cast %mul3A_1128 : vector<16xf32> to vector<1x16xf32>
        tpu.vector_store %arg9[%swap3A_1129, %swap3A_1130], %swap3A_1133 {strides = array<i32>} : memref<128x128xf32, #tpu.memory_space<vmem>>, vector<1x16xf32>,
        %get3A_1134 = arith.index_cast %add3A_1113 : i32 to index
        %get3A_1135 = arith.constant 32 : index
        %get3A_1136 = tpu.vector_load %arg9[%get3A_1134, %get3A_1135] {strides = array<i32>} : memref<128x128xf32, #tpu.memory_space<vmem>>, vector<1x16xf32>,
        %get3A_1137 = vector.shape_cast %get3A_1136 : vector<1x16xf32> to vector<16xf32>
        %mul3A_1138 = arith.mulf %get3A_1137, %gather3A_1107 : vector<16xf32>
        %swap3A_1139 = arith.index_cast %add3A_1113 : i32 to index
        %swap3A_1140 = arith.constant 32 : index
        %swap3A_1141 = tpu.vector_load %arg9[%swap3A_1139, %swap3A_1140] {strides = array<i32>} : memref<128x128xf32, #tpu.memory_space<vmem>>, vector<1x16xf32>,
        %swap3A_1142 = vector.shape_cast %swap3A_1141 : vector<1x16xf32> to vector<16xf32>
        %swap3A_1143 = vector.shape_cast %mul3A_1138 : vector<16xf32> to vector<1x16xf32>
        tpu.vector_store %arg9[%swap3A_1139, %swap3A_1140], %swap3A_1143 {strides = array<i32>} : memref<128x128xf32, #tpu.memory_space<vmem>>, vector<1x16xf32>,
        %get3A_1144 = arith.index_cast %add3A_1113 : i32 to index
        %get3A_1145 = arith.constant 48 : index
        %get3A_1146 = tpu.vector_load %arg9[%get3A_1144, %get3A_1145] {strides = array<i32>} : memref<128x128xf32, #tpu.memory_space<vmem>>, vector<1x16xf32>,
        %get3A_1147 = vector.shape_cast %get3A_1146 : vector<1x16xf32> to vector<16xf32>
        %mul3A_1148 = arith.mulf %get3A_1147, %gather3A_1107 : vector<16xf32>
        %swap3A_1149 = arith.index_cast %add3A_1113 : i32 to index
        %swap3A_1150 = arith.constant 48 : index
        %swap3A_1151 = tpu.vector_load %arg9[%swap3A_1149, %swap3A_1150] {strides = array<i32>} : memref<128x128xf32, #tpu.memory_space<vmem>>, vector<1x16xf32>,
        %swap3A_1152 = vector.shape_cast %swap3A_1151 : vector<1x16xf32> to vector<16xf32>
        %swap3A_1153 = vector.shape_cast %mul3A_1148 : vector<16xf32> to vector<1x16xf32>
        tpu.vector_store %arg9[%swap3A_1149, %swap3A_1150], %swap3A_1153 {strides = array<i32>} : memref<128x128xf32, #tpu.memory_space<vmem>>, vector<1x16xf32>,
        %get3A_1154 = arith.index_cast %add3A_1113 : i32 to index
        %get3A_1155 = arith.constant 64 : index
        %get3A_1156 = tpu.vector_load %arg9[%get3A_1154, %get3A_1155] {strides = array<i32>} : memref<128x128xf32, #tpu.memory_space<vmem>>, vector<1x16xf32>,
        %get3A_1157 = vector.shape_cast %get3A_1156 : vector<1x16xf32> to vector<16xf32>
        %mul3A_1158 = arith.mulf %get3A_1157, %gather3A_1107 : vector<16xf32>
        %swap3A_1159 = arith.index_cast %add3A_1113 : i32 to index
        %swap3A_1160 = arith.constant 64 : index
        %swap3A_1161 = tpu.vector_load %arg9[%swap3A_1159, %swap3A_1160] {strides = array<i32>} : memref<128x128xf32, #tpu.memory_space<vmem>>, vector<1x16xf32>,
        %swap3A_1162 = vector.shape_cast %swap3A_1161 : vector<1x16xf32> to vector<16xf32>
        %swap3A_1163 = vector.shape_cast %mul3A_1158 : vector<16xf32> to vector<1x16xf32>
        tpu.vector_store %arg9[%swap3A_1159, %swap3A_1160], %swap3A_1163 {strides = array<i32>} : memref<128x128xf32, #tpu.memory_space<vmem>>, vector<1x16xf32>,
        %get3A_1164 = arith.index_cast %add3A_1113 : i32 to index
        %get3A_1165 = arith.constant 80 : index
        %get3A_1166 = tpu.vector_load %arg9[%get3A_1164, %get3A_1165] {strides = array<i32>} : memref<128x128xf32, #tpu.memory_space<vmem>>, vector<1x16xf32>,
        %get3A_1167 = vector.shape_cast %get3A_1166 : vector<1x16xf32> to vector<16xf32>
        %mul3A_1168 = arith.mulf %get3A_1167, %gather3A_1107 : vector<16xf32>
        %swap3A_1169 = arith.index_cast %add3A_1113 : i32 to index
        %swap3A_1170 = arith.constant 80 : index
        %swap3A_1171 = tpu.vector_load %arg9[%swap3A_1169, %swap3A_1170] {strides = array<i32>} : memref<128x128xf32, #tpu.memory_space<vmem>>, vector<1x16xf32>,
        %swap3A_1172 = vector.shape_cast %swap3A_1171 : vector<1x16xf32> to vector<16xf32>
        %swap3A_1173 = vector.shape_cast %mul3A_1168 : vector<16xf32> to vector<1x16xf32>
        tpu.vector_store %arg9[%swap3A_1169, %swap3A_1170], %swap3A_1173 {strides = array<i32>} : memref<128x128xf32, #tpu.memory_space<vmem>>, vector<1x16xf32>,
        %get3A_1174 = arith.index_cast %add3A_1113 : i32 to index
        %get3A_1175 = arith.constant 96 : index
        %get3A_1176 = tpu.vector_load %arg9[%get3A_1174, %get3A_1175] {strides = array<i32>} : memref<128x128xf32, #tpu.memory_space<vmem>>, vector<1x16xf32>,
        %get3A_1177 = vector.shape_cast %get3A_1176 : vector<1x16xf32> to vector<16xf32>
        %mul3A_1178 = arith.mulf %get3A_1177, %gather3A_1107 : vector<16xf32>
        %swap3A_1179 = arith.index_cast %add3A_1113 : i32 to index
        %swap3A_1180 = arith.constant 96 : index
        %swap3A_1181 = tpu.vector_load %arg9[%swap3A_1179, %swap3A_1180] {strides = array<i32>} : memref<128x128xf32, #tpu.memory_space<vmem>>, vector<1x16xf32>,
        %swap3A_1182 = vector.shape_cast %swap3A_1181 : vector<1x16xf32> to vector<16xf32>
        %swap3A_1183 = vector.shape_cast %mul3A_1178 : vector<16xf32> to vector<1x16xf32>
        tpu.vector_store %arg9[%swap3A_1179, %swap3A_1180], %swap3A_1183 {strides = array<i32>} : memref<128x128xf32, #tpu.memory_space<vmem>>, vector<1x16xf32>,
        %get3A_1184 = arith.index_cast %add3A_1113 : i32 to index
        %get3A_1185 = arith.constant 112 : index
        %get3A_1186 = tpu.vector_load %arg9[%get3A_1184, %get3A_1185] {strides = array<i32>} : memref<128x128xf32, #tpu.memory_space<vmem>>, vector<1x16xf32>,
        %get3A_1187 = vector.shape_cast %get3A_1186 : vector<1x16xf32> to vector<16xf32>
        %mul3A_1188 = arith.mulf %get3A_1187, %gather3A_1107 : vector<16xf32>
        %swap3A_1189 = arith.index_cast %add3A_1113 : i32 to index
        %swap3A_1190 = arith.constant 112 : index
        %swap3A_1191 = tpu.vector_load %arg9[%swap3A_1189, %swap3A_1190] {strides = array<i32>} : memref<128x128xf32, #tpu.memory_space<vmem>>, vector<1x16xf32>,
        %swap3A_1192 = vector.shape_cast %swap3A_1191 : vector<1x16xf32> to vector<16xf32>
        %swap3A_1193 = vector.shape_cast %mul3A_1188 : vector<16xf32> to vector<1x16xf32>
        tpu.vector_store %arg9[%swap3A_1189, %swap3A_1190], %swap3A_1193 {strides = array<i32>} : memref<128x128xf32, #tpu.memory_space<vmem>>, vector<1x16xf32>,
        %broadcast_in_dim3A_1194 = arith.constant 9 : i32
        %broadcast_in_dim3A_1195 = vector.broadcast %broadcast_in_dim3A_1194 : i32 to vector<16x1xi32>
        %gather3A_1196 = vector.shape_cast %broadcast_in_dim3A_1195 : vector<16x1xi32> to vector<16xi32>
        %gather3A_1197 = tpu.dynamic_gather %get3A_386[%gather3A_1196] in [0] : vector<16xf32>, vector<16xi32> -> vector<16xf32>
        %mul3A_1198 = arith.constant 16 : i32
        %mul3A_1199 = arith.muli %add3A_379, %mul3A_1198 : i32
        %add3A_1200 = arith.constant 64 : i32
        %add3A_1201 = arith.addi %add3A_1200, %mul3A_1199 : i32
        %add3A_1202 = arith.constant 9 : i32
        %add3A_1203 = arith.addi %add3A_1201, %add3A_1202 : i32
        %get3A_1204 = arith.index_cast %add3A_1203 : i32 to index
        %get3A_1205 = arith.constant 0 : index
        %get3A_1206 = tpu.vector_load %arg9[%get3A_1204, %get3A_1205] {strides = array<i32>} : memref<128x128xf32, #tpu.memory_space<vmem>>, vector<1x16xf32>,
        %get3A_1207 = vector.shape_cast %get3A_1206 : vector<1x16xf32> to vector<16xf32>
        %mul3A_1208 = arith.mulf %get3A_1207, %gather3A_1197 : vector<16xf32>
        %swap3A_1209 = arith.index_cast %add3A_1203 : i32 to index
        %swap3A_1210 = arith.constant 0 : index
        %swap3A_1211 = tpu.vector_load %arg9[%swap3A_1209, %swap3A_1210] {strides = array<i32>} : memref<128x128xf32, #tpu.memory_space<vmem>>, vector<1x16xf32>,
        %swap3A_1212 = vector.shape_cast %swap3A_1211 : vector<1x16xf32> to vector<16xf32>
        %swap3A_1213 = vector.shape_cast %mul3A_1208 : vector<16xf32> to vector<1x16xf32>
        tpu.vector_store %arg9[%swap3A_1209, %swap3A_1210], %swap3A_1213 {strides = array<i32>} : memref<128x128xf32, #tpu.memory_space<vmem>>, vector<1x16xf32>,
        %get3A_1214 = arith.index_cast %add3A_1203 : i32 to index
        %get3A_1215 = arith.constant 16 : index
        %get3A_1216 = tpu.vector_load %arg9[%get3A_1214, %get3A_1215] {strides = array<i32>} : memref<128x128xf32, #tpu.memory_space<vmem>>, vector<1x16xf32>,
        %get3A_1217 = vector.shape_cast %get3A_1216 : vector<1x16xf32> to vector<16xf32>
        %mul3A_1218 = arith.mulf %get3A_1217, %gather3A_1197 : vector<16xf32>
        %swap3A_1219 = arith.index_cast %add3A_1203 : i32 to index
        %swap3A_1220 = arith.constant 16 : index
        %swap3A_1221 = tpu.vector_load %arg9[%swap3A_1219, %swap3A_1220] {strides = array<i32>} : memref<128x128xf32, #tpu.memory_space<vmem>>, vector<1x16xf32>,
        %swap3A_1222 = vector.shape_cast %swap3A_1221 : vector<1x16xf32> to vector<16xf32>
        %swap3A_1223 = vector.shape_cast %mul3A_1218 : vector<16xf32> to vector<1x16xf32>
        tpu.vector_store %arg9[%swap3A_1219, %swap3A_1220], %swap3A_1223 {strides = array<i32>} : memref<128x128xf32, #tpu.memory_space<vmem>>, vector<1x16xf32>,
        %get3A_1224 = arith.index_cast %add3A_1203 : i32 to index
        %get3A_1225 = arith.constant 32 : index
        %get3A_1226 = tpu.vector_load %arg9[%get3A_1224, %get3A_1225] {strides = array<i32>} : memref<128x128xf32, #tpu.memory_space<vmem>>, vector<1x16xf32>,
        %get3A_1227 = vector.shape_cast %get3A_1226 : vector<1x16xf32> to vector<16xf32>
        %mul3A_1228 = arith.mulf %get3A_1227, %gather3A_1197 : vector<16xf32>
        %swap3A_1229 = arith.index_cast %add3A_1203 : i32 to index
        %swap3A_1230 = arith.constant 32 : index
        %swap3A_1231 = tpu.vector_load %arg9[%swap3A_1229, %swap3A_1230] {strides = array<i32>} : memref<128x128xf32, #tpu.memory_space<vmem>>, vector<1x16xf32>,
        %swap3A_1232 = vector.shape_cast %swap3A_1231 : vector<1x16xf32> to vector<16xf32>
        %swap3A_1233 = vector.shape_cast %mul3A_1228 : vector<16xf32> to vector<1x16xf32>
        tpu.vector_store %arg9[%swap3A_1229, %swap3A_1230], %swap3A_1233 {strides = array<i32>} : memref<128x128xf32, #tpu.memory_space<vmem>>, vector<1x16xf32>,
        %get3A_1234 = arith.index_cast %add3A_1203 : i32 to index
        %get3A_1235 = arith.constant 48 : index
        %get3A_1236 = tpu.vector_load %arg9[%get3A_1234, %get3A_1235] {strides = array<i32>} : memref<128x128xf32, #tpu.memory_space<vmem>>, vector<1x16xf32>,
        %get3A_1237 = vector.shape_cast %get3A_1236 : vector<1x16xf32> to vector<16xf32>
        %mul3A_1238 = arith.mulf %get3A_1237, %gather3A_1197 : vector<16xf32>
        %swap3A_1239 = arith.index_cast %add3A_1203 : i32 to index
        %swap3A_1240 = arith.constant 48 : index
        %swap3A_1241 = tpu.vector_load %arg9[%swap3A_1239, %swap3A_1240] {strides = array<i32>} : memref<128x128xf32, #tpu.memory_space<vmem>>, vector<1x16xf32>,
        %swap3A_1242 = vector.shape_cast %swap3A_1241 : vector<1x16xf32> to vector<16xf32>
        %swap3A_1243 = vector.shape_cast %mul3A_1238 : vector<16xf32> to vector<1x16xf32>
        tpu.vector_store %arg9[%swap3A_1239, %swap3A_1240], %swap3A_1243 {strides = array<i32>} : memref<128x128xf32, #tpu.memory_space<vmem>>, vector<1x16xf32>,
        %get3A_1244 = arith.index_cast %add3A_1203 : i32 to index
        %get3A_1245 = arith.constant 64 : index
        %get3A_1246 = tpu.vector_load %arg9[%get3A_1244, %get3A_1245] {strides = array<i32>} : memref<128x128xf32, #tpu.memory_space<vmem>>, vector<1x16xf32>,
        %get3A_1247 = vector.shape_cast %get3A_1246 : vector<1x16xf32> to vector<16xf32>
        %mul3A_1248 = arith.mulf %get3A_1247, %gather3A_1197 : vector<16xf32>
        %swap3A_1249 = arith.index_cast %add3A_1203 : i32 to index
        %swap3A_1250 = arith.constant 64 : index
        %swap3A_1251 = tpu.vector_load %arg9[%swap3A_1249, %swap3A_1250] {strides = array<i32>} : memref<128x128xf32, #tpu.memory_space<vmem>>, vector<1x16xf32>,
        %swap3A_1252 = vector.shape_cast %swap3A_1251 : vector<1x16xf32> to vector<16xf32>
        %swap3A_1253 = vector.shape_cast %mul3A_1248 : vector<16xf32> to vector<1x16xf32>
        tpu.vector_store %arg9[%swap3A_1249, %swap3A_1250], %swap3A_1253 {strides = array<i32>} : memref<128x128xf32, #tpu.memory_space<vmem>>, vector<1x16xf32>,
        %get3A_1254 = arith.index_cast %add3A_1203 : i32 to index
        %get3A_1255 = arith.constant 80 : index
        %get3A_1256 = tpu.vector_load %arg9[%get3A_1254, %get3A_1255] {strides = array<i32>} : memref<128x128xf32, #tpu.memory_space<vmem>>, vector<1x16xf32>,
        %get3A_1257 = vector.shape_cast %get3A_1256 : vector<1x16xf32> to vector<16xf32>
        %mul3A_1258 = arith.mulf %get3A_1257, %gather3A_1197 : vector<16xf32>
        %swap3A_1259 = arith.index_cast %add3A_1203 : i32 to index
        %swap3A_1260 = arith.constant 80 : index
        %swap3A_1261 = tpu.vector_load %arg9[%swap3A_1259, %swap3A_1260] {strides = array<i32>} : memref<128x128xf32, #tpu.memory_space<vmem>>, vector<1x16xf32>,
        %swap3A_1262 = vector.shape_cast %swap3A_1261 : vector<1x16xf32> to vector<16xf32>
        %swap3A_1263 = vector.shape_cast %mul3A_1258 : vector<16xf32> to vector<1x16xf32>
        tpu.vector_store %arg9[%swap3A_1259, %swap3A_1260], %swap3A_1263 {strides = array<i32>} : memref<128x128xf32, #tpu.memory_space<vmem>>, vector<1x16xf32>,
        %get3A_1264 = arith.index_cast %add3A_1203 : i32 to index
        %get3A_1265 = arith.constant 96 : index
        %get3A_1266 = tpu.vector_load %arg9[%get3A_1264, %get3A_1265] {strides = array<i32>} : memref<128x128xf32, #tpu.memory_space<vmem>>, vector<1x16xf32>,
        %get3A_1267 = vector.shape_cast %get3A_1266 : vector<1x16xf32> to vector<16xf32>
        %mul3A_1268 = arith.mulf %get3A_1267, %gather3A_1197 : vector<16xf32>
        %swap3A_1269 = arith.index_cast %add3A_1203 : i32 to index
        %swap3A_1270 = arith.constant 96 : index
        %swap3A_1271 = tpu.vector_load %arg9[%swap3A_1269, %swap3A_1270] {strides = array<i32>} : memref<128x128xf32, #tpu.memory_space<vmem>>, vector<1x16xf32>,
        %swap3A_1272 = vector.shape_cast %swap3A_1271 : vector<1x16xf32> to vector<16xf32>
        %swap3A_1273 = vector.shape_cast %mul3A_1268 : vector<16xf32> to vector<1x16xf32>
        tpu.vector_store %arg9[%swap3A_1269, %swap3A_1270], %swap3A_1273 {strides = array<i32>} : memref<128x128xf32, #tpu.memory_space<vmem>>, vector<1x16xf32>,
        %get3A_1274 = arith.index_cast %add3A_1203 : i32 to index
        %get3A_1275 = arith.constant 112 : index
        %get3A_1276 = tpu.vector_load %arg9[%get3A_1274, %get3A_1275] {strides = array<i32>} : memref<128x128xf32, #tpu.memory_space<vmem>>, vector<1x16xf32>,
        %get3A_1277 = vector.shape_cast %get3A_1276 : vector<1x16xf32> to vector<16xf32>
        %mul3A_1278 = arith.mulf %get3A_1277, %gather3A_1197 : vector<16xf32>
        %swap3A_1279 = arith.index_cast %add3A_1203 : i32 to index
        %swap3A_1280 = arith.constant 112 : index
        %swap3A_1281 = tpu.vector_load %arg9[%swap3A_1279, %swap3A_1280] {strides = array<i32>} : memref<128x128xf32, #tpu.memory_space<vmem>>, vector<1x16xf32>,
        %swap3A_1282 = vector.shape_cast %swap3A_1281 : vector<1x16xf32> to vector<16xf32>
        %swap3A_1283 = vector.shape_cast %mul3A_1278 : vector<16xf32> to vector<1x16xf32>
        tpu.vector_store %arg9[%swap3A_1279, %swap3A_1280], %swap3A_1283 {strides = array<i32>} : memref<128x128xf32, #tpu.memory_space<vmem>>, vector<1x16xf32>,
        %broadcast_in_dim3A_1284 = arith.constant 10 : i32
        %broadcast_in_dim3A_1285 = vector.broadcast %broadcast_in_dim3A_1284 : i32 to vector<16x1xi32>
        %gather3A_1286 = vector.shape_cast %broadcast_in_dim3A_1285 : vector<16x1xi32> to vector<16xi32>
        %gather3A_1287 = tpu.dynamic_gather %get3A_386[%gather3A_1286] in [0] : vector<16xf32>, vector<16xi32> -> vector<16xf32>
        %mul3A_1288 = arith.constant 16 : i32
        %mul3A_1289 = arith.muli %add3A_379, %mul3A_1288 : i32
        %add3A_1290 = arith.constant 64 : i32
        %add3A_1291 = arith.addi %add3A_1290, %mul3A_1289 : i32
        %add3A_1292 = arith.constant 10 : i32
        %add3A_1293 = arith.addi %add3A_1291, %add3A_1292 : i32
        %get3A_1294 = arith.index_cast %add3A_1293 : i32 to index
        %get3A_1295 = arith.constant 0 : index
        %get3A_1296 = tpu.vector_load %arg9[%get3A_1294, %get3A_1295] {strides = array<i32>} : memref<128x128xf32, #tpu.memory_space<vmem>>, vector<1x16xf32>,
        %get3A_1297 = vector.shape_cast %get3A_1296 : vector<1x16xf32> to vector<16xf32>
        %mul3A_1298 = arith.mulf %get3A_1297, %gather3A_1287 : vector<16xf32>
        %swap3A_1299 = arith.index_cast %add3A_1293 : i32 to index
        %swap3A_1300 = arith.constant 0 : index
        %swap3A_1301 = tpu.vector_load %arg9[%swap3A_1299, %swap3A_1300] {strides = array<i32>} : memref<128x128xf32, #tpu.memory_space<vmem>>, vector<1x16xf32>,
        %swap3A_1302 = vector.shape_cast %swap3A_1301 : vector<1x16xf32> to vector<16xf32>
        %swap3A_1303 = vector.shape_cast %mul3A_1298 : vector<16xf32> to vector<1x16xf32>
        tpu.vector_store %arg9[%swap3A_1299, %swap3A_1300], %swap3A_1303 {strides = array<i32>} : memref<128x128xf32, #tpu.memory_space<vmem>>, vector<1x16xf32>,
        %get3A_1304 = arith.index_cast %add3A_1293 : i32 to index
        %get3A_1305 = arith.constant 16 : index
        %get3A_1306 = tpu.vector_load %arg9[%get3A_1304, %get3A_1305] {strides = array<i32>} : memref<128x128xf32, #tpu.memory_space<vmem>>, vector<1x16xf32>,
        %get3A_1307 = vector.shape_cast %get3A_1306 : vector<1x16xf32> to vector<16xf32>
        %mul3A_1308 = arith.mulf %get3A_1307, %gather3A_1287 : vector<16xf32>
        %swap3A_1309 = arith.index_cast %add3A_1293 : i32 to index
        %swap3A_1310 = arith.constant 16 : index
        %swap3A_1311 = tpu.vector_load %arg9[%swap3A_1309, %swap3A_1310] {strides = array<i32>} : memref<128x128xf32, #tpu.memory_space<vmem>>, vector<1x16xf32>,
        %swap3A_1312 = vector.shape_cast %swap3A_1311 : vector<1x16xf32> to vector<16xf32>
        %swap3A_1313 = vector.shape_cast %mul3A_1308 : vector<16xf32> to vector<1x16xf32>
        tpu.vector_store %arg9[%swap3A_1309, %swap3A_1310], %swap3A_1313 {strides = array<i32>} : memref<128x128xf32, #tpu.memory_space<vmem>>, vector<1x16xf32>,
        %get3A_1314 = arith.index_cast %add3A_1293 : i32 to index
        %get3A_1315 = arith.constant 32 : index
        %get3A_1316 = tpu.vector_load %arg9[%get3A_1314, %get3A_1315] {strides = array<i32>} : memref<128x128xf32, #tpu.memory_space<vmem>>, vector<1x16xf32>,
        %get3A_1317 = vector.shape_cast %get3A_1316 : vector<1x16xf32> to vector<16xf32>
        %mul3A_1318 = arith.mulf %get3A_1317, %gather3A_1287 : vector<16xf32>
        %swap3A_1319 = arith.index_cast %add3A_1293 : i32 to index
        %swap3A_1320 = arith.constant 32 : index
        %swap3A_1321 = tpu.vector_load %arg9[%swap3A_1319, %swap3A_1320] {strides = array<i32>} : memref<128x128xf32, #tpu.memory_space<vmem>>, vector<1x16xf32>,
        %swap3A_1322 = vector.shape_cast %swap3A_1321 : vector<1x16xf32> to vector<16xf32>
        %swap3A_1323 = vector.shape_cast %mul3A_1318 : vector<16xf32> to vector<1x16xf32>
        tpu.vector_store %arg9[%swap3A_1319, %swap3A_1320], %swap3A_1323 {strides = array<i32>} : memref<128x128xf32, #tpu.memory_space<vmem>>, vector<1x16xf32>,
        %get3A_1324 = arith.index_cast %add3A_1293 : i32 to index
        %get3A_1325 = arith.constant 48 : index
        %get3A_1326 = tpu.vector_load %arg9[%get3A_1324, %get3A_1325] {strides = array<i32>} : memref<128x128xf32, #tpu.memory_space<vmem>>, vector<1x16xf32>,
        %get3A_1327 = vector.shape_cast %get3A_1326 : vector<1x16xf32> to vector<16xf32>
        %mul3A_1328 = arith.mulf %get3A_1327, %gather3A_1287 : vector<16xf32>
        %swap3A_1329 = arith.index_cast %add3A_1293 : i32 to index
        %swap3A_1330 = arith.constant 48 : index
        %swap3A_1331 = tpu.vector_load %arg9[%swap3A_1329, %swap3A_1330] {strides = array<i32>} : memref<128x128xf32, #tpu.memory_space<vmem>>, vector<1x16xf32>,
        %swap3A_1332 = vector.shape_cast %swap3A_1331 : vector<1x16xf32> to vector<16xf32>
        %swap3A_1333 = vector.shape_cast %mul3A_1328 : vector<16xf32> to vector<1x16xf32>
        tpu.vector_store %arg9[%swap3A_1329, %swap3A_1330], %swap3A_1333 {strides = array<i32>} : memref<128x128xf32, #tpu.memory_space<vmem>>, vector<1x16xf32>,
        %get3A_1334 = arith.index_cast %add3A_1293 : i32 to index
        %get3A_1335 = arith.constant 64 : index
        %get3A_1336 = tpu.vector_load %arg9[%get3A_1334, %get3A_1335] {strides = array<i32>} : memref<128x128xf32, #tpu.memory_space<vmem>>, vector<1x16xf32>,
        %get3A_1337 = vector.shape_cast %get3A_1336 : vector<1x16xf32> to vector<16xf32>
        %mul3A_1338 = arith.mulf %get3A_1337, %gather3A_1287 : vector<16xf32>
        %swap3A_1339 = arith.index_cast %add3A_1293 : i32 to index
        %swap3A_1340 = arith.constant 64 : index
        %swap3A_1341 = tpu.vector_load %arg9[%swap3A_1339, %swap3A_1340] {strides = array<i32>} : memref<128x128xf32, #tpu.memory_space<vmem>>, vector<1x16xf32>,
        %swap3A_1342 = vector.shape_cast %swap3A_1341 : vector<1x16xf32> to vector<16xf32>
        %swap3A_1343 = vector.shape_cast %mul3A_1338 : vector<16xf32> to vector<1x16xf32>
        tpu.vector_store %arg9[%swap3A_1339, %swap3A_1340], %swap3A_1343 {strides = array<i32>} : memref<128x128xf32, #tpu.memory_space<vmem>>, vector<1x16xf32>,
        %get3A_1344 = arith.index_cast %add3A_1293 : i32 to index
        %get3A_1345 = arith.constant 80 : index
        %get3A_1346 = tpu.vector_load %arg9[%get3A_1344, %get3A_1345] {strides = array<i32>} : memref<128x128xf32, #tpu.memory_space<vmem>>, vector<1x16xf32>,
        %get3A_1347 = vector.shape_cast %get3A_1346 : vector<1x16xf32> to vector<16xf32>
        %mul3A_1348 = arith.mulf %get3A_1347, %gather3A_1287 : vector<16xf32>
        %swap3A_1349 = arith.index_cast %add3A_1293 : i32 to index
        %swap3A_1350 = arith.constant 80 : index
        %swap3A_1351 = tpu.vector_load %arg9[%swap3A_1349, %swap3A_1350] {strides = array<i32>} : memref<128x128xf32, #tpu.memory_space<vmem>>, vector<1x16xf32>,
        %swap3A_1352 = vector.shape_cast %swap3A_1351 : vector<1x16xf32> to vector<16xf32>
        %swap3A_1353 = vector.shape_cast %mul3A_1348 : vector<16xf32> to vector<1x16xf32>
        tpu.vector_store %arg9[%swap3A_1349, %swap3A_1350], %swap3A_1353 {strides = array<i32>} : memref<128x128xf32, #tpu.memory_space<vmem>>, vector<1x16xf32>,
        %get3A_1354 = arith.index_cast %add3A_1293 : i32 to index
        %get3A_1355 = arith.constant 96 : index
        %get3A_1356 = tpu.vector_load %arg9[%get3A_1354, %get3A_1355] {strides = array<i32>} : memref<128x128xf32, #tpu.memory_space<vmem>>, vector<1x16xf32>,
        %get3A_1357 = vector.shape_cast %get3A_1356 : vector<1x16xf32> to vector<16xf32>
        %mul3A_1358 = arith.mulf %get3A_1357, %gather3A_1287 : vector<16xf32>
        %swap3A_1359 = arith.index_cast %add3A_1293 : i32 to index
        %swap3A_1360 = arith.constant 96 : index
        %swap3A_1361 = tpu.vector_load %arg9[%swap3A_1359, %swap3A_1360] {strides = array<i32>} : memref<128x128xf32, #tpu.memory_space<vmem>>, vector<1x16xf32>,
        %swap3A_1362 = vector.shape_cast %swap3A_1361 : vector<1x16xf32> to vector<16xf32>
        %swap3A_1363 = vector.shape_cast %mul3A_1358 : vector<16xf32> to vector<1x16xf32>
        tpu.vector_store %arg9[%swap3A_1359, %swap3A_1360], %swap3A_1363 {strides = array<i32>} : memref<128x128xf32, #tpu.memory_space<vmem>>, vector<1x16xf32>,
        %get3A_1364 = arith.index_cast %add3A_1293 : i32 to index
        %get3A_1365 = arith.constant 112 : index
        %get3A_1366 = tpu.vector_load %arg9[%get3A_1364, %get3A_1365] {strides = array<i32>} : memref<128x128xf32, #tpu.memory_space<vmem>>, vector<1x16xf32>,
        %get3A_1367 = vector.shape_cast %get3A_1366 : vector<1x16xf32> to vector<16xf32>
        %mul3A_1368 = arith.mulf %get3A_1367, %gather3A_1287 : vector<16xf32>
        %swap3A_1369 = arith.index_cast %add3A_1293 : i32 to index
        %swap3A_1370 = arith.constant 112 : index
        %swap3A_1371 = tpu.vector_load %arg9[%swap3A_1369, %swap3A_1370] {strides = array<i32>} : memref<128x128xf32, #tpu.memory_space<vmem>>, vector<1x16xf32>,
        %swap3A_1372 = vector.shape_cast %swap3A_1371 : vector<1x16xf32> to vector<16xf32>
        %swap3A_1373 = vector.shape_cast %mul3A_1368 : vector<16xf32> to vector<1x16xf32>
        tpu.vector_store %arg9[%swap3A_1369, %swap3A_1370], %swap3A_1373 {strides = array<i32>} : memref<128x128xf32, #tpu.memory_space<vmem>>, vector<1x16xf32>,
        %broadcast_in_dim3A_1374 = arith.constant 11 : i32
        %broadcast_in_dim3A_1375 = vector.broadcast %broadcast_in_dim3A_1374 : i32 to vector<16x1xi32>
        %gather3A_1376 = vector.shape_cast %broadcast_in_dim3A_1375 : vector<16x1xi32> to vector<16xi32>
        %gather3A_1377 = tpu.dynamic_gather %get3A_386[%gather3A_1376] in [0] : vector<16xf32>, vector<16xi32> -> vector<16xf32>
        %mul3A_1378 = arith.constant 16 : i32
        %mul3A_1379 = arith.muli %add3A_379, %mul3A_1378 : i32
        %add3A_1380 = arith.constant 64 : i32
        %add3A_1381 = arith.addi %add3A_1380, %mul3A_1379 : i32
        %add3A_1382 = arith.constant 11 : i32
        %add3A_1383 = arith.addi %add3A_1381, %add3A_1382 : i32
        %get3A_1384 = arith.index_cast %add3A_1383 : i32 to index
        %get3A_1385 = arith.constant 0 : index
        %get3A_1386 = tpu.vector_load %arg9[%get3A_1384, %get3A_1385] {strides = array<i32>} : memref<128x128xf32, #tpu.memory_space<vmem>>, vector<1x16xf32>,
        %get3A_1387 = vector.shape_cast %get3A_1386 : vector<1x16xf32> to vector<16xf32>
        %mul3A_1388 = arith.mulf %get3A_1387, %gather3A_1377 : vector<16xf32>
        %swap3A_1389 = arith.index_cast %add3A_1383 : i32 to index
        %swap3A_1390 = arith.constant 0 : index
        %swap3A_1391 = tpu.vector_load %arg9[%swap3A_1389, %swap3A_1390] {strides = array<i32>} : memref<128x128xf32, #tpu.memory_space<vmem>>, vector<1x16xf32>,
        %swap3A_1392 = vector.shape_cast %swap3A_1391 : vector<1x16xf32> to vector<16xf32>
        %swap3A_1393 = vector.shape_cast %mul3A_1388 : vector<16xf32> to vector<1x16xf32>
        tpu.vector_store %arg9[%swap3A_1389, %swap3A_1390], %swap3A_1393 {strides = array<i32>} : memref<128x128xf32, #tpu.memory_space<vmem>>, vector<1x16xf32>,
        %get3A_1394 = arith.index_cast %add3A_1383 : i32 to index
        %get3A_1395 = arith.constant 16 : index
        %get3A_1396 = tpu.vector_load %arg9[%get3A_1394, %get3A_1395] {strides = array<i32>} : memref<128x128xf32, #tpu.memory_space<vmem>>, vector<1x16xf32>,
        %get3A_1397 = vector.shape_cast %get3A_1396 : vector<1x16xf32> to vector<16xf32>
        %mul3A_1398 = arith.mulf %get3A_1397, %gather3A_1377 : vector<16xf32>
        %swap3A_1399 = arith.index_cast %add3A_1383 : i32 to index
        %swap3A_1400 = arith.constant 16 : index
        %swap3A_1401 = tpu.vector_load %arg9[%swap3A_1399, %swap3A_1400] {strides = array<i32>} : memref<128x128xf32, #tpu.memory_space<vmem>>, vector<1x16xf32>,
        %swap3A_1402 = vector.shape_cast %swap3A_1401 : vector<1x16xf32> to vector<16xf32>
        %swap3A_1403 = vector.shape_cast %mul3A_1398 : vector<16xf32> to vector<1x16xf32>
        tpu.vector_store %arg9[%swap3A_1399, %swap3A_1400], %swap3A_1403 {strides = array<i32>} : memref<128x128xf32, #tpu.memory_space<vmem>>, vector<1x16xf32>,
        %get3A_1404 = arith.index_cast %add3A_1383 : i32 to index
        %get3A_1405 = arith.constant 32 : index
        %get3A_1406 = tpu.vector_load %arg9[%get3A_1404, %get3A_1405] {strides = array<i32>} : memref<128x128xf32, #tpu.memory_space<vmem>>, vector<1x16xf32>,
        %get3A_1407 = vector.shape_cast %get3A_1406 : vector<1x16xf32> to vector<16xf32>
        %mul3A_1408 = arith.mulf %get3A_1407, %gather3A_1377 : vector<16xf32>
        %swap3A_1409 = arith.index_cast %add3A_1383 : i32 to index
        %swap3A_1410 = arith.constant 32 : index
        %swap3A_1411 = tpu.vector_load %arg9[%swap3A_1409, %swap3A_1410] {strides = array<i32>} : memref<128x128xf32, #tpu.memory_space<vmem>>, vector<1x16xf32>,
        %swap3A_1412 = vector.shape_cast %swap3A_1411 : vector<1x16xf32> to vector<16xf32>
        %swap3A_1413 = vector.shape_cast %mul3A_1408 : vector<16xf32> to vector<1x16xf32>
        tpu.vector_store %arg9[%swap3A_1409, %swap3A_1410], %swap3A_1413 {strides = array<i32>} : memref<128x128xf32, #tpu.memory_space<vmem>>, vector<1x16xf32>,
        %get3A_1414 = arith.index_cast %add3A_1383 : i32 to index
        %get3A_1415 = arith.constant 48 : index
        %get3A_1416 = tpu.vector_load %arg9[%get3A_1414, %get3A_1415] {strides = array<i32>} : memref<128x128xf32, #tpu.memory_space<vmem>>, vector<1x16xf32>,
        %get3A_1417 = vector.shape_cast %get3A_1416 : vector<1x16xf32> to vector<16xf32>
        %mul3A_1418 = arith.mulf %get3A_1417, %gather3A_1377 : vector<16xf32>
        %swap3A_1419 = arith.index_cast %add3A_1383 : i32 to index
        %swap3A_1420 = arith.constant 48 : index
        %swap3A_1421 = tpu.vector_load %arg9[%swap3A_1419, %swap3A_1420] {strides = array<i32>} : memref<128x128xf32, #tpu.memory_space<vmem>>, vector<1x16xf32>,
        %swap3A_1422 = vector.shape_cast %swap3A_1421 : vector<1x16xf32> to vector<16xf32>
        %swap3A_1423 = vector.shape_cast %mul3A_1418 : vector<16xf32> to vector<1x16xf32>
        tpu.vector_store %arg9[%swap3A_1419, %swap3A_1420], %swap3A_1423 {strides = array<i32>} : memref<128x128xf32, #tpu.memory_space<vmem>>, vector<1x16xf32>,
        %get3A_1424 = arith.index_cast %add3A_1383 : i32 to index
        %get3A_1425 = arith.constant 64 : index
        %get3A_1426 = tpu.vector_load %arg9[%get3A_1424, %get3A_1425] {strides = array<i32>} : memref<128x128xf32, #tpu.memory_space<vmem>>, vector<1x16xf32>,
        %get3A_1427 = vector.shape_cast %get3A_1426 : vector<1x16xf32> to vector<16xf32>
        %mul3A_1428 = arith.mulf %get3A_1427, %gather3A_1377 : vector<16xf32>
        %swap3A_1429 = arith.index_cast %add3A_1383 : i32 to index
        %swap3A_1430 = arith.constant 64 : index
        %swap3A_1431 = tpu.vector_load %arg9[%swap3A_1429, %swap3A_1430] {strides = array<i32>} : memref<128x128xf32, #tpu.memory_space<vmem>>, vector<1x16xf32>,
        %swap3A_1432 = vector.shape_cast %swap3A_1431 : vector<1x16xf32> to vector<16xf32>
        %swap3A_1433 = vector.shape_cast %mul3A_1428 : vector<16xf32> to vector<1x16xf32>
        tpu.vector_store %arg9[%swap3A_1429, %swap3A_1430], %swap3A_1433 {strides = array<i32>} : memref<128x128xf32, #tpu.memory_space<vmem>>, vector<1x16xf32>,
        %get3A_1434 = arith.index_cast %add3A_1383 : i32 to index
        %get3A_1435 = arith.constant 80 : index
        %get3A_1436 = tpu.vector_load %arg9[%get3A_1434, %get3A_1435] {strides = array<i32>} : memref<128x128xf32, #tpu.memory_space<vmem>>, vector<1x16xf32>,
        %get3A_1437 = vector.shape_cast %get3A_1436 : vector<1x16xf32> to vector<16xf32>
        %mul3A_1438 = arith.mulf %get3A_1437, %gather3A_1377 : vector<16xf32>
        %swap3A_1439 = arith.index_cast %add3A_1383 : i32 to index
        %swap3A_1440 = arith.constant 80 : index
        %swap3A_1441 = tpu.vector_load %arg9[%swap3A_1439, %swap3A_1440] {strides = array<i32>} : memref<128x128xf32, #tpu.memory_space<vmem>>, vector<1x16xf32>,
        %swap3A_1442 = vector.shape_cast %swap3A_1441 : vector<1x16xf32> to vector<16xf32>
        %swap3A_1443 = vector.shape_cast %mul3A_1438 : vector<16xf32> to vector<1x16xf32>
        tpu.vector_store %arg9[%swap3A_1439, %swap3A_1440], %swap3A_1443 {strides = array<i32>} : memref<128x128xf32, #tpu.memory_space<vmem>>, vector<1x16xf32>,
        %get3A_1444 = arith.index_cast %add3A_1383 : i32 to index
        %get3A_1445 = arith.constant 96 : index
        %get3A_1446 = tpu.vector_load %arg9[%get3A_1444, %get3A_1445] {strides = array<i32>} : memref<128x128xf32, #tpu.memory_space<vmem>>, vector<1x16xf32>,
        %get3A_1447 = vector.shape_cast %get3A_1446 : vector<1x16xf32> to vector<16xf32>
        %mul3A_1448 = arith.mulf %get3A_1447, %gather3A_1377 : vector<16xf32>
        %swap3A_1449 = arith.index_cast %add3A_1383 : i32 to index
        %swap3A_1450 = arith.constant 96 : index
        %swap3A_1451 = tpu.vector_load %arg9[%swap3A_1449, %swap3A_1450] {strides = array<i32>} : memref<128x128xf32, #tpu.memory_space<vmem>>, vector<1x16xf32>,
        %swap3A_1452 = vector.shape_cast %swap3A_1451 : vector<1x16xf32> to vector<16xf32>
        %swap3A_1453 = vector.shape_cast %mul3A_1448 : vector<16xf32> to vector<1x16xf32>
        tpu.vector_store %arg9[%swap3A_1449, %swap3A_1450], %swap3A_1453 {strides = array<i32>} : memref<128x128xf32, #tpu.memory_space<vmem>>, vector<1x16xf32>,
        %get3A_1454 = arith.index_cast %add3A_1383 : i32 to index
        %get3A_1455 = arith.constant 112 : index
        %get3A_1456 = tpu.vector_load %arg9[%get3A_1454, %get3A_1455] {strides = array<i32>} : memref<128x128xf32, #tpu.memory_space<vmem>>, vector<1x16xf32>,
        %get3A_1457 = vector.shape_cast %get3A_1456 : vector<1x16xf32> to vector<16xf32>
        %mul3A_1458 = arith.mulf %get3A_1457, %gather3A_1377 : vector<16xf32>
        %swap3A_1459 = arith.index_cast %add3A_1383 : i32 to index
        %swap3A_1460 = arith.constant 112 : index
        %swap3A_1461 = tpu.vector_load %arg9[%swap3A_1459, %swap3A_1460] {strides = array<i32>} : memref<128x128xf32, #tpu.memory_space<vmem>>, vector<1x16xf32>,
        %swap3A_1462 = vector.shape_cast %swap3A_1461 : vector<1x16xf32> to vector<16xf32>
        %swap3A_1463 = vector.shape_cast %mul3A_1458 : vector<16xf32> to vector<1x16xf32>
        tpu.vector_store %arg9[%swap3A_1459, %swap3A_1460], %swap3A_1463 {strides = array<i32>} : memref<128x128xf32, #tpu.memory_space<vmem>>, vector<1x16xf32>,
        %broadcast_in_dim3A_1464 = arith.constant 12 : i32
        %broadcast_in_dim3A_1465 = vector.broadcast %broadcast_in_dim3A_1464 : i32 to vector<16x1xi32>
        %gather3A_1466 = vector.shape_cast %broadcast_in_dim3A_1465 : vector<16x1xi32> to vector<16xi32>
        %gather3A_1467 = tpu.dynamic_gather %get3A_386[%gather3A_1466] in [0] : vector<16xf32>, vector<16xi32> -> vector<16xf32>
        %mul3A_1468 = arith.constant 16 : i32
        %mul3A_1469 = arith.muli %add3A_379, %mul3A_1468 : i32
        %add3A_1470 = arith.constant 64 : i32
        %add3A_1471 = arith.addi %add3A_1470, %mul3A_1469 : i32
        %add3A_1472 = arith.constant 12 : i32
        %add3A_1473 = arith.addi %add3A_1471, %add3A_1472 : i32
        %get3A_1474 = arith.index_cast %add3A_1473 : i32 to index
        %get3A_1475 = arith.constant 0 : index
        %get3A_1476 = tpu.vector_load %arg9[%get3A_1474, %get3A_1475] {strides = array<i32>} : memref<128x128xf32, #tpu.memory_space<vmem>>, vector<1x16xf32>,
        %get3A_1477 = vector.shape_cast %get3A_1476 : vector<1x16xf32> to vector<16xf32>
        %mul3A_1478 = arith.mulf %get3A_1477, %gather3A_1467 : vector<16xf32>
        %swap3A_1479 = arith.index_cast %add3A_1473 : i32 to index
        %swap3A_1480 = arith.constant 0 : index
        %swap3A_1481 = tpu.vector_load %arg9[%swap3A_1479, %swap3A_1480] {strides = array<i32>} : memref<128x128xf32, #tpu.memory_space<vmem>>, vector<1x16xf32>,
        %swap3A_1482 = vector.shape_cast %swap3A_1481 : vector<1x16xf32> to vector<16xf32>
        %swap3A_1483 = vector.shape_cast %mul3A_1478 : vector<16xf32> to vector<1x16xf32>
        tpu.vector_store %arg9[%swap3A_1479, %swap3A_1480], %swap3A_1483 {strides = array<i32>} : memref<128x128xf32, #tpu.memory_space<vmem>>, vector<1x16xf32>,
        %get3A_1484 = arith.index_cast %add3A_1473 : i32 to index
        %get3A_1485 = arith.constant 16 : index
        %get3A_1486 = tpu.vector_load %arg9[%get3A_1484, %get3A_1485] {strides = array<i32>} : memref<128x128xf32, #tpu.memory_space<vmem>>, vector<1x16xf32>,
        %get3A_1487 = vector.shape_cast %get3A_1486 : vector<1x16xf32> to vector<16xf32>
        %mul3A_1488 = arith.mulf %get3A_1487, %gather3A_1467 : vector<16xf32>
        %swap3A_1489 = arith.index_cast %add3A_1473 : i32 to index
        %swap3A_1490 = arith.constant 16 : index
        %swap3A_1491 = tpu.vector_load %arg9[%swap3A_1489, %swap3A_1490] {strides = array<i32>} : memref<128x128xf32, #tpu.memory_space<vmem>>, vector<1x16xf32>,
        %swap3A_1492 = vector.shape_cast %swap3A_1491 : vector<1x16xf32> to vector<16xf32>
        %swap3A_1493 = vector.shape_cast %mul3A_1488 : vector<16xf32> to vector<1x16xf32>
        tpu.vector_store %arg9[%swap3A_1489, %swap3A_1490], %swap3A_1493 {strides = array<i32>} : memref<128x128xf32, #tpu.memory_space<vmem>>, vector<1x16xf32>,
        %get3A_1494 = arith.index_cast %add3A_1473 : i32 to index
        %get3A_1495 = arith.constant 32 : index
        %get3A_1496 = tpu.vector_load %arg9[%get3A_1494, %get3A_1495] {strides = array<i32>} : memref<128x128xf32, #tpu.memory_space<vmem>>, vector<1x16xf32>,
        %get3A_1497 = vector.shape_cast %get3A_1496 : vector<1x16xf32> to vector<16xf32>
        %mul3A_1498 = arith.mulf %get3A_1497, %gather3A_1467 : vector<16xf32>
        %swap3A_1499 = arith.index_cast %add3A_1473 : i32 to index
        %swap3A_1500 = arith.constant 32 : index
        %swap3A_1501 = tpu.vector_load %arg9[%swap3A_1499, %swap3A_1500] {strides = array<i32>} : memref<128x128xf32, #tpu.memory_space<vmem>>, vector<1x16xf32>,
        %swap3A_1502 = vector.shape_cast %swap3A_1501 : vector<1x16xf32> to vector<16xf32>
        %swap3A_1503 = vector.shape_cast %mul3A_1498 : vector<16xf32> to vector<1x16xf32>
        tpu.vector_store %arg9[%swap3A_1499, %swap3A_1500], %swap3A_1503 {strides = array<i32>} : memref<128x128xf32, #tpu.memory_space<vmem>>, vector<1x16xf32>,
        %get3A_1504 = arith.index_cast %add3A_1473 : i32 to index
        %get3A_1505 = arith.constant 48 : index
        %get3A_1506 = tpu.vector_load %arg9[%get3A_1504, %get3A_1505] {strides = array<i32>} : memref<128x128xf32, #tpu.memory_space<vmem>>, vector<1x16xf32>,
        %get3A_1507 = vector.shape_cast %get3A_1506 : vector<1x16xf32> to vector<16xf32>
        %mul3A_1508 = arith.mulf %get3A_1507, %gather3A_1467 : vector<16xf32>
        %swap3A_1509 = arith.index_cast %add3A_1473 : i32 to index
        %swap3A_1510 = arith.constant 48 : index
        %swap3A_1511 = tpu.vector_load %arg9[%swap3A_1509, %swap3A_1510] {strides = array<i32>} : memref<128x128xf32, #tpu.memory_space<vmem>>, vector<1x16xf32>,
        %swap3A_1512 = vector.shape_cast %swap3A_1511 : vector<1x16xf32> to vector<16xf32>
        %swap3A_1513 = vector.shape_cast %mul3A_1508 : vector<16xf32> to vector<1x16xf32>
        tpu.vector_store %arg9[%swap3A_1509, %swap3A_1510], %swap3A_1513 {strides = array<i32>} : memref<128x128xf32, #tpu.memory_space<vmem>>, vector<1x16xf32>,
        %get3A_1514 = arith.index_cast %add3A_1473 : i32 to index
        %get3A_1515 = arith.constant 64 : index
        %get3A_1516 = tpu.vector_load %arg9[%get3A_1514, %get3A_1515] {strides = array<i32>} : memref<128x128xf32, #tpu.memory_space<vmem>>, vector<1x16xf32>,
        %get3A_1517 = vector.shape_cast %get3A_1516 : vector<1x16xf32> to vector<16xf32>
        %mul3A_1518 = arith.mulf %get3A_1517, %gather3A_1467 : vector<16xf32>
        %swap3A_1519 = arith.index_cast %add3A_1473 : i32 to index
        %swap3A_1520 = arith.constant 64 : index
        %swap3A_1521 = tpu.vector_load %arg9[%swap3A_1519, %swap3A_1520] {strides = array<i32>} : memref<128x128xf32, #tpu.memory_space<vmem>>, vector<1x16xf32>,
        %swap3A_1522 = vector.shape_cast %swap3A_1521 : vector<1x16xf32> to vector<16xf32>
        %swap3A_1523 = vector.shape_cast %mul3A_1518 : vector<16xf32> to vector<1x16xf32>
        tpu.vector_store %arg9[%swap3A_1519, %swap3A_1520], %swap3A_1523 {strides = array<i32>} : memref<128x128xf32, #tpu.memory_space<vmem>>, vector<1x16xf32>,
        %get3A_1524 = arith.index_cast %add3A_1473 : i32 to index
        %get3A_1525 = arith.constant 80 : index
        %get3A_1526 = tpu.vector_load %arg9[%get3A_1524, %get3A_1525] {strides = array<i32>} : memref<128x128xf32, #tpu.memory_space<vmem>>, vector<1x16xf32>,
        %get3A_1527 = vector.shape_cast %get3A_1526 : vector<1x16xf32> to vector<16xf32>
        %mul3A_1528 = arith.mulf %get3A_1527, %gather3A_1467 : vector<16xf32>
        %swap3A_1529 = arith.index_cast %add3A_1473 : i32 to index
        %swap3A_1530 = arith.constant 80 : index
        %swap3A_1531 = tpu.vector_load %arg9[%swap3A_1529, %swap3A_1530] {strides = array<i32>} : memref<128x128xf32, #tpu.memory_space<vmem>>, vector<1x16xf32>,
        %swap3A_1532 = vector.shape_cast %swap3A_1531 : vector<1x16xf32> to vector<16xf32>
        %swap3A_1533 = vector.shape_cast %mul3A_1528 : vector<16xf32> to vector<1x16xf32>
        tpu.vector_store %arg9[%swap3A_1529, %swap3A_1530], %swap3A_1533 {strides = array<i32>} : memref<128x128xf32, #tpu.memory_space<vmem>>, vector<1x16xf32>,
        %get3A_1534 = arith.index_cast %add3A_1473 : i32 to index
        %get3A_1535 = arith.constant 96 : index
        %get3A_1536 = tpu.vector_load %arg9[%get3A_1534, %get3A_1535] {strides = array<i32>} : memref<128x128xf32, #tpu.memory_space<vmem>>, vector<1x16xf32>,
        %get3A_1537 = vector.shape_cast %get3A_1536 : vector<1x16xf32> to vector<16xf32>
        %mul3A_1538 = arith.mulf %get3A_1537, %gather3A_1467 : vector<16xf32>
        %swap3A_1539 = arith.index_cast %add3A_1473 : i32 to index
        %swap3A_1540 = arith.constant 96 : index
        %swap3A_1541 = tpu.vector_load %arg9[%swap3A_1539, %swap3A_1540] {strides = array<i32>} : memref<128x128xf32, #tpu.memory_space<vmem>>, vector<1x16xf32>,
        %swap3A_1542 = vector.shape_cast %swap3A_1541 : vector<1x16xf32> to vector<16xf32>
        %swap3A_1543 = vector.shape_cast %mul3A_1538 : vector<16xf32> to vector<1x16xf32>
        tpu.vector_store %arg9[%swap3A_1539, %swap3A_1540], %swap3A_1543 {strides = array<i32>} : memref<128x128xf32, #tpu.memory_space<vmem>>, vector<1x16xf32>,
        %get3A_1544 = arith.index_cast %add3A_1473 : i32 to index
        %get3A_1545 = arith.constant 112 : index
        %get3A_1546 = tpu.vector_load %arg9[%get3A_1544, %get3A_1545] {strides = array<i32>} : memref<128x128xf32, #tpu.memory_space<vmem>>, vector<1x16xf32>,
        %get3A_1547 = vector.shape_cast %get3A_1546 : vector<1x16xf32> to vector<16xf32>
        %mul3A_1548 = arith.mulf %get3A_1547, %gather3A_1467 : vector<16xf32>
        %swap3A_1549 = arith.index_cast %add3A_1473 : i32 to index
        %swap3A_1550 = arith.constant 112 : index
        %swap3A_1551 = tpu.vector_load %arg9[%swap3A_1549, %swap3A_1550] {strides = array<i32>} : memref<128x128xf32, #tpu.memory_space<vmem>>, vector<1x16xf32>,
        %swap3A_1552 = vector.shape_cast %swap3A_1551 : vector<1x16xf32> to vector<16xf32>
        %swap3A_1553 = vector.shape_cast %mul3A_1548 : vector<16xf32> to vector<1x16xf32>
        tpu.vector_store %arg9[%swap3A_1549, %swap3A_1550], %swap3A_1553 {strides = array<i32>} : memref<128x128xf32, #tpu.memory_space<vmem>>, vector<1x16xf32>,
        %broadcast_in_dim3A_1554 = arith.constant 13 : i32
        %broadcast_in_dim3A_1555 = vector.broadcast %broadcast_in_dim3A_1554 : i32 to vector<16x1xi32>
        %gather3A_1556 = vector.shape_cast %broadcast_in_dim3A_1555 : vector<16x1xi32> to vector<16xi32>
        %gather3A_1557 = tpu.dynamic_gather %get3A_386[%gather3A_1556] in [0] : vector<16xf32>, vector<16xi32> -> vector<16xf32>
        %mul3A_1558 = arith.constant 16 : i32
        %mul3A_1559 = arith.muli %add3A_379, %mul3A_1558 : i32
        %add3A_1560 = arith.constant 64 : i32
        %add3A_1561 = arith.addi %add3A_1560, %mul3A_1559 : i32
        %add3A_1562 = arith.constant 13 : i32
        %add3A_1563 = arith.addi %add3A_1561, %add3A_1562 : i32
        %get3A_1564 = arith.index_cast %add3A_1563 : i32 to index
        %get3A_1565 = arith.constant 0 : index
        %get3A_1566 = tpu.vector_load %arg9[%get3A_1564, %get3A_1565] {strides = array<i32>} : memref<128x128xf32, #tpu.memory_space<vmem>>, vector<1x16xf32>,
        %get3A_1567 = vector.shape_cast %get3A_1566 : vector<1x16xf32> to vector<16xf32>
        %mul3A_1568 = arith.mulf %get3A_1567, %gather3A_1557 : vector<16xf32>
        %swap3A_1569 = arith.index_cast %add3A_1563 : i32 to index
        %swap3A_1570 = arith.constant 0 : index
        %swap3A_1571 = tpu.vector_load %arg9[%swap3A_1569, %swap3A_1570] {strides = array<i32>} : memref<128x128xf32, #tpu.memory_space<vmem>>, vector<1x16xf32>,
        %swap3A_1572 = vector.shape_cast %swap3A_1571 : vector<1x16xf32> to vector<16xf32>
        %swap3A_1573 = vector.shape_cast %mul3A_1568 : vector<16xf32> to vector<1x16xf32>
        tpu.vector_store %arg9[%swap3A_1569, %swap3A_1570], %swap3A_1573 {strides = array<i32>} : memref<128x128xf32, #tpu.memory_space<vmem>>, vector<1x16xf32>,
        %get3A_1574 = arith.index_cast %add3A_1563 : i32 to index
        %get3A_1575 = arith.constant 16 : index
        %get3A_1576 = tpu.vector_load %arg9[%get3A_1574, %get3A_1575] {strides = array<i32>} : memref<128x128xf32, #tpu.memory_space<vmem>>, vector<1x16xf32>,
        %get3A_1577 = vector.shape_cast %get3A_1576 : vector<1x16xf32> to vector<16xf32>
        %mul3A_1578 = arith.mulf %get3A_1577, %gather3A_1557 : vector<16xf32>
        %swap3A_1579 = arith.index_cast %add3A_1563 : i32 to index
        %swap3A_1580 = arith.constant 16 : index
        %swap3A_1581 = tpu.vector_load %arg9[%swap3A_1579, %swap3A_1580] {strides = array<i32>} : memref<128x128xf32, #tpu.memory_space<vmem>>, vector<1x16xf32>,
        %swap3A_1582 = vector.shape_cast %swap3A_1581 : vector<1x16xf32> to vector<16xf32>
        %swap3A_1583 = vector.shape_cast %mul3A_1578 : vector<16xf32> to vector<1x16xf32>
        tpu.vector_store %arg9[%swap3A_1579, %swap3A_1580], %swap3A_1583 {strides = array<i32>} : memref<128x128xf32, #tpu.memory_space<vmem>>, vector<1x16xf32>,
        %get3A_1584 = arith.index_cast %add3A_1563 : i32 to index
        %get3A_1585 = arith.constant 32 : index
        %get3A_1586 = tpu.vector_load %arg9[%get3A_1584, %get3A_1585] {strides = array<i32>} : memref<128x128xf32, #tpu.memory_space<vmem>>, vector<1x16xf32>,
        %get3A_1587 = vector.shape_cast %get3A_1586 : vector<1x16xf32> to vector<16xf32>
        %mul3A_1588 = arith.mulf %get3A_1587, %gather3A_1557 : vector<16xf32>
        %swap3A_1589 = arith.index_cast %add3A_1563 : i32 to index
        %swap3A_1590 = arith.constant 32 : index
        %swap3A_1591 = tpu.vector_load %arg9[%swap3A_1589, %swap3A_1590] {strides = array<i32>} : memref<128x128xf32, #tpu.memory_space<vmem>>, vector<1x16xf32>,
        %swap3A_1592 = vector.shape_cast %swap3A_1591 : vector<1x16xf32> to vector<16xf32>
        %swap3A_1593 = vector.shape_cast %mul3A_1588 : vector<16xf32> to vector<1x16xf32>
        tpu.vector_store %arg9[%swap3A_1589, %swap3A_1590], %swap3A_1593 {strides = array<i32>} : memref<128x128xf32, #tpu.memory_space<vmem>>, vector<1x16xf32>,
        %get3A_1594 = arith.index_cast %add3A_1563 : i32 to index
        %get3A_1595 = arith.constant 48 : index
        %get3A_1596 = tpu.vector_load %arg9[%get3A_1594, %get3A_1595] {strides = array<i32>} : memref<128x128xf32, #tpu.memory_space<vmem>>, vector<1x16xf32>,
        %get3A_1597 = vector.shape_cast %get3A_1596 : vector<1x16xf32> to vector<16xf32>
        %mul3A_1598 = arith.mulf %get3A_1597, %gather3A_1557 : vector<16xf32>
        %swap3A_1599 = arith.index_cast %add3A_1563 : i32 to index
        %swap3A_1600 = arith.constant 48 : index
        %swap3A_1601 = tpu.vector_load %arg9[%swap3A_1599, %swap3A_1600] {strides = array<i32>} : memref<128x128xf32, #tpu.memory_space<vmem>>, vector<1x16xf32>,
        %swap3A_1602 = vector.shape_cast %swap3A_1601 : vector<1x16xf32> to vector<16xf32>
        %swap3A_1603 = vector.shape_cast %mul3A_1598 : vector<16xf32> to vector<1x16xf32>
        tpu.vector_store %arg9[%swap3A_1599, %swap3A_1600], %swap3A_1603 {strides = array<i32>} : memref<128x128xf32, #tpu.memory_space<vmem>>, vector<1x16xf32>,
        %get3A_1604 = arith.index_cast %add3A_1563 : i32 to index
        %get3A_1605 = arith.constant 64 : index
        %get3A_1606 = tpu.vector_load %arg9[%get3A_1604, %get3A_1605] {strides = array<i32>} : memref<128x128xf32, #tpu.memory_space<vmem>>, vector<1x16xf32>,
        %get3A_1607 = vector.shape_cast %get3A_1606 : vector<1x16xf32> to vector<16xf32>
        %mul3A_1608 = arith.mulf %get3A_1607, %gather3A_1557 : vector<16xf32>
        %swap3A_1609 = arith.index_cast %add3A_1563 : i32 to index
        %swap3A_1610 = arith.constant 64 : index
        %swap3A_1611 = tpu.vector_load %arg9[%swap3A_1609, %swap3A_1610] {strides = array<i32>} : memref<128x128xf32, #tpu.memory_space<vmem>>, vector<1x16xf32>,
        %swap3A_1612 = vector.shape_cast %swap3A_1611 : vector<1x16xf32> to vector<16xf32>
        %swap3A_1613 = vector.shape_cast %mul3A_1608 : vector<16xf32> to vector<1x16xf32>
        tpu.vector_store %arg9[%swap3A_1609, %swap3A_1610], %swap3A_1613 {strides = array<i32>} : memref<128x128xf32, #tpu.memory_space<vmem>>, vector<1x16xf32>,
        %get3A_1614 = arith.index_cast %add3A_1563 : i32 to index
        %get3A_1615 = arith.constant 80 : index
        %get3A_1616 = tpu.vector_load %arg9[%get3A_1614, %get3A_1615] {strides = array<i32>} : memref<128x128xf32, #tpu.memory_space<vmem>>, vector<1x16xf32>,
        %get3A_1617 = vector.shape_cast %get3A_1616 : vector<1x16xf32> to vector<16xf32>
        %mul3A_1618 = arith.mulf %get3A_1617, %gather3A_1557 : vector<16xf32>
        %swap3A_1619 = arith.index_cast %add3A_1563 : i32 to index
        %swap3A_1620 = arith.constant 80 : index
        %swap3A_1621 = tpu.vector_load %arg9[%swap3A_1619, %swap3A_1620] {strides = array<i32>} : memref<128x128xf32, #tpu.memory_space<vmem>>, vector<1x16xf32>,
        %swap3A_1622 = vector.shape_cast %swap3A_1621 : vector<1x16xf32> to vector<16xf32>
        %swap3A_1623 = vector.shape_cast %mul3A_1618 : vector<16xf32> to vector<1x16xf32>
        tpu.vector_store %arg9[%swap3A_1619, %swap3A_1620], %swap3A_1623 {strides = array<i32>} : memref<128x128xf32, #tpu.memory_space<vmem>>, vector<1x16xf32>,
        %get3A_1624 = arith.index_cast %add3A_1563 : i32 to index
        %get3A_1625 = arith.constant 96 : index
        %get3A_1626 = tpu.vector_load %arg9[%get3A_1624, %get3A_1625] {strides = array<i32>} : memref<128x128xf32, #tpu.memory_space<vmem>>, vector<1x16xf32>,
        %get3A_1627 = vector.shape_cast %get3A_1626 : vector<1x16xf32> to vector<16xf32>
        %mul3A_1628 = arith.mulf %get3A_1627, %gather3A_1557 : vector<16xf32>
        %swap3A_1629 = arith.index_cast %add3A_1563 : i32 to index
        %swap3A_1630 = arith.constant 96 : index
        %swap3A_1631 = tpu.vector_load %arg9[%swap3A_1629, %swap3A_1630] {strides = array<i32>} : memref<128x128xf32, #tpu.memory_space<vmem>>, vector<1x16xf32>,
        %swap3A_1632 = vector.shape_cast %swap3A_1631 : vector<1x16xf32> to vector<16xf32>
        %swap3A_1633 = vector.shape_cast %mul3A_1628 : vector<16xf32> to vector<1x16xf32>
        tpu.vector_store %arg9[%swap3A_1629, %swap3A_1630], %swap3A_1633 {strides = array<i32>} : memref<128x128xf32, #tpu.memory_space<vmem>>, vector<1x16xf32>,
        %get3A_1634 = arith.index_cast %add3A_1563 : i32 to index
        %get3A_1635 = arith.constant 112 : index
        %get3A_1636 = tpu.vector_load %arg9[%get3A_1634, %get3A_1635] {strides = array<i32>} : memref<128x128xf32, #tpu.memory_space<vmem>>, vector<1x16xf32>,
        %get3A_1637 = vector.shape_cast %get3A_1636 : vector<1x16xf32> to vector<16xf32>
        %mul3A_1638 = arith.mulf %get3A_1637, %gather3A_1557 : vector<16xf32>
        %swap3A_1639 = arith.index_cast %add3A_1563 : i32 to index
        %swap3A_1640 = arith.constant 112 : index
        %swap3A_1641 = tpu.vector_load %arg9[%swap3A_1639, %swap3A_1640] {strides = array<i32>} : memref<128x128xf32, #tpu.memory_space<vmem>>, vector<1x16xf32>,
        %swap3A_1642 = vector.shape_cast %swap3A_1641 : vector<1x16xf32> to vector<16xf32>
        %swap3A_1643 = vector.shape_cast %mul3A_1638 : vector<16xf32> to vector<1x16xf32>
        tpu.vector_store %arg9[%swap3A_1639, %swap3A_1640], %swap3A_1643 {strides = array<i32>} : memref<128x128xf32, #tpu.memory_space<vmem>>, vector<1x16xf32>,
        %broadcast_in_dim3A_1644 = arith.constant 14 : i32
        %broadcast_in_dim3A_1645 = vector.broadcast %broadcast_in_dim3A_1644 : i32 to vector<16x1xi32>
        %gather3A_1646 = vector.shape_cast %broadcast_in_dim3A_1645 : vector<16x1xi32> to vector<16xi32>
        %gather3A_1647 = tpu.dynamic_gather %get3A_386[%gather3A_1646] in [0] : vector<16xf32>, vector<16xi32> -> vector<16xf32>
        %mul3A_1648 = arith.constant 16 : i32
        %mul3A_1649 = arith.muli %add3A_379, %mul3A_1648 : i32
        %add3A_1650 = arith.constant 64 : i32
        %add3A_1651 = arith.addi %add3A_1650, %mul3A_1649 : i32
        %add3A_1652 = arith.constant 14 : i32
        %add3A_1653 = arith.addi %add3A_1651, %add3A_1652 : i32
        %get3A_1654 = arith.index_cast %add3A_1653 : i32 to index
        %get3A_1655 = arith.constant 0 : index
        %get3A_1656 = tpu.vector_load %arg9[%get3A_1654, %get3A_1655] {strides = array<i32>} : memref<128x128xf32, #tpu.memory_space<vmem>>, vector<1x16xf32>,
        %get3A_1657 = vector.shape_cast %get3A_1656 : vector<1x16xf32> to vector<16xf32>
        %mul3A_1658 = arith.mulf %get3A_1657, %gather3A_1647 : vector<16xf32>
        %swap3A_1659 = arith.index_cast %add3A_1653 : i32 to index
        %swap3A_1660 = arith.constant 0 : index
        %swap3A_1661 = tpu.vector_load %arg9[%swap3A_1659, %swap3A_1660] {strides = array<i32>} : memref<128x128xf32, #tpu.memory_space<vmem>>, vector<1x16xf32>,
        %swap3A_1662 = vector.shape_cast %swap3A_1661 : vector<1x16xf32> to vector<16xf32>
        %swap3A_1663 = vector.shape_cast %mul3A_1658 : vector<16xf32> to vector<1x16xf32>
        tpu.vector_store %arg9[%swap3A_1659, %swap3A_1660], %swap3A_1663 {strides = array<i32>} : memref<128x128xf32, #tpu.memory_space<vmem>>, vector<1x16xf32>,
        %get3A_1664 = arith.index_cast %add3A_1653 : i32 to index
        %get3A_1665 = arith.constant 16 : index
        %get3A_1666 = tpu.vector_load %arg9[%get3A_1664, %get3A_1665] {strides = array<i32>} : memref<128x128xf32, #tpu.memory_space<vmem>>, vector<1x16xf32>,
        %get3A_1667 = vector.shape_cast %get3A_1666 : vector<1x16xf32> to vector<16xf32>
        %mul3A_1668 = arith.mulf %get3A_1667, %gather3A_1647 : vector<16xf32>
        %swap3A_1669 = arith.index_cast %add3A_1653 : i32 to index
        %swap3A_1670 = arith.constant 16 : index
        %swap3A_1671 = tpu.vector_load %arg9[%swap3A_1669, %swap3A_1670] {strides = array<i32>} : memref<128x128xf32, #tpu.memory_space<vmem>>, vector<1x16xf32>,
        %swap3A_1672 = vector.shape_cast %swap3A_1671 : vector<1x16xf32> to vector<16xf32>
        %swap3A_1673 = vector.shape_cast %mul3A_1668 : vector<16xf32> to vector<1x16xf32>
        tpu.vector_store %arg9[%swap3A_1669, %swap3A_1670], %swap3A_1673 {strides = array<i32>} : memref<128x128xf32, #tpu.memory_space<vmem>>, vector<1x16xf32>,
        %get3A_1674 = arith.index_cast %add3A_1653 : i32 to index
        %get3A_1675 = arith.constant 32 : index
        %get3A_1676 = tpu.vector_load %arg9[%get3A_1674, %get3A_1675] {strides = array<i32>} : memref<128x128xf32, #tpu.memory_space<vmem>>, vector<1x16xf32>,
        %get3A_1677 = vector.shape_cast %get3A_1676 : vector<1x16xf32> to vector<16xf32>
        %mul3A_1678 = arith.mulf %get3A_1677, %gather3A_1647 : vector<16xf32>
        %swap3A_1679 = arith.index_cast %add3A_1653 : i32 to index
        %swap3A_1680 = arith.constant 32 : index
        %swap3A_1681 = tpu.vector_load %arg9[%swap3A_1679, %swap3A_1680] {strides = array<i32>} : memref<128x128xf32, #tpu.memory_space<vmem>>, vector<1x16xf32>,
        %swap3A_1682 = vector.shape_cast %swap3A_1681 : vector<1x16xf32> to vector<16xf32>
        %swap3A_1683 = vector.shape_cast %mul3A_1678 : vector<16xf32> to vector<1x16xf32>
        tpu.vector_store %arg9[%swap3A_1679, %swap3A_1680], %swap3A_1683 {strides = array<i32>} : memref<128x128xf32, #tpu.memory_space<vmem>>, vector<1x16xf32>,
        %get3A_1684 = arith.index_cast %add3A_1653 : i32 to index
        %get3A_1685 = arith.constant 48 : index
        %get3A_1686 = tpu.vector_load %arg9[%get3A_1684, %get3A_1685] {strides = array<i32>} : memref<128x128xf32, #tpu.memory_space<vmem>>, vector<1x16xf32>,
        %get3A_1687 = vector.shape_cast %get3A_1686 : vector<1x16xf32> to vector<16xf32>
        %mul3A_1688 = arith.mulf %get3A_1687, %gather3A_1647 : vector<16xf32>
        %swap3A_1689 = arith.index_cast %add3A_1653 : i32 to index
        %swap3A_1690 = arith.constant 48 : index
        %swap3A_1691 = tpu.vector_load %arg9[%swap3A_1689, %swap3A_1690] {strides = array<i32>} : memref<128x128xf32, #tpu.memory_space<vmem>>, vector<1x16xf32>,
        %swap3A_1692 = vector.shape_cast %swap3A_1691 : vector<1x16xf32> to vector<16xf32>
        %swap3A_1693 = vector.shape_cast %mul3A_1688 : vector<16xf32> to vector<1x16xf32>
        tpu.vector_store %arg9[%swap3A_1689, %swap3A_1690], %swap3A_1693 {strides = array<i32>} : memref<128x128xf32, #tpu.memory_space<vmem>>, vector<1x16xf32>,
        %get3A_1694 = arith.index_cast %add3A_1653 : i32 to index
        %get3A_1695 = arith.constant 64 : index
        %get3A_1696 = tpu.vector_load %arg9[%get3A_1694, %get3A_1695] {strides = array<i32>} : memref<128x128xf32, #tpu.memory_space<vmem>>, vector<1x16xf32>,
        %get3A_1697 = vector.shape_cast %get3A_1696 : vector<1x16xf32> to vector<16xf32>
        %mul3A_1698 = arith.mulf %get3A_1697, %gather3A_1647 : vector<16xf32>
        %swap3A_1699 = arith.index_cast %add3A_1653 : i32 to index
        %swap3A_1700 = arith.constant 64 : index
        %swap3A_1701 = tpu.vector_load %arg9[%swap3A_1699, %swap3A_1700] {strides = array<i32>} : memref<128x128xf32, #tpu.memory_space<vmem>>, vector<1x16xf32>,
        %swap3A_1702 = vector.shape_cast %swap3A_1701 : vector<1x16xf32> to vector<16xf32>
        %swap3A_1703 = vector.shape_cast %mul3A_1698 : vector<16xf32> to vector<1x16xf32>
        tpu.vector_store %arg9[%swap3A_1699, %swap3A_1700], %swap3A_1703 {strides = array<i32>} : memref<128x128xf32, #tpu.memory_space<vmem>>, vector<1x16xf32>,
        %get3A_1704 = arith.index_cast %add3A_1653 : i32 to index
        %get3A_1705 = arith.constant 80 : index
        %get3A_1706 = tpu.vector_load %arg9[%get3A_1704, %get3A_1705] {strides = array<i32>} : memref<128x128xf32, #tpu.memory_space<vmem>>, vector<1x16xf32>,
        %get3A_1707 = vector.shape_cast %get3A_1706 : vector<1x16xf32> to vector<16xf32>
        %mul3A_1708 = arith.mulf %get3A_1707, %gather3A_1647 : vector<16xf32>
        %swap3A_1709 = arith.index_cast %add3A_1653 : i32 to index
        %swap3A_1710 = arith.constant 80 : index
        %swap3A_1711 = tpu.vector_load %arg9[%swap3A_1709, %swap3A_1710] {strides = array<i32>} : memref<128x128xf32, #tpu.memory_space<vmem>>, vector<1x16xf32>,
        %swap3A_1712 = vector.shape_cast %swap3A_1711 : vector<1x16xf32> to vector<16xf32>
        %swap3A_1713 = vector.shape_cast %mul3A_1708 : vector<16xf32> to vector<1x16xf32>
        tpu.vector_store %arg9[%swap3A_1709, %swap3A_1710], %swap3A_1713 {strides = array<i32>} : memref<128x128xf32, #tpu.memory_space<vmem>>, vector<1x16xf32>,
        %get3A_1714 = arith.index_cast %add3A_1653 : i32 to index
        %get3A_1715 = arith.constant 96 : index
        %get3A_1716 = tpu.vector_load %arg9[%get3A_1714, %get3A_1715] {strides = array<i32>} : memref<128x128xf32, #tpu.memory_space<vmem>>, vector<1x16xf32>,
        %get3A_1717 = vector.shape_cast %get3A_1716 : vector<1x16xf32> to vector<16xf32>
        %mul3A_1718 = arith.mulf %get3A_1717, %gather3A_1647 : vector<16xf32>
        %swap3A_1719 = arith.index_cast %add3A_1653 : i32 to index
        %swap3A_1720 = arith.constant 96 : index
        %swap3A_1721 = tpu.vector_load %arg9[%swap3A_1719, %swap3A_1720] {strides = array<i32>} : memref<128x128xf32, #tpu.memory_space<vmem>>, vector<1x16xf32>,
        %swap3A_1722 = vector.shape_cast %swap3A_1721 : vector<1x16xf32> to vector<16xf32>
        %swap3A_1723 = vector.shape_cast %mul3A_1718 : vector<16xf32> to vector<1x16xf32>
        tpu.vector_store %arg9[%swap3A_1719, %swap3A_1720], %swap3A_1723 {strides = array<i32>} : memref<128x128xf32, #tpu.memory_space<vmem>>, vector<1x16xf32>,
        %get3A_1724 = arith.index_cast %add3A_1653 : i32 to index
        %get3A_1725 = arith.constant 112 : index
        %get3A_1726 = tpu.vector_load %arg9[%get3A_1724, %get3A_1725] {strides = array<i32>} : memref<128x128xf32, #tpu.memory_space<vmem>>, vector<1x16xf32>,
        %get3A_1727 = vector.shape_cast %get3A_1726 : vector<1x16xf32> to vector<16xf32>
        %mul3A_1728 = arith.mulf %get3A_1727, %gather3A_1647 : vector<16xf32>
        %swap3A_1729 = arith.index_cast %add3A_1653 : i32 to index
        %swap3A_1730 = arith.constant 112 : index
        %swap3A_1731 = tpu.vector_load %arg9[%swap3A_1729, %swap3A_1730] {strides = array<i32>} : memref<128x128xf32, #tpu.memory_space<vmem>>, vector<1x16xf32>,
        %swap3A_1732 = vector.shape_cast %swap3A_1731 : vector<1x16xf32> to vector<16xf32>
        %swap3A_1733 = vector.shape_cast %mul3A_1728 : vector<16xf32> to vector<1x16xf32>
        tpu.vector_store %arg9[%swap3A_1729, %swap3A_1730], %swap3A_1733 {strides = array<i32>} : memref<128x128xf32, #tpu.memory_space<vmem>>, vector<1x16xf32>,
        %broadcast_in_dim3A_1734 = arith.constant 15 : i32
        %broadcast_in_dim3A_1735 = vector.broadcast %broadcast_in_dim3A_1734 : i32 to vector<16x1xi32>
        %gather3A_1736 = vector.shape_cast %broadcast_in_dim3A_1735 : vector<16x1xi32> to vector<16xi32>
        %gather3A_1737 = tpu.dynamic_gather %get3A_386[%gather3A_1736] in [0] : vector<16xf32>, vector<16xi32> -> vector<16xf32>
        %mul3A_1738 = arith.constant 16 : i32
        %mul3A_1739 = arith.muli %add3A_379, %mul3A_1738 : i32
        %add3A_1740 = arith.constant 64 : i32
        %add3A_1741 = arith.addi %add3A_1740, %mul3A_1739 : i32
        %add3A_1742 = arith.constant 15 : i32
        %add3A_1743 = arith.addi %add3A_1741, %add3A_1742 : i32
        %get3A_1744 = arith.index_cast %add3A_1743 : i32 to index
        %get3A_1745 = arith.constant 0 : index
        %get3A_1746 = tpu.vector_load %arg9[%get3A_1744, %get3A_1745] {strides = array<i32>} : memref<128x128xf32, #tpu.memory_space<vmem>>, vector<1x16xf32>,
        %get3A_1747 = vector.shape_cast %get3A_1746 : vector<1x16xf32> to vector<16xf32>
        %mul3A_1748 = arith.mulf %get3A_1747, %gather3A_1737 : vector<16xf32>
        %swap3A_1749 = arith.index_cast %add3A_1743 : i32 to index
        %swap3A_1750 = arith.constant 0 : index
        %swap3A_1751 = tpu.vector_load %arg9[%swap3A_1749, %swap3A_1750] {strides = array<i32>} : memref<128x128xf32, #tpu.memory_space<vmem>>, vector<1x16xf32>,
        %swap3A_1752 = vector.shape_cast %swap3A_1751 : vector<1x16xf32> to vector<16xf32>
        %swap3A_1753 = vector.shape_cast %mul3A_1748 : vector<16xf32> to vector<1x16xf32>
        tpu.vector_store %arg9[%swap3A_1749, %swap3A_1750], %swap3A_1753 {strides = array<i32>} : memref<128x128xf32, #tpu.memory_space<vmem>>, vector<1x16xf32>,
        %get3A_1754 = arith.index_cast %add3A_1743 : i32 to index
        %get3A_1755 = arith.constant 16 : index
        %get3A_1756 = tpu.vector_load %arg9[%get3A_1754, %get3A_1755] {strides = array<i32>} : memref<128x128xf32, #tpu.memory_space<vmem>>, vector<1x16xf32>,
        %get3A_1757 = vector.shape_cast %get3A_1756 : vector<1x16xf32> to vector<16xf32>
        %mul3A_1758 = arith.mulf %get3A_1757, %gather3A_1737 : vector<16xf32>
        %swap3A_1759 = arith.index_cast %add3A_1743 : i32 to index
        %swap3A_1760 = arith.constant 16 : index
        %swap3A_1761 = tpu.vector_load %arg9[%swap3A_1759, %swap3A_1760] {strides = array<i32>} : memref<128x128xf32, #tpu.memory_space<vmem>>, vector<1x16xf32>,
        %swap3A_1762 = vector.shape_cast %swap3A_1761 : vector<1x16xf32> to vector<16xf32>
        %swap3A_1763 = vector.shape_cast %mul3A_1758 : vector<16xf32> to vector<1x16xf32>
        tpu.vector_store %arg9[%swap3A_1759, %swap3A_1760], %swap3A_1763 {strides = array<i32>} : memref<128x128xf32, #tpu.memory_space<vmem>>, vector<1x16xf32>,
        %get3A_1764 = arith.index_cast %add3A_1743 : i32 to index
        %get3A_1765 = arith.constant 32 : index
        %get3A_1766 = tpu.vector_load %arg9[%get3A_1764, %get3A_1765] {strides = array<i32>} : memref<128x128xf32, #tpu.memory_space<vmem>>, vector<1x16xf32>,
        %get3A_1767 = vector.shape_cast %get3A_1766 : vector<1x16xf32> to vector<16xf32>
        %mul3A_1768 = arith.mulf %get3A_1767, %gather3A_1737 : vector<16xf32>
        %swap3A_1769 = arith.index_cast %add3A_1743 : i32 to index
        %swap3A_1770 = arith.constant 32 : index
        %swap3A_1771 = tpu.vector_load %arg9[%swap3A_1769, %swap3A_1770] {strides = array<i32>} : memref<128x128xf32, #tpu.memory_space<vmem>>, vector<1x16xf32>,
        %swap3A_1772 = vector.shape_cast %swap3A_1771 : vector<1x16xf32> to vector<16xf32>
        %swap3A_1773 = vector.shape_cast %mul3A_1768 : vector<16xf32> to vector<1x16xf32>
        tpu.vector_store %arg9[%swap3A_1769, %swap3A_1770], %swap3A_1773 {strides = array<i32>} : memref<128x128xf32, #tpu.memory_space<vmem>>, vector<1x16xf32>,
        %get3A_1774 = arith.index_cast %add3A_1743 : i32 to index
        %get3A_1775 = arith.constant 48 : index
        %get3A_1776 = tpu.vector_load %arg9[%get3A_1774, %get3A_1775] {strides = array<i32>} : memref<128x128xf32, #tpu.memory_space<vmem>>, vector<1x16xf32>,
        %get3A_1777 = vector.shape_cast %get3A_1776 : vector<1x16xf32> to vector<16xf32>
        %mul3A_1778 = arith.mulf %get3A_1777, %gather3A_1737 : vector<16xf32>
        %swap3A_1779 = arith.index_cast %add3A_1743 : i32 to index
        %swap3A_1780 = arith.constant 48 : index
        %swap3A_1781 = tpu.vector_load %arg9[%swap3A_1779, %swap3A_1780] {strides = array<i32>} : memref<128x128xf32, #tpu.memory_space<vmem>>, vector<1x16xf32>,
        %swap3A_1782 = vector.shape_cast %swap3A_1781 : vector<1x16xf32> to vector<16xf32>
        %swap3A_1783 = vector.shape_cast %mul3A_1778 : vector<16xf32> to vector<1x16xf32>
        tpu.vector_store %arg9[%swap3A_1779, %swap3A_1780], %swap3A_1783 {strides = array<i32>} : memref<128x128xf32, #tpu.memory_space<vmem>>, vector<1x16xf32>,
        %get3A_1784 = arith.index_cast %add3A_1743 : i32 to index
        %get3A_1785 = arith.constant 64 : index
        %get3A_1786 = tpu.vector_load %arg9[%get3A_1784, %get3A_1785] {strides = array<i32>} : memref<128x128xf32, #tpu.memory_space<vmem>>, vector<1x16xf32>,
        %get3A_1787 = vector.shape_cast %get3A_1786 : vector<1x16xf32> to vector<16xf32>
        %mul3A_1788 = arith.mulf %get3A_1787, %gather3A_1737 : vector<16xf32>
        %swap3A_1789 = arith.index_cast %add3A_1743 : i32 to index
        %swap3A_1790 = arith.constant 64 : index
        %swap3A_1791 = tpu.vector_load %arg9[%swap3A_1789, %swap3A_1790] {strides = array<i32>} : memref<128x128xf32, #tpu.memory_space<vmem>>, vector<1x16xf32>,
        %swap3A_1792 = vector.shape_cast %swap3A_1791 : vector<1x16xf32> to vector<16xf32>
        %swap3A_1793 = vector.shape_cast %mul3A_1788 : vector<16xf32> to vector<1x16xf32>
        tpu.vector_store %arg9[%swap3A_1789, %swap3A_1790], %swap3A_1793 {strides = array<i32>} : memref<128x128xf32, #tpu.memory_space<vmem>>, vector<1x16xf32>,
        %get3A_1794 = arith.index_cast %add3A_1743 : i32 to index
        %get3A_1795 = arith.constant 80 : index
        %get3A_1796 = tpu.vector_load %arg9[%get3A_1794, %get3A_1795] {strides = array<i32>} : memref<128x128xf32, #tpu.memory_space<vmem>>, vector<1x16xf32>,
        %get3A_1797 = vector.shape_cast %get3A_1796 : vector<1x16xf32> to vector<16xf32>
        %mul3A_1798 = arith.mulf %get3A_1797, %gather3A_1737 : vector<16xf32>
        %swap3A_1799 = arith.index_cast %add3A_1743 : i32 to index
        %swap3A_1800 = arith.constant 80 : index
        %swap3A_1801 = tpu.vector_load %arg9[%swap3A_1799, %swap3A_1800] {strides = array<i32>} : memref<128x128xf32, #tpu.memory_space<vmem>>, vector<1x16xf32>,
        %swap3A_1802 = vector.shape_cast %swap3A_1801 : vector<1x16xf32> to vector<16xf32>
        %swap3A_1803 = vector.shape_cast %mul3A_1798 : vector<16xf32> to vector<1x16xf32>
        tpu.vector_store %arg9[%swap3A_1799, %swap3A_1800], %swap3A_1803 {strides = array<i32>} : memref<128x128xf32, #tpu.memory_space<vmem>>, vector<1x16xf32>,
        %get3A_1804 = arith.index_cast %add3A_1743 : i32 to index
        %get3A_1805 = arith.constant 96 : index
        %get3A_1806 = tpu.vector_load %arg9[%get3A_1804, %get3A_1805] {strides = array<i32>} : memref<128x128xf32, #tpu.memory_space<vmem>>, vector<1x16xf32>,
        %get3A_1807 = vector.shape_cast %get3A_1806 : vector<1x16xf32> to vector<16xf32>
        %mul3A_1808 = arith.mulf %get3A_1807, %gather3A_1737 : vector<16xf32>
        %swap3A_1809 = arith.index_cast %add3A_1743 : i32 to index
        %swap3A_1810 = arith.constant 96 : index
        %swap3A_1811 = tpu.vector_load %arg9[%swap3A_1809, %swap3A_1810] {strides = array<i32>} : memref<128x128xf32, #tpu.memory_space<vmem>>, vector<1x16xf32>,
        %swap3A_1812 = vector.shape_cast %swap3A_1811 : vector<1x16xf32> to vector<16xf32>
        %swap3A_1813 = vector.shape_cast %mul3A_1808 : vector<16xf32> to vector<1x16xf32>
        tpu.vector_store %arg9[%swap3A_1809, %swap3A_1810], %swap3A_1813 {strides = array<i32>} : memref<128x128xf32, #tpu.memory_space<vmem>>, vector<1x16xf32>,
        %get3A_1814 = arith.index_cast %add3A_1743 : i32 to index
        %get3A_1815 = arith.constant 112 : index
        %get3A_1816 = tpu.vector_load %arg9[%get3A_1814, %get3A_1815] {strides = array<i32>} : memref<128x128xf32, #tpu.memory_space<vmem>>, vector<1x16xf32>,
        %get3A_1817 = vector.shape_cast %get3A_1816 : vector<1x16xf32> to vector<16xf32>
        %mul3A_1818 = arith.mulf %get3A_1817, %gather3A_1737 : vector<16xf32>
        %swap3A_1819 = arith.index_cast %add3A_1743 : i32 to index
        %swap3A_1820 = arith.constant 112 : index
        %swap3A_1821 = tpu.vector_load %arg9[%swap3A_1819, %swap3A_1820] {strides = array<i32>} : memref<128x128xf32, #tpu.memory_space<vmem>>, vector<1x16xf32>,
        %swap3A_1822 = vector.shape_cast %swap3A_1821 : vector<1x16xf32> to vector<16xf32>
        %swap3A_1823 = vector.shape_cast %mul3A_1818 : vector<16xf32> to vector<1x16xf32>
        tpu.vector_store %arg9[%swap3A_1819, %swap3A_1820], %swap3A_1823 {strides = array<i32>} : memref<128x128xf32, #tpu.memory_space<vmem>>, vector<1x16xf32>,
      }
      %scan3A_322 = arith.constant 4 : i32
      %add3A_323 = arith.constant 1 : i32
      %add3A_324 = arith.addi %mul3A_58, %add3A_323 : i32
      %jit3A_325 = arith.constant 2 : i32
      %div3A_326 = arith.divsi %add3A_324, %jit3A_325 : i32
      %sign3A_327 = arith.constant 0 : i32
      %sign3A_328 = arith.cmpi sgt, %add3A_324, %sign3A_327 : i32
      %sign3A_329 = arith.extui %sign3A_328 : i1 to i32
      %sign3A_330 = arith.constant 0 : i32
      %sign3A_331 = arith.cmpi slt, %add3A_324, %sign3A_330 : i32
      %sign3A_332 = arith.extui %sign3A_331 : i1 to i32
      %sign3A_333 = arith.subi %sign3A_329, %sign3A_332 : i32
      %sign3A_334 = arith.constant 0 : i32
      %sign3A_335 = arith.cmpi sgt, %jit3A_325, %sign3A_334 : i32
      %sign3A_336 = arith.extui %sign3A_335 : i1 to i32
      %sign3A_337 = arith.constant 0 : i32
      %sign3A_338 = arith.cmpi slt, %jit3A_325, %sign3A_337 : i32
      %sign3A_339 = arith.extui %sign3A_338 : i1 to i32
      %sign3A_340 = arith.subi %sign3A_336, %sign3A_339 : i32
      %ne3A_341 = arith.cmpi ne, %sign3A_333, %sign3A_340 : i32
      %rem3A_342 = arith.remsi %add3A_324, %jit3A_325 : i32
      %ne3A_343 = arith.constant 0 : i32
      %ne3A_344 = arith.cmpi ne, %rem3A_342, %ne3A_343 : i32
      %and3A_345 = arith.andi %ne3A_341, %ne3A_344 : i1
      %sub3A_346 = arith.constant 1 : i32
      %sub3A_347 = arith.subi %div3A_326, %sub3A_346 : i32
      %select_n3A_348 = arith.select %and3A_345, %sub3A_347, %div3A_326 : i32
      %jit3A_349 = arith.constant 2 : i32
      %eq3A_350 = arith.constant 0 : i32
      %eq3A_351 = arith.cmpi eq, %jit3A_349, %eq3A_350 : i32
      %jit3A_352 = arith.constant 1 : i32
      %select_n3A_353 = arith.select %eq3A_351, %jit3A_352, %jit3A_349 : i32
      %rem3A_354 = arith.remsi %add3A_324, %select_n3A_353 : i32
      %ne3A_355 = arith.constant 0 : i32
      %ne3A_356 = arith.cmpi ne, %rem3A_354, %ne3A_355 : i32
      %lt3A_357 = arith.constant 0 : i32
      %lt3A_358 = arith.cmpi slt, %rem3A_354, %lt3A_357 : i32
      %lt3A_359 = arith.constant 0 : i32
      %lt3A_360 = arith.cmpi slt, %select_n3A_353, %lt3A_359 : i32
      %ne3A_361 = arith.xori %lt3A_358, %lt3A_360 : i1
      %and3A_362 = arith.andi %ne3A_361, %ne3A_356 : i1
      %add3A_363 = arith.addi %rem3A_354, %select_n3A_353 : i32
      %select_n3A_364 = arith.select %and3A_362, %add3A_363, %rem3A_354 : i32
      %mul3A_365 = arith.constant 64 : i32
      %mul3A_366 = arith.muli %select_n3A_364, %mul3A_365 : i32
      %dma_start3A_367 = arith.constant 64 : i32
      %dma_start3A_368 = arith.constant 0 : i32
      %dma_start3A_369 = tpu.memref_slice %arg9[%dma_start3A_367, %dma_start3A_368] : memref<128x128xf32, #tpu.memory_space<vmem>> -> memref<64x128xf32, #tpu.memory_space<vmem>>
      %dma_start3A_370 = tpu.memref_slice %arg8[%select_n3A_348, %mul3A_366] : memref<79x128xi32, #tpu.memory_space<vmem>> -> memref<1x64xi32, #tpu.memory_space<vmem>>
      %dma_start3A_371 = tpu.memref_squeeze %dma_start3A_370 : memref<1x64xi32, #tpu.memory_space<vmem>> -> memref<64xi32, #tpu.memory_space<vmem>>
      %dma_start3A_372 = arith.constant 0 : i32
      %dma_start3A_373 = arith.constant 0 : i32
      %dma_start3A_374 = tpu.memref_slice %arg11[%dma_start3A_372, %dma_start3A_373] : memref<10000x128xf32, #tpu.memory_space<vmem_shared>> -> memref<10000x128xf32, #tpu.memory_space<vmem_shared>>
      tpu.enqueue_indirect_dma source(%dma_start3A_369 : memref<64x128xf32, #tpu.memory_space<vmem>>) target(%dma_start3A_374 : memref<10000x128xf32, #tpu.memory_space<vmem_shared>>) offsets(%dma_start3A_371 : memref<64xi32, #tpu.memory_space<vmem>>) semaphore(%arg15 : memref<!tpu.dma_semaphore, #tpu.memory_space<semaphore_mem>>) {add = true}
    }
    %scan3A_32 = arith.constant 79 : i32
    %dma_wait3A = arith.constant 78 : i32
    %dma_wait3A_33 = arith.constant 64 : i32
    %dma_wait3A_34 = arith.constant 0 : i32
    %dma_wait3A_35 = tpu.memref_slice %arg9[%dma_wait3A_33, %dma_wait3A_34] : memref<128x128xf32, #tpu.memory_space<vmem>> -> memref<64x128xf32, #tpu.memory_space<vmem>>
    %dma_wait3A_36 = arith.constant 64 : i32
    %dma_wait3A_37 = tpu.memref_slice %arg8[%dma_wait3A, %dma_wait3A_36] : memref<79x128xi32, #tpu.memory_space<vmem>> -> memref<1x64xi32, #tpu.memory_space<vmem>>
    %dma_wait3A_38 = tpu.memref_squeeze %dma_wait3A_37 : memref<1x64xi32, #tpu.memory_space<vmem>> -> memref<64xi32, #tpu.memory_space<vmem>>
    %dma_wait3A_39 = arith.constant 0 : i32
    %dma_wait3A_40 = arith.constant 0 : i32
    %dma_wait3A_41 = tpu.memref_slice %arg11[%dma_wait3A_39, %dma_wait3A_40] : memref<10000x128xf32, #tpu.memory_space<vmem_shared>> -> memref<10000x128xf32, #tpu.memory_space<vmem_shared>>
    tpu.wait_indirect_dma semaphore(%arg15 : memref<!tpu.dma_semaphore, #tpu.memory_space<semaphore_mem>>) src(%dma_wait3A_35 : memref<64x128xf32, #tpu.memory_space<vmem>>) dst(%dma_wait3A_41 : memref<10000x128xf32, #tpu.memory_space<vmem_shared>>)
    %barrier3A_42 = arith.constant 0 : index
    tpu.barrier barrier_id(%barrier3A_42)
    %mul3A_43 = arith.constant 624 : i32
    %mul3A_44 = arith.muli %arg1, %mul3A_43 : i32
    %mul3A_45 = arith.constant 624 : i32
    %mul3A_46 = arith.muli %arg1, %mul3A_45 : i32
    "tpu.region"() ({
      %run_scoped3A = tpu.sem_alloc : memref<!tpu.dma_semaphore, #tpu.memory_space<semaphore_mem>>
      %dma_start3A_52 = arith.constant 0 : i32
      %dma_start3A_53 = arith.constant 0 : i32
      %dma_start3A_54 = tpu.memref_slice %arg6[%arg0, %dma_start3A_52, %dma_start3A_53] : memref<2x10000x128xf32, #tpu.memory_space<hbm>> -> memref<1x10000x128xf32, #tpu.memory_space<hbm>>
      %dma_start3A_55 = tpu.memref_squeeze %dma_start3A_54 : memref<1x10000x128xf32, #tpu.memory_space<hbm>> -> memref<10000x128xf32, #tpu.memory_space<hbm>>
      %dma_start3A_56 = arith.constant 0 : i32
      %dma_start3A_57 = tpu.memref_slice %dma_start3A_55[%mul3A_46, %dma_start3A_56] : memref<10000x128xf32, #tpu.memory_space<hbm>> -> memref<624x128xf32, #tpu.memory_space<hbm>>
      %dma_start3A_58 = arith.constant 0 : i32
      %dma_start3A_59 = tpu.memref_slice %arg11[%mul3A_44, %dma_start3A_58] : memref<10000x128xf32, #tpu.memory_space<vmem_shared>> -> memref<624x128xf32, #tpu.memory_space<vmem_shared>>
      tpu.enqueue_dma source(%dma_start3A_59 : memref<624x128xf32, #tpu.memory_space<vmem_shared>>) target(%dma_start3A_57 : memref<624x128xf32, #tpu.memory_space<hbm>>) target_semaphore(%run_scoped3A : memref<!tpu.dma_semaphore, #tpu.memory_space<semaphore_mem>>)
      %dma_wait3A_60 = arith.constant 0 : i32
      %dma_wait3A_61 = arith.constant 0 : i32
      %dma_wait3A_62 = tpu.memref_slice %arg6[%arg0, %dma_wait3A_60, %dma_wait3A_61] : memref<2x10000x128xf32, #tpu.memory_space<hbm>> -> memref<1x10000x128xf32, #tpu.memory_space<hbm>>
      %dma_wait3A_63 = tpu.memref_squeeze %dma_wait3A_62 : memref<1x10000x128xf32, #tpu.memory_space<hbm>> -> memref<10000x128xf32, #tpu.memory_space<hbm>>
      %dma_wait3A_64 = arith.constant 0 : i32
      %dma_wait3A_65 = tpu.memref_slice %dma_wait3A_63[%mul3A_46, %dma_wait3A_64] : memref<10000x128xf32, #tpu.memory_space<hbm>> -> memref<624x128xf32, #tpu.memory_space<hbm>>
      %dma_wait3A_66 = arith.constant 0 : i32
      %dma_wait3A_67 = tpu.memref_slice %arg11[%mul3A_44, %dma_wait3A_66] : memref<10000x128xf32, #tpu.memory_space<vmem_shared>> -> memref<624x128xf32, #tpu.memory_space<vmem_shared>>
      tpu.wait_dma2 semaphore(%run_scoped3A : memref<!tpu.dma_semaphore, #tpu.memory_space<semaphore_mem>>) src(%dma_wait3A_67 : memref<624x128xf32, #tpu.memory_space<vmem_shared>>) dst(%dma_wait3A_65 : memref<624x128xf32, #tpu.memory_space<hbm>>)
      tpu.yield
    }) : () -> ()
    %eq3A_47 = arith.constant 15 : i32
    %eq3A_48 = arith.cmpi eq, %arg1, %eq3A_47 : i32
    %convert_element_type3A_49 = arith.extui %eq3A_48 : i1 to i32
    %cond3A_50 = arith.constant 0 : i32
    %cond3A_51 = arith.cmpi ne, %convert_element_type3A_49, %cond3A_50 : i32
    scf.if %cond3A_51 {
      "tpu.region"() ({
        %run_scoped3A = tpu.sem_alloc : memref<!tpu.dma_semaphore, #tpu.memory_space<semaphore_mem>>
        %dma_start3A_52 = arith.constant 0 : i32
        %dma_start3A_53 = arith.constant 0 : i32
        %dma_start3A_54 = tpu.memref_slice %arg6[%arg0, %dma_start3A_52, %dma_start3A_53] : memref<2x10000x128xf32, #tpu.memory_space<hbm>> -> memref<1x10000x128xf32, #tpu.memory_space<hbm>>
        %dma_start3A_55 = tpu.memref_squeeze %dma_start3A_54 : memref<1x10000x128xf32, #tpu.memory_space<hbm>> -> memref<10000x128xf32, #tpu.memory_space<hbm>>
        %dma_start3A_56 = arith.constant 9984 : i32
        %dma_start3A_57 = arith.constant 0 : i32
        %dma_start3A_58 = tpu.memref_slice %dma_start3A_55[%dma_start3A_56, %dma_start3A_57] : memref<10000x128xf32, #tpu.memory_space<hbm>> -> memref<16x128xf32, #tpu.memory_space<hbm>>
        %dma_start3A_59 = arith.constant 9984 : i32
        %dma_start3A_60 = arith.constant 0 : i32
        %dma_start3A_61 = tpu.memref_slice %arg11[%dma_start3A_59, %dma_start3A_60] : memref<10000x128xf32, #tpu.memory_space<vmem_shared>> -> memref<16x128xf32, #tpu.memory_space<vmem_shared>>
        tpu.enqueue_dma source(%dma_start3A_61 : memref<16x128xf32, #tpu.memory_space<vmem_shared>>) target(%dma_start3A_58 : memref<16x128xf32, #tpu.memory_space<hbm>>) target_semaphore(%run_scoped3A : memref<!tpu.dma_semaphore, #tpu.memory_space<semaphore_mem>>)
        %dma_wait3A_62 = arith.constant 0 : i32
        %dma_wait3A_63 = arith.constant 0 : i32
        %dma_wait3A_64 = tpu.memref_slice %arg6[%arg0, %dma_wait3A_62, %dma_wait3A_63] : memref<2x10000x128xf32, #tpu.memory_space<hbm>> -> memref<1x10000x128xf32, #tpu.memory_space<hbm>>
        %dma_wait3A_65 = tpu.memref_squeeze %dma_wait3A_64 : memref<1x10000x128xf32, #tpu.memory_space<hbm>> -> memref<10000x128xf32, #tpu.memory_space<hbm>>
        %dma_wait3A_66 = arith.constant 9984 : i32
        %dma_wait3A_67 = arith.constant 0 : i32
        %dma_wait3A_68 = tpu.memref_slice %dma_wait3A_65[%dma_wait3A_66, %dma_wait3A_67] : memref<10000x128xf32, #tpu.memory_space<hbm>> -> memref<16x128xf32, #tpu.memory_space<hbm>>
        %dma_wait3A_69 = arith.constant 9984 : i32
        %dma_wait3A_70 = arith.constant 0 : i32
        %dma_wait3A_71 = tpu.memref_slice %arg11[%dma_wait3A_69, %dma_wait3A_70] : memref<10000x128xf32, #tpu.memory_space<vmem_shared>> -> memref<16x128xf32, #tpu.memory_space<vmem_shared>>
        tpu.wait_dma2 semaphore(%run_scoped3A : memref<!tpu.dma_semaphore, #tpu.memory_space<semaphore_mem>>) src(%dma_wait3A_71 : memref<16x128xf32, #tpu.memory_space<vmem_shared>>) dst(%dma_wait3A_68 : memref<16x128xf32, #tpu.memory_space<hbm>>)
        tpu.yield
      }) : () -> ()
    } else {
    }
    return
  }
}

module attributes {stable_mosaic.version = 14 : i64} {
  func.func @body(%arg0: i32, %arg1: memref<1000x256xf32, #tpu.memory_space<vmem>>, %arg2: memref<256x256xf32, #tpu.memory_space<vmem>>, %arg3: memref<1x256xf32, #tpu.memory_space<vmem>>, %arg4: memref<1000x256xf32, #tpu.memory_space<vmem>>) attributes {dimension_semantics = [#tpu.dimension_semantics<arbitrary>], iteration_bounds = array<i64: 10>, scalar_prefetch = 0 : i64, scratch_operands = 0 : i64, tpu.core_type = #tpu.core_type<tc>, window_params = [{transform_indices = @transform_0, window_bounds = array<i64: 1000, 256>}, {pipeline_mode = #tpu.pipeline_mode<synchronous>, transform_indices = @transform_1, window_bounds = array<i64: 256, 256>}, {pipeline_mode = #tpu.pipeline_mode<synchronous>, transform_indices = @transform_2, window_bounds = array<i64: 1, 256>}, {transform_indices = @transform_3, window_bounds = array<i64: 1000, 256>}]} {
    %get3A = arith.constant 0 : index
    %get3A_0 = arith.constant 0 : index
    %get3A_1 = vector.load %arg1[%get3A, %get3A_0] : memref<1000x256xf32, #tpu.memory_space<vmem>>, vector<1000x256xf32>
    %get3A_2 = arith.constant 0 : index
    %get3A_3 = arith.constant 0 : index
    %get3A_4 = vector.load %arg2[%get3A_2, %get3A_3] : memref<256x256xf32, #tpu.memory_space<vmem>>, vector<256x256xf32>
    %dot_general3A = arith.constant dense<0.000000e+00> : vector<1000x256xf32>
    %dot_general3A_5 = tpu.matmul %get3A_1, %get3A_4, %dot_general3A {dimension_numbers = #tpu.dot_dimension_numbers<[1], [0], [0], [1], [0, 0, 1, 1], [], []>, transpose_lhs_hint = false} : vector<1000x256xf32>, vector<256x256xf32>, vector<1000x256xf32> -> vector<1000x256xf32>
    %get3A_6 = arith.constant 0 : index
    %get3A_7 = arith.constant 0 : index
    %get3A_8 = vector.load %arg3[%get3A_6, %get3A_7] : memref<1x256xf32, #tpu.memory_space<vmem>>, vector<1x256xf32>
    %add3A = vector.broadcast %get3A_8 : vector<1x256xf32> to vector<1000x256xf32>
    %add3A_9 = arith.addf %dot_general3A_5, %add3A : vector<1000x256xf32>
    %swap3A = arith.constant 0 : index
    %swap3A_10 = arith.constant 0 : index
    %swap3A_11 = vector.load %arg4[%swap3A, %swap3A_10] : memref<1000x256xf32, #tpu.memory_space<vmem>>, vector<1000x256xf32>
    tpu.vector_store %arg4[%swap3A, %swap3A_10], %add3A_9 {strides = array<i32>} : memref<1000x256xf32, #tpu.memory_space<vmem>>, vector<1000x256xf32>,
    return
  }
  func.func @transform_0(%arg0: i32) -> (i32, i32) {
    %c0_i32 = arith.constant 0 : i32
    %c0_i32_0 = arith.constant 0 : i32
    return %arg0, %c0_i32 : i32, i32
  }
  func.func @transform_1(%arg0: i32) -> (i32, i32) {
    %c0_i32 = arith.constant 0 : i32
    %c0_i32_0 = arith.constant 0 : i32
    %c0_i32_1 = arith.constant 0 : i32
    return %c0_i32, %c0_i32_0 : i32, i32
  }
  func.func @transform_2(%arg0: i32) -> (i32, i32) {
    %c0_i32 = arith.constant 0 : i32
    %c0_i32_0 = arith.constant 0 : i32
    %c0_i32_1 = arith.constant 0 : i32
    return %c0_i32, %c0_i32_0 : i32, i32
  }
  func.func @transform_3(%arg0: i32) -> (i32, i32) {
    %c0_i32 = arith.constant 0 : i32
    %c0_i32_0 = arith.constant 0 : i32
    return %arg0, %c0_i32 : i32, i32
  }
}

</mosaic_0001>

<sc_bundles>
// kernel: kernel.4.cloned.1.call-start
scs
__scs_entry_jumppad:
0x0: {  	(pc) =	sbr.rel $0x88, $3  }
0x1: {  	(tag) =	ssettag $0x0;
	lr =	simm.s32 $0x1  }
0x2: {  	[smem:$0x3F9C] =	sst lr;
	_ =	strace $0xD0000000  }
0x3: {  	_ = 	snop  }
0x4: {  	_ = 	snop  }
0x5: {  	_ = 	snop  }
0x6: {  	_ = 	snop  }
0x7: {  	_ = 	snop  }
__scs_overlays_trampoline_lowered:
0x8: {  	[smem:$0x3FAB] =	sst s0  }
0x9: {  	[smem:$0x3FAC] =	sst s1  }
0xa: {  	[smem:$0x3FAD] =	sst s2  }
0xb: {  	[smem:$0x3FAE] =	sst s3  }
0xc: {  	[smem:$0x3FAF] =	sst s4  }
0xd: {  	[smem:$0x3FB0] =	sst s5  }
0xe: {  	[smem:$0x3FB1] =	sst s6  }
0xf: {  	[smem:$0x3FB2] =	sst s7  }
0x10: {  	[smem:$0x3FB3] =	sst s8  }
0x11: {  	[smem:$0x3FB4] =	sst s9;
	s0 =	simm.s32 @!p0 $0x0  }
0x12: {  	s1 =	sld [smem:$0x3F9A];
	s0 =	simm.s32 @p0 $0x1  }
0x13: {  	[smem:$0x3FB5] =	sst s0;
	s0 =	simm.s32 @!p1 $0x0  }
0x14: {  	s2 =	sld [smem:$0x3F99];
	s0 =	simm.s32 @p1 $0x1  }
0x15: {  	[smem:$0x3FB6] =	sst s0;
	s0 =	simm.s32 @!p2 $0x0  }
0x16: {  	s3 =	sld [smem:$0x3FDB];
	s0 =	simm.s32 @p2 $0x1  }
0x17: {  	s4 =	simm.s32 $0x1BF5;
	[smem:$0x3FB8] =	sst s0  }
0x18: {  	s0 =	sld [smem:$0x3F9B];
	_ =	swait.ge [sflag:s4], $0x0  }
0x19: {  	s7 =	sld [smem:$0x3F9C]  }
0x1a: {  	s8 =	sadd.s32 $0xFFFFE003, lr  }
0x1b: {  	s9 =	sadd.s32 $0xFFFFFEF7, lr;
	s5 =	simm.s32 $0xFFFFFFFF;
	p2 =	slt.u32 s8, $0xFFFFF086  }
0x1c: {  	p1 =	slt.u32 s9, $0xF7A;
	s5 =	simm.s32 @!p2 $0x0  }
0x1d: {  	s5 =	simm.s32 @p1 $0x1;
	p0 =	seq.s32 s7, s2  }
0x1e: {  	s7 =	smul.u32 @!p0 $0xF7A, s2;
	p2 =	seq.s32 @!p0 s5, $0x0  }
0x1f: {  	s9 =	smul.u32 $0xF7A, s1;
	s8 =	simm.s32 @!p0 $0x1BF5;
	p2 =	por !p2, p0  }
0x20: {  	[sflag:s8] =	ssyncset.s32 @!p0 $0xFFFFF086;
	s6 =	sadd.s32 @!p0 s3, s7;
	s7 =	simm.s32 @!p0 $0x108  }
0x21: {  	s3 =	sadd.s32 s3, s9;
	s6 =	sadd.s32 @!p0 $0x88, s6;
	s7 =	simm.s32 @p2 $0x1082  }
0x22: {  	[simem:s7], [sflag:s8] =	dma.local @!p0 [hbm:s6], $0xF7A  }
0x23: {  	s9 =	sor.u32 $0xD0000000, s2;
	s6 =	simm.s32 $0x108;
	_ =	swait.ge @!p0 [sflag:s8], $0x0  }
0x24: {  	s3 =	sadd.s32 $0x88, s3;
	s6 =	simm.s32 @!p1 $0x1082;
	[sflag:s4] =	ssyncset.s32 $0xFFFFF086  }
0x25: {  	[simem:s6], [sflag:s4] =	dma.local [hbm:s3], $0xF7A  }
0x26: {  	[smem:$0x3F9C] =	sst s1;
	(tag) =	ssettag s2;
	_ =	strace s9  }
0x27: {  	s1 =	sld [smem:$0x3FAC]  }
0x28: {  	s2 =	sld [smem:$0x3FAD]  }
0x29: {  	s4 =	sld [smem:$0x3FAF]  }
0x2a: {  	p0 =	seq.s32 s5, $0x0;
	s5 =	sld [smem:$0x3FB0]  }
0x2b: {  	s6 =	sld [smem:$0x3FB1]  }
0x2c: {  	s7 =	sld [smem:$0x3FB2]  }
0x2d: {  	s3 =	simm.s32 $0x108;
	s8 =	sld [smem:$0x3FB3]  }
0x2e: {  	s3 =	simm.s32 @!p0 $0x1082;
	s9 =	sld [smem:$0x3FB4]  }
0x2f: {  	lr =	sadd.s32 s0, s3;
	s0 =	sld [smem:$0x3FAB]  }
0x30: {  	s3 =	sld [smem:$0x3FAE]  }
0x31: {  	[smem:$0x3FB7] =	sst s10  }
0x32: {  	s10 =	sld [smem:$0x3FB5];
	_ =	sdelay $0x3  }
0x33: {  	p0 =	seq.s32 s10, $0x1;
	s10 =	sld [smem:$0x3FB7];
	_ =	sdelay $0x3  }
0x34: {  	[smem:$0x3FB7] =	sst s10  }
0x35: {  	s10 =	sld [smem:$0x3FB6];
	_ =	sdelay $0x3  }
0x36: {  	p1 =	seq.s32 s10, $0x1;
	s10 =	sld [smem:$0x3FB7];
	_ =	sdelay $0x3  }
0x37: {  	[smem:$0x3FB7] =	sst s10  }
0x38: {  	s10 =	sld [smem:$0x3FB8]  }
0x39: {  	_ = 	snop;
	(pc) =	sbr.ind lr, $3  }
0x3a: {  	_ = 	snop  }
0x3b: {  	_ = 	snop  }
0x3c: {  	p2 =	seq.s32 s10, $0x1;
	s10 =	sld [smem:$0x3FB7]  }
0x3d: {  	_ =	shalt  }
0x3e: {  	_ =	shalt  }
0x3f: {  	_ =	shalt  }
0x40: {  	_ =	shalt  }
0x41: {  	_ =	shalt  }
0x42: {  	_ =	shalt  }
0x43: {  	_ =	shalt  }
0x44: {  	_ =	shalt  }
0x45: {  	_ =	shalt  }
0x46: {  	_ =	shalt  }
0x47: {  	_ =	shalt  }
0x48: {  	_ =	shalt  }
0x49: {  	_ =	shalt  }
0x4a: {  	_ =	shalt  }
0x4b: {  	_ =	shalt  }
0x4c: {  	_ =	shalt  }
0x4d: {  	_ =	shalt  }
0x4e: {  	_ =	shalt  }
0x4f: {  	_ =	shalt  }
0x50: {  	_ =	shalt  }
0x51: {  	_ =	shalt  }
0x52: {  	_ =	shalt  }
0x53: {  	_ =	shalt  }
0x54: {  	_ =	shalt  }
0x55: {  	_ =	shalt  }
0x56: {  	_ =	shalt  }
0x57: {  	_ =	shalt  }
0x58: {  	_ =	shalt  }
0x59: {  	_ =	shalt  }
0x5a: {  	_ =	shalt  }
0x5b: {  	_ =	shalt  }
0x5c: {  	_ =	shalt  }
0x5d: {  	_ =	shalt  }
0x5e: {  	_ =	shalt  }
0x5f: {  	_ =	shalt  }
0x60: {  	_ =	shalt  }
0x61: {  	_ =	shalt  }
0x62: {  	_ =	shalt  }
0x63: {  	_ =	shalt  }
0x64: {  	_ =	shalt  }
0x65: {  	_ =	shalt  }
0x66: {  	_ =	shalt  }
0x67: {  	_ =	shalt  }
0x68: {  	_ =	shalt  }
0x69: {  	_ =	shalt  }
0x6a: {  	_ =	shalt  }
0x6b: {  	_ =	shalt  }
0x6c: {  	_ =	shalt  }
0x6d: {  	_ =	shalt  }
0x6e: {  	_ =	shalt  }
0x6f: {  	_ =	shalt  }
0x70: {  	_ =	shalt  }
0x71: {  	_ =	shalt  }
0x72: {  	_ =	shalt  }
0x73: {  	_ =	shalt  }
0x74: {  	_ =	shalt  }
0x75: {  	_ =	shalt  }
0x76: {  	_ =	shalt  }
0x77: {  	_ =	shalt  }
0x78: {  	_ =	shalt  }
0x79: {  	_ =	shalt  }
0x7a: {  	_ =	shalt  }
0x7b: {  	_ =	shalt  }
0x7c: {  	_ =	shalt  }
0x7d: {  	_ =	shalt  }
0x7e: {  	_ =	shalt  }
0x7f: {  	_ =	shalt  }
0x80: {  	_ =	shalt  }
0x81: {  	_ =	shalt  }
0x82: {  	_ =	shalt  }
0x83: {  	_ =	shalt  }
0x84: {  	_ =	shalt  }
0x85: {  	_ =	shalt  }
0x86: {  	_ =	shalt  }
0x87: {  	_ =	shalt  }
.Lfunc_end0:
.L_simem_size_0:
called_computation_lowered:
.L_overlay_start_0:
0x88: {  	s2 =	sld [smem:$0x3FD9]  }
0x89: {  	s3 =	sld [smem:$0x3FFE];
	_ =	sdelay $0x1  }
0x8a: {  	s1 =	srdreg.scid  }
0x8b: {  	s0 =	sand.u32 $0x1, s1  }
0x8c: {  	s17 =	sshll.u32 s0, $0xA;
	s2 =	sadd.s32 s3, s2  }
0x8d: {  	s2 =	sadd.s32 s2, s17  }
0x8e: {  	[smem:$0x3FC3] =	sst s2  }
0x8f: {  	_ = 	snop  }
0x90: {  	s2 =	sld [smem:$0x3FD0];
	(tm) =	ssettm $0x1  }
0x91: {  	s18 =	sld [smem:$0x3FFB];
	_ =	sdelay $0x3  }
0x92: {  	_ =	strace s18  }
0x93: {  	s3 =	sld [smem:$0x3FFC];
	_ =	sdelay $0x3  }
0x94: {  	_ =	strace s3  }
0x95: {  	s3 =	sld [smem:$0x3FFD];
	_ =	sdelay $0x3  }
0x96: {  	_ =	strace s3  }
0x97: {  	_ =	strace $0x8FFFFFFF  }
0x98: {  	s19 =	sld [smem:$0x3FDB];
	_ =	sdelay $0x1  }
0x99: {  	s4 =	simm.s32 $_scs_section_size  }
0x9a: {  	s5 =	simm.s32 $_size__tile_overlayer_lowered;
	s6 =	simm.s32 $_tile_overlayer_lowered  }
0x9b: {  	s22 =	simm.s32 $0x1BFF;
	s21 =	sshll.u32 s6, $0x1;
	s3 =	sadd.s32 s4, s19  }
0x9c: {  	s7 =	simm.s32 $0x0;
	s20 =	sshll.u32 s5, $0x1;
	s5 =	sadd.s32 s21, s3  }
0x9d: {  	[timem:s7], [sflag:s22] =	dma.local [hbm:s5], s20  }
0x9e: {  	_ =	swait.ge [sflag:s22], s20  }
0x9f: {  	s4 =	ssub.s32 $0x0, s20;
	[sflag:s22] =	ssyncset.done $0x0  }
0xa0: {  	[sflag:s22] =	ssyncadd.s32 s4;
	_ =	sdelay $0x1  }
0xa1: {  	s23 =	simm.s32 $0x1B8B  }
0xa2: {  	_ =	swait.ge [sflag:s23], $0x1  }
0xa3: {  	[sflag:s23] =	ssyncset.done $0x0  }
0xa4: {  	s25 =	simm.s32 $0x1B8E;
	s24 =	sld [smem:$0x3FFE];
	[sflag:s23] =	ssyncadd.s32 $0xFFFFFFFF  }
0xa5: {  	s26 =	simm.s32 $execute0_lowered;
	[smem:$0x3FD2] =	sst s25  }
0xa6: {  	s5 =	sshll.u32 s26, $0x1;
	_ =	strace $0x80000046;
	[dreg:$0x1] =	wrdreg $0xFFFFFFFF  }
0xa7: {  	s28 =	simm.s32 $_size_execute0_lowered;
	s3 =	sadd.s32 s3, s5;
	[dreg:$0x0] =	wrdreg $0x0  }
0xa8: {  	s5 =	sshll.u32 s28, $0x1;
	[dreg:$0x2] =	wrdreg s3  }
0xa9: {  	[dreg:$0x3] =	wrdreg s5  }
0xaa: {  	[dreg:$0x4] =	wrdreg $0xC0  }
0xab: {  	_ =	task [dreg:s7], $0x5FFFF  }
0xac: {  	[dreg:$0x1] =	wrdreg $0xFFFFFFFF  }
0xad: {  	[dreg:$0x0] =	wrdreg $0x60  }
0xae: {  	[dreg:$0x2] =	wrdreg s2  }
0xaf: {  	[dreg:$0x3] =	wrdreg s24  }
0xb0: {  	[dreg:$0x4] =	wrdreg $0xB8000  }
0xb1: {  	[dreg:$0x5] =	wrdreg $0x9  }
0xb2: {  	_ =	task.clear_ibuf [dreg:s7], $0x6FFFF;
	_ =	strace $0x90000046  }
0xb3: {  	s29 =	simm.s32 $0x9;
	_ =	strace $0x80000048  }
0xb4: {  	_ =	swait.ge [sflag:s29], $0x1  }
0xb5: {  	[sflag:s29] =	ssyncadd.s32 $0xFFFFFFFF  }
0xb6: {  	_ =	strace $0x90000048  }
0xb7: {  	_ =	sfence  }
0xb8: {  	s30 =	sld [smem:$0x0];
	_ =	sdelay $0x2  }
0xb9: {  	s31 =	sshll.u32 s1, $0xD;
	s1 =	sshrl.u32 s1, $0x2  }
0xba: {  	s3 =	sand.u32 $0x4000, s31;
	s1 =	sadd.s32 s1, s30  }
0xbb: {  	s0 =	sor.u32 s3, s0;
	s1 =	sshll.u32 s1, $0x11  }
0xbc: {  	s0 =	sor.u32 s1, s0  }
0xbd: {  	s0 =	sadd.s32 $0x8F2B, s0  }
0xbe: {  	[sflag:s0] =	ssyncadd.remote.s32 $0x1  }
0xbf: {  	_ =	sfence.sel $0xFFFF  }
0xc0: {  	[dreg:$0x0] =	wrdreg $0xFFFFFFFF;
	(pc) =	sbr.abs _section_cstart, $3  }
0xc1: {  	[dreg:$0x1] =	wrdreg $0xFFFFFFFF  }
0xc2: {  	_ =	task.clear_ibuf [dreg:s7], $0x2FFFF;
	_ =	strace $0x9FFFFFFF  }
0xc3: {  	(tm) =	ssettm $0x7FFFFFFF  }
tec
execute0_lowered:
.L_overlay_start_1:
0x0: {  	(tag) =	ssettag $0x1  }
0x1: {  	s1 =	rddreg [dreg:$0x0]  }
0x2: {  	s0 =	srdreg.scid;
	s5 =	rddreg [dreg:$0x1]  }
0x3: {  	s16 =	simm.s32 $0x5000;
	s17 =	simm.s32 $0x5;
	s19 =	simm.s32 $0x9000  }
0x4: {  	s20 =	simm.s32 $0x40;
	s2 =	sand.u32 $0x1, s0;
	s0 =	stileid.u32  }
0x5: {  	s21 =	simm.s32 $0x1;
	s22 =	simm.s32 $0x7000;
	s7 =	smul.u32 $0x500, s0  }
0x6: {  	s23 =	simm.s32 $0x2;
	s24 =	simm.s32 $0x3;
	s8 =	smul.u32 $0x4E000, s0  }
0x7: {  	s26 =	simm.s32 $0x4;
	s3 =	sshll.u32 s2, $0x4;
	s29 =	smul.u32 $0x27100, s2  }
0x8: {  	s2 =	ssub.s32 $0x2, s2;
	s18 =	smul.u32 $0x2700, s0;
	p0 =	sne.s32 s0, $0xF  }
0x9: {  	s4 =	sor.u32 s0, s3;
	s3 =	rddreg [dreg:$0x2];
	s31 =	sshrl.u32 s2, $0x1  }
0xa: {  	s6 =	smul.u32 $0x500, s4;
	s4 =	simm.s32 $0x0;
	s13 =	sadd.s32 s7, s5  }
0xb: {  	v0 =	vimm.f32 $0.0e+00;
	v1 =	vimm.s32 $0x0;
	s30 =	sshrl.u32 s8, $0x2;
	s14 =	sadd.s32 s29, s5;
	s2 =	ssub.s32 s2, s31  }
0xc: {  	v2 =	vimm.s32 $0x1;
	v3 =	vimm.s32 $0x2;
	v4 =	vimm.s32 $0x3;
	s10 =	sadd.s32 $0x138000, s3;
	[smem:$0x7FF] =	sst s4;
	s12 =	sadd.s32 $0x5600, s13  }
0xd: {  	v5 =	vimm.s32 $0x4;
	v6 =	vimm.s32 $0x5;
	v7 =	vimm.s32 $0x6;
	s13 =	sadd.s32 $0x600, s13;
	s14 =	sadd.s32 $0x14600, s14;
	s15 =	smax.u32 s2, $0x1  }
0xe: {  	v8 =	vimm.s32 $0x7;
	v9 =	vimm.s32 $0x8;
	v10 =	vimm.s32 $0x9;
	_ =	strace $0x80000047;
	s11 =	sadd.s32 s6, s5;
	s5 =	sadd.s32 s30, s3  }
0xf: {  	v11 =	vimm.s32 $0xA;
	v12 =	vimm.s32 $0xB;
	v13 =	vimm.s32 $0xC;
	s25 =	sadd.s32 s18, s14;
	s6 =	sadd.s32 $0x4000, s5;
	s7 =	sadd.s32 $0x8000, s5  }
0x10: {  	v14 =	vimm.s32 $0xD;
	v15 =	vimm.s32 $0xE;
	v16 =	vimm.s32 $0xF;
	s8 =	sadd.s32 $0xC000, s5;
	s9 =	sadd.s32 $0x10000, s5;
	s11 =	sadd.s32 $0xA600, s11  }
.LBB2_1:
0x11: {  	s2 =	simm.s32 $0x0;
	s18 =	simm.s32 $0x200  }
.LBB2_2:
0x12: {  	p1 =	sne.s32 s18, $0xFE00;
	[tilespmem:s2+$0x5070] =	vst v0  }
0x13: {  	[tilespmem:s2+$0x5000] =	vst v0  }
0x14: {  	[tilespmem:s2+$0x5010] =	vst v0  }
.Ltmp0:
0x15: {  	[tilespmem:s2+$0x5020] =	vst v0;
	(pc) =	sbr.rel @p1 .LBB2_2-.Ltmp0, $4  }
0x16: {  	[tilespmem:s2+$0x5030] =	vst v0  }
0x17: {  	[tilespmem:s2+$0x5040] =	vst v0  }
0x18: {  	[tilespmem:s2+$0x5050] =	vst v0  }
0x19: {  	[tilespmem:s2+$0x5060] =	vst v0;
	s2 =	sshra.s32 s18, $0x2;
	s18 =	sadd.s32 $0x200, s18  }
0x1a: {  	[tilespmem:s2+$0x5070] =	vst v0  }
0x1b: {  	[tilespmem:s2+$0x5000] =	vst v0  }
0x1c: {  	[tilespmem:s2+$0x5010] =	vst v0  }
0x1d: {  	[tilespmem:s2+$0x5020] =	vst v0  }
0x1e: {  	[tilespmem:s2+$0x5030] =	vst v0  }
0x1f: {  	[tilespmem:s2+$0x5040] =	vst v0  }
0x20: {  	[tilespmem:s2+$0x5050] =	vst v0  }
0x21: {  	[tilespmem:s2+$0x5060] =	vst v0  }
0x22: {  	[spmem:s5] =	stream.linear.scatter [tilespmem:s16], [sflag:$0x5], $0x4000, $0x38;
	[tilespmem:$0x1F080] =	vst v63  }
0x23: {  	_ =	swait.ge [sflag:s17], $0x4000  }
0x24: {  	[sflag:s17] =	ssyncset.done $0x0  }
0x25: {  	[sflag:s17] =	ssyncadd.s32 $0xFFFFC000  }
0x26: {  	[spmem:s6] =	stream.linear.scatter [tilespmem:s16], [sflag:$0x5], $0x4000, $0x38;
	[tilespmem:$0x1F080] =	vst v63  }
0x27: {  	_ =	swait.ge [sflag:s17], $0x4000  }
0x28: {  	[sflag:s17] =	ssyncset.done $0x0  }
0x29: {  	[sflag:s17] =	ssyncadd.s32 $0xFFFFC000  }
0x2a: {  	[spmem:s7] =	stream.linear.scatter [tilespmem:s16], [sflag:$0x5], $0x4000, $0x38;
	[tilespmem:$0x1F080] =	vst v63  }
0x2b: {  	_ =	swait.ge [sflag:s17], $0x4000  }
0x2c: {  	[sflag:s17] =	ssyncset.done $0x0  }
0x2d: {  	[sflag:s17] =	ssyncadd.s32 $0xFFFFC000  }
0x2e: {  	[spmem:s8] =	stream.linear.scatter [tilespmem:s16], [sflag:$0x5], $0x4000, $0x38;
	[tilespmem:$0x1F080] =	vst v63  }
0x2f: {  	_ =	swait.ge [sflag:s17], $0x4000  }
0x30: {  	[sflag:s17] =	ssyncset.done $0x0  }
0x31: {  	[sflag:s17] =	ssyncadd.s32 $0xFFFFC000  }
0x32: {  	[spmem:s9] =	stream.linear.scatter [tilespmem:s16], [sflag:$0x5], $0x3800, $0x38;
	[tilespmem:$0x1F080] =	vst v63  }
0x33: {  	_ =	swait.ge [sflag:s17], $0x3800  }
0x34: {  	[sflag:s17] =	ssyncset.done $0x0  }
0x35: {  	s2 =	simm.s32 @!p0 $0x5000;
	[sflag:s17] =	ssyncadd.s32 $0xFFFFC800  }
0x36: {  	[spmem:s10] =	stream.linear.scatter @!p0 [tilespmem:s2], [sflag:$0x5], $0x800, $0x38;
	[tilespmem:$0x1F080] =	vst v63  }
0x37: {  	s2 =	simm.s32 @!p0 $0x5  }
0x38: {  	_ =	swait.ge @!p0 [sflag:s2], $0x800  }
0x39: {  	[sflag:s2] =	ssyncset.done @!p0 $0x0  }
0x3a: {  	[sflag:s2] =	ssyncadd.s32 @!p0 $0xFFFFF800  }
0x3b: {  	s28 =	simm.s32 $0x0;
	[bflag:$0x0] =	sbarrier.arrive $0xFFFF  }
0x3c: {  	[tilespmem:s28], [sflag:$0x5] =	stream.linear.gather [hbm4b:s11+s28], $0x2780, $0x38;
	[tilespmem:$0x1F080] =	vst v63  }
0x3d: {  	_ =	swait.ge [sflag:s17], $0x2780  }
0x3e: {  	[sflag:s17] =	ssyncset.done $0x0  }
0x3f: {  	s31 =	simm.s32 $0x2800;
	[sflag:s17] =	ssyncadd.s32 $0xFFFFD880  }
0x40: {  	[tilespmem:s31], [sflag:$0x5] =	stream.linear.gather [hbm4b:s12+s28], $0x2780, $0x38;
	[tilespmem:$0x1F080] =	vst v63  }
0x41: {  	_ =	swait.ge [sflag:s17], $0x2780  }
0x42: {  	[sflag:s17] =	ssyncset.done $0x0  }
0x43: {  	[sflag:s17] =	ssyncadd.s32 $0xFFFFD880  }
0x44: {  	[tilespmem:s19], [sflag:$0x5] =	stream.linear.gather [hbm4b:s13+s28], $0x2780, $0x38;
	[tilespmem:$0x1F080] =	vst v63  }
0x45: {  	_ =	swait.ge [sflag:s17], $0x2780  }
0x46: {  	[sflag:s17] =	ssyncset.done $0x0  }
0x47: {  	[sflag:s17] =	ssyncadd.s32 $0xFFFFD880  }
0x48: {  	[tilespmem:s16], [sflag:$0x1] =	stream.indirect.gather [hbm4b:s1+s20], $0x80, s28, s20, $0xb8;
	[tilespmem:$0x1F080] =	vst v63  }
.LBB2_4:
0x49: {  	_ =	swait.ge [sflag:s21], $0x2000;
	p1 =	seq.s32 s28, $0x0  }
0x4a: {  	s18 =	sshll.u32 s28, $0x7;
	s30 =	sshll.u32 s28, $0x9;
	[sflag:s21] =	ssyncset.done $0x0  }
0x4b: {  	s2 =	simm.s32 @!p1 $0x4;
	s31 =	sshrl.u32 s30, $0x2;
	[sflag:s21] =	ssyncadd.s32 $0xFFFFE000  }
0x4c: {  	s29 =	sor.u32 $0x40, s18;
	s18 =	sadd.s32 $0x9000, s31;
	_ =	swait.ge @!p1 [sflag:s2], $0x2000  }
0x4d: {  	v17 =	vmov s18;
	[sflag:s2] =	ssyncset.done @!p1 $0x0  }
0x4e: {  	[sflag:s2] =	ssyncadd.s32 @!p1 $0xFFFFE000;
	s2 =	simm.s32 $0x0  }
0x4f: {  	[tilespmem:s22], [sflag:$0x2] =	stream.indirect.gather [hbm4b:s1+s20], $0x80, s29, s20, $0xb8;
	[tilespmem:$0x1F080] =	vst v63  }
.LBB2_5:
0x50: {  	s18 =	sshll.u32 s2, $0x4  }
0x51: {  	s18 =	sand.u32 $0x3FFFFFF0, s18  }
0x52: {  	v18 =	vld.idx.msk [tilespmem:v17+s18+$0x0 ss:$0x1], $0xffff;
	s18 =	sshll.u32 s2, $0xB  }
0x53: {  	s18 =	sand.u32 $0x3FFFF800, s18  }
0x54: {  	v19 =	vld [tilespmem:s18+$0x5000]  }
0x55: {  	v20 =	vld [tilespmem:s18+$0x5010]  }
0x56: {  	v21 =	vld [tilespmem:s18+$0x5020]  }
0x57: {  	v23 =	vld [tilespmem:s18+$0x5030];
	v22 =	vperm.xlane v18, v1  }
0x58: {  	v24 =	vld [tilespmem:s18+$0x5040]  }
0x59: {  	v25 =	vld [tilespmem:s18+$0x5050];
	v19 =	vmul.f32 v19, v22  }
0x5a: {  	v26 =	vld [tilespmem:s18+$0x5060];
	v20 =	vmul.f32 v20, v22  }
0x5b: {  	v43 =	vld [tilespmem:s18+$0x5070];
	[tilespmem:s18+$0x5000] =	vst v19;
	v19 =	vmul.f32 v21, v22  }
0x5c: {  	v45 =	vld [tilespmem:s18+$0x5080];
	v44 =	vmul.f32 v23, v22;
	[tilespmem:s18+$0x5010] =	vst v20  }
0x5d: {  	v46 =	vld [tilespmem:s18+$0x5090];
	[tilespmem:s18+$0x5020] =	vst v19;
	v19 =	vmul.f32 v24, v22  }
0x5e: {  	v48 =	vld [tilespmem:s18+$0x50A0];
	v47 =	vmul.f32 v25, v22;
	[tilespmem:s18+$0x5030] =	vst v44  }
0x5f: {  	v27 =	vld [tilespmem:s18+$0x50B0];
	v49 =	vperm.xlane v18, v2;
	[tilespmem:s18+$0x5040] =	vst v19;
	v19 =	vmul.f32 v26, v22  }
0x60: {  	v51 =	vld [tilespmem:s18+$0x50C0];
	v50 =	vmul.f32 v43, v22;
	[tilespmem:s18+$0x5050] =	vst v47  }
0x61: {  	v52 =	vld [tilespmem:s18+$0x50D0];
	[tilespmem:s18+$0x5060] =	vst v19;
	v19 =	vmul.f32 v45, v49  }
0x62: {  	v54 =	vld [tilespmem:s18+$0x50E0];
	v53 =	vmul.f32 v46, v49;
	[tilespmem:s18+$0x5070] =	vst v50  }
0x63: {  	v55 =	vld [tilespmem:s18+$0x50F0];
	[tilespmem:s18+$0x5080] =	vst v19;
	v19 =	vmul.f32 v48, v49  }
0x64: {  	v57 =	vld [tilespmem:s18+$0x5100];
	v56 =	vmul.f32 v27, v49;
	[tilespmem:s18+$0x5090] =	vst v53  }
0x65: {  	v58 =	vld [tilespmem:s18+$0x5110];
	[tilespmem:s18+$0x50A0] =	vst v19;
	v19 =	vmul.f32 v51, v49  }
0x66: {  	v60 =	vld [tilespmem:s18+$0x5120];
	v59 =	vmul.f32 v52, v49;
	[tilespmem:s18+$0x50B0] =	vst v56  }
0x67: {  	v62 =	vld [tilespmem:s18+$0x5130];
	v61 =	vperm.xlane v18, v3;
	[tilespmem:s18+$0x50C0] =	vst v19;
	v19 =	vmul.f32 v54, v49  }
0x68: {  	v28 =	vld [tilespmem:s18+$0x5140];
	v63 =	vmul.f32 v55, v49;
	[tilespmem:s18+$0x50D0] =	vst v59  }
0x69: {  	v29 =	vld [tilespmem:s18+$0x5150];
	[tilespmem:s18+$0x50E0] =	vst v19;
	v19 =	vmul.f32 v57, v61  }
0x6a: {  	v31 =	vld [tilespmem:s18+$0x5160];
	v30 =	vmul.f32 v58, v61;
	[tilespmem:s18+$0x50F0] =	vst v63  }
0x6b: {  	v32 =	vld [tilespmem:s18+$0x5170];
	[tilespmem:s18+$0x5100] =	vst v19;
	v19 =	vmul.f32 v60, v61  }
0x6c: {  	v34 =	vld [tilespmem:s18+$0x5180];
	v33 =	vmul.f32 v62, v61;
	[tilespmem:s18+$0x5110] =	vst v30  }
0x6d: {  	v35 =	vld [tilespmem:s18+$0x5190];
	[tilespmem:s18+$0x5120] =	vst v19;
	v19 =	vmul.f32 v28, v61  }
0x6e: {  	v37 =	vld [tilespmem:s18+$0x51A0];
	v36 =	vmul.f32 v29, v61;
	[tilespmem:s18+$0x5130] =	vst v33  }
0x6f: {  	v39 =	vld [tilespmem:s18+$0x51B0];
	v38 =	vperm.xlane v18, v4;
	[tilespmem:s18+$0x5140] =	vst v19;
	v19 =	vmul.f32 v31, v61  }
0x70: {  	v41 =	vld [tilespmem:s18+$0x51C0];
	v40 =	vmul.f32 v32, v61;
	[tilespmem:s18+$0x5150] =	vst v36  }
0x71: {  	v45 =	vld [tilespmem:s18+$0x51F0];
	[tilespmem:s18+$0x5160] =	vst v19;
	v19 =	vmul.f32 v34, v38  }
0x72: {  	v43 =	vmul.f32 v35, v38;
	[tilespmem:s18+$0x5170] =	vst v40;
	v44 =	vld [tilespmem:s18+$0x51E0]  }
0x73: {  	v42 =	vld [tilespmem:s18+$0x51D0];
	[tilespmem:s18+$0x5180] =	vst v19;
	v19 =	vmul.f32 v37, v38  }
0x74: {  	v46 =	vmul.f32 v39, v38;
	[tilespmem:s18+$0x5190] =	vst v43;
	v47 =	vld [tilespmem:s18+$0x5200]  }
0x75: {  	v52 =	vld [tilespmem:s18+$0x5230];
	[tilespmem:s18+$0x51A0] =	vst v19;
	v19 =	vmul.f32 v41, v38  }
0x76: {  	[tilespmem:s18+$0x51B0] =	vst v46;
	v50 =	vld [tilespmem:s18+$0x5220];
	v53 =	vmul.f32 v45, v38  }
0x77: {  	v55 =	vld [tilespmem:s18+$0x5250];
	v51 =	vperm.xlane v18, v5;
	[tilespmem:s18+$0x51C0] =	vst v19;
	v19 =	vmul.f32 v44, v38  }
0x78: {  	v49 =	vmul.f32 v42, v38;
	v54 =	vld [tilespmem:s18+$0x5240];
	[tilespmem:s18+$0x51F0] =	vst v53  }
0x79: {  	v58 =	vld [tilespmem:s18+$0x5270];
	[tilespmem:s18+$0x51E0] =	vst v19;
	v19 =	vmul.f32 v47, v51  }
0x7a: {  	v59 =	vmul.f32 v52, v51;
	[tilespmem:s18+$0x51D0] =	vst v49;
	v57 =	vld [tilespmem:s18+$0x5260]  }
0x7b: {  	v48 =	vld [tilespmem:s18+$0x5210];
	[tilespmem:s18+$0x5200] =	vst v19;
	v19 =	vmul.f32 v50, v51  }
0x7c: {  	v62 =	vmul.f32 v55, v51;
	[tilespmem:s18+$0x5230] =	vst v59;
	v60 =	vld [tilespmem:s18+$0x5280]  }
0x7d: {  	v40 =	vld [tilespmem:s18+$0x5310];
	[tilespmem:s18+$0x5220] =	vst v19;
	v19 =	vmul.f32 v54, v51  }
0x7e: {  	v63 =	vld [tilespmem:s18+$0x52A0];
	v32 =	vmul.f32 v58, v51;
	[tilespmem:s18+$0x5250] =	vst v62  }
0x7f: {  	v30 =	vperm.xlane v18, v6;
	v61 =	vld [tilespmem:s18+$0x5290];
	[tilespmem:s18+$0x5240] =	vst v19;
	v19 =	vmul.f32 v57, v51  }
0x80: {  	v33 =	vld [tilespmem:s18+$0x52C0];
	v43 =	vperm.xlane v18, v7;
	v56 =	vmul.f32 v48, v51;
	[tilespmem:s18+$0x5270] =	vst v32  }
0x81: {  	v53 =	vld [tilespmem:s18+$0x5390];
	[tilespmem:s18+$0x5260] =	vst v19;
	v19 =	vmul.f32 v60, v30  }
0x82: {  	v36 =	vld [tilespmem:s18+$0x52E0];
	v48 =	vmul.f32 v40, v43;
	[tilespmem:s18+$0x5210] =	vst v56  }
0x83: {  	v31 =	vld [tilespmem:s18+$0x52B0];
	[tilespmem:s18+$0x5280] =	vst v19;
	v19 =	vmul.f32 v63, v30  }
0x84: {  	v39 =	vld [tilespmem:s18+$0x5300];
	[tilespmem:s18+$0x5310] =	vst v48;
	v56 =	vperm.xlane v18, v8;
	v35 =	vmul.f32 v61, v30  }
0x85: {  	v34 =	vld [tilespmem:s18+$0x52D0];
	[tilespmem:s18+$0x52A0] =	vst v19;
	v19 =	vmul.f32 v33, v30  }
0x86: {  	v42 =	vld [tilespmem:s18+$0x5320];
	v61 =	vmul.f32 v53, v56;
	[tilespmem:s18+$0x5290] =	vst v35  }
0x87: {  	v37 =	vld [tilespmem:s18+$0x52F0];
	[tilespmem:s18+$0x52C0] =	vst v19;
	v19 =	vmul.f32 v36, v30  }
0x88: {  	v46 =	vld [tilespmem:s18+$0x5340];
	[tilespmem:s18+$0x5390] =	vst v61;
	v38 =	vmul.f32 v31, v30  }
0x89: {  	v47 =	vld [tilespmem:s18+$0x5350];
	[tilespmem:s18+$0x52E0] =	vst v19;
	v19 =	vmul.f32 v39, v43  }
0x8a: {  	v49 =	vld [tilespmem:s18+$0x5360];
	v41 =	vmul.f32 v34, v30;
	[tilespmem:s18+$0x52B0] =	vst v38  }
0x8b: {  	v38 =	vld [tilespmem:s18+$0x5450];
	[tilespmem:s18+$0x5300] =	vst v19;
	v19 =	vmul.f32 v42, v43  }
0x8c: {  	v52 =	vld [tilespmem:s18+$0x5380];
	[tilespmem:s18+$0x52D0] =	vst v41;
	v45 =	vmul.f32 v37, v30  }
0x8d: {  	v44 =	vld [tilespmem:s18+$0x5330];
	[tilespmem:s18+$0x5320] =	vst v19;
	v19 =	vmul.f32 v46, v43  }
0x8e: {  	v55 =	vld [tilespmem:s18+$0x53A0];
	v34 =	vperm.xlane v18, v9;
	[tilespmem:s18+$0x52F0] =	vst v45;
	v54 =	vmul.f32 v47, v43  }
0x8f: {  	v50 =	vld [tilespmem:s18+$0x5370];
	[tilespmem:s18+$0x5340] =	vst v19;
	v19 =	vmul.f32 v49, v43  }
0x90: {  	v59 =	vld [tilespmem:s18+$0x53C0];
	v45 =	vmul.f32 v38, v34;
	[tilespmem:s18+$0x5350] =	vst v54  }
0x91: {  	v57 =	vld [tilespmem:s18+$0x53B0];
	[tilespmem:s18+$0x5360] =	vst v19;
	v19 =	vmul.f32 v52, v56  }
0x92: {  	v62 =	vld [tilespmem:s18+$0x53E0];
	v51 =	vmul.f32 v44, v43;
	[tilespmem:s18+$0x5450] =	vst v45  }
0x93: {  	v60 =	vld [tilespmem:s18+$0x53D0];
	[tilespmem:s18+$0x5380] =	vst v19;
	v19 =	vmul.f32 v55, v56  }
0x94: {  	v58 =	vmul.f32 v50, v43;
	[tilespmem:s18+$0x5330] =	vst v51;
	v30 =	vld [tilespmem:s18+$0x5400]  }
0x95: {  	v51 =	vld [tilespmem:s18+$0x54D0];
	[tilespmem:s18+$0x53A0] =	vst v19;
	v19 =	vmul.f32 v59, v56  }
0x96: {  	[tilespmem:s18+$0x5370] =	vst v58;
	v29 =	vmul.f32 v57, v56;
	v33 =	vld [tilespmem:s18+$0x5420]  }
0x97: {  	v63 =	vld [tilespmem:s18+$0x53F0];
	[tilespmem:s18+$0x53C0] =	vst v19;
	v19 =	vmul.f32 v62, v56  }
0x98: {  	v37 =	vld [tilespmem:s18+$0x5440];
	v47 =	vperm.xlane v18, v10;
	[tilespmem:s18+$0x53B0] =	vst v29;
	v32 =	vmul.f32 v60, v56  }
0x99: {  	v61 =	vld [tilespmem:s18+$0x5530];
	[tilespmem:s18+$0x53E0] =	vst v19;
	v19 =	vmul.f32 v30, v34  }
0x9a: {  	v40 =	vld [tilespmem:s18+$0x5460];
	v58 =	vmul.f32 v51, v47;
	[tilespmem:s18+$0x53D0] =	vst v32  }
0x9b: {  	v31 =	vld [tilespmem:s18+$0x5410];
	[tilespmem:s18+$0x5400] =	vst v19;
	v19 =	vmul.f32 v33, v34  }
0x9c: {  	v60 =	vperm.xlane v18, v11;
	v36 =	vmul.f32 v63, v56;
	[tilespmem:s18+$0x54D0] =	vst v58;
	v43 =	vld [tilespmem:s18+$0x5480]  }
0x9d: {  	v57 =	vld [tilespmem:s18+$0x5510];
	[tilespmem:s18+$0x5420] =	vst v19;
	v19 =	vmul.f32 v37, v34  }
0x9e: {  	v32 =	vmul.f32 v61, v60;
	[tilespmem:s18+$0x53F0] =	vst v36;
	v46 =	vld [tilespmem:s18+$0x54A0]  }
0x9f: {  	v35 =	vld [tilespmem:s18+$0x5430];
	[tilespmem:s18+$0x5440] =	vst v19;
	v19 =	vmul.f32 v40, v34  }
0xa0: {  	v50 =	vld [tilespmem:s18+$0x54C0];
	v39 =	vmul.f32 v31, v34;
	[tilespmem:s18+$0x5530] =	vst v32  }
0xa1: {  	v28 =	vld [tilespmem:s18+$0x5550];
	[tilespmem:s18+$0x5460] =	vst v19;
	v19 =	vmul.f32 v43, v47  }
0xa2: {  	v53 =	vld [tilespmem:s18+$0x54E0];
	v29 =	vmul.f32 v57, v60;
	[tilespmem:s18+$0x5410] =	vst v39  }
0xa3: {  	v31 =	vld [tilespmem:s18+$0x5570];
	[tilespmem:s18+$0x5480] =	vst v19;
	v19 =	vmul.f32 v46, v47  }
0xa4: {  	v42 =	vmul.f32 v35, v34;
	[tilespmem:s18+$0x5510] =	vst v29;
	v56 =	vld [tilespmem:s18+$0x5500]  }
0xa5: {  	v41 =	vld [tilespmem:s18+$0x5470];
	[tilespmem:s18+$0x54A0] =	vst v19;
	v19 =	vmul.f32 v50, v47  }
0xa6: {  	v35 =	vmul.f32 v28, v60;
	[tilespmem:s18+$0x5430] =	vst v42;
	v59 =	vld [tilespmem:s18+$0x5520]  }
0xa7: {  	v44 =	vld [tilespmem:s18+$0x5490];
	[tilespmem:s18+$0x54C0] =	vst v19;
	v19 =	vmul.f32 v53, v47  }
0xa8: {  	v63 =	vld [tilespmem:s18+$0x5540];
	[tilespmem:s18+$0x5550] =	vst v35;
	v39 =	vmul.f32 v31, v60  }
0xa9: {  	v48 =	vld [tilespmem:s18+$0x54B0];
	[tilespmem:s18+$0x54E0] =	vst v19;
	v19 =	vmul.f32 v56, v60  }
0xaa: {  	v49 =	vmul.f32 v41, v34;
	[tilespmem:s18+$0x5570] =	vst v39;
	v30 =	vld [tilespmem:s18+$0x5560]  }
0xab: {  	v54 =	vld [tilespmem:s18+$0x54F0];
	[tilespmem:s18+$0x5500] =	vst v19;
	v19 =	vmul.f32 v59, v60  }
0xac: {  	[tilespmem:s18+$0x5470] =	vst v49;
	v52 =	vmul.f32 v44, v47;
	v33 =	vld [tilespmem:s18+$0x5580]  }
0xad: {  	v38 =	vld [tilespmem:s18+$0x55B0];
	[tilespmem:s18+$0x5520] =	vst v19;
	v19 =	vmul.f32 v63, v60  }
0xae: {  	v36 =	vld [tilespmem:s18+$0x55A0];
	[tilespmem:s18+$0x5490] =	vst v52;
	v55 =	vmul.f32 v48, v47  }
0xaf: {  	v41 =	vld [tilespmem:s18+$0x55D0];
	v37 =	vperm.xlane v18, v12;
	[tilespmem:s18+$0x5540] =	vst v19;
	v19 =	vmul.f32 v30, v60  }
0xb0: {  	[tilespmem:s18+$0x54B0] =	vst v55;
	v62 =	vmul.f32 v54, v47;
	v40 =	vld [tilespmem:s18+$0x55C0]  }
0xb1: {  	v44 =	vld [tilespmem:s18+$0x55F0];
	[tilespmem:s18+$0x5560] =	vst v19;
	v19 =	vmul.f32 v33, v37  }
0xb2: {  	[tilespmem:s18+$0x54F0] =	vst v62;
	v45 =	vmul.f32 v38, v37;
	v43 =	vld [tilespmem:s18+$0x55E0]  }
0xb3: {  	v34 =	vld [tilespmem:s18+$0x5590];
	[tilespmem:s18+$0x5580] =	vst v19;
	v19 =	vmul.f32 v36, v37  }
0xb4: {  	v48 =	vmul.f32 v41, v37;
	[tilespmem:s18+$0x55B0] =	vst v45;
	v46 =	vld [tilespmem:s18+$0x5600]  }
0xb5: {  	v51 =	vld [tilespmem:s18+$0x5630];
	[tilespmem:s18+$0x55A0] =	vst v19;
	v19 =	vmul.f32 v40, v37  }
0xb6: {  	v49 =	vld [tilespmem:s18+$0x5620];
	v52 =	vmul.f32 v44, v37;
	[tilespmem:s18+$0x55D0] =	vst v48  }
0xb7: {  	v54 =	vld [tilespmem:s18+$0x5650];
	v50 =	vperm.xlane v18, v13;
	[tilespmem:s18+$0x55C0] =	vst v19;
	v19 =	vmul.f32 v43, v37  }
0xb8: {  	[tilespmem:s18+$0x55F0] =	vst v52;
	v42 =	vmul.f32 v34, v37;
	v53 =	vld [tilespmem:s18+$0x5640]  }
0xb9: {  	v57 =	vld [tilespmem:s18+$0x5670];
	[tilespmem:s18+$0x55E0] =	vst v19;
	v19 =	vmul.f32 v46, v50  }
0xba: {  	[tilespmem:s18+$0x5590] =	vst v42;
	v58 =	vmul.f32 v51, v50;
	v56 =	vld [tilespmem:s18+$0x5660]  }
0xbb: {  	v47 =	vld [tilespmem:s18+$0x5610];
	[tilespmem:s18+$0x5600] =	vst v19;
	v19 =	vmul.f32 v49, v50  }
0xbc: {  	v61 =	vmul.f32 v54, v50;
	[tilespmem:s18+$0x5630] =	vst v58;
	v59 =	vld [tilespmem:s18+$0x5680]  }
0xbd: {  	v39 =	vld [tilespmem:s18+$0x5710];
	[tilespmem:s18+$0x5620] =	vst v19;
	v19 =	vmul.f32 v53, v50  }
0xbe: {  	v62 =	vld [tilespmem:s18+$0x56A0];
	v31 =	vmul.f32 v57, v50;
	[tilespmem:s18+$0x5650] =	vst v61  }
0xbf: {  	v63 =	vperm.xlane v18, v14;
	v60 =	vld [tilespmem:s18+$0x5690];
	[tilespmem:s18+$0x5640] =	vst v19;
	v19 =	vmul.f32 v56, v50  }
0xc0: {  	v32 =	vld [tilespmem:s18+$0x56C0];
	v42 =	vperm.xlane v18, v15;
	[tilespmem:s18+$0x5670] =	vst v31;
	v55 =	vmul.f32 v47, v50  }
0xc1: {  	v33 =	vld [tilespmem:s18+$0x56D0];
	[tilespmem:s18+$0x5660] =	vst v19;
	v19 =	vmul.f32 v59, v63  }
0xc2: {  	v35 =	vld [tilespmem:s18+$0x56E0];
	v47 =	vmul.f32 v39, v42;
	[tilespmem:s18+$0x5610] =	vst v55  }
0xc3: {  	v30 =	vld [tilespmem:s18+$0x56B0];
	[tilespmem:s18+$0x5680] =	vst v19;
	v19 =	vmul.f32 v62, v63  }
0xc4: {  	v38 =	vld [tilespmem:s18+$0x5700];
	[tilespmem:s18+$0x5710] =	vst v47;
	v34 =	vmul.f32 v60, v63  }
0xc5: {  	v36 =	vld [tilespmem:s18+$0x56F0];
	[tilespmem:s18+$0x56A0] =	vst v19;
	v19 =	vmul.f32 v32, v63  }
0xc6: {  	v41 =	vld [tilespmem:s18+$0x5720];
	[tilespmem:s18+$0x5690] =	vst v34;
	v40 =	vmul.f32 v33, v63  }
0xc7: {  	v46 =	vld [tilespmem:s18+$0x5750];
	[tilespmem:s18+$0x56C0] =	vst v19;
	v19 =	vmul.f32 v35, v63  }
0xc8: {  	v45 =	vld [tilespmem:s18+$0x5740];
	v37 =	vmul.f32 v30, v63;
	[tilespmem:s18+$0x56D0] =	vst v40  }
0xc9: {  	v43 =	vld [tilespmem:s18+$0x5730];
	[tilespmem:s18+$0x56E0] =	vst v19;
	v19 =	vmul.f32 v38, v42  }
0xca: {  	v48 =	vld [tilespmem:s18+$0x5760];
	v44 =	vmul.f32 v36, v63;
	[tilespmem:s18+$0x56B0] =	vst v37  }
0xcb: {  	v49 =	vld [tilespmem:s18+$0x5770];
	[tilespmem:s18+$0x5700] =	vst v19;
	v19 =	vmul.f32 v41, v42  }
0xcc: {  	v51 =	vld [tilespmem:s18+$0x5780];
	[tilespmem:s18+$0x56F0] =	vst v44;
	v53 =	vmul.f32 v46, v42  }
0xcd: {  	v52 =	vld [tilespmem:s18+$0x5790];
	[tilespmem:s18+$0x5720] =	vst v19;
	v19 =	vmul.f32 v45, v42  }
0xce: {  	v54 =	vld [tilespmem:s18+$0x57A0];
	v50 =	vmul.f32 v43, v42;
	[tilespmem:s18+$0x5750] =	vst v53  }
0xcf: {  	v18 =	vperm.xlane v18, v16;
	v55 =	vld [tilespmem:s18+$0x57B0];
	[tilespmem:s18+$0x5740] =	vst v19;
	v19 =	vmul.f32 v48, v42  }
0xd0: {  	v57 =	vld [tilespmem:s18+$0x57C0];
	v56 =	vmul.f32 v49, v42;
	[tilespmem:s18+$0x5730] =	vst v50  }
0xd1: {  	v58 =	vld [tilespmem:s18+$0x57D0];
	[tilespmem:s18+$0x5760] =	vst v19;
	v19 =	vmul.f32 v51, v18  }
0xd2: {  	v60 =	vld [tilespmem:s18+$0x57E0];
	v59 =	vmul.f32 v52, v18;
	[tilespmem:s18+$0x5770] =	vst v56  }
0xd3: {  	v61 =	vld [tilespmem:s18+$0x57F0];
	[tilespmem:s18+$0x5780] =	vst v19;
	v19 =	vmul.f32 v54, v18  }
0xd4: {  	[tilespmem:s18+$0x5790] =	vst v59;
	v62 =	vmul.f32 v55, v18  }
0xd5: {  	p1 =	sne.s32 s2, $0x3;
	[tilespmem:s18+$0x57A0] =	vst v19;
	v19 =	vmul.f32 v57, v18  }
.Ltmp1:
0xd6: {  	[tilespmem:s18+$0x57B0] =	vst v62;
	v63 =	vmul.f32 v58, v18;
	(pc) =	sbr.rel @p1 .LBB2_5-.Ltmp1, $4  }
0xd7: {  	[tilespmem:s18+$0x57C0] =	vst v19;
	v19 =	vmul.f32 v60, v18  }
0xd8: {  	[tilespmem:s18+$0x57D0] =	vst v63;
	v18 =	vmul.f32 v61, v18  }
0xd9: {  	[tilespmem:s18+$0x57E0] =	vst v19  }
0xda: {  	s2 =	sadd.s32 $0x1, s2;
	[tilespmem:s18+$0x57F0] =	vst v18  }
0xdb: {  	s2 =	sadd.s32 $0x2800, s31  }
0xdc: {  	[spmem:s3] =	stream.indirect.scatter.add.f32 [tilespmem:s16], [sflag:$0x3], $0x80, s2, s20, $0xb8;
	[tilespmem:$0x1F080] =	vst v63  }
0xdd: {  	_ =	swait.ge [sflag:s23], $0x2000  }
0xde: {  	[sflag:s23] =	ssyncset.done $0x0  }
0xdf: {  	[sflag:s23] =	ssyncadd.s32 $0xFFFFE000  }
0xe0: {  	p1 =	seq.s32 s28, $0x4E;
	_ =	swait.ge [sflag:s24], $0x2000  }
0xe1: {  	s2 =	sshrl.u32 @!p1 s30, $0x2;
	s18 =	simm.s32 @!p1 $0x40;
	[sflag:s24] =	ssyncset.done $0x0  }
0xe2: {  	s30 =	simm.s32 @!p1 $0x5000;
	s2 =	sadd.s32 @!p1 $0x80, s2;
	[sflag:s24] =	ssyncadd.s32 $0xFFFFE000  }
0xe3: {  	[tilespmem:s30], [sflag:$0x1] =	stream.indirect.gather @!p1 [hbm4b:s1+s18], $0x80, s2, s18, $0xb8;
	[tilespmem:$0x1F080] =	vst v63  }
0xe4: {  	s30 =	simm.s32 $0x0  }
.LBB2_7:
0xe5: {  	s2 =	sshll.u32 s30, $0x4  }
0xe6: {  	s2 =	sadd.s32 $0x40, s2  }
0xe7: {  	v18 =	vld.idx.msk [tilespmem:v17+s2+$0x0 ss:$0x1], $0xffff;
	s2 =	sshll.u32 s2, $0x7  }
0xe8: {  	s2 =	sand.u32 $0x3FFFF800, s2  }
0xe9: {  	v19 =	vld [tilespmem:s2+$0x5000]  }
0xea: {  	v20 =	vld [tilespmem:s2+$0x5010]  }
0xeb: {  	v23 =	vld [tilespmem:s2+$0x5030]  }
0xec: {  	v21 =	vld [tilespmem:s2+$0x5020];
	v22 =	vperm.xlane v18, v1  }
0xed: {  	v25 =	vld [tilespmem:s2+$0x5050]  }
0xee: {  	v24 =	vld [tilespmem:s2+$0x5040];
	v19 =	vmul.f32 v19, v22  }
0xef: {  	v46 =	vld [tilespmem:s2+$0x5070];
	v20 =	vmul.f32 v20, v22  }
0xf0: {  	v26 =	vld [tilespmem:s2+$0x5060];
	v47 =	vmul.f32 v23, v22;
	[tilespmem:s2+$0x5000] =	vst v19  }
0xf1: {  	v19 =	vmul.f32 v21, v22;
	[tilespmem:s2+$0x5010] =	vst v20  }
0xf2: {  	v48 =	vmul.f32 v25, v22;
	[tilespmem:s2+$0x5030] =	vst v47  }
0xf3: {  	[tilespmem:s2+$0x5020] =	vst v19;
	v19 =	vmul.f32 v24, v22  }
0xf4: {  	v49 =	vmul.f32 v46, v22;
	[tilespmem:s2+$0x5050] =	vst v48  }
0xf5: {  	[tilespmem:s2+$0x5040] =	vst v19;
	v19 =	vmul.f32 v26, v22  }
0xf6: {  	s18 =	sshll.u32 s30, $0xB;
	[tilespmem:s2+$0x5070] =	vst v49  }
0xf7: {  	s31 =	sand.u32 $0x3FFFF800, s18;
	[tilespmem:s2+$0x5060] =	vst v19  }
0xf8: {  	v19 =	vld [tilespmem:s31+$0x7080]  }
0xf9: {  	v20 =	vld [tilespmem:s31+$0x7090]  }
0xfa: {  	v50 =	vld [tilespmem:s31+$0x70A0]  }
0xfb: {  	v51 =	vperm.xlane v18, v2;
	v52 =	vld [tilespmem:s31+$0x70B0]  }
0xfc: {  	v53 =	vld [tilespmem:s31+$0x70C0]  }
0xfd: {  	v54 =	vld [tilespmem:s31+$0x70D0];
	v19 =	vmul.f32 v19, v51  }
0xfe: {  	v55 =	vld [tilespmem:s31+$0x70E0];
	v20 =	vmul.f32 v20, v51  }
0xff: {  	v56 =	vld [tilespmem:s31+$0x70F0];
	[tilespmem:s31+$0x7080] =	vst v19;
	v19 =	vmul.f32 v50, v51  }
0x100: {  	v58 =	vld [tilespmem:s31+$0x7100];
	v57 =	vmul.f32 v52, v51;
	[tilespmem:s31+$0x7090] =	vst v20  }
0x101: {  	v59 =	vld [tilespmem:s31+$0x7110];
	[tilespmem:s31+$0x70A0] =	vst v19;
	v19 =	vmul.f32 v53, v51  }
0x102: {  	v61 =	vld [tilespmem:s31+$0x7120];
	v60 =	vmul.f32 v54, v51;
	[tilespmem:s31+$0x70B0] =	vst v57  }
0x103: {  	v62 =	vperm.xlane v18, v3;
	v27 =	vld [tilespmem:s31+$0x7130];
	[tilespmem:s31+$0x70C0] =	vst v19;
	v19 =	vmul.f32 v55, v51  }
0x104: {  	v28 =	vld [tilespmem:s31+$0x7140];
	v63 =	vmul.f32 v56, v51;
	[tilespmem:s31+$0x70D0] =	vst v60  }
0x105: {  	v29 =	vld [tilespmem:s31+$0x7150];
	[tilespmem:s31+$0x70E0] =	vst v19;
	v19 =	vmul.f32 v58, v62  }
0x106: {  	v31 =	vld [tilespmem:s31+$0x7160];
	v30 =	vmul.f32 v59, v62;
	[tilespmem:s31+$0x70F0] =	vst v63  }
0x107: {  	v32 =	vld [tilespmem:s31+$0x7170];
	[tilespmem:s31+$0x7100] =	vst v19;
	v19 =	vmul.f32 v61, v62  }
0x108: {  	v34 =	vld [tilespmem:s31+$0x7180];
	v33 =	vmul.f32 v27, v62;
	[tilespmem:s31+$0x7110] =	vst v30  }
0x109: {  	v35 =	vld [tilespmem:s31+$0x7190];
	[tilespmem:s31+$0x7120] =	vst v19;
	v19 =	vmul.f32 v28, v62  }
0x10a: {  	v37 =	vld [tilespmem:s31+$0x71A0];
	v36 =	vmul.f32 v29, v62;
	[tilespmem:s31+$0x7130] =	vst v33  }
0x10b: {  	v38 =	vperm.xlane v18, v4;
	v39 =	vld [tilespmem:s31+$0x71B0];
	[tilespmem:s31+$0x7140] =	vst v19;
	v19 =	vmul.f32 v31, v62  }
0x10c: {  	v41 =	vld [tilespmem:s31+$0x71C0];
	v40 =	vmul.f32 v32, v62;
	[tilespmem:s31+$0x7150] =	vst v36  }
0x10d: {  	v42 =	vld [tilespmem:s31+$0x71D0];
	[tilespmem:s31+$0x7160] =	vst v19;
	v19 =	vmul.f32 v34, v38  }
0x10e: {  	v44 =	vld [tilespmem:s31+$0x71E0];
	v43 =	vmul.f32 v35, v38;
	[tilespmem:s31+$0x7170] =	vst v40  }
0x10f: {  	v45 =	vld [tilespmem:s31+$0x71F0];
	[tilespmem:s31+$0x7180] =	vst v19;
	v19 =	vmul.f32 v37, v38  }
0x110: {  	v47 =	vld [tilespmem:s31+$0x7200];
	v46 =	vmul.f32 v39, v38;
	[tilespmem:s31+$0x7190] =	vst v43  }
0x111: {  	v48 =	vld [tilespmem:s31+$0x7210];
	[tilespmem:s31+$0x71A0] =	vst v19;
	v19 =	vmul.f32 v41, v38  }
0x112: {  	v49 =	vmul.f32 v42, v38;
	[tilespmem:s31+$0x71B0] =	vst v46;
	v50 =	vld [tilespmem:s31+$0x7220]  }
0x113: {  	v52 =	vld [tilespmem:s31+$0x7230];
	v51 =	vperm.xlane v18, v5;
	[tilespmem:s31+$0x71C0] =	vst v19;
	v19 =	vmul.f32 v44, v38  }
0x114: {  	v54 =	vld [tilespmem:s31+$0x7240];
	[tilespmem:s31+$0x71D0] =	vst v49;
	v53 =	vmul.f32 v45, v38  }
0x115: {  	v40 =	vld [tilespmem:s31+$0x7310];
	[tilespmem:s31+$0x71E0] =	vst v19;
	v19 =	vmul.f32 v47, v51  }
0x116: {  	v57 =	vld [tilespmem:s31+$0x7260];
	[tilespmem:s31+$0x71F0] =	vst v53;
	v56 =	vmul.f32 v48, v51  }
0x117: {  	v58 =	vld [tilespmem:s31+$0x7270];
	[tilespmem:s31+$0x7200] =	vst v19;
	v19 =	vmul.f32 v50, v51  }
0x118: {  	v60 =	vld [tilespmem:s31+$0x7280];
	v43 =	vperm.xlane v18, v7;
	v59 =	vmul.f32 v52, v51;
	[tilespmem:s31+$0x7210] =	vst v56  }
0x119: {  	v55 =	vld [tilespmem:s31+$0x7250];
	[tilespmem:s31+$0x7220] =	vst v19;
	v19 =	vmul.f32 v54, v51  }
0x11a: {  	v63 =	vld [tilespmem:s31+$0x72A0];
	v48 =	vmul.f32 v40, v43;
	[tilespmem:s31+$0x7230] =	vst v59  }
0x11b: {  	v30 =	vperm.xlane v18, v6;
	v61 =	vld [tilespmem:s31+$0x7290];
	[tilespmem:s31+$0x7240] =	vst v19;
	v19 =	vmul.f32 v57, v51  }
0x11c: {  	v33 =	vld [tilespmem:s31+$0x72C0];
	[tilespmem:s31+$0x7310] =	vst v48;
	v32 =	vmul.f32 v58, v51  }
0x11d: {  	v53 =	vld [tilespmem:s31+$0x7390];
	[tilespmem:s31+$0x7260] =	vst v19;
	v19 =	vmul.f32 v60, v30  }
0x11e: {  	v36 =	vld [tilespmem:s31+$0x72E0];
	v62 =	vmul.f32 v55, v51;
	[tilespmem:s31+$0x7270] =	vst v32  }
0x11f: {  	v31 =	vld [tilespmem:s31+$0x72B0];
	[tilespmem:s31+$0x7280] =	vst v19;
	v19 =	vmul.f32 v63, v30  }
0x120: {  	v39 =	vld [tilespmem:s31+$0x7300];
	v56 =	vperm.xlane v18, v8;
	v35 =	vmul.f32 v61, v30;
	[tilespmem:s31+$0x7250] =	vst v62  }
0x121: {  	v34 =	vld [tilespmem:s31+$0x72D0];
	[tilespmem:s31+$0x72A0] =	vst v19;
	v19 =	vmul.f32 v33, v30  }
0x122: {  	v42 =	vld [tilespmem:s31+$0x7320];
	v61 =	vmul.f32 v53, v56;
	[tilespmem:s31+$0x7290] =	vst v35  }
0x123: {  	v37 =	vld [tilespmem:s31+$0x72F0];
	[tilespmem:s31+$0x72C0] =	vst v19;
	v19 =	vmul.f32 v36, v30  }
0x124: {  	v46 =	vld [tilespmem:s31+$0x7340];
	[tilespmem:s31+$0x7390] =	vst v61;
	v38 =	vmul.f32 v31, v30  }
0x125: {  	v47 =	vld [tilespmem:s31+$0x7350];
	[tilespmem:s31+$0x72E0] =	vst v19;
	v19 =	vmul.f32 v39, v43  }
0x126: {  	v49 =	vld [tilespmem:s31+$0x7360];
	v41 =	vmul.f32 v34, v30;
	[tilespmem:s31+$0x72B0] =	vst v38  }
0x127: {  	v38 =	vld [tilespmem:s31+$0x7450];
	[tilespmem:s31+$0x7300] =	vst v19;
	v19 =	vmul.f32 v42, v43  }
0x128: {  	v52 =	vld [tilespmem:s31+$0x7380];
	[tilespmem:s31+$0x72D0] =	vst v41;
	v45 =	vmul.f32 v37, v30  }
0x129: {  	v44 =	vld [tilespmem:s31+$0x7330];
	[tilespmem:s31+$0x7320] =	vst v19;
	v19 =	vmul.f32 v46, v43  }
0x12a: {  	v55 =	vld [tilespmem:s31+$0x73A0];
	v34 =	vperm.xlane v18, v9;
	[tilespmem:s31+$0x72F0] =	vst v45;
	v54 =	vmul.f32 v47, v43  }
0x12b: {  	v50 =	vld [tilespmem:s31+$0x7370];
	[tilespmem:s31+$0x7340] =	vst v19;
	v19 =	vmul.f32 v49, v43  }
0x12c: {  	v59 =	vld [tilespmem:s31+$0x73C0];
	v45 =	vmul.f32 v38, v34;
	[tilespmem:s31+$0x7350] =	vst v54  }
0x12d: {  	v57 =	vld [tilespmem:s31+$0x73B0];
	[tilespmem:s31+$0x7360] =	vst v19;
	v19 =	vmul.f32 v52, v56  }
0x12e: {  	v62 =	vld [tilespmem:s31+$0x73E0];
	v51 =	vmul.f32 v44, v43;
	[tilespmem:s31+$0x7450] =	vst v45  }
0x12f: {  	v60 =	vld [tilespmem:s31+$0x73D0];
	[tilespmem:s31+$0x7380] =	vst v19;
	v19 =	vmul.f32 v55, v56  }
0x130: {  	v58 =	vmul.f32 v50, v43;
	[tilespmem:s31+$0x7330] =	vst v51;
	v30 =	vld [tilespmem:s31+$0x7400]  }
0x131: {  	v51 =	vld [tilespmem:s31+$0x74D0];
	[tilespmem:s31+$0x73A0] =	vst v19;
	v19 =	vmul.f32 v59, v56  }
0x132: {  	[tilespmem:s31+$0x7370] =	vst v58;
	v29 =	vmul.f32 v57, v56;
	v33 =	vld [tilespmem:s31+$0x7420]  }
0x133: {  	v63 =	vld [tilespmem:s31+$0x73F0];
	[tilespmem:s31+$0x73C0] =	vst v19;
	v19 =	vmul.f32 v62, v56  }
0x134: {  	v37 =	vld [tilespmem:s31+$0x7440];
	v47 =	vperm.xlane v18, v10;
	[tilespmem:s31+$0x73B0] =	vst v29;
	v32 =	vmul.f32 v60, v56  }
0x135: {  	v61 =	vld [tilespmem:s31+$0x7530];
	[tilespmem:s31+$0x73E0] =	vst v19;
	v19 =	vmul.f32 v30, v34  }
0x136: {  	v40 =	vld [tilespmem:s31+$0x7460];
	v58 =	vmul.f32 v51, v47;
	[tilespmem:s31+$0x73D0] =	vst v32  }
0x137: {  	v31 =	vld [tilespmem:s31+$0x7410];
	[tilespmem:s31+$0x7400] =	vst v19;
	v19 =	vmul.f32 v33, v34  }
0x138: {  	v60 =	vperm.xlane v18, v11;
	v36 =	vmul.f32 v63, v56;
	[tilespmem:s31+$0x74D0] =	vst v58;
	v43 =	vld [tilespmem:s31+$0x7480]  }
0x139: {  	v57 =	vld [tilespmem:s31+$0x7510];
	[tilespmem:s31+$0x7420] =	vst v19;
	v19 =	vmul.f32 v37, v34  }
0x13a: {  	v32 =	vmul.f32 v61, v60;
	[tilespmem:s31+$0x73F0] =	vst v36;
	v46 =	vld [tilespmem:s31+$0x74A0]  }
0x13b: {  	v35 =	vld [tilespmem:s31+$0x7430];
	[tilespmem:s31+$0x7440] =	vst v19;
	v19 =	vmul.f32 v40, v34  }
0x13c: {  	v50 =	vld [tilespmem:s31+$0x74C0];
	v39 =	vmul.f32 v31, v34;
	[tilespmem:s31+$0x7530] =	vst v32  }
0x13d: {  	v28 =	vld [tilespmem:s31+$0x7550];
	[tilespmem:s31+$0x7460] =	vst v19;
	v19 =	vmul.f32 v43, v47  }
0x13e: {  	v53 =	vld [tilespmem:s31+$0x74E0];
	v29 =	vmul.f32 v57, v60;
	[tilespmem:s31+$0x7410] =	vst v39  }
0x13f: {  	v31 =	vld [tilespmem:s31+$0x7570];
	[tilespmem:s31+$0x7480] =	vst v19;
	v19 =	vmul.f32 v46, v47  }
0x140: {  	v42 =	vmul.f32 v35, v34;
	[tilespmem:s31+$0x7510] =	vst v29;
	v56 =	vld [tilespmem:s31+$0x7500]  }
0x141: {  	v41 =	vld [tilespmem:s31+$0x7470];
	[tilespmem:s31+$0x74A0] =	vst v19;
	v19 =	vmul.f32 v50, v47  }
0x142: {  	v35 =	vmul.f32 v28, v60;
	[tilespmem:s31+$0x7430] =	vst v42;
	v59 =	vld [tilespmem:s31+$0x7520]  }
0x143: {  	v44 =	vld [tilespmem:s31+$0x7490];
	[tilespmem:s31+$0x74C0] =	vst v19;
	v19 =	vmul.f32 v53, v47  }
0x144: {  	v63 =	vld [tilespmem:s31+$0x7540];
	[tilespmem:s31+$0x7550] =	vst v35;
	v39 =	vmul.f32 v31, v60  }
0x145: {  	v48 =	vld [tilespmem:s31+$0x74B0];
	[tilespmem:s31+$0x74E0] =	vst v19;
	v19 =	vmul.f32 v56, v60  }
0x146: {  	v49 =	vmul.f32 v41, v34;
	[tilespmem:s31+$0x7570] =	vst v39;
	v30 =	vld [tilespmem:s31+$0x7560]  }
0x147: {  	v54 =	vld [tilespmem:s31+$0x74F0];
	[tilespmem:s31+$0x7500] =	vst v19;
	v19 =	vmul.f32 v59, v60  }
0x148: {  	[tilespmem:s31+$0x7470] =	vst v49;
	v52 =	vmul.f32 v44, v47;
	v33 =	vld [tilespmem:s31+$0x7580]  }
0x149: {  	v38 =	vld [tilespmem:s31+$0x75B0];
	[tilespmem:s31+$0x7520] =	vst v19;
	v19 =	vmul.f32 v63, v60  }
0x14a: {  	v36 =	vld [tilespmem:s31+$0x75A0];
	[tilespmem:s31+$0x7490] =	vst v52;
	v55 =	vmul.f32 v48, v47  }
0x14b: {  	v41 =	vld [tilespmem:s31+$0x75D0];
	v37 =	vperm.xlane v18, v12;
	[tilespmem:s31+$0x7540] =	vst v19;
	v19 =	vmul.f32 v30, v60  }
0x14c: {  	[tilespmem:s31+$0x74B0] =	vst v55;
	v62 =	vmul.f32 v54, v47;
	v40 =	vld [tilespmem:s31+$0x75C0]  }
0x14d: {  	v44 =	vld [tilespmem:s31+$0x75F0];
	[tilespmem:s31+$0x7560] =	vst v19;
	v19 =	vmul.f32 v33, v37  }
0x14e: {  	[tilespmem:s31+$0x74F0] =	vst v62;
	v45 =	vmul.f32 v38, v37;
	v43 =	vld [tilespmem:s31+$0x75E0]  }
0x14f: {  	v34 =	vld [tilespmem:s31+$0x7590];
	[tilespmem:s31+$0x7580] =	vst v19;
	v19 =	vmul.f32 v36, v37  }
0x150: {  	v48 =	vmul.f32 v41, v37;
	[tilespmem:s31+$0x75B0] =	vst v45;
	v46 =	vld [tilespmem:s31+$0x7600]  }
0x151: {  	v51 =	vld [tilespmem:s31+$0x7630];
	[tilespmem:s31+$0x75A0] =	vst v19;
	v19 =	vmul.f32 v40, v37  }
0x152: {  	v49 =	vld [tilespmem:s31+$0x7620];
	v52 =	vmul.f32 v44, v37;
	[tilespmem:s31+$0x75D0] =	vst v48  }
0x153: {  	v54 =	vld [tilespmem:s31+$0x7650];
	v50 =	vperm.xlane v18, v13;
	[tilespmem:s31+$0x75C0] =	vst v19;
	v19 =	vmul.f32 v43, v37  }
0x154: {  	[tilespmem:s31+$0x75F0] =	vst v52;
	v42 =	vmul.f32 v34, v37;
	v53 =	vld [tilespmem:s31+$0x7640]  }
0x155: {  	v57 =	vld [tilespmem:s31+$0x7670];
	[tilespmem:s31+$0x75E0] =	vst v19;
	v19 =	vmul.f32 v46, v50  }
0x156: {  	[tilespmem:s31+$0x7590] =	vst v42;
	v58 =	vmul.f32 v51, v50;
	v56 =	vld [tilespmem:s31+$0x7660]  }
0x157: {  	v47 =	vld [tilespmem:s31+$0x7610];
	[tilespmem:s31+$0x7600] =	vst v19;
	v19 =	vmul.f32 v49, v50  }
0x158: {  	v61 =	vmul.f32 v54, v50;
	[tilespmem:s31+$0x7630] =	vst v58;
	v59 =	vld [tilespmem:s31+$0x7680]  }
0x159: {  	v39 =	vld [tilespmem:s31+$0x7710];
	[tilespmem:s31+$0x7620] =	vst v19;
	v19 =	vmul.f32 v53, v50  }
0x15a: {  	v62 =	vld [tilespmem:s31+$0x76A0];
	v31 =	vmul.f32 v57, v50;
	[tilespmem:s31+$0x7650] =	vst v61  }
0x15b: {  	v63 =	vperm.xlane v18, v14;
	v60 =	vld [tilespmem:s31+$0x7690];
	[tilespmem:s31+$0x7640] =	vst v19;
	v19 =	vmul.f32 v56, v50  }
0x15c: {  	v32 =	vld [tilespmem:s31+$0x76C0];
	v42 =	vperm.xlane v18, v15;
	[tilespmem:s31+$0x7670] =	vst v31;
	v55 =	vmul.f32 v47, v50  }
0x15d: {  	v33 =	vld [tilespmem:s31+$0x76D0];
	[tilespmem:s31+$0x7660] =	vst v19;
	v19 =	vmul.f32 v59, v63  }
0x15e: {  	v35 =	vld [tilespmem:s31+$0x76E0];
	v47 =	vmul.f32 v39, v42;
	[tilespmem:s31+$0x7610] =	vst v55  }
0x15f: {  	v30 =	vld [tilespmem:s31+$0x76B0];
	[tilespmem:s31+$0x7680] =	vst v19;
	v19 =	vmul.f32 v62, v63  }
0x160: {  	v38 =	vld [tilespmem:s31+$0x7700];
	[tilespmem:s31+$0x7710] =	vst v47;
	v34 =	vmul.f32 v60, v63  }
0x161: {  	v36 =	vld [tilespmem:s31+$0x76F0];
	[tilespmem:s31+$0x76A0] =	vst v19;
	v19 =	vmul.f32 v32, v63  }
0x162: {  	v41 =	vld [tilespmem:s31+$0x7720];
	[tilespmem:s31+$0x7690] =	vst v34;
	v40 =	vmul.f32 v33, v63  }
0x163: {  	v46 =	vld [tilespmem:s31+$0x7750];
	[tilespmem:s31+$0x76C0] =	vst v19;
	v19 =	vmul.f32 v35, v63  }
0x164: {  	v45 =	vld [tilespmem:s31+$0x7740];
	v37 =	vmul.f32 v30, v63;
	[tilespmem:s31+$0x76D0] =	vst v40  }
0x165: {  	v43 =	vld [tilespmem:s31+$0x7730];
	[tilespmem:s31+$0x76E0] =	vst v19;
	v19 =	vmul.f32 v38, v42  }
0x166: {  	v48 =	vld [tilespmem:s31+$0x7760];
	v44 =	vmul.f32 v36, v63;
	[tilespmem:s31+$0x76B0] =	vst v37  }
0x167: {  	v49 =	vld [tilespmem:s31+$0x7770];
	[tilespmem:s31+$0x7700] =	vst v19;
	v19 =	vmul.f32 v41, v42  }
0x168: {  	v51 =	vld [tilespmem:s31+$0x7780];
	[tilespmem:s31+$0x76F0] =	vst v44;
	v53 =	vmul.f32 v46, v42  }
0x169: {  	v52 =	vld [tilespmem:s31+$0x7790];
	[tilespmem:s31+$0x7720] =	vst v19;
	v19 =	vmul.f32 v45, v42  }
0x16a: {  	v54 =	vld [tilespmem:s31+$0x77A0];
	v50 =	vmul.f32 v43, v42;
	[tilespmem:s31+$0x7750] =	vst v53  }
0x16b: {  	v18 =	vperm.xlane v18, v16;
	v55 =	vld [tilespmem:s31+$0x77B0];
	[tilespmem:s31+$0x7740] =	vst v19;
	v19 =	vmul.f32 v48, v42  }
0x16c: {  	v57 =	vld [tilespmem:s31+$0x77C0];
	v56 =	vmul.f32 v49, v42;
	[tilespmem:s31+$0x7730] =	vst v50  }
0x16d: {  	v58 =	vld [tilespmem:s31+$0x77D0];
	[tilespmem:s31+$0x7760] =	vst v19;
	v19 =	vmul.f32 v51, v18  }
0x16e: {  	v60 =	vld [tilespmem:s31+$0x77E0];
	v59 =	vmul.f32 v52, v18;
	[tilespmem:s31+$0x7770] =	vst v56  }
0x16f: {  	v61 =	vld [tilespmem:s31+$0x77F0];
	[tilespmem:s31+$0x7780] =	vst v19;
	v19 =	vmul.f32 v54, v18  }
0x170: {  	[tilespmem:s31+$0x7790] =	vst v59;
	v62 =	vmul.f32 v55, v18  }
0x171: {  	p1 =	sne.s32 s30, $0x3;
	[tilespmem:s31+$0x77A0] =	vst v19;
	v19 =	vmul.f32 v57, v18  }
.Ltmp2:
0x172: {  	[tilespmem:s31+$0x77B0] =	vst v62;
	v63 =	vmul.f32 v58, v18;
	(pc) =	sbr.rel @p1 .LBB2_7-.Ltmp2, $4  }
0x173: {  	[tilespmem:s31+$0x77C0] =	vst v19;
	v19 =	vmul.f32 v60, v18  }
0x174: {  	[tilespmem:s31+$0x77D0] =	vst v63;
	v18 =	vmul.f32 v61, v18  }
0x175: {  	[tilespmem:s31+$0x77E0] =	vst v19  }
0x176: {  	s30 =	sadd.s32 $0x1, s30;
	[tilespmem:s31+$0x77F0] =	vst v18  }
0x177: {  	s28 =	sadd.s32 $0x1, s28  }
0x178: {  	p1 =	sne.s32 s28, $0x4F  }
.Ltmp3:
0x179: {  	_ = 	snop;
	(pc) =	sbr.rel @p1 .LBB2_4-.Ltmp3, $3  }
0x17a: {  	_ =	sdelay $0x1  }
0x17b: {  	s2 =	sadd.s32 $0x2800, s29  }
0x17c: {  	[spmem:s3] =	stream.indirect.scatter.add.f32 [tilespmem:s22], [sflag:$0x4], $0x80, s2, s20, $0xb8;
	[tilespmem:$0x1F080] =	vst v63  }
0x17d: {  	_ =	swait.ge [sflag:s26], $0x2000  }
0x17e: {  	[sflag:s26] =	ssyncset.done $0x0  }
0x17f: {  	s2 =	sshll.u32 s0, $0x6;
	[sflag:s26] =	ssyncadd.s32 $0xFFFFE000  }
0x180: {  	s18 =	sshrl.u32 s5, $0x3;
	s2 =	sor.u32 $0x1C05, s2;
	[bflag:$0x0] =	sbarrier.arrive $0xFFFF  }
0x181: {  	[hbm:s25], [sflag:s2] =	dma.local [spmem:s18], $0x2700  }
0x182: {  	_ =	swait.ge [sflag:s17], $0x2700  }
0x183: {  	s28 =	sshrl.u32 @!p0 s10, $0x3;
	s4 =	sadd.s32 $0x1, s4;
	[sflag:s17] =	ssyncset.done $0x0  }
0x184: {  	p1 =	sne.s32 s4, s15;
	s18 =	sadd.s32 @!p0 $0x27000, s14;
	[sflag:s17] =	ssyncadd.s32 $0xFFFFD900  }
0x185: {  	[hbm:s18], [sflag:s2] =	dma.local @!p0 [spmem:s28], $0x100  }
.Ltmp4:
0x186: {  	_ = 	snop;
	(pc) =	sbr.rel @p1 .LBB2_1-.Ltmp4, $4  }
0x187: {  	s2 =	simm.s32 @!p0 $0x5  }
0x188: {  	_ =	swait.ge @!p0 [sflag:s2], $0x100  }
0x189: {  	[sflag:s2] =	ssyncset.done @!p0 $0x0  }
0x18a: {  	[sflag:s2] =	ssyncadd.s32 @!p0 $0xFFFFFF00  }
0x18b: {  	_ =	sfence.sel $0x180000  }
0x18c: {  	[bflag:$0x0] =	sbarrier.arrive $0xFFFF  }
0x18d: {  	_ =	strace $0x90000047  }
0x18e: {  	[bflag:$0x2] =	sbarrier.arrive $0xFFFF  }
0x18f: {  	p0 =	sne.s32 s0, $0x0;
	s0 =	rddreg [dreg:$0x3]  }
0x190: {  	s0 =	sadd.s32 @!p0 $0x100000, s0  }
0x191: {  	[sflag:s0] =	ssyncadd.tile.s32 @!p0 $0x1;
	_ =	shalt  }
.Lfunc_end2:
_tile_overlayer_lowered:
.L_overlay_start_2:
0x192: {  	(tag) =	ssettag $0x2  }
0x193: {  	s0 =	rddreg [dreg:$0x0];
	s2 =	stileid.u32  }
0x194: {  	s1 =	rddreg [dreg:$0x1];
	p0 =	sne.s32 s2, $0x0  }
0x195: {  	s3 =	rddreg [dreg:$0x2];
	[bflag:$0x3] =	sbarrier.arrive $0xFFFF;
	s2 =	simm.s32 @!p0 $0x1C05  }
0x196: {  	[timem:s3], [sflag:s2] =	dma.local @!p0 [hbm:s0], s1  }
0x197: {  	s0 =	simm.s32 @!p0 $0x5  }
0x198: {  	_ =	swait.ge @!p0 [sflag:s0], s1  }
0x199: {  	s1 =	ssub.s32 @!p0 $0x0, s1;
	[sflag:s0] =	ssyncset.done @!p0 $0x0  }
0x19a: {  	[sflag:s0] =	ssyncadd.s32 @!p0 s1  }
0x19b: {  	[bflag:$0x3] =	sbarrier.arrive $0xFFFF  }
0x19c: {  	_ =	shalt  }

</sc_bundles>
